<compile_context>
chip_gen: v7x
topology: tpu7x:2x2x1
jax: 0.10.2.dev20260603
libtpu: 0.0.44.dev20260713+nightly
codegen_flags: <defaults>
</compile_context>

<pallas_src>
import functools

import jax
import jax.numpy as jnp
from jax import lax
from jax.experimental import pallas as pl
from jax.experimental.pallas import tpu as pltpu
from jax.experimental.pallas import tpu_sc as plsc

FM_H = 496
FM_W = 432
HW = FM_H * FM_W
B = 4
C = 64
P = 12000

NSEG = 8
SEG_COLS = FM_W // NSEG
SEG_CELLS = SEG_COLS * FM_H
NCHUNK = P // 16

CQ = 4
NUNIT_PER_TILE = (B * C // CQ) // 32
STRIPE_COLS = 8
NSTRIPE = FM_W // STRIPE_COLS
STRIPE_CELLS = STRIPE_COLS * FM_H
STRIPE_VECS = STRIPE_CELLS // 16
STRIPE_COLS_LOG2 = 3


def _wid():
    return lax.axis_index("s") * 2 + lax.axis_index("c")


def _build_map_body(
    flag_hbm, xi_hbm, yi_hbm, pmap_hbm, flagv, xiv, yiv, mapv, sst
):
    wid = _wid()
    b = wid // NSEG
    seg = wid % NSEG
    x0 = seg * SEG_COLS

    poff = pl.multiple_of(b * P, 8)
    cps = [
        pltpu.async_copy(flag_hbm.at[pl.ds(poff, P)], flagv, sst),
        pltpu.async_copy(xi_hbm.at[pl.ds(poff, P)], xiv, sst),
        pltpu.async_copy(yi_hbm.at[pl.ds(poff, P)], yiv, sst),
    ]

    neg1 = jnp.full((16,), -1, jnp.int32)

    @plsc.parallel_loop(0, SEG_CELLS // 16, 1, unroll=2)
    def _(i):
        mapv[pl.ds(i * 16, 16)] = neg1

    for cp in cps:
        cp.wait()

    lanes = lax.iota(jnp.int32, 16)
    lane_masks = [lanes == jnp.full((16,), l, jnp.int32) for l in range(16)]

    def chunk_body(k, _):
        fl = flagv[pl.ds(k * 16, 16)]
        xv = xiv[pl.ds(k * 16, 16)]
        yv = yiv[pl.ds(k * 16, 16)]
        xl = xv - jnp.full((16,), 1, jnp.int32) * x0
        m = (fl == jnp.full((16,), 1, jnp.int32)) \
            & (xl >= jnp.full((16,), 0, jnp.int32)) \
            & (xl < jnp.full((16,), SEG_COLS, jnp.int32))
        cell = xl * jnp.full((16,), FM_H, jnp.int32) + yv
        cell = jnp.where(m, cell, jnp.full((16,), 0, jnp.int32))
        pvec = lanes + jnp.full((16,), 16, jnp.int32) * k
        for lm in lane_masks:
            plsc.store_scatter(mapv, [cell], pvec, mask=m & lm)
        return 0

    lax.fori_loop(0, NCHUNK, chunk_body, 0, unroll=4)

    moff = pl.multiple_of(b * HW + x0 * FM_H, 8)
    pltpu.sync_copy(mapv, pmap_hbm.at[pl.ds(moff, SEG_CELLS)])


def _compose_body(
    x_hbm, pmap_hbm, out_hbm, xv, mapv, outv, sm0, sm1, so0, so1
):
    wid = _wid()
    zero16 = jnp.full((16,), 0, jnp.int32)
    zf16 = jnp.full((16,), 0.0, jnp.float32)
    sm = (sm0, sm1)
    so = (so0, so1)

    def map_slice(b, s):
        soff = pl.multiple_of(b * HW + s * STRIPE_CELLS, 8)
        return pmap_hbm.at[pl.ds(soff, STRIPE_CELLS)]

    def out_slice(b, c0, c, s):
        row0 = pl.multiple_of((b * C + c0 + c) * FM_W + s * STRIPE_COLS, 8)
        return out_hbm.at[pl.ds(row0, STRIPE_COLS), :]

    for u in range(NUNIT_PER_TILE):
        g = wid * NUNIT_PER_TILE + u
        b = g // (C // CQ)
        c0 = (g % (C // CQ)) * CQ

        for par in range(2):
            pltpu.async_copy(map_slice(b, par), mapv.at[par], sm[par])

        xoff = pl.multiple_of((b * C + c0) * P, 8)
        pltpu.sync_copy(x_hbm.at[pl.ds(xoff, CQ * P)], xv)

        def sp_body(sp, _):
            for par in range(2):
                s = 2 * sp + par
                pltpu.make_async_copy(
                    map_slice(b, s), mapv.at[par], sm[par]
                ).wait()

                @pl.when(sp > 0)
                def _():
                    for c in range(CQ):
                        pltpu.make_async_copy(
                            outv.at[par, c],
                            out_slice(b, c0, c, s),
                            so[par],
                        ).wait()

                @plsc.parallel_loop(0, STRIPE_VECS, 1, unroll=8)
                def _(v):
                    w = lax.bitwise_and(v, STRIPE_COLS - 1)
                    h0 = lax.shift_left(
                        lax.shift_right_logical(v, STRIPE_COLS_LOG2), 4
                    )
                    m16 = mapv[par, pl.ds(w * FM_H + h0, 16)]
                    msk = m16 >= zero16
                    idx = jnp.maximum(m16, zero16)
                    for c in range(CQ):
                        gvals = plsc.load_gather(
                            xv, [jnp.full((16,), c * P, jnp.int32) + idx]
                        )
                        outv[par, c, w, pl.ds(h0, 16)] = jnp.where(
                            msk, gvals, zf16
                        )

                for c in range(CQ):
                    pltpu.async_copy(
                        outv.at[par, c],
                        out_slice(b, c0, c, s),
                        so[par],
                    )

                @pl.when(s + 2 < NSTRIPE)
                def _():
                    pltpu.async_copy(
                        map_slice(b, s + 2), mapv.at[par], sm[par]
                    )

            return 0

        lax.fori_loop(0, NSTRIPE // 2, sp_body, 0)

        for par in range(2):
            s_last = NSTRIPE - 2 + par
            for c in range(CQ):
                pltpu.make_async_copy(
                    outv.at[par, c],
                    out_slice(b, c0, c, s_last),
                    so[par],
                ).wait()


@functools.lru_cache(maxsize=1)
def _kernels():
    mesh = plsc.VectorSubcoreMesh(
        core_axis_name="c", subcore_axis_name="s", num_cores=2, num_subcores=16
    )
    params = pltpu.CompilerParams(needs_layout_passes=False)
    build_map = pl.kernel(
        _build_map_body,
        out_type=jax.ShapeDtypeStruct((B * HW,), jnp.int32),
        mesh=mesh,
        compiler_params=params,
        scratch_types=[
            pltpu.VMEM((P,), jnp.int32),
            pltpu.VMEM((P,), jnp.int32),
            pltpu.VMEM((P,), jnp.int32),
            pltpu.VMEM((SEG_CELLS,), jnp.int32),
            pltpu.SemaphoreType.DMA,
        ],
    )
    compose = pl.kernel(
        _compose_body,
        out_type=jax.ShapeDtypeStruct((B * C * FM_W, FM_H), jnp.float32),
        mesh=mesh,
        compiler_params=params,
        scratch_types=[
            pltpu.VMEM((CQ * P,), jnp.float32),
            pltpu.VMEM((2, STRIPE_CELLS), jnp.int32),
            pltpu.VMEM((2, CQ, STRIPE_COLS, FM_H), jnp.float32),
            pltpu.SemaphoreType.DMA,
            pltpu.SemaphoreType.DMA,
            pltpu.SemaphoreType.DMA,
            pltpu.SemaphoreType.DMA,
        ],
    )
    return build_map, compose


def kernel(x, inds):
    build_map, compose = _kernels()
    flag = inds[..., 0].astype(jnp.int32).reshape(-1)
    xi = inds[..., 1].astype(jnp.int32).reshape(-1)
    yi = inds[..., 2].astype(jnp.int32).reshape(-1)
    pmap = build_map(flag, xi, yi)
    out = compose(x.reshape(-1), pmap)
    return out.reshape(B, C, FM_W, FM_H).transpose(0, 1, 3, 2)

# --- scband reference (transcript-rebuilt; emitter-appended) ---
"""Pipeline reference for scband-ppscatter-25924422599253 (READ-ONLY COPY).

The authoritative reference and input builder live on the scoring server;
editing this copy changes nothing except your own understanding.
"""

import jax, jax.numpy as jnp
import numpy as np

FM_HEIGHT = 496
FM_WIDTH = 432


def setup_inputs(seed: int = 0) -> dict:
    key = jax.random.key(seed)
    k1, k2, k3, k4 = jax.random.split(key, 4)
    B, C, P = 4, 64, 12000
    x = jax.random.normal(k1, (B, C, P), dtype=jnp.float32)
    # inds[..., 0] = non-empty flag (1 = valid pillar), inds[..., 1] = x index, inds[..., 2] = y index
    flag = (jax.random.uniform(k2, (B, P)) < 0.9).astype(jnp.int64)
    xi = jax.random.randint(k3, (B, P), 0, FM_WIDTH).astype(jnp.int64)
    yi = jax.random.randint(k4, (B, P), 0, FM_HEIGHT).astype(jnp.int64)
    inds = jnp.stack([flag, xi, yi], axis=-1)
    return {"x": x, "inds": inds}


def reference(x, inds):
    # Faithful translation of PPScatter.forward:
    #   out = zeros(B, C, H, W)
    #   for nonempty pillars: out[b, :, y, x] = x[b, :, p]
    # Data-dependent np.where is replaced (shape-statically) by scattering ALL
    # pillars but routing invalid ones (flag != 1) to an out-of-range index
    # which jax drops via mode='drop' -- identical result to the masked write.
    B, C, P = x.shape
    flag = inds[..., 0]
    xi = inds[..., 1]
    yi = inds[..., 2]
    valid = flag == 1
    yi_s = jnp.where(valid, yi, FM_HEIGHT)  # out-of-range -> dropped
    xi_s = jnp.where(valid, xi, FM_WIDTH)
    b = jnp.broadcast_to(jnp.arange(B)[:, None], (B, P))
    vals = jnp.transpose(x, (0, 2, 1))  # (B, P, C)
    out = jnp.zeros((B, FM_HEIGHT, FM_WIDTH, C), dtype=x.dtype)
    out = out.at[b, yi_s, xi_s].set(vals, mode='drop')  # scatter-overwrite
    return jnp.transpose(out, (0, 3, 1, 2))  # (B, C, H, W)

if __name__ == "__main__":
    import jax
    _d = setup_inputs()
    print(jax.jit(kernel)(*tuple(_d.values())))

</pallas_src>

<mosaic_0001>
#map = affine_map<(d0, d1) -> (0)>
module attributes {stable_mosaic.version = 14 : i64} {
  func.func @_build_map_body(%arg0: i32, %arg1: i32, %arg2: memref<48000xi32, #tpu.memory_space<hbm>>, %arg3: memref<48000xi32, #tpu.memory_space<hbm>>, %arg4: memref<48000xi32, #tpu.memory_space<hbm>>, %arg5: memref<857088xi32, #tpu.memory_space<hbm>>, %arg6: memref<12000xi32, #tpu.memory_space<vmem>>, %arg7: memref<12000xi32, #tpu.memory_space<vmem>>, %arg8: memref<12000xi32, #tpu.memory_space<vmem>>, %arg9: memref<26784xi32, #tpu.memory_space<vmem>>, %arg10: memref<!tpu.dma_semaphore, #tpu.memory_space<semaphore_mem>>) attributes {dimension_semantics = [#tpu.dimension_semantics<core_parallel>, #tpu.dimension_semantics<subcore_parallel>], iteration_bounds = array<i64: 2, 16>, scalar_prefetch = 0 : i64, scratch_operands = 5 : i64, tpu.core_type = #tpu.core_type<sc_vector_subcore>, window_params = [{transform_indices = #map}, {transform_indices = #map}, {transform_indices = #map}, {transform_indices = #map}]} {
    %mul3A = arith.constant 2 : i32
    %mul3A_0 = arith.muli %arg1, %mul3A : i32
    %add3A = arith.addi %mul3A_0, %arg0 : i32
    %jit3A = arith.constant 8 : i32
    %div3A = arith.divsi %add3A, %jit3A : i32
    %sign3A = arith.constant 0 : i32
    %sign3A_1 = arith.cmpi sgt, %add3A, %sign3A : i32
    %sign3A_2 = arith.extui %sign3A_1 : i1 to i32
    %sign3A_3 = arith.constant 0 : i32
    %sign3A_4 = arith.cmpi slt, %add3A, %sign3A_3 : i32
    %sign3A_5 = arith.extui %sign3A_4 : i1 to i32
    %sign3A_6 = arith.subi %sign3A_2, %sign3A_5 : i32
    %sign3A_7 = arith.constant 0 : i32
    %sign3A_8 = arith.cmpi sgt, %jit3A, %sign3A_7 : i32
    %sign3A_9 = arith.extui %sign3A_8 : i1 to i32
    %sign3A_10 = arith.constant 0 : i32
    %sign3A_11 = arith.cmpi slt, %jit3A, %sign3A_10 : i32
    %sign3A_12 = arith.extui %sign3A_11 : i1 to i32
    %sign3A_13 = arith.subi %sign3A_9, %sign3A_12 : i32
    %ne3A = arith.cmpi ne, %sign3A_6, %sign3A_13 : i32
    %rem3A = arith.remsi %add3A, %jit3A : i32
    %ne3A_14 = arith.constant 0 : i32
    %ne3A_15 = arith.cmpi ne, %rem3A, %ne3A_14 : i32
    %and3A = arith.andi %ne3A, %ne3A_15 : i1
    %sub3A = arith.constant 1 : i32
    %sub3A_16 = arith.subi %div3A, %sub3A : i32
    %select_n3A = arith.select %and3A, %sub3A_16, %div3A : i32
    %jit3A_17 = arith.constant 8 : i32
    %eq3A = arith.constant 0 : i32
    %eq3A_18 = arith.cmpi eq, %jit3A_17, %eq3A : i32
    %jit3A_19 = arith.constant 1 : i32
    %select_n3A_20 = arith.select %eq3A_18, %jit3A_19, %jit3A_17 : i32
    %rem3A_21 = arith.remsi %add3A, %select_n3A_20 : i32
    %ne3A_22 = arith.constant 0 : i32
    %ne3A_23 = arith.cmpi ne, %rem3A_21, %ne3A_22 : i32
    %lt3A = arith.constant 0 : i32
    %lt3A_24 = arith.cmpi slt, %rem3A_21, %lt3A : i32
    %lt3A_25 = arith.constant 0 : i32
    %lt3A_26 = arith.cmpi slt, %select_n3A_20, %lt3A_25 : i32
    %ne3A_27 = arith.xori %lt3A_24, %lt3A_26 : i1
    %and3A_28 = arith.andi %ne3A_27, %ne3A_23 : i1
    %add3A_29 = arith.addi %rem3A_21, %select_n3A_20 : i32
    %select_n3A_30 = arith.select %and3A_28, %add3A_29, %rem3A_21 : i32
    %mul3A_31 = arith.constant 54 : i32
    %mul3A_32 = arith.muli %select_n3A_30, %mul3A_31 : i32
    %mul3A_33 = arith.constant 12000 : i32
    %mul3A_34 = arith.muli %select_n3A, %mul3A_33 : i32
    %multiple_of3A = tpu.assume_multiple %mul3A_34, 8 : i32
    %dma_start3A = tpu.memref_slice %arg2[%multiple_of3A] : memref<48000xi32, #tpu.memory_space<hbm>> -> memref<12000xi32, #tpu.memory_space<hbm>>
    %dma_start3A_35 = tpu.memref_slice %arg2[%multiple_of3A] : memref<48000xi32, #tpu.memory_space<hbm>> -> memref<12000xi32, #tpu.memory_space<hbm>>
    tpu.enqueue_dma source(%dma_start3A_35 : memref<12000xi32, #tpu.memory_space<hbm>>) target(%arg6 : memref<12000xi32, #tpu.memory_space<vmem>>) target_semaphore(%arg10 : memref<!tpu.dma_semaphore, #tpu.memory_space<semaphore_mem>>)
    %dma_start3A_36 = tpu.memref_slice %arg3[%multiple_of3A] : memref<48000xi32, #tpu.memory_space<hbm>> -> memref<12000xi32, #tpu.memory_space<hbm>>
    %dma_start3A_37 = tpu.memref_slice %arg3[%multiple_of3A] : memref<48000xi32, #tpu.memory_space<hbm>> -> memref<12000xi32, #tpu.memory_space<hbm>>
    tpu.enqueue_dma source(%dma_start3A_37 : memref<12000xi32, #tpu.memory_space<hbm>>) target(%arg7 : memref<12000xi32, #tpu.memory_space<vmem>>) target_semaphore(%arg10 : memref<!tpu.dma_semaphore, #tpu.memory_space<semaphore_mem>>)
    %dma_start3A_38 = tpu.memref_slice %arg4[%multiple_of3A] : memref<48000xi32, #tpu.memory_space<hbm>> -> memref<12000xi32, #tpu.memory_space<hbm>>
    %dma_start3A_39 = tpu.memref_slice %arg4[%multiple_of3A] : memref<48000xi32, #tpu.memory_space<hbm>> -> memref<12000xi32, #tpu.memory_space<hbm>>
    tpu.enqueue_dma source(%dma_start3A_39 : memref<12000xi32, #tpu.memory_space<hbm>>) target(%arg8 : memref<12000xi32, #tpu.memory_space<vmem>>) target_semaphore(%arg10 : memref<!tpu.dma_semaphore, #tpu.memory_space<semaphore_mem>>)
    %broadcast_in_dim3A = arith.constant -1 : i32
    %broadcast_in_dim3A_40 = vector.broadcast %broadcast_in_dim3A : i32 to vector<16xi32>
    %parallel_loop3A = arith.constant 0 : i32
    %parallel_loop3A_41 = arith.constant 1674 : i32
    %parallel_loop3A_42 = arith.constant 1 : i32
    scf.for %parallel_loop3A_224 = %parallel_loop3A to %parallel_loop3A_41 step %parallel_loop3A_42  : i32 {
      %parallel_loop3A_225 = arith.constant 16 : i32
      %parallel_loop3A_226 = arith.muli %parallel_loop3A_224, %parallel_loop3A_225 : i32
      %parallel_loop3A_227 = arith.index_cast %parallel_loop3A_226 : i32 to index
      %parallel_loop3A_228 = tpu.vector_load %arg9[%parallel_loop3A_227] {strides = array<i32>} : memref<26784xi32, #tpu.memory_space<vmem>>, vector<16xi32>,
      tpu.vector_store %arg9[%parallel_loop3A_227], %broadcast_in_dim3A_40 {strides = array<i32>} : memref<26784xi32, #tpu.memory_space<vmem>>, vector<16xi32>,
    } {sc.loop_unroll_factor = 2 : i64, sc.parallel_access}
    %dma_wait3A = tpu.memref_slice %arg2[%multiple_of3A] : memref<48000xi32, #tpu.memory_space<hbm>> -> memref<12000xi32, #tpu.memory_space<hbm>>
    %dma_wait3A_43 = tpu.memref_slice %arg2[%multiple_of3A] : memref<48000xi32, #tpu.memory_space<hbm>> -> memref<12000xi32, #tpu.memory_space<hbm>>
    tpu.wait_dma2 semaphore(%arg10 : memref<!tpu.dma_semaphore, #tpu.memory_space<semaphore_mem>>) src(%dma_wait3A_43 : memref<12000xi32, #tpu.memory_space<hbm>>) dst(%arg6 : memref<12000xi32, #tpu.memory_space<vmem>>)
    %dma_wait3A_44 = tpu.memref_slice %arg3[%multiple_of3A] : memref<48000xi32, #tpu.memory_space<hbm>> -> memref<12000xi32, #tpu.memory_space<hbm>>
    %dma_wait3A_45 = tpu.memref_slice %arg3[%multiple_of3A] : memref<48000xi32, #tpu.memory_space<hbm>> -> memref<12000xi32, #tpu.memory_space<hbm>>
    tpu.wait_dma2 semaphore(%arg10 : memref<!tpu.dma_semaphore, #tpu.memory_space<semaphore_mem>>) src(%dma_wait3A_45 : memref<12000xi32, #tpu.memory_space<hbm>>) dst(%arg7 : memref<12000xi32, #tpu.memory_space<vmem>>)
    %dma_wait3A_46 = tpu.memref_slice %arg4[%multiple_of3A] : memref<48000xi32, #tpu.memory_space<hbm>> -> memref<12000xi32, #tpu.memory_space<hbm>>
    %dma_wait3A_47 = tpu.memref_slice %arg4[%multiple_of3A] : memref<48000xi32, #tpu.memory_space<hbm>> -> memref<12000xi32, #tpu.memory_space<hbm>>
    tpu.wait_dma2 semaphore(%arg10 : memref<!tpu.dma_semaphore, #tpu.memory_space<semaphore_mem>>) src(%dma_wait3A_47 : memref<12000xi32, #tpu.memory_space<hbm>>) dst(%arg8 : memref<12000xi32, #tpu.memory_space<vmem>>)
    %iota3A = tpu.iota {dimensions = array<i32: 0>} : vector<16xi32>
    %broadcast_in_dim3A_48 = arith.constant 0 : i32
    %broadcast_in_dim3A_49 = vector.broadcast %broadcast_in_dim3A_48 : i32 to vector<16xi32>
    %eq3A_50 = arith.cmpi eq, %iota3A, %broadcast_in_dim3A_49 : vector<16xi32>
    %broadcast_in_dim3A_51 = arith.constant 1 : i32
    %broadcast_in_dim3A_52 = vector.broadcast %broadcast_in_dim3A_51 : i32 to vector<16xi32>
    %eq3A_53 = arith.cmpi eq, %iota3A, %broadcast_in_dim3A_52 : vector<16xi32>
    %broadcast_in_dim3A_54 = arith.constant 2 : i32
    %broadcast_in_dim3A_55 = vector.broadcast %broadcast_in_dim3A_54 : i32 to vector<16xi32>
    %eq3A_56 = arith.cmpi eq, %iota3A, %broadcast_in_dim3A_55 : vector<16xi32>
    %broadcast_in_dim3A_57 = arith.constant 3 : i32
    %broadcast_in_dim3A_58 = vector.broadcast %broadcast_in_dim3A_57 : i32 to vector<16xi32>
    %eq3A_59 = arith.cmpi eq, %iota3A, %broadcast_in_dim3A_58 : vector<16xi32>
    %broadcast_in_dim3A_60 = arith.constant 4 : i32
    %broadcast_in_dim3A_61 = vector.broadcast %broadcast_in_dim3A_60 : i32 to vector<16xi32>
    %eq3A_62 = arith.cmpi eq, %iota3A, %broadcast_in_dim3A_61 : vector<16xi32>
    %broadcast_in_dim3A_63 = arith.constant 5 : i32
    %broadcast_in_dim3A_64 = vector.broadcast %broadcast_in_dim3A_63 : i32 to vector<16xi32>
    %eq3A_65 = arith.cmpi eq, %iota3A, %broadcast_in_dim3A_64 : vector<16xi32>
    %broadcast_in_dim3A_66 = arith.constant 6 : i32
    %broadcast_in_dim3A_67 = vector.broadcast %broadcast_in_dim3A_66 : i32 to vector<16xi32>
    %eq3A_68 = arith.cmpi eq, %iota3A, %broadcast_in_dim3A_67 : vector<16xi32>
    %broadcast_in_dim3A_69 = arith.constant 7 : i32
    %broadcast_in_dim3A_70 = vector.broadcast %broadcast_in_dim3A_69 : i32 to vector<16xi32>
    %eq3A_71 = arith.cmpi eq, %iota3A, %broadcast_in_dim3A_70 : vector<16xi32>
    %broadcast_in_dim3A_72 = arith.constant 8 : i32
    %broadcast_in_dim3A_73 = vector.broadcast %broadcast_in_dim3A_72 : i32 to vector<16xi32>
    %eq3A_74 = arith.cmpi eq, %iota3A, %broadcast_in_dim3A_73 : vector<16xi32>
    %broadcast_in_dim3A_75 = arith.constant 9 : i32
    %broadcast_in_dim3A_76 = vector.broadcast %broadcast_in_dim3A_75 : i32 to vector<16xi32>
    %eq3A_77 = arith.cmpi eq, %iota3A, %broadcast_in_dim3A_76 : vector<16xi32>
    %broadcast_in_dim3A_78 = arith.constant 10 : i32
    %broadcast_in_dim3A_79 = vector.broadcast %broadcast_in_dim3A_78 : i32 to vector<16xi32>
    %eq3A_80 = arith.cmpi eq, %iota3A, %broadcast_in_dim3A_79 : vector<16xi32>
    %broadcast_in_dim3A_81 = arith.constant 11 : i32
    %broadcast_in_dim3A_82 = vector.broadcast %broadcast_in_dim3A_81 : i32 to vector<16xi32>
    %eq3A_83 = arith.cmpi eq, %iota3A, %broadcast_in_dim3A_82 : vector<16xi32>
    %broadcast_in_dim3A_84 = arith.constant 12 : i32
    %broadcast_in_dim3A_85 = vector.broadcast %broadcast_in_dim3A_84 : i32 to vector<16xi32>
    %eq3A_86 = arith.cmpi eq, %iota3A, %broadcast_in_dim3A_85 : vector<16xi32>
    %broadcast_in_dim3A_87 = arith.constant 13 : i32
    %broadcast_in_dim3A_88 = vector.broadcast %broadcast_in_dim3A_87 : i32 to vector<16xi32>
    %eq3A_89 = arith.cmpi eq, %iota3A, %broadcast_in_dim3A_88 : vector<16xi32>
    %broadcast_in_dim3A_90 = arith.constant 14 : i32
    %broadcast_in_dim3A_91 = vector.broadcast %broadcast_in_dim3A_90 : i32 to vector<16xi32>
    %eq3A_92 = arith.cmpi eq, %iota3A, %broadcast_in_dim3A_91 : vector<16xi32>
    %broadcast_in_dim3A_93 = arith.constant 15 : i32
    %broadcast_in_dim3A_94 = vector.broadcast %broadcast_in_dim3A_93 : i32 to vector<16xi32>
    %eq3A_95 = arith.cmpi eq, %iota3A, %broadcast_in_dim3A_94 : vector<16xi32>
    %scan3A = arith.constant 0 : i32
    %scan3A_96 = arith.constant 0 : i32
    %scan3A_97 = arith.constant 748 : i32
    %scan3A_98 = arith.addi %scan3A_96, %scan3A_97 : i32
    %scan3A_99 = arith.constant 4 : i32
    %scan3A_100 = scf.for %scan3A_224 = %scan3A_96 to %scan3A_98 step %scan3A_99 iter_args(%scan3A_225 = %scan3A) -> (i32)  : i32 {
      %mul3A_226 = arith.constant 16 : i32
      %mul3A_227 = arith.muli %scan3A_224, %mul3A_226 : i32
      %get3A_228 = arith.index_cast %mul3A_227 : i32 to index
      %get3A_229 = tpu.vector_load %arg6[%get3A_228] {strides = array<i32>} : memref<12000xi32, #tpu.memory_space<vmem>>, vector<16xi32>,
      %mul3A_230 = arith.constant 16 : i32
      %mul3A_231 = arith.muli %scan3A_224, %mul3A_230 : i32
      %get3A_232 = arith.index_cast %mul3A_231 : i32 to index
      %get3A_233 = tpu.vector_load %arg7[%get3A_232] {strides = array<i32>} : memref<12000xi32, #tpu.memory_space<vmem>>, vector<16xi32>,
      %mul3A_234 = arith.constant 16 : i32
      %mul3A_235 = arith.muli %scan3A_224, %mul3A_234 : i32
      %get3A_236 = arith.index_cast %mul3A_235 : i32 to index
      %get3A_237 = tpu.vector_load %arg8[%get3A_236] {strides = array<i32>} : memref<12000xi32, #tpu.memory_space<vmem>>, vector<16xi32>,
      %broadcast_in_dim3A_238 = arith.constant 1 : i32
      %broadcast_in_dim3A_239 = vector.broadcast %broadcast_in_dim3A_238 : i32 to vector<16xi32>
      %mul3A_240 = vector.broadcast %mul3A_32 : i32 to vector<16xi32>
      %mul3A_241 = arith.muli %broadcast_in_dim3A_239, %mul3A_240 : vector<16xi32>
      %sub3A_242 = arith.subi %get3A_233, %mul3A_241 : vector<16xi32>
      %broadcast_in_dim3A_243 = arith.constant 1 : i32
      %broadcast_in_dim3A_244 = vector.broadcast %broadcast_in_dim3A_243 : i32 to vector<16xi32>
      %eq3A_245 = arith.cmpi eq, %get3A_229, %broadcast_in_dim3A_244 : vector<16xi32>
      %broadcast_in_dim3A_246 = arith.constant 0 : i32
      %broadcast_in_dim3A_247 = vector.broadcast %broadcast_in_dim3A_246 : i32 to vector<16xi32>
      %ge3A_248 = arith.cmpi sge, %sub3A_242, %broadcast_in_dim3A_247 : vector<16xi32>
      %and3A_249 = arith.andi %eq3A_245, %ge3A_248 : vector<16xi1>
      %broadcast_in_dim3A_250 = arith.constant 54 : i32
      %broadcast_in_dim3A_251 = vector.broadcast %broadcast_in_dim3A_250 : i32 to vector<16xi32>
      %lt3A_252 = arith.cmpi slt, %sub3A_242, %broadcast_in_dim3A_251 : vector<16xi32>
      %and3A_253 = arith.andi %and3A_249, %lt3A_252 : vector<16xi1>
      %broadcast_in_dim3A_254 = arith.constant 496 : i32
      %broadcast_in_dim3A_255 = vector.broadcast %broadcast_in_dim3A_254 : i32 to vector<16xi32>
      %mul3A_256 = arith.muli %sub3A_242, %broadcast_in_dim3A_255 : vector<16xi32>
      %add3A_257 = arith.addi %mul3A_256, %get3A_237 : vector<16xi32>
      %broadcast_in_dim3A_258 = arith.constant 0 : i32
      %broadcast_in_dim3A_259 = vector.broadcast %broadcast_in_dim3A_258 : i32 to vector<16xi32>
      %select_n3A_260 = arith.select %and3A_253, %add3A_257, %broadcast_in_dim3A_259 : vector<16xi1>, vector<16xi32>
      %broadcast_in_dim3A_261 = arith.constant 16 : i32
      %broadcast_in_dim3A_262 = vector.broadcast %broadcast_in_dim3A_261 : i32 to vector<16xi32>
      %mul3A_263 = vector.broadcast %scan3A_224 : i32 to vector<16xi32>
      %mul3A_264 = arith.muli %broadcast_in_dim3A_262, %mul3A_263 : vector<16xi32>
      %add3A_265 = arith.addi %iota3A, %mul3A_264 : vector<16xi32>
      %and3A_266 = arith.andi %and3A_253, %eq3A_50 : vector<16xi1>
      tpu.vector_store_idx %arg9[%select_n3A_260], %add3A_265 masked %and3A_266 : memref<26784xi32, #tpu.memory_space<vmem>>[vector<16xi32>], vector<16xi32>, vector<16xi1>
      %and3A_267 = arith.andi %and3A_253, %eq3A_53 : vector<16xi1>
      tpu.vector_store_idx %arg9[%select_n3A_260], %add3A_265 masked %and3A_267 : memref<26784xi32, #tpu.memory_space<vmem>>[vector<16xi32>], vector<16xi32>, vector<16xi1>
      %and3A_268 = arith.andi %and3A_253, %eq3A_56 : vector<16xi1>
      tpu.vector_store_idx %arg9[%select_n3A_260], %add3A_265 masked %and3A_268 : memref<26784xi32, #tpu.memory_space<vmem>>[vector<16xi32>], vector<16xi32>, vector<16xi1>
      %and3A_269 = arith.andi %and3A_253, %eq3A_59 : vector<16xi1>
      tpu.vector_store_idx %arg9[%select_n3A_260], %add3A_265 masked %and3A_269 : memref<26784xi32, #tpu.memory_space<vmem>>[vector<16xi32>], vector<16xi32>, vector<16xi1>
      %and3A_270 = arith.andi %and3A_253, %eq3A_62 : vector<16xi1>
      tpu.vector_store_idx %arg9[%select_n3A_260], %add3A_265 masked %and3A_270 : memref<26784xi32, #tpu.memory_space<vmem>>[vector<16xi32>], vector<16xi32>, vector<16xi1>
      %and3A_271 = arith.andi %and3A_253, %eq3A_65 : vector<16xi1>
      tpu.vector_store_idx %arg9[%select_n3A_260], %add3A_265 masked %and3A_271 : memref<26784xi32, #tpu.memory_space<vmem>>[vector<16xi32>], vector<16xi32>, vector<16xi1>
      %and3A_272 = arith.andi %and3A_253, %eq3A_68 : vector<16xi1>
      tpu.vector_store_idx %arg9[%select_n3A_260], %add3A_265 masked %and3A_272 : memref<26784xi32, #tpu.memory_space<vmem>>[vector<16xi32>], vector<16xi32>, vector<16xi1>
      %and3A_273 = arith.andi %and3A_253, %eq3A_71 : vector<16xi1>
      tpu.vector_store_idx %arg9[%select_n3A_260], %add3A_265 masked %and3A_273 : memref<26784xi32, #tpu.memory_space<vmem>>[vector<16xi32>], vector<16xi32>, vector<16xi1>
      %and3A_274 = arith.andi %and3A_253, %eq3A_74 : vector<16xi1>
      tpu.vector_store_idx %arg9[%select_n3A_260], %add3A_265 masked %and3A_274 : memref<26784xi32, #tpu.memory_space<vmem>>[vector<16xi32>], vector<16xi32>, vector<16xi1>
      %and3A_275 = arith.andi %and3A_253, %eq3A_77 : vector<16xi1>
      tpu.vector_store_idx %arg9[%select_n3A_260], %add3A_265 masked %and3A_275 : memref<26784xi32, #tpu.memory_space<vmem>>[vector<16xi32>], vector<16xi32>, vector<16xi1>
      %and3A_276 = arith.andi %and3A_253, %eq3A_80 : vector<16xi1>
      tpu.vector_store_idx %arg9[%select_n3A_260], %add3A_265 masked %and3A_276 : memref<26784xi32, #tpu.memory_space<vmem>>[vector<16xi32>], vector<16xi32>, vector<16xi1>
      %and3A_277 = arith.andi %and3A_253, %eq3A_83 : vector<16xi1>
      tpu.vector_store_idx %arg9[%select_n3A_260], %add3A_265 masked %and3A_277 : memref<26784xi32, #tpu.memory_space<vmem>>[vector<16xi32>], vector<16xi32>, vector<16xi1>
      %and3A_278 = arith.andi %and3A_253, %eq3A_86 : vector<16xi1>
      tpu.vector_store_idx %arg9[%select_n3A_260], %add3A_265 masked %and3A_278 : memref<26784xi32, #tpu.memory_space<vmem>>[vector<16xi32>], vector<16xi32>, vector<16xi1>
      %and3A_279 = arith.andi %and3A_253, %eq3A_89 : vector<16xi1>
      tpu.vector_store_idx %arg9[%select_n3A_260], %add3A_265 masked %and3A_279 : memref<26784xi32, #tpu.memory_space<vmem>>[vector<16xi32>], vector<16xi32>, vector<16xi1>
      %and3A_280 = arith.andi %and3A_253, %eq3A_92 : vector<16xi1>
      tpu.vector_store_idx %arg9[%select_n3A_260], %add3A_265 masked %and3A_280 : memref<26784xi32, #tpu.memory_space<vmem>>[vector<16xi32>], vector<16xi32>, vector<16xi1>
      %and3A_281 = arith.andi %and3A_253, %eq3A_95 : vector<16xi1>
      tpu.vector_store_idx %arg9[%select_n3A_260], %add3A_265 masked %and3A_281 : memref<26784xi32, #tpu.memory_space<vmem>>[vector<16xi32>], vector<16xi32>, vector<16xi1>
      %scan3A_282 = arith.constant 0 : i32
      %scan3A_283 = arith.constant 1 : i32
      %scan3A_284 = arith.addi %scan3A_224, %scan3A_283 : i32
      %mul3A_285 = arith.constant 16 : i32
      %mul3A_286 = arith.muli %scan3A_284, %mul3A_285 : i32
      %get3A_287 = arith.index_cast %mul3A_286 : i32 to index
      %get3A_288 = tpu.vector_load %arg6[%get3A_287] {strides = array<i32>} : memref<12000xi32, #tpu.memory_space<vmem>>, vector<16xi32>,
      %mul3A_289 = arith.constant 16 : i32
      %mul3A_290 = arith.muli %scan3A_284, %mul3A_289 : i32
      %get3A_291 = arith.index_cast %mul3A_290 : i32 to index
      %get3A_292 = tpu.vector_load %arg7[%get3A_291] {strides = array<i32>} : memref<12000xi32, #tpu.memory_space<vmem>>, vector<16xi32>,
      %mul3A_293 = arith.constant 16 : i32
      %mul3A_294 = arith.muli %scan3A_284, %mul3A_293 : i32
      %get3A_295 = arith.index_cast %mul3A_294 : i32 to index
      %get3A_296 = tpu.vector_load %arg8[%get3A_295] {strides = array<i32>} : memref<12000xi32, #tpu.memory_space<vmem>>, vector<16xi32>,
      %broadcast_in_dim3A_297 = arith.constant 1 : i32
      %broadcast_in_dim3A_298 = vector.broadcast %broadcast_in_dim3A_297 : i32 to vector<16xi32>
      %mul3A_299 = vector.broadcast %mul3A_32 : i32 to vector<16xi32>
      %mul3A_300 = arith.muli %broadcast_in_dim3A_298, %mul3A_299 : vector<16xi32>
      %sub3A_301 = arith.subi %get3A_292, %mul3A_300 : vector<16xi32>
      %broadcast_in_dim3A_302 = arith.constant 1 : i32
      %broadcast_in_dim3A_303 = vector.broadcast %broadcast_in_dim3A_302 : i32 to vector<16xi32>
      %eq3A_304 = arith.cmpi eq, %get3A_288, %broadcast_in_dim3A_303 : vector<16xi32>
      %broadcast_in_dim3A_305 = arith.constant 0 : i32
      %broadcast_in_dim3A_306 = vector.broadcast %broadcast_in_dim3A_305 : i32 to vector<16xi32>
      %ge3A_307 = arith.cmpi sge, %sub3A_301, %broadcast_in_dim3A_306 : vector<16xi32>
      %and3A_308 = arith.andi %eq3A_304, %ge3A_307 : vector<16xi1>
      %broadcast_in_dim3A_309 = arith.constant 54 : i32
      %broadcast_in_dim3A_310 = vector.broadcast %broadcast_in_dim3A_309 : i32 to vector<16xi32>
      %lt3A_311 = arith.cmpi slt, %sub3A_301, %broadcast_in_dim3A_310 : vector<16xi32>
      %and3A_312 = arith.andi %and3A_308, %lt3A_311 : vector<16xi1>
      %broadcast_in_dim3A_313 = arith.constant 496 : i32
      %broadcast_in_dim3A_314 = vector.broadcast %broadcast_in_dim3A_313 : i32 to vector<16xi32>
      %mul3A_315 = arith.muli %sub3A_301, %broadcast_in_dim3A_314 : vector<16xi32>
      %add3A_316 = arith.addi %mul3A_315, %get3A_296 : vector<16xi32>
      %broadcast_in_dim3A_317 = arith.constant 0 : i32
      %broadcast_in_dim3A_318 = vector.broadcast %broadcast_in_dim3A_317 : i32 to vector<16xi32>
      %select_n3A_319 = arith.select %and3A_312, %add3A_316, %broadcast_in_dim3A_318 : vector<16xi1>, vector<16xi32>
      %broadcast_in_dim3A_320 = arith.constant 16 : i32
      %broadcast_in_dim3A_321 = vector.broadcast %broadcast_in_dim3A_320 : i32 to vector<16xi32>
      %mul3A_322 = vector.broadcast %scan3A_284 : i32 to vector<16xi32>
      %mul3A_323 = arith.muli %broadcast_in_dim3A_321, %mul3A_322 : vector<16xi32>
      %add3A_324 = arith.addi %iota3A, %mul3A_323 : vector<16xi32>
      %and3A_325 = arith.andi %and3A_312, %eq3A_50 : vector<16xi1>
      tpu.vector_store_idx %arg9[%select_n3A_319], %add3A_324 masked %and3A_325 : memref<26784xi32, #tpu.memory_space<vmem>>[vector<16xi32>], vector<16xi32>, vector<16xi1>
      %and3A_326 = arith.andi %and3A_312, %eq3A_53 : vector<16xi1>
      tpu.vector_store_idx %arg9[%select_n3A_319], %add3A_324 masked %and3A_326 : memref<26784xi32, #tpu.memory_space<vmem>>[vector<16xi32>], vector<16xi32>, vector<16xi1>
      %and3A_327 = arith.andi %and3A_312, %eq3A_56 : vector<16xi1>
      tpu.vector_store_idx %arg9[%select_n3A_319], %add3A_324 masked %and3A_327 : memref<26784xi32, #tpu.memory_space<vmem>>[vector<16xi32>], vector<16xi32>, vector<16xi1>
      %and3A_328 = arith.andi %and3A_312, %eq3A_59 : vector<16xi1>
      tpu.vector_store_idx %arg9[%select_n3A_319], %add3A_324 masked %and3A_328 : memref<26784xi32, #tpu.memory_space<vmem>>[vector<16xi32>], vector<16xi32>, vector<16xi1>
      %and3A_329 = arith.andi %and3A_312, %eq3A_62 : vector<16xi1>
      tpu.vector_store_idx %arg9[%select_n3A_319], %add3A_324 masked %and3A_329 : memref<26784xi32, #tpu.memory_space<vmem>>[vector<16xi32>], vector<16xi32>, vector<16xi1>
      %and3A_330 = arith.andi %and3A_312, %eq3A_65 : vector<16xi1>
      tpu.vector_store_idx %arg9[%select_n3A_319], %add3A_324 masked %and3A_330 : memref<26784xi32, #tpu.memory_space<vmem>>[vector<16xi32>], vector<16xi32>, vector<16xi1>
      %and3A_331 = arith.andi %and3A_312, %eq3A_68 : vector<16xi1>
      tpu.vector_store_idx %arg9[%select_n3A_319], %add3A_324 masked %and3A_331 : memref<26784xi32, #tpu.memory_space<vmem>>[vector<16xi32>], vector<16xi32>, vector<16xi1>
      %and3A_332 = arith.andi %and3A_312, %eq3A_71 : vector<16xi1>
      tpu.vector_store_idx %arg9[%select_n3A_319], %add3A_324 masked %and3A_332 : memref<26784xi32, #tpu.memory_space<vmem>>[vector<16xi32>], vector<16xi32>, vector<16xi1>
      %and3A_333 = arith.andi %and3A_312, %eq3A_74 : vector<16xi1>
      tpu.vector_store_idx %arg9[%select_n3A_319], %add3A_324 masked %and3A_333 : memref<26784xi32, #tpu.memory_space<vmem>>[vector<16xi32>], vector<16xi32>, vector<16xi1>
      %and3A_334 = arith.andi %and3A_312, %eq3A_77 : vector<16xi1>
      tpu.vector_store_idx %arg9[%select_n3A_319], %add3A_324 masked %and3A_334 : memref<26784xi32, #tpu.memory_space<vmem>>[vector<16xi32>], vector<16xi32>, vector<16xi1>
      %and3A_335 = arith.andi %and3A_312, %eq3A_80 : vector<16xi1>
      tpu.vector_store_idx %arg9[%select_n3A_319], %add3A_324 masked %and3A_335 : memref<26784xi32, #tpu.memory_space<vmem>>[vector<16xi32>], vector<16xi32>, vector<16xi1>
      %and3A_336 = arith.andi %and3A_312, %eq3A_83 : vector<16xi1>
      tpu.vector_store_idx %arg9[%select_n3A_319], %add3A_324 masked %and3A_336 : memref<26784xi32, #tpu.memory_space<vmem>>[vector<16xi32>], vector<16xi32>, vector<16xi1>
      %and3A_337 = arith.andi %and3A_312, %eq3A_86 : vector<16xi1>
      tpu.vector_store_idx %arg9[%select_n3A_319], %add3A_324 masked %and3A_337 : memref<26784xi32, #tpu.memory_space<vmem>>[vector<16xi32>], vector<16xi32>, vector<16xi1>
      %and3A_338 = arith.andi %and3A_312, %eq3A_89 : vector<16xi1>
      tpu.vector_store_idx %arg9[%select_n3A_319], %add3A_324 masked %and3A_338 : memref<26784xi32, #tpu.memory_space<vmem>>[vector<16xi32>], vector<16xi32>, vector<16xi1>
      %and3A_339 = arith.andi %and3A_312, %eq3A_92 : vector<16xi1>
      tpu.vector_store_idx %arg9[%select_n3A_319], %add3A_324 masked %and3A_339 : memref<26784xi32, #tpu.memory_space<vmem>>[vector<16xi32>], vector<16xi32>, vector<16xi1>
      %and3A_340 = arith.andi %and3A_312, %eq3A_95 : vector<16xi1>
      tpu.vector_store_idx %arg9[%select_n3A_319], %add3A_324 masked %and3A_340 : memref<26784xi32, #tpu.memory_space<vmem>>[vector<16xi32>], vector<16xi32>, vector<16xi1>
      %scan3A_341 = arith.constant 0 : i32
      %scan3A_342 = arith.constant 2 : i32
      %scan3A_343 = arith.addi %scan3A_224, %scan3A_342 : i32
      %mul3A_344 = arith.constant 16 : i32
      %mul3A_345 = arith.muli %scan3A_343, %mul3A_344 : i32
      %get3A_346 = arith.index_cast %mul3A_345 : i32 to index
      %get3A_347 = tpu.vector_load %arg6[%get3A_346] {strides = array<i32>} : memref<12000xi32, #tpu.memory_space<vmem>>, vector<16xi32>,
      %mul3A_348 = arith.constant 16 : i32
      %mul3A_349 = arith.muli %scan3A_343, %mul3A_348 : i32
      %get3A_350 = arith.index_cast %mul3A_349 : i32 to index
      %get3A_351 = tpu.vector_load %arg7[%get3A_350] {strides = array<i32>} : memref<12000xi32, #tpu.memory_space<vmem>>, vector<16xi32>,
      %mul3A_352 = arith.constant 16 : i32
      %mul3A_353 = arith.muli %scan3A_343, %mul3A_352 : i32
      %get3A_354 = arith.index_cast %mul3A_353 : i32 to index
      %get3A_355 = tpu.vector_load %arg8[%get3A_354] {strides = array<i32>} : memref<12000xi32, #tpu.memory_space<vmem>>, vector<16xi32>,
      %broadcast_in_dim3A_356 = arith.constant 1 : i32
      %broadcast_in_dim3A_357 = vector.broadcast %broadcast_in_dim3A_356 : i32 to vector<16xi32>
      %mul3A_358 = vector.broadcast %mul3A_32 : i32 to vector<16xi32>
      %mul3A_359 = arith.muli %broadcast_in_dim3A_357, %mul3A_358 : vector<16xi32>
      %sub3A_360 = arith.subi %get3A_351, %mul3A_359 : vector<16xi32>
      %broadcast_in_dim3A_361 = arith.constant 1 : i32
      %broadcast_in_dim3A_362 = vector.broadcast %broadcast_in_dim3A_361 : i32 to vector<16xi32>
      %eq3A_363 = arith.cmpi eq, %get3A_347, %broadcast_in_dim3A_362 : vector<16xi32>
      %broadcast_in_dim3A_364 = arith.constant 0 : i32
      %broadcast_in_dim3A_365 = vector.broadcast %broadcast_in_dim3A_364 : i32 to vector<16xi32>
      %ge3A_366 = arith.cmpi sge, %sub3A_360, %broadcast_in_dim3A_365 : vector<16xi32>
      %and3A_367 = arith.andi %eq3A_363, %ge3A_366 : vector<16xi1>
      %broadcast_in_dim3A_368 = arith.constant 54 : i32
      %broadcast_in_dim3A_369 = vector.broadcast %broadcast_in_dim3A_368 : i32 to vector<16xi32>
      %lt3A_370 = arith.cmpi slt, %sub3A_360, %broadcast_in_dim3A_369 : vector<16xi32>
      %and3A_371 = arith.andi %and3A_367, %lt3A_370 : vector<16xi1>
      %broadcast_in_dim3A_372 = arith.constant 496 : i32
      %broadcast_in_dim3A_373 = vector.broadcast %broadcast_in_dim3A_372 : i32 to vector<16xi32>
      %mul3A_374 = arith.muli %sub3A_360, %broadcast_in_dim3A_373 : vector<16xi32>
      %add3A_375 = arith.addi %mul3A_374, %get3A_355 : vector<16xi32>
      %broadcast_in_dim3A_376 = arith.constant 0 : i32
      %broadcast_in_dim3A_377 = vector.broadcast %broadcast_in_dim3A_376 : i32 to vector<16xi32>
      %select_n3A_378 = arith.select %and3A_371, %add3A_375, %broadcast_in_dim3A_377 : vector<16xi1>, vector<16xi32>
      %broadcast_in_dim3A_379 = arith.constant 16 : i32
      %broadcast_in_dim3A_380 = vector.broadcast %broadcast_in_dim3A_379 : i32 to vector<16xi32>
      %mul3A_381 = vector.broadcast %scan3A_343 : i32 to vector<16xi32>
      %mul3A_382 = arith.muli %broadcast_in_dim3A_380, %mul3A_381 : vector<16xi32>
      %add3A_383 = arith.addi %iota3A, %mul3A_382 : vector<16xi32>
      %and3A_384 = arith.andi %and3A_371, %eq3A_50 : vector<16xi1>
      tpu.vector_store_idx %arg9[%select_n3A_378], %add3A_383 masked %and3A_384 : memref<26784xi32, #tpu.memory_space<vmem>>[vector<16xi32>], vector<16xi32>, vector<16xi1>
      %and3A_385 = arith.andi %and3A_371, %eq3A_53 : vector<16xi1>
      tpu.vector_store_idx %arg9[%select_n3A_378], %add3A_383 masked %and3A_385 : memref<26784xi32, #tpu.memory_space<vmem>>[vector<16xi32>], vector<16xi32>, vector<16xi1>
      %and3A_386 = arith.andi %and3A_371, %eq3A_56 : vector<16xi1>
      tpu.vector_store_idx %arg9[%select_n3A_378], %add3A_383 masked %and3A_386 : memref<26784xi32, #tpu.memory_space<vmem>>[vector<16xi32>], vector<16xi32>, vector<16xi1>
      %and3A_387 = arith.andi %and3A_371, %eq3A_59 : vector<16xi1>
      tpu.vector_store_idx %arg9[%select_n3A_378], %add3A_383 masked %and3A_387 : memref<26784xi32, #tpu.memory_space<vmem>>[vector<16xi32>], vector<16xi32>, vector<16xi1>
      %and3A_388 = arith.andi %and3A_371, %eq3A_62 : vector<16xi1>
      tpu.vector_store_idx %arg9[%select_n3A_378], %add3A_383 masked %and3A_388 : memref<26784xi32, #tpu.memory_space<vmem>>[vector<16xi32>], vector<16xi32>, vector<16xi1>
      %and3A_389 = arith.andi %and3A_371, %eq3A_65 : vector<16xi1>
      tpu.vector_store_idx %arg9[%select_n3A_378], %add3A_383 masked %and3A_389 : memref<26784xi32, #tpu.memory_space<vmem>>[vector<16xi32>], vector<16xi32>, vector<16xi1>
      %and3A_390 = arith.andi %and3A_371, %eq3A_68 : vector<16xi1>
      tpu.vector_store_idx %arg9[%select_n3A_378], %add3A_383 masked %and3A_390 : memref<26784xi32, #tpu.memory_space<vmem>>[vector<16xi32>], vector<16xi32>, vector<16xi1>
      %and3A_391 = arith.andi %and3A_371, %eq3A_71 : vector<16xi1>
      tpu.vector_store_idx %arg9[%select_n3A_378], %add3A_383 masked %and3A_391 : memref<26784xi32, #tpu.memory_space<vmem>>[vector<16xi32>], vector<16xi32>, vector<16xi1>
      %and3A_392 = arith.andi %and3A_371, %eq3A_74 : vector<16xi1>
      tpu.vector_store_idx %arg9[%select_n3A_378], %add3A_383 masked %and3A_392 : memref<26784xi32, #tpu.memory_space<vmem>>[vector<16xi32>], vector<16xi32>, vector<16xi1>
      %and3A_393 = arith.andi %and3A_371, %eq3A_77 : vector<16xi1>
      tpu.vector_store_idx %arg9[%select_n3A_378], %add3A_383 masked %and3A_393 : memref<26784xi32, #tpu.memory_space<vmem>>[vector<16xi32>], vector<16xi32>, vector<16xi1>
      %and3A_394 = arith.andi %and3A_371, %eq3A_80 : vector<16xi1>
      tpu.vector_store_idx %arg9[%select_n3A_378], %add3A_383 masked %and3A_394 : memref<26784xi32, #tpu.memory_space<vmem>>[vector<16xi32>], vector<16xi32>, vector<16xi1>
      %and3A_395 = arith.andi %and3A_371, %eq3A_83 : vector<16xi1>
      tpu.vector_store_idx %arg9[%select_n3A_378], %add3A_383 masked %and3A_395 : memref<26784xi32, #tpu.memory_space<vmem>>[vector<16xi32>], vector<16xi32>, vector<16xi1>
      %and3A_396 = arith.andi %and3A_371, %eq3A_86 : vector<16xi1>
      tpu.vector_store_idx %arg9[%select_n3A_378], %add3A_383 masked %and3A_396 : memref<26784xi32, #tpu.memory_space<vmem>>[vector<16xi32>], vector<16xi32>, vector<16xi1>
      %and3A_397 = arith.andi %and3A_371, %eq3A_89 : vector<16xi1>
      tpu.vector_store_idx %arg9[%select_n3A_378], %add3A_383 masked %and3A_397 : memref<26784xi32, #tpu.memory_space<vmem>>[vector<16xi32>], vector<16xi32>, vector<16xi1>
      %and3A_398 = arith.andi %and3A_371, %eq3A_92 : vector<16xi1>
      tpu.vector_store_idx %arg9[%select_n3A_378], %add3A_383 masked %and3A_398 : memref<26784xi32, #tpu.memory_space<vmem>>[vector<16xi32>], vector<16xi32>, vector<16xi1>
      %and3A_399 = arith.andi %and3A_371, %eq3A_95 : vector<16xi1>
      tpu.vector_store_idx %arg9[%select_n3A_378], %add3A_383 masked %and3A_399 : memref<26784xi32, #tpu.memory_space<vmem>>[vector<16xi32>], vector<16xi32>, vector<16xi1>
      %scan3A_400 = arith.constant 0 : i32
      %scan3A_401 = arith.constant 3 : i32
      %scan3A_402 = arith.addi %scan3A_224, %scan3A_401 : i32
      %mul3A_403 = arith.constant 16 : i32
      %mul3A_404 = arith.muli %scan3A_402, %mul3A_403 : i32
      %get3A_405 = arith.index_cast %mul3A_404 : i32 to index
      %get3A_406 = tpu.vector_load %arg6[%get3A_405] {strides = array<i32>} : memref<12000xi32, #tpu.memory_space<vmem>>, vector<16xi32>,
      %mul3A_407 = arith.constant 16 : i32
      %mul3A_408 = arith.muli %scan3A_402, %mul3A_407 : i32
      %get3A_409 = arith.index_cast %mul3A_408 : i32 to index
      %get3A_410 = tpu.vector_load %arg7[%get3A_409] {strides = array<i32>} : memref<12000xi32, #tpu.memory_space<vmem>>, vector<16xi32>,
      %mul3A_411 = arith.constant 16 : i32
      %mul3A_412 = arith.muli %scan3A_402, %mul3A_411 : i32
      %get3A_413 = arith.index_cast %mul3A_412 : i32 to index
      %get3A_414 = tpu.vector_load %arg8[%get3A_413] {strides = array<i32>} : memref<12000xi32, #tpu.memory_space<vmem>>, vector<16xi32>,
      %broadcast_in_dim3A_415 = arith.constant 1 : i32
      %broadcast_in_dim3A_416 = vector.broadcast %broadcast_in_dim3A_415 : i32 to vector<16xi32>
      %mul3A_417 = vector.broadcast %mul3A_32 : i32 to vector<16xi32>
      %mul3A_418 = arith.muli %broadcast_in_dim3A_416, %mul3A_417 : vector<16xi32>
      %sub3A_419 = arith.subi %get3A_410, %mul3A_418 : vector<16xi32>
      %broadcast_in_dim3A_420 = arith.constant 1 : i32
      %broadcast_in_dim3A_421 = vector.broadcast %broadcast_in_dim3A_420 : i32 to vector<16xi32>
      %eq3A_422 = arith.cmpi eq, %get3A_406, %broadcast_in_dim3A_421 : vector<16xi32>
      %broadcast_in_dim3A_423 = arith.constant 0 : i32
      %broadcast_in_dim3A_424 = vector.broadcast %broadcast_in_dim3A_423 : i32 to vector<16xi32>
      %ge3A_425 = arith.cmpi sge, %sub3A_419, %broadcast_in_dim3A_424 : vector<16xi32>
      %and3A_426 = arith.andi %eq3A_422, %ge3A_425 : vector<16xi1>
      %broadcast_in_dim3A_427 = arith.constant 54 : i32
      %broadcast_in_dim3A_428 = vector.broadcast %broadcast_in_dim3A_427 : i32 to vector<16xi32>
      %lt3A_429 = arith.cmpi slt, %sub3A_419, %broadcast_in_dim3A_428 : vector<16xi32>
      %and3A_430 = arith.andi %and3A_426, %lt3A_429 : vector<16xi1>
      %broadcast_in_dim3A_431 = arith.constant 496 : i32
      %broadcast_in_dim3A_432 = vector.broadcast %broadcast_in_dim3A_431 : i32 to vector<16xi32>
      %mul3A_433 = arith.muli %sub3A_419, %broadcast_in_dim3A_432 : vector<16xi32>
      %add3A_434 = arith.addi %mul3A_433, %get3A_414 : vector<16xi32>
      %broadcast_in_dim3A_435 = arith.constant 0 : i32
      %broadcast_in_dim3A_436 = vector.broadcast %broadcast_in_dim3A_435 : i32 to vector<16xi32>
      %select_n3A_437 = arith.select %and3A_430, %add3A_434, %broadcast_in_dim3A_436 : vector<16xi1>, vector<16xi32>
      %broadcast_in_dim3A_438 = arith.constant 16 : i32
      %broadcast_in_dim3A_439 = vector.broadcast %broadcast_in_dim3A_438 : i32 to vector<16xi32>
      %mul3A_440 = vector.broadcast %scan3A_402 : i32 to vector<16xi32>
      %mul3A_441 = arith.muli %broadcast_in_dim3A_439, %mul3A_440 : vector<16xi32>
      %add3A_442 = arith.addi %iota3A, %mul3A_441 : vector<16xi32>
      %and3A_443 = arith.andi %and3A_430, %eq3A_50 : vector<16xi1>
      tpu.vector_store_idx %arg9[%select_n3A_437], %add3A_442 masked %and3A_443 : memref<26784xi32, #tpu.memory_space<vmem>>[vector<16xi32>], vector<16xi32>, vector<16xi1>
      %and3A_444 = arith.andi %and3A_430, %eq3A_53 : vector<16xi1>
      tpu.vector_store_idx %arg9[%select_n3A_437], %add3A_442 masked %and3A_444 : memref<26784xi32, #tpu.memory_space<vmem>>[vector<16xi32>], vector<16xi32>, vector<16xi1>
      %and3A_445 = arith.andi %and3A_430, %eq3A_56 : vector<16xi1>
      tpu.vector_store_idx %arg9[%select_n3A_437], %add3A_442 masked %and3A_445 : memref<26784xi32, #tpu.memory_space<vmem>>[vector<16xi32>], vector<16xi32>, vector<16xi1>
      %and3A_446 = arith.andi %and3A_430, %eq3A_59 : vector<16xi1>
      tpu.vector_store_idx %arg9[%select_n3A_437], %add3A_442 masked %and3A_446 : memref<26784xi32, #tpu.memory_space<vmem>>[vector<16xi32>], vector<16xi32>, vector<16xi1>
      %and3A_447 = arith.andi %and3A_430, %eq3A_62 : vector<16xi1>
      tpu.vector_store_idx %arg9[%select_n3A_437], %add3A_442 masked %and3A_447 : memref<26784xi32, #tpu.memory_space<vmem>>[vector<16xi32>], vector<16xi32>, vector<16xi1>
      %and3A_448 = arith.andi %and3A_430, %eq3A_65 : vector<16xi1>
      tpu.vector_store_idx %arg9[%select_n3A_437], %add3A_442 masked %and3A_448 : memref<26784xi32, #tpu.memory_space<vmem>>[vector<16xi32>], vector<16xi32>, vector<16xi1>
      %and3A_449 = arith.andi %and3A_430, %eq3A_68 : vector<16xi1>
      tpu.vector_store_idx %arg9[%select_n3A_437], %add3A_442 masked %and3A_449 : memref<26784xi32, #tpu.memory_space<vmem>>[vector<16xi32>], vector<16xi32>, vector<16xi1>
      %and3A_450 = arith.andi %and3A_430, %eq3A_71 : vector<16xi1>
      tpu.vector_store_idx %arg9[%select_n3A_437], %add3A_442 masked %and3A_450 : memref<26784xi32, #tpu.memory_space<vmem>>[vector<16xi32>], vector<16xi32>, vector<16xi1>
      %and3A_451 = arith.andi %and3A_430, %eq3A_74 : vector<16xi1>
      tpu.vector_store_idx %arg9[%select_n3A_437], %add3A_442 masked %and3A_451 : memref<26784xi32, #tpu.memory_space<vmem>>[vector<16xi32>], vector<16xi32>, vector<16xi1>
      %and3A_452 = arith.andi %and3A_430, %eq3A_77 : vector<16xi1>
      tpu.vector_store_idx %arg9[%select_n3A_437], %add3A_442 masked %and3A_452 : memref<26784xi32, #tpu.memory_space<vmem>>[vector<16xi32>], vector<16xi32>, vector<16xi1>
      %and3A_453 = arith.andi %and3A_430, %eq3A_80 : vector<16xi1>
      tpu.vector_store_idx %arg9[%select_n3A_437], %add3A_442 masked %and3A_453 : memref<26784xi32, #tpu.memory_space<vmem>>[vector<16xi32>], vector<16xi32>, vector<16xi1>
      %and3A_454 = arith.andi %and3A_430, %eq3A_83 : vector<16xi1>
      tpu.vector_store_idx %arg9[%select_n3A_437], %add3A_442 masked %and3A_454 : memref<26784xi32, #tpu.memory_space<vmem>>[vector<16xi32>], vector<16xi32>, vector<16xi1>
      %and3A_455 = arith.andi %and3A_430, %eq3A_86 : vector<16xi1>
      tpu.vector_store_idx %arg9[%select_n3A_437], %add3A_442 masked %and3A_455 : memref<26784xi32, #tpu.memory_space<vmem>>[vector<16xi32>], vector<16xi32>, vector<16xi1>
      %and3A_456 = arith.andi %and3A_430, %eq3A_89 : vector<16xi1>
      tpu.vector_store_idx %arg9[%select_n3A_437], %add3A_442 masked %and3A_456 : memref<26784xi32, #tpu.memory_space<vmem>>[vector<16xi32>], vector<16xi32>, vector<16xi1>
      %and3A_457 = arith.andi %and3A_430, %eq3A_92 : vector<16xi1>
      tpu.vector_store_idx %arg9[%select_n3A_437], %add3A_442 masked %and3A_457 : memref<26784xi32, #tpu.memory_space<vmem>>[vector<16xi32>], vector<16xi32>, vector<16xi1>
      %and3A_458 = arith.andi %and3A_430, %eq3A_95 : vector<16xi1>
      tpu.vector_store_idx %arg9[%select_n3A_437], %add3A_442 masked %and3A_458 : memref<26784xi32, #tpu.memory_space<vmem>>[vector<16xi32>], vector<16xi32>, vector<16xi1>
      %scan3A_459 = arith.constant 0 : i32
      scf.yield %scan3A_459 : i32
    }
    %scan3A_101 = arith.constant 748 : i32
    %scan3A_102 = arith.addi %scan3A_96, %scan3A_101 : i32
    %mul3A_103 = arith.constant 16 : i32
    %mul3A_104 = arith.muli %scan3A_102, %mul3A_103 : i32
    %get3A = arith.index_cast %mul3A_104 : i32 to index
    %get3A_105 = tpu.vector_load %arg6[%get3A] {strides = array<i32>} : memref<12000xi32, #tpu.memory_space<vmem>>, vector<16xi32>,
    %mul3A_106 = arith.constant 16 : i32
    %mul3A_107 = arith.muli %scan3A_102, %mul3A_106 : i32
    %get3A_108 = arith.index_cast %mul3A_107 : i32 to index
    %get3A_109 = tpu.vector_load %arg7[%get3A_108] {strides = array<i32>} : memref<12000xi32, #tpu.memory_space<vmem>>, vector<16xi32>,
    %mul3A_110 = arith.constant 16 : i32
    %mul3A_111 = arith.muli %scan3A_102, %mul3A_110 : i32
    %get3A_112 = arith.index_cast %mul3A_111 : i32 to index
    %get3A_113 = tpu.vector_load %arg8[%get3A_112] {strides = array<i32>} : memref<12000xi32, #tpu.memory_space<vmem>>, vector<16xi32>,
    %broadcast_in_dim3A_114 = arith.constant 1 : i32
    %broadcast_in_dim3A_115 = vector.broadcast %broadcast_in_dim3A_114 : i32 to vector<16xi32>
    %mul3A_116 = vector.broadcast %mul3A_32 : i32 to vector<16xi32>
    %mul3A_117 = arith.muli %broadcast_in_dim3A_115, %mul3A_116 : vector<16xi32>
    %sub3A_118 = arith.subi %get3A_109, %mul3A_117 : vector<16xi32>
    %broadcast_in_dim3A_119 = arith.constant 1 : i32
    %broadcast_in_dim3A_120 = vector.broadcast %broadcast_in_dim3A_119 : i32 to vector<16xi32>
    %eq3A_121 = arith.cmpi eq, %get3A_105, %broadcast_in_dim3A_120 : vector<16xi32>
    %broadcast_in_dim3A_122 = arith.constant 0 : i32
    %broadcast_in_dim3A_123 = vector.broadcast %broadcast_in_dim3A_122 : i32 to vector<16xi32>
    %ge3A = arith.cmpi sge, %sub3A_118, %broadcast_in_dim3A_123 : vector<16xi32>
    %and3A_124 = arith.andi %eq3A_121, %ge3A : vector<16xi1>
    %broadcast_in_dim3A_125 = arith.constant 54 : i32
    %broadcast_in_dim3A_126 = vector.broadcast %broadcast_in_dim3A_125 : i32 to vector<16xi32>
    %lt3A_127 = arith.cmpi slt, %sub3A_118, %broadcast_in_dim3A_126 : vector<16xi32>
    %and3A_128 = arith.andi %and3A_124, %lt3A_127 : vector<16xi1>
    %broadcast_in_dim3A_129 = arith.constant 496 : i32
    %broadcast_in_dim3A_130 = vector.broadcast %broadcast_in_dim3A_129 : i32 to vector<16xi32>
    %mul3A_131 = arith.muli %sub3A_118, %broadcast_in_dim3A_130 : vector<16xi32>
    %add3A_132 = arith.addi %mul3A_131, %get3A_113 : vector<16xi32>
    %broadcast_in_dim3A_133 = arith.constant 0 : i32
    %broadcast_in_dim3A_134 = vector.broadcast %broadcast_in_dim3A_133 : i32 to vector<16xi32>
    %select_n3A_135 = arith.select %and3A_128, %add3A_132, %broadcast_in_dim3A_134 : vector<16xi1>, vector<16xi32>
    %broadcast_in_dim3A_136 = arith.constant 16 : i32
    %broadcast_in_dim3A_137 = vector.broadcast %broadcast_in_dim3A_136 : i32 to vector<16xi32>
    %mul3A_138 = vector.broadcast %scan3A_102 : i32 to vector<16xi32>
    %mul3A_139 = arith.muli %broadcast_in_dim3A_137, %mul3A_138 : vector<16xi32>
    %add3A_140 = arith.addi %iota3A, %mul3A_139 : vector<16xi32>
    %and3A_141 = arith.andi %and3A_128, %eq3A_50 : vector<16xi1>
    tpu.vector_store_idx %arg9[%select_n3A_135], %add3A_140 masked %and3A_141 : memref<26784xi32, #tpu.memory_space<vmem>>[vector<16xi32>], vector<16xi32>, vector<16xi1>
    %and3A_142 = arith.andi %and3A_128, %eq3A_53 : vector<16xi1>
    tpu.vector_store_idx %arg9[%select_n3A_135], %add3A_140 masked %and3A_142 : memref<26784xi32, #tpu.memory_space<vmem>>[vector<16xi32>], vector<16xi32>, vector<16xi1>
    %and3A_143 = arith.andi %and3A_128, %eq3A_56 : vector<16xi1>
    tpu.vector_store_idx %arg9[%select_n3A_135], %add3A_140 masked %and3A_143 : memref<26784xi32, #tpu.memory_space<vmem>>[vector<16xi32>], vector<16xi32>, vector<16xi1>
    %and3A_144 = arith.andi %and3A_128, %eq3A_59 : vector<16xi1>
    tpu.vector_store_idx %arg9[%select_n3A_135], %add3A_140 masked %and3A_144 : memref<26784xi32, #tpu.memory_space<vmem>>[vector<16xi32>], vector<16xi32>, vector<16xi1>
    %and3A_145 = arith.andi %and3A_128, %eq3A_62 : vector<16xi1>
    tpu.vector_store_idx %arg9[%select_n3A_135], %add3A_140 masked %and3A_145 : memref<26784xi32, #tpu.memory_space<vmem>>[vector<16xi32>], vector<16xi32>, vector<16xi1>
    %and3A_146 = arith.andi %and3A_128, %eq3A_65 : vector<16xi1>
    tpu.vector_store_idx %arg9[%select_n3A_135], %add3A_140 masked %and3A_146 : memref<26784xi32, #tpu.memory_space<vmem>>[vector<16xi32>], vector<16xi32>, vector<16xi1>
    %and3A_147 = arith.andi %and3A_128, %eq3A_68 : vector<16xi1>
    tpu.vector_store_idx %arg9[%select_n3A_135], %add3A_140 masked %and3A_147 : memref<26784xi32, #tpu.memory_space<vmem>>[vector<16xi32>], vector<16xi32>, vector<16xi1>
    %and3A_148 = arith.andi %and3A_128, %eq3A_71 : vector<16xi1>
    tpu.vector_store_idx %arg9[%select_n3A_135], %add3A_140 masked %and3A_148 : memref<26784xi32, #tpu.memory_space<vmem>>[vector<16xi32>], vector<16xi32>, vector<16xi1>
    %and3A_149 = arith.andi %and3A_128, %eq3A_74 : vector<16xi1>
    tpu.vector_store_idx %arg9[%select_n3A_135], %add3A_140 masked %and3A_149 : memref<26784xi32, #tpu.memory_space<vmem>>[vector<16xi32>], vector<16xi32>, vector<16xi1>
    %and3A_150 = arith.andi %and3A_128, %eq3A_77 : vector<16xi1>
    tpu.vector_store_idx %arg9[%select_n3A_135], %add3A_140 masked %and3A_150 : memref<26784xi32, #tpu.memory_space<vmem>>[vector<16xi32>], vector<16xi32>, vector<16xi1>
    %and3A_151 = arith.andi %and3A_128, %eq3A_80 : vector<16xi1>
    tpu.vector_store_idx %arg9[%select_n3A_135], %add3A_140 masked %and3A_151 : memref<26784xi32, #tpu.memory_space<vmem>>[vector<16xi32>], vector<16xi32>, vector<16xi1>
    %and3A_152 = arith.andi %and3A_128, %eq3A_83 : vector<16xi1>
    tpu.vector_store_idx %arg9[%select_n3A_135], %add3A_140 masked %and3A_152 : memref<26784xi32, #tpu.memory_space<vmem>>[vector<16xi32>], vector<16xi32>, vector<16xi1>
    %and3A_153 = arith.andi %and3A_128, %eq3A_86 : vector<16xi1>
    tpu.vector_store_idx %arg9[%select_n3A_135], %add3A_140 masked %and3A_153 : memref<26784xi32, #tpu.memory_space<vmem>>[vector<16xi32>], vector<16xi32>, vector<16xi1>
    %and3A_154 = arith.andi %and3A_128, %eq3A_89 : vector<16xi1>
    tpu.vector_store_idx %arg9[%select_n3A_135], %add3A_140 masked %and3A_154 : memref<26784xi32, #tpu.memory_space<vmem>>[vector<16xi32>], vector<16xi32>, vector<16xi1>
    %and3A_155 = arith.andi %and3A_128, %eq3A_92 : vector<16xi1>
    tpu.vector_store_idx %arg9[%select_n3A_135], %add3A_140 masked %and3A_155 : memref<26784xi32, #tpu.memory_space<vmem>>[vector<16xi32>], vector<16xi32>, vector<16xi1>
    %and3A_156 = arith.andi %and3A_128, %eq3A_95 : vector<16xi1>
    tpu.vector_store_idx %arg9[%select_n3A_135], %add3A_140 masked %and3A_156 : memref<26784xi32, #tpu.memory_space<vmem>>[vector<16xi32>], vector<16xi32>, vector<16xi1>
    %scan3A_157 = arith.constant 0 : i32
    %scan3A_158 = arith.constant 749 : i32
    %scan3A_159 = arith.addi %scan3A_96, %scan3A_158 : i32
    %mul3A_160 = arith.constant 16 : i32
    %mul3A_161 = arith.muli %scan3A_159, %mul3A_160 : i32
    %get3A_162 = arith.index_cast %mul3A_161 : i32 to index
    %get3A_163 = tpu.vector_load %arg6[%get3A_162] {strides = array<i32>} : memref<12000xi32, #tpu.memory_space<vmem>>, vector<16xi32>,
    %mul3A_164 = arith.constant 16 : i32
    %mul3A_165 = arith.muli %scan3A_159, %mul3A_164 : i32
    %get3A_166 = arith.index_cast %mul3A_165 : i32 to index
    %get3A_167 = tpu.vector_load %arg7[%get3A_166] {strides = array<i32>} : memref<12000xi32, #tpu.memory_space<vmem>>, vector<16xi32>,
    %mul3A_168 = arith.constant 16 : i32
    %mul3A_169 = arith.muli %scan3A_159, %mul3A_168 : i32
    %get3A_170 = arith.index_cast %mul3A_169 : i32 to index
    %get3A_171 = tpu.vector_load %arg8[%get3A_170] {strides = array<i32>} : memref<12000xi32, #tpu.memory_space<vmem>>, vector<16xi32>,
    %broadcast_in_dim3A_172 = arith.constant 1 : i32
    %broadcast_in_dim3A_173 = vector.broadcast %broadcast_in_dim3A_172 : i32 to vector<16xi32>
    %mul3A_174 = vector.broadcast %mul3A_32 : i32 to vector<16xi32>
    %mul3A_175 = arith.muli %broadcast_in_dim3A_173, %mul3A_174 : vector<16xi32>
    %sub3A_176 = arith.subi %get3A_167, %mul3A_175 : vector<16xi32>
    %broadcast_in_dim3A_177 = arith.constant 1 : i32
    %broadcast_in_dim3A_178 = vector.broadcast %broadcast_in_dim3A_177 : i32 to vector<16xi32>
    %eq3A_179 = arith.cmpi eq, %get3A_163, %broadcast_in_dim3A_178 : vector<16xi32>
    %broadcast_in_dim3A_180 = arith.constant 0 : i32
    %broadcast_in_dim3A_181 = vector.broadcast %broadcast_in_dim3A_180 : i32 to vector<16xi32>
    %ge3A_182 = arith.cmpi sge, %sub3A_176, %broadcast_in_dim3A_181 : vector<16xi32>
    %and3A_183 = arith.andi %eq3A_179, %ge3A_182 : vector<16xi1>
    %broadcast_in_dim3A_184 = arith.constant 54 : i32
    %broadcast_in_dim3A_185 = vector.broadcast %broadcast_in_dim3A_184 : i32 to vector<16xi32>
    %lt3A_186 = arith.cmpi slt, %sub3A_176, %broadcast_in_dim3A_185 : vector<16xi32>
    %and3A_187 = arith.andi %and3A_183, %lt3A_186 : vector<16xi1>
    %broadcast_in_dim3A_188 = arith.constant 496 : i32
    %broadcast_in_dim3A_189 = vector.broadcast %broadcast_in_dim3A_188 : i32 to vector<16xi32>
    %mul3A_190 = arith.muli %sub3A_176, %broadcast_in_dim3A_189 : vector<16xi32>
    %add3A_191 = arith.addi %mul3A_190, %get3A_171 : vector<16xi32>
    %broadcast_in_dim3A_192 = arith.constant 0 : i32
    %broadcast_in_dim3A_193 = vector.broadcast %broadcast_in_dim3A_192 : i32 to vector<16xi32>
    %select_n3A_194 = arith.select %and3A_187, %add3A_191, %broadcast_in_dim3A_193 : vector<16xi1>, vector<16xi32>
    %broadcast_in_dim3A_195 = arith.constant 16 : i32
    %broadcast_in_dim3A_196 = vector.broadcast %broadcast_in_dim3A_195 : i32 to vector<16xi32>
    %mul3A_197 = vector.broadcast %scan3A_159 : i32 to vector<16xi32>
    %mul3A_198 = arith.muli %broadcast_in_dim3A_196, %mul3A_197 : vector<16xi32>
    %add3A_199 = arith.addi %iota3A, %mul3A_198 : vector<16xi32>
    %and3A_200 = arith.andi %and3A_187, %eq3A_50 : vector<16xi1>
    tpu.vector_store_idx %arg9[%select_n3A_194], %add3A_199 masked %and3A_200 : memref<26784xi32, #tpu.memory_space<vmem>>[vector<16xi32>], vector<16xi32>, vector<16xi1>
    %and3A_201 = arith.andi %and3A_187, %eq3A_53 : vector<16xi1>
    tpu.vector_store_idx %arg9[%select_n3A_194], %add3A_199 masked %and3A_201 : memref<26784xi32, #tpu.memory_space<vmem>>[vector<16xi32>], vector<16xi32>, vector<16xi1>
    %and3A_202 = arith.andi %and3A_187, %eq3A_56 : vector<16xi1>
    tpu.vector_store_idx %arg9[%select_n3A_194], %add3A_199 masked %and3A_202 : memref<26784xi32, #tpu.memory_space<vmem>>[vector<16xi32>], vector<16xi32>, vector<16xi1>
    %and3A_203 = arith.andi %and3A_187, %eq3A_59 : vector<16xi1>
    tpu.vector_store_idx %arg9[%select_n3A_194], %add3A_199 masked %and3A_203 : memref<26784xi32, #tpu.memory_space<vmem>>[vector<16xi32>], vector<16xi32>, vector<16xi1>
    %and3A_204 = arith.andi %and3A_187, %eq3A_62 : vector<16xi1>
    tpu.vector_store_idx %arg9[%select_n3A_194], %add3A_199 masked %and3A_204 : memref<26784xi32, #tpu.memory_space<vmem>>[vector<16xi32>], vector<16xi32>, vector<16xi1>
    %and3A_205 = arith.andi %and3A_187, %eq3A_65 : vector<16xi1>
    tpu.vector_store_idx %arg9[%select_n3A_194], %add3A_199 masked %and3A_205 : memref<26784xi32, #tpu.memory_space<vmem>>[vector<16xi32>], vector<16xi32>, vector<16xi1>
    %and3A_206 = arith.andi %and3A_187, %eq3A_68 : vector<16xi1>
    tpu.vector_store_idx %arg9[%select_n3A_194], %add3A_199 masked %and3A_206 : memref<26784xi32, #tpu.memory_space<vmem>>[vector<16xi32>], vector<16xi32>, vector<16xi1>
    %and3A_207 = arith.andi %and3A_187, %eq3A_71 : vector<16xi1>
    tpu.vector_store_idx %arg9[%select_n3A_194], %add3A_199 masked %and3A_207 : memref<26784xi32, #tpu.memory_space<vmem>>[vector<16xi32>], vector<16xi32>, vector<16xi1>
    %and3A_208 = arith.andi %and3A_187, %eq3A_74 : vector<16xi1>
    tpu.vector_store_idx %arg9[%select_n3A_194], %add3A_199 masked %and3A_208 : memref<26784xi32, #tpu.memory_space<vmem>>[vector<16xi32>], vector<16xi32>, vector<16xi1>
    %and3A_209 = arith.andi %and3A_187, %eq3A_77 : vector<16xi1>
    tpu.vector_store_idx %arg9[%select_n3A_194], %add3A_199 masked %and3A_209 : memref<26784xi32, #tpu.memory_space<vmem>>[vector<16xi32>], vector<16xi32>, vector<16xi1>
    %and3A_210 = arith.andi %and3A_187, %eq3A_80 : vector<16xi1>
    tpu.vector_store_idx %arg9[%select_n3A_194], %add3A_199 masked %and3A_210 : memref<26784xi32, #tpu.memory_space<vmem>>[vector<16xi32>], vector<16xi32>, vector<16xi1>
    %and3A_211 = arith.andi %and3A_187, %eq3A_83 : vector<16xi1>
    tpu.vector_store_idx %arg9[%select_n3A_194], %add3A_199 masked %and3A_211 : memref<26784xi32, #tpu.memory_space<vmem>>[vector<16xi32>], vector<16xi32>, vector<16xi1>
    %and3A_212 = arith.andi %and3A_187, %eq3A_86 : vector<16xi1>
    tpu.vector_store_idx %arg9[%select_n3A_194], %add3A_199 masked %and3A_212 : memref<26784xi32, #tpu.memory_space<vmem>>[vector<16xi32>], vector<16xi32>, vector<16xi1>
    %and3A_213 = arith.andi %and3A_187, %eq3A_89 : vector<16xi1>
    tpu.vector_store_idx %arg9[%select_n3A_194], %add3A_199 masked %and3A_213 : memref<26784xi32, #tpu.memory_space<vmem>>[vector<16xi32>], vector<16xi32>, vector<16xi1>
    %and3A_214 = arith.andi %and3A_187, %eq3A_92 : vector<16xi1>
    tpu.vector_store_idx %arg9[%select_n3A_194], %add3A_199 masked %and3A_214 : memref<26784xi32, #tpu.memory_space<vmem>>[vector<16xi32>], vector<16xi32>, vector<16xi1>
    %and3A_215 = arith.andi %and3A_187, %eq3A_95 : vector<16xi1>
    tpu.vector_store_idx %arg9[%select_n3A_194], %add3A_199 masked %and3A_215 : memref<26784xi32, #tpu.memory_space<vmem>>[vector<16xi32>], vector<16xi32>, vector<16xi1>
    %scan3A_216 = arith.constant 0 : i32
    %scan3A_217 = arith.constant 750 : i32
    %mul3A_218 = arith.constant 214272 : i32
    %mul3A_219 = arith.muli %select_n3A, %mul3A_218 : i32
    %mul3A_220 = arith.constant 496 : i32
    %mul3A_221 = arith.muli %mul3A_32, %mul3A_220 : i32
    %add3A_222 = arith.addi %mul3A_219, %mul3A_221 : i32
    %multiple_of3A_223 = tpu.assume_multiple %add3A_222, 8 : i32
    "tpu.region"() ({
      %run_scoped3A = tpu.sem_alloc : memref<!tpu.dma_semaphore, #tpu.memory_space<semaphore_mem>>
      %dma_start3A_224 = tpu.memref_slice %arg5[%multiple_of3A_223] : memref<857088xi32, #tpu.memory_space<hbm>> -> memref<26784xi32, #tpu.memory_space<hbm>>
      %dma_start3A_225 = tpu.memref_slice %arg5[%multiple_of3A_223] : memref<857088xi32, #tpu.memory_space<hbm>> -> memref<26784xi32, #tpu.memory_space<hbm>>
      tpu.enqueue_dma source(%arg9 : memref<26784xi32, #tpu.memory_space<vmem>>) target(%dma_start3A_225 : memref<26784xi32, #tpu.memory_space<hbm>>) target_semaphore(%run_scoped3A : memref<!tpu.dma_semaphore, #tpu.memory_space<semaphore_mem>>)
      %dma_wait3A_226 = tpu.memref_slice %arg5[%multiple_of3A_223] : memref<857088xi32, #tpu.memory_space<hbm>> -> memref<26784xi32, #tpu.memory_space<hbm>>
      %dma_wait3A_227 = tpu.memref_slice %arg5[%multiple_of3A_223] : memref<857088xi32, #tpu.memory_space<hbm>> -> memref<26784xi32, #tpu.memory_space<hbm>>
      tpu.wait_dma2 semaphore(%run_scoped3A : memref<!tpu.dma_semaphore, #tpu.memory_space<semaphore_mem>>) src(%arg9 : memref<26784xi32, #tpu.memory_space<vmem>>) dst(%dma_wait3A_227 : memref<26784xi32, #tpu.memory_space<hbm>>)
      tpu.yield
    }) : () -> ()
    return
  }
}

#map = affine_map<(d0, d1) -> (0)>
#map1 = affine_map<(d0, d1) -> (0, 0)>
module attributes {stable_mosaic.version = 14 : i64} {
  func.func @_compose_body(%arg0: i32, %arg1: i32, %arg2: memref<3072000xf32, #tpu.memory_space<hbm>>, %arg3: memref<857088xi32, #tpu.memory_space<hbm>>, %arg4: memref<110592x496xf32, #tpu.memory_space<hbm>>, %arg5: memref<48000xf32, #tpu.memory_space<vmem>>, %arg6: memref<2x3968xi32, #tpu.memory_space<vmem>>, %arg7: memref<2x4x8x496xf32, #tpu.memory_space<vmem>>, %arg8: memref<!tpu.dma_semaphore, #tpu.memory_space<semaphore_mem>>, %arg9: memref<!tpu.dma_semaphore, #tpu.memory_space<semaphore_mem>>, %arg10: memref<!tpu.dma_semaphore, #tpu.memory_space<semaphore_mem>>, %arg11: memref<!tpu.dma_semaphore, #tpu.memory_space<semaphore_mem>>) attributes {dimension_semantics = [#tpu.dimension_semantics<core_parallel>, #tpu.dimension_semantics<subcore_parallel>], iteration_bounds = array<i64: 2, 16>, scalar_prefetch = 0 : i64, scratch_operands = 7 : i64, tpu.core_type = #tpu.core_type<sc_vector_subcore>, window_params = [{transform_indices = #map}, {transform_indices = #map}, {transform_indices = #map1}]} {
    %mul3A = arith.constant 2 : i32
    %mul3A_0 = arith.muli %arg1, %mul3A : i32
    %add3A = arith.addi %mul3A_0, %arg0 : i32
    %broadcast_in_dim3A = arith.constant 0 : i32
    %broadcast_in_dim3A_1 = vector.broadcast %broadcast_in_dim3A : i32 to vector<16xi32>
    %broadcast_in_dim3A_2 = arith.constant 0.000000e+00 : f32
    %broadcast_in_dim3A_3 = vector.broadcast %broadcast_in_dim3A_2 : f32 to vector<16xf32>
    %mul3A_4 = arith.constant 2 : i32
    %mul3A_5 = arith.muli %add3A, %mul3A_4 : i32
    %add3A_6 = arith.constant 0 : i32
    %add3A_7 = arith.addi %mul3A_5, %add3A_6 : i32
    %jit3A = arith.constant 16 : i32
    %div3A = arith.divsi %add3A_7, %jit3A : i32
    %sign3A = arith.constant 0 : i32
    %sign3A_8 = arith.cmpi sgt, %add3A_7, %sign3A : i32
    %sign3A_9 = arith.extui %sign3A_8 : i1 to i32
    %sign3A_10 = arith.constant 0 : i32
    %sign3A_11 = arith.cmpi slt, %add3A_7, %sign3A_10 : i32
    %sign3A_12 = arith.extui %sign3A_11 : i1 to i32
    %sign3A_13 = arith.subi %sign3A_9, %sign3A_12 : i32
    %sign3A_14 = arith.constant 0 : i32
    %sign3A_15 = arith.cmpi sgt, %jit3A, %sign3A_14 : i32
    %sign3A_16 = arith.extui %sign3A_15 : i1 to i32
    %sign3A_17 = arith.constant 0 : i32
    %sign3A_18 = arith.cmpi slt, %jit3A, %sign3A_17 : i32
    %sign3A_19 = arith.extui %sign3A_18 : i1 to i32
    %sign3A_20 = arith.subi %sign3A_16, %sign3A_19 : i32
    %ne3A = arith.cmpi ne, %sign3A_13, %sign3A_20 : i32
    %rem3A = arith.remsi %add3A_7, %jit3A : i32
    %ne3A_21 = arith.constant 0 : i32
    %ne3A_22 = arith.cmpi ne, %rem3A, %ne3A_21 : i32
    %and3A = arith.andi %ne3A, %ne3A_22 : i1
    %sub3A = arith.constant 1 : i32
    %sub3A_23 = arith.subi %div3A, %sub3A : i32
    %select_n3A = arith.select %and3A, %sub3A_23, %div3A : i32
    %jit3A_24 = arith.constant 16 : i32
    %eq3A = arith.constant 0 : i32
    %eq3A_25 = arith.cmpi eq, %jit3A_24, %eq3A : i32
    %jit3A_26 = arith.constant 1 : i32
    %select_n3A_27 = arith.select %eq3A_25, %jit3A_26, %jit3A_24 : i32
    %rem3A_28 = arith.remsi %add3A_7, %select_n3A_27 : i32
    %ne3A_29 = arith.constant 0 : i32
    %ne3A_30 = arith.cmpi ne, %rem3A_28, %ne3A_29 : i32
    %lt3A = arith.constant 0 : i32
    %lt3A_31 = arith.cmpi slt, %rem3A_28, %lt3A : i32
    %lt3A_32 = arith.constant 0 : i32
    %lt3A_33 = arith.cmpi slt, %select_n3A_27, %lt3A_32 : i32
    %ne3A_34 = arith.xori %lt3A_31, %lt3A_33 : i1
    %and3A_35 = arith.andi %ne3A_34, %ne3A_30 : i1
    %add3A_36 = arith.addi %rem3A_28, %select_n3A_27 : i32
    %select_n3A_37 = arith.select %and3A_35, %add3A_36, %rem3A_28 : i32
    %mul3A_38 = arith.constant 4 : i32
    %mul3A_39 = arith.muli %select_n3A_37, %mul3A_38 : i32
    %mul3A_40 = arith.constant 214272 : i32
    %mul3A_41 = arith.muli %select_n3A, %mul3A_40 : i32
    %add3A_42 = arith.constant 0 : i32
    %add3A_43 = arith.addi %mul3A_41, %add3A_42 : i32
    %multiple_of3A = tpu.assume_multiple %add3A_43, 8 : i32
    %dma_start3A = arith.constant 0 : i32
    %dma_start3A_44 = arith.constant 0 : i32
    %dma_start3A_45 = tpu.memref_slice %arg6[%dma_start3A, %dma_start3A_44] : memref<2x3968xi32, #tpu.memory_space<vmem>> -> memref<1x3968xi32, #tpu.memory_space<vmem>>
    %dma_start3A_46 = tpu.memref_squeeze %dma_start3A_45 : memref<1x3968xi32, #tpu.memory_space<vmem>> -> memref<3968xi32, #tpu.memory_space<vmem>>
    %dma_start3A_47 = tpu.memref_slice %arg3[%multiple_of3A] : memref<857088xi32, #tpu.memory_space<hbm>> -> memref<3968xi32, #tpu.memory_space<hbm>>
    %dma_start3A_48 = arith.constant 0 : i32
    %dma_start3A_49 = tpu.memref_slice %arg6[%dma_start3A, %dma_start3A_48] : memref<2x3968xi32, #tpu.memory_space<vmem>> -> memref<1x3968xi32, #tpu.memory_space<vmem>>
    %dma_start3A_50 = tpu.memref_squeeze %dma_start3A_49 : memref<1x3968xi32, #tpu.memory_space<vmem>> -> memref<3968xi32, #tpu.memory_space<vmem>>
    %dma_start3A_51 = tpu.memref_slice %arg3[%multiple_of3A] : memref<857088xi32, #tpu.memory_space<hbm>> -> memref<3968xi32, #tpu.memory_space<hbm>>
    tpu.enqueue_dma source(%dma_start3A_51 : memref<3968xi32, #tpu.memory_space<hbm>>) target(%dma_start3A_50 : memref<3968xi32, #tpu.memory_space<vmem>>) target_semaphore(%arg8 : memref<!tpu.dma_semaphore, #tpu.memory_space<semaphore_mem>>)
    %mul3A_52 = arith.constant 214272 : i32
    %mul3A_53 = arith.muli %select_n3A, %mul3A_52 : i32
    %add3A_54 = arith.constant 3968 : i32
    %add3A_55 = arith.addi %mul3A_53, %add3A_54 : i32
    %multiple_of3A_56 = tpu.assume_multiple %add3A_55, 8 : i32
    %dma_start3A_57 = arith.constant 1 : i32
    %dma_start3A_58 = arith.constant 0 : i32
    %dma_start3A_59 = tpu.memref_slice %arg6[%dma_start3A_57, %dma_start3A_58] : memref<2x3968xi32, #tpu.memory_space<vmem>> -> memref<1x3968xi32, #tpu.memory_space<vmem>>
    %dma_start3A_60 = tpu.memref_squeeze %dma_start3A_59 : memref<1x3968xi32, #tpu.memory_space<vmem>> -> memref<3968xi32, #tpu.memory_space<vmem>>
    %dma_start3A_61 = tpu.memref_slice %arg3[%multiple_of3A_56] : memref<857088xi32, #tpu.memory_space<hbm>> -> memref<3968xi32, #tpu.memory_space<hbm>>
    %dma_start3A_62 = arith.constant 0 : i32
    %dma_start3A_63 = tpu.memref_slice %arg6[%dma_start3A_57, %dma_start3A_62] : memref<2x3968xi32, #tpu.memory_space<vmem>> -> memref<1x3968xi32, #tpu.memory_space<vmem>>
    %dma_start3A_64 = tpu.memref_squeeze %dma_start3A_63 : memref<1x3968xi32, #tpu.memory_space<vmem>> -> memref<3968xi32, #tpu.memory_space<vmem>>
    %dma_start3A_65 = tpu.memref_slice %arg3[%multiple_of3A_56] : memref<857088xi32, #tpu.memory_space<hbm>> -> memref<3968xi32, #tpu.memory_space<hbm>>
    tpu.enqueue_dma source(%dma_start3A_65 : memref<3968xi32, #tpu.memory_space<hbm>>) target(%dma_start3A_64 : memref<3968xi32, #tpu.memory_space<vmem>>) target_semaphore(%arg9 : memref<!tpu.dma_semaphore, #tpu.memory_space<semaphore_mem>>)
    %mul3A_66 = arith.constant 64 : i32
    %mul3A_67 = arith.muli %select_n3A, %mul3A_66 : i32
    %add3A_68 = arith.addi %mul3A_67, %mul3A_39 : i32
    %mul3A_69 = arith.constant 12000 : i32
    %mul3A_70 = arith.muli %add3A_68, %mul3A_69 : i32
    %multiple_of3A_71 = tpu.assume_multiple %mul3A_70, 8 : i32
    "tpu.region"() ({
      %run_scoped3A = tpu.sem_alloc : memref<!tpu.dma_semaphore, #tpu.memory_space<semaphore_mem>>
      %dma_start3A_548 = tpu.memref_slice %arg2[%multiple_of3A_71] : memref<3072000xf32, #tpu.memory_space<hbm>> -> memref<48000xf32, #tpu.memory_space<hbm>>
      %dma_start3A_549 = tpu.memref_slice %arg2[%multiple_of3A_71] : memref<3072000xf32, #tpu.memory_space<hbm>> -> memref<48000xf32, #tpu.memory_space<hbm>>
      tpu.enqueue_dma source(%dma_start3A_549 : memref<48000xf32, #tpu.memory_space<hbm>>) target(%arg5 : memref<48000xf32, #tpu.memory_space<vmem>>) target_semaphore(%run_scoped3A : memref<!tpu.dma_semaphore, #tpu.memory_space<semaphore_mem>>)
      %dma_wait3A_550 = tpu.memref_slice %arg2[%multiple_of3A_71] : memref<3072000xf32, #tpu.memory_space<hbm>> -> memref<48000xf32, #tpu.memory_space<hbm>>
      %dma_wait3A_551 = tpu.memref_slice %arg2[%multiple_of3A_71] : memref<3072000xf32, #tpu.memory_space<hbm>> -> memref<48000xf32, #tpu.memory_space<hbm>>
      tpu.wait_dma2 semaphore(%run_scoped3A : memref<!tpu.dma_semaphore, #tpu.memory_space<semaphore_mem>>) src(%dma_wait3A_551 : memref<48000xf32, #tpu.memory_space<hbm>>) dst(%arg5 : memref<48000xf32, #tpu.memory_space<vmem>>)
      tpu.yield
    }) : () -> ()
    %scan3A = arith.constant 0 : i32
    %scan3A_72 = arith.constant 0 : i32
    %scan3A_73 = arith.constant 27 : i32
    %scan3A_74 = arith.addi %scan3A_72, %scan3A_73 : i32
    %scan3A_75 = arith.constant 1 : i32
    %scan3A_76 = scf.for %scan3A_548 = %scan3A_72 to %scan3A_74 step %scan3A_75 iter_args(%scan3A_549 = %scan3A) -> (i32)  : i32 {
      %mul3A_550 = arith.constant 2 : i32
      %mul3A_551 = arith.muli %mul3A_550, %scan3A_548 : i32
      %add3A_552 = arith.constant 0 : i32
      %add3A_553 = arith.addi %mul3A_551, %add3A_552 : i32
      %mul3A_554 = arith.constant 214272 : i32
      %mul3A_555 = arith.muli %select_n3A, %mul3A_554 : i32
      %mul3A_556 = arith.constant 3968 : i32
      %mul3A_557 = arith.muli %add3A_553, %mul3A_556 : i32
      %add3A_558 = arith.addi %mul3A_555, %mul3A_557 : i32
      %multiple_of3A_559 = tpu.assume_multiple %add3A_558, 8 : i32
      %dma_wait3A_560 = arith.constant 0 : i32
      %dma_wait3A_561 = arith.constant 0 : i32
      %dma_wait3A_562 = tpu.memref_slice %arg6[%dma_wait3A_560, %dma_wait3A_561] : memref<2x3968xi32, #tpu.memory_space<vmem>> -> memref<1x3968xi32, #tpu.memory_space<vmem>>
      %dma_wait3A_563 = tpu.memref_squeeze %dma_wait3A_562 : memref<1x3968xi32, #tpu.memory_space<vmem>> -> memref<3968xi32, #tpu.memory_space<vmem>>
      %dma_wait3A_564 = tpu.memref_slice %arg3[%multiple_of3A_559] : memref<857088xi32, #tpu.memory_space<hbm>> -> memref<3968xi32, #tpu.memory_space<hbm>>
      %dma_wait3A_565 = arith.constant 0 : i32
      %dma_wait3A_566 = tpu.memref_slice %arg6[%dma_wait3A_560, %dma_wait3A_565] : memref<2x3968xi32, #tpu.memory_space<vmem>> -> memref<1x3968xi32, #tpu.memory_space<vmem>>
      %dma_wait3A_567 = tpu.memref_squeeze %dma_wait3A_566 : memref<1x3968xi32, #tpu.memory_space<vmem>> -> memref<3968xi32, #tpu.memory_space<vmem>>
      %dma_wait3A_568 = tpu.memref_slice %arg3[%multiple_of3A_559] : memref<857088xi32, #tpu.memory_space<hbm>> -> memref<3968xi32, #tpu.memory_space<hbm>>
      tpu.wait_dma2 semaphore(%arg8 : memref<!tpu.dma_semaphore, #tpu.memory_space<semaphore_mem>>) src(%dma_wait3A_568 : memref<3968xi32, #tpu.memory_space<hbm>>) dst(%dma_wait3A_567 : memref<3968xi32, #tpu.memory_space<vmem>>)
      %gt3A = arith.constant 0 : i32
      %gt3A_569 = arith.cmpi sgt, %scan3A_548, %gt3A : i32
      %convert_element_type3A = arith.extui %gt3A_569 : i1 to i32
      %cond3A = arith.constant 0 : i32
      %cond3A_570 = arith.cmpi ne, %convert_element_type3A, %cond3A : i32
      scf.if %cond3A_570 {
        %mul3A_815 = arith.constant 64 : i32
        %mul3A_816 = arith.muli %select_n3A, %mul3A_815 : i32
        %add3A_817 = arith.addi %mul3A_816, %mul3A_39 : i32
        %add3A_818 = arith.constant 0 : i32
        %add3A_819 = arith.addi %add3A_817, %add3A_818 : i32
        %mul3A_820 = arith.constant 432 : i32
        %mul3A_821 = arith.muli %add3A_819, %mul3A_820 : i32
        %mul3A_822 = arith.constant 8 : i32
        %mul3A_823 = arith.muli %add3A_553, %mul3A_822 : i32
        %add3A_824 = arith.addi %mul3A_821, %mul3A_823 : i32
        %multiple_of3A_825 = tpu.assume_multiple %add3A_824, 8 : i32
        %dma_wait3A_826 = arith.constant 0 : i32
        %dma_wait3A_827 = arith.constant 0 : i32
        %dma_wait3A_828 = arith.constant 0 : i32
        %dma_wait3A_829 = arith.constant 0 : i32
        %dma_wait3A_830 = tpu.memref_slice %arg7[%dma_wait3A_826, %dma_wait3A_827, %dma_wait3A_828, %dma_wait3A_829] : memref<2x4x8x496xf32, #tpu.memory_space<vmem>> -> memref<1x1x8x496xf32, #tpu.memory_space<vmem>>
        %dma_wait3A_831 = tpu.memref_squeeze %dma_wait3A_830 : memref<1x1x8x496xf32, #tpu.memory_space<vmem>> -> memref<8x496xf32, #tpu.memory_space<vmem>>
        %dma_wait3A_832 = arith.constant 0 : i32
        %dma_wait3A_833 = tpu.memref_slice %arg4[%multiple_of3A_825, %dma_wait3A_832] : memref<110592x496xf32, #tpu.memory_space<hbm>> -> memref<8x496xf32, #tpu.memory_space<hbm>>
        %dma_wait3A_834 = arith.constant 0 : i32
        %dma_wait3A_835 = tpu.memref_slice %arg4[%multiple_of3A_825, %dma_wait3A_834] : memref<110592x496xf32, #tpu.memory_space<hbm>> -> memref<8x496xf32, #tpu.memory_space<hbm>>
        %dma_wait3A_836 = arith.constant 0 : i32
        %dma_wait3A_837 = arith.constant 0 : i32
        %dma_wait3A_838 = tpu.memref_slice %arg7[%dma_wait3A_826, %dma_wait3A_827, %dma_wait3A_836, %dma_wait3A_837] : memref<2x4x8x496xf32, #tpu.memory_space<vmem>> -> memref<1x1x8x496xf32, #tpu.memory_space<vmem>>
        %dma_wait3A_839 = tpu.memref_squeeze %dma_wait3A_838 : memref<1x1x8x496xf32, #tpu.memory_space<vmem>> -> memref<8x496xf32, #tpu.memory_space<vmem>>
        tpu.wait_dma2 semaphore(%arg10 : memref<!tpu.dma_semaphore, #tpu.memory_space<semaphore_mem>>) src(%dma_wait3A_839 : memref<8x496xf32, #tpu.memory_space<vmem>>) dst(%dma_wait3A_835 : memref<8x496xf32, #tpu.memory_space<hbm>>)
        %mul3A_840 = arith.constant 64 : i32
        %mul3A_841 = arith.muli %select_n3A, %mul3A_840 : i32
        %add3A_842 = arith.addi %mul3A_841, %mul3A_39 : i32
        %add3A_843 = arith.constant 1 : i32
        %add3A_844 = arith.addi %add3A_842, %add3A_843 : i32
        %mul3A_845 = arith.constant 432 : i32
        %mul3A_846 = arith.muli %add3A_844, %mul3A_845 : i32
        %mul3A_847 = arith.constant 8 : i32
        %mul3A_848 = arith.muli %add3A_553, %mul3A_847 : i32
        %add3A_849 = arith.addi %mul3A_846, %mul3A_848 : i32
        %multiple_of3A_850 = tpu.assume_multiple %add3A_849, 8 : i32
        %dma_wait3A_851 = arith.constant 0 : i32
        %dma_wait3A_852 = arith.constant 1 : i32
        %dma_wait3A_853 = arith.constant 0 : i32
        %dma_wait3A_854 = arith.constant 0 : i32
        %dma_wait3A_855 = tpu.memref_slice %arg7[%dma_wait3A_851, %dma_wait3A_852, %dma_wait3A_853, %dma_wait3A_854] : memref<2x4x8x496xf32, #tpu.memory_space<vmem>> -> memref<1x1x8x496xf32, #tpu.memory_space<vmem>>
        %dma_wait3A_856 = tpu.memref_squeeze %dma_wait3A_855 : memref<1x1x8x496xf32, #tpu.memory_space<vmem>> -> memref<8x496xf32, #tpu.memory_space<vmem>>
        %dma_wait3A_857 = arith.constant 0 : i32
        %dma_wait3A_858 = tpu.memref_slice %arg4[%multiple_of3A_850, %dma_wait3A_857] : memref<110592x496xf32, #tpu.memory_space<hbm>> -> memref<8x496xf32, #tpu.memory_space<hbm>>
        %dma_wait3A_859 = arith.constant 0 : i32
        %dma_wait3A_860 = tpu.memref_slice %arg4[%multiple_of3A_850, %dma_wait3A_859] : memref<110592x496xf32, #tpu.memory_space<hbm>> -> memref<8x496xf32, #tpu.memory_space<hbm>>
        %dma_wait3A_861 = arith.constant 0 : i32
        %dma_wait3A_862 = arith.constant 0 : i32
        %dma_wait3A_863 = tpu.memref_slice %arg7[%dma_wait3A_851, %dma_wait3A_852, %dma_wait3A_861, %dma_wait3A_862] : memref<2x4x8x496xf32, #tpu.memory_space<vmem>> -> memref<1x1x8x496xf32, #tpu.memory_space<vmem>>
        %dma_wait3A_864 = tpu.memref_squeeze %dma_wait3A_863 : memref<1x1x8x496xf32, #tpu.memory_space<vmem>> -> memref<8x496xf32, #tpu.memory_space<vmem>>
        tpu.wait_dma2 semaphore(%arg10 : memref<!tpu.dma_semaphore, #tpu.memory_space<semaphore_mem>>) src(%dma_wait3A_864 : memref<8x496xf32, #tpu.memory_space<vmem>>) dst(%dma_wait3A_860 : memref<8x496xf32, #tpu.memory_space<hbm>>)
        %mul3A_865 = arith.constant 64 : i32
        %mul3A_866 = arith.muli %select_n3A, %mul3A_865 : i32
        %add3A_867 = arith.addi %mul3A_866, %mul3A_39 : i32
        %add3A_868 = arith.constant 2 : i32
        %add3A_869 = arith.addi %add3A_867, %add3A_868 : i32
        %mul3A_870 = arith.constant 432 : i32
        %mul3A_871 = arith.muli %add3A_869, %mul3A_870 : i32
        %mul3A_872 = arith.constant 8 : i32
        %mul3A_873 = arith.muli %add3A_553, %mul3A_872 : i32
        %add3A_874 = arith.addi %mul3A_871, %mul3A_873 : i32
        %multiple_of3A_875 = tpu.assume_multiple %add3A_874, 8 : i32
        %dma_wait3A_876 = arith.constant 0 : i32
        %dma_wait3A_877 = arith.constant 2 : i32
        %dma_wait3A_878 = arith.constant 0 : i32
        %dma_wait3A_879 = arith.constant 0 : i32
        %dma_wait3A_880 = tpu.memref_slice %arg7[%dma_wait3A_876, %dma_wait3A_877, %dma_wait3A_878, %dma_wait3A_879] : memref<2x4x8x496xf32, #tpu.memory_space<vmem>> -> memref<1x1x8x496xf32, #tpu.memory_space<vmem>>
        %dma_wait3A_881 = tpu.memref_squeeze %dma_wait3A_880 : memref<1x1x8x496xf32, #tpu.memory_space<vmem>> -> memref<8x496xf32, #tpu.memory_space<vmem>>
        %dma_wait3A_882 = arith.constant 0 : i32
        %dma_wait3A_883 = tpu.memref_slice %arg4[%multiple_of3A_875, %dma_wait3A_882] : memref<110592x496xf32, #tpu.memory_space<hbm>> -> memref<8x496xf32, #tpu.memory_space<hbm>>
        %dma_wait3A_884 = arith.constant 0 : i32
        %dma_wait3A_885 = tpu.memref_slice %arg4[%multiple_of3A_875, %dma_wait3A_884] : memref<110592x496xf32, #tpu.memory_space<hbm>> -> memref<8x496xf32, #tpu.memory_space<hbm>>
        %dma_wait3A_886 = arith.constant 0 : i32
        %dma_wait3A_887 = arith.constant 0 : i32
        %dma_wait3A_888 = tpu.memref_slice %arg7[%dma_wait3A_876, %dma_wait3A_877, %dma_wait3A_886, %dma_wait3A_887] : memref<2x4x8x496xf32, #tpu.memory_space<vmem>> -> memref<1x1x8x496xf32, #tpu.memory_space<vmem>>
        %dma_wait3A_889 = tpu.memref_squeeze %dma_wait3A_888 : memref<1x1x8x496xf32, #tpu.memory_space<vmem>> -> memref<8x496xf32, #tpu.memory_space<vmem>>
        tpu.wait_dma2 semaphore(%arg10 : memref<!tpu.dma_semaphore, #tpu.memory_space<semaphore_mem>>) src(%dma_wait3A_889 : memref<8x496xf32, #tpu.memory_space<vmem>>) dst(%dma_wait3A_885 : memref<8x496xf32, #tpu.memory_space<hbm>>)
        %mul3A_890 = arith.constant 64 : i32
        %mul3A_891 = arith.muli %select_n3A, %mul3A_890 : i32
        %add3A_892 = arith.addi %mul3A_891, %mul3A_39 : i32
        %add3A_893 = arith.constant 3 : i32
        %add3A_894 = arith.addi %add3A_892, %add3A_893 : i32
        %mul3A_895 = arith.constant 432 : i32
        %mul3A_896 = arith.muli %add3A_894, %mul3A_895 : i32
        %mul3A_897 = arith.constant 8 : i32
        %mul3A_898 = arith.muli %add3A_553, %mul3A_897 : i32
        %add3A_899 = arith.addi %mul3A_896, %mul3A_898 : i32
        %multiple_of3A_900 = tpu.assume_multiple %add3A_899, 8 : i32
        %dma_wait3A_901 = arith.constant 0 : i32
        %dma_wait3A_902 = arith.constant 3 : i32
        %dma_wait3A_903 = arith.constant 0 : i32
        %dma_wait3A_904 = arith.constant 0 : i32
        %dma_wait3A_905 = tpu.memref_slice %arg7[%dma_wait3A_901, %dma_wait3A_902, %dma_wait3A_903, %dma_wait3A_904] : memref<2x4x8x496xf32, #tpu.memory_space<vmem>> -> memref<1x1x8x496xf32, #tpu.memory_space<vmem>>
        %dma_wait3A_906 = tpu.memref_squeeze %dma_wait3A_905 : memref<1x1x8x496xf32, #tpu.memory_space<vmem>> -> memref<8x496xf32, #tpu.memory_space<vmem>>
        %dma_wait3A_907 = arith.constant 0 : i32
        %dma_wait3A_908 = tpu.memref_slice %arg4[%multiple_of3A_900, %dma_wait3A_907] : memref<110592x496xf32, #tpu.memory_space<hbm>> -> memref<8x496xf32, #tpu.memory_space<hbm>>
        %dma_wait3A_909 = arith.constant 0 : i32
        %dma_wait3A_910 = tpu.memref_slice %arg4[%multiple_of3A_900, %dma_wait3A_909] : memref<110592x496xf32, #tpu.memory_space<hbm>> -> memref<8x496xf32, #tpu.memory_space<hbm>>
        %dma_wait3A_911 = arith.constant 0 : i32
        %dma_wait3A_912 = arith.constant 0 : i32
        %dma_wait3A_913 = tpu.memref_slice %arg7[%dma_wait3A_901, %dma_wait3A_902, %dma_wait3A_911, %dma_wait3A_912] : memref<2x4x8x496xf32, #tpu.memory_space<vmem>> -> memref<1x1x8x496xf32, #tpu.memory_space<vmem>>
        %dma_wait3A_914 = tpu.memref_squeeze %dma_wait3A_913 : memref<1x1x8x496xf32, #tpu.memory_space<vmem>> -> memref<8x496xf32, #tpu.memory_space<vmem>>
        tpu.wait_dma2 semaphore(%arg10 : memref<!tpu.dma_semaphore, #tpu.memory_space<semaphore_mem>>) src(%dma_wait3A_914 : memref<8x496xf32, #tpu.memory_space<vmem>>) dst(%dma_wait3A_910 : memref<8x496xf32, #tpu.memory_space<hbm>>)
      } else {
      }
      %parallel_loop3A = arith.constant 0 : i32
      %parallel_loop3A_571 = arith.constant 248 : i32
      %parallel_loop3A_572 = arith.constant 1 : i32
      scf.for %parallel_loop3A_815 = %parallel_loop3A to %parallel_loop3A_571 step %parallel_loop3A_572  : i32 {
        %parallel_loop3A_816 = arith.constant 7 : i32
        %parallel_loop3A_817 = arith.andi %parallel_loop3A_815, %parallel_loop3A_816 : i32
        %parallel_loop3A_818 = arith.constant 3 : i32
        %parallel_loop3A_819 = arith.shrui %parallel_loop3A_815, %parallel_loop3A_818 : i32
        %parallel_loop3A_820 = arith.constant 4 : i32
        %parallel_loop3A_821 = arith.shli %parallel_loop3A_819, %parallel_loop3A_820 : i32
        %parallel_loop3A_822 = arith.constant 496 : i32
        %parallel_loop3A_823 = arith.muli %parallel_loop3A_817, %parallel_loop3A_822 : i32
        %parallel_loop3A_824 = arith.addi %parallel_loop3A_823, %parallel_loop3A_821 : i32
        %parallel_loop3A_825 = arith.constant 0 : i32
        %parallel_loop3A_826 = arith.index_cast %parallel_loop3A_825 : i32 to index
        %parallel_loop3A_827 = arith.index_cast %parallel_loop3A_824 : i32 to index
        %parallel_loop3A_828 = tpu.vector_load %arg6[%parallel_loop3A_826, %parallel_loop3A_827] {strides = array<i32>} : memref<2x3968xi32, #tpu.memory_space<vmem>>, vector<16xi32>,
        %parallel_loop3A_829 = arith.cmpi sge, %parallel_loop3A_828, %broadcast_in_dim3A_1 : vector<16xi32>
        %parallel_loop3A_830 = arith.maxsi %parallel_loop3A_828, %broadcast_in_dim3A_1 : vector<16xi32>
        %parallel_loop3A_831 = arith.constant 0 : i32
        %parallel_loop3A_832 = vector.broadcast %parallel_loop3A_831 : i32 to vector<16xi32>
        %parallel_loop3A_833 = arith.addi %parallel_loop3A_832, %parallel_loop3A_830 : vector<16xi32>
        %parallel_loop3A_834 = tpu.vector_load_idx %arg5[%parallel_loop3A_833] : memref<48000xf32, #tpu.memory_space<vmem>>[vector<16xi32>], vector<16xf32>,
        %parallel_loop3A_835 = arith.select %parallel_loop3A_829, %parallel_loop3A_834, %broadcast_in_dim3A_3 : vector<16xi1>, vector<16xf32>
        %parallel_loop3A_836 = arith.constant 0 : i32
        %parallel_loop3A_837 = arith.constant 0 : i32
        %parallel_loop3A_838 = arith.index_cast %parallel_loop3A_836 : i32 to index
        %parallel_loop3A_839 = arith.index_cast %parallel_loop3A_837 : i32 to index
        %parallel_loop3A_840 = arith.index_cast %parallel_loop3A_817 : i32 to index
        %parallel_loop3A_841 = arith.index_cast %parallel_loop3A_821 : i32 to index
        %parallel_loop3A_842 = tpu.vector_load %arg7[%parallel_loop3A_838, %parallel_loop3A_839, %parallel_loop3A_840, %parallel_loop3A_841] {strides = array<i32>} : memref<2x4x8x496xf32, #tpu.memory_space<vmem>>, vector<16xf32>,
        tpu.vector_store %arg7[%parallel_loop3A_838, %parallel_loop3A_839, %parallel_loop3A_840, %parallel_loop3A_841], %parallel_loop3A_835 {strides = array<i32>} : memref<2x4x8x496xf32, #tpu.memory_space<vmem>>, vector<16xf32>,
        %parallel_loop3A_843 = arith.constant 12000 : i32
        %parallel_loop3A_844 = vector.broadcast %parallel_loop3A_843 : i32 to vector<16xi32>
        %parallel_loop3A_845 = arith.addi %parallel_loop3A_844, %parallel_loop3A_830 : vector<16xi32>
        %parallel_loop3A_846 = tpu.vector_load_idx %arg5[%parallel_loop3A_845] : memref<48000xf32, #tpu.memory_space<vmem>>[vector<16xi32>], vector<16xf32>,
        %parallel_loop3A_847 = arith.select %parallel_loop3A_829, %parallel_loop3A_846, %broadcast_in_dim3A_3 : vector<16xi1>, vector<16xf32>
        %parallel_loop3A_848 = arith.constant 0 : i32
        %parallel_loop3A_849 = arith.constant 1 : i32
        %parallel_loop3A_850 = arith.index_cast %parallel_loop3A_848 : i32 to index
        %parallel_loop3A_851 = arith.index_cast %parallel_loop3A_849 : i32 to index
        %parallel_loop3A_852 = arith.index_cast %parallel_loop3A_817 : i32 to index
        %parallel_loop3A_853 = arith.index_cast %parallel_loop3A_821 : i32 to index
        %parallel_loop3A_854 = tpu.vector_load %arg7[%parallel_loop3A_850, %parallel_loop3A_851, %parallel_loop3A_852, %parallel_loop3A_853] {strides = array<i32>} : memref<2x4x8x496xf32, #tpu.memory_space<vmem>>, vector<16xf32>,
        tpu.vector_store %arg7[%parallel_loop3A_850, %parallel_loop3A_851, %parallel_loop3A_852, %parallel_loop3A_853], %parallel_loop3A_847 {strides = array<i32>} : memref<2x4x8x496xf32, #tpu.memory_space<vmem>>, vector<16xf32>,
        %parallel_loop3A_855 = arith.constant 24000 : i32
        %parallel_loop3A_856 = vector.broadcast %parallel_loop3A_855 : i32 to vector<16xi32>
        %parallel_loop3A_857 = arith.addi %parallel_loop3A_856, %parallel_loop3A_830 : vector<16xi32>
        %parallel_loop3A_858 = tpu.vector_load_idx %arg5[%parallel_loop3A_857] : memref<48000xf32, #tpu.memory_space<vmem>>[vector<16xi32>], vector<16xf32>,
        %parallel_loop3A_859 = arith.select %parallel_loop3A_829, %parallel_loop3A_858, %broadcast_in_dim3A_3 : vector<16xi1>, vector<16xf32>
        %parallel_loop3A_860 = arith.constant 0 : i32
        %parallel_loop3A_861 = arith.constant 2 : i32
        %parallel_loop3A_862 = arith.index_cast %parallel_loop3A_860 : i32 to index
        %parallel_loop3A_863 = arith.index_cast %parallel_loop3A_861 : i32 to index
        %parallel_loop3A_864 = arith.index_cast %parallel_loop3A_817 : i32 to index
        %parallel_loop3A_865 = arith.index_cast %parallel_loop3A_821 : i32 to index
        %parallel_loop3A_866 = tpu.vector_load %arg7[%parallel_loop3A_862, %parallel_loop3A_863, %parallel_loop3A_864, %parallel_loop3A_865] {strides = array<i32>} : memref<2x4x8x496xf32, #tpu.memory_space<vmem>>, vector<16xf32>,
        tpu.vector_store %arg7[%parallel_loop3A_862, %parallel_loop3A_863, %parallel_loop3A_864, %parallel_loop3A_865], %parallel_loop3A_859 {strides = array<i32>} : memref<2x4x8x496xf32, #tpu.memory_space<vmem>>, vector<16xf32>,
        %parallel_loop3A_867 = arith.constant 36000 : i32
        %parallel_loop3A_868 = vector.broadcast %parallel_loop3A_867 : i32 to vector<16xi32>
        %parallel_loop3A_869 = arith.addi %parallel_loop3A_868, %parallel_loop3A_830 : vector<16xi32>
        %parallel_loop3A_870 = tpu.vector_load_idx %arg5[%parallel_loop3A_869] : memref<48000xf32, #tpu.memory_space<vmem>>[vector<16xi32>], vector<16xf32>,
        %parallel_loop3A_871 = arith.select %parallel_loop3A_829, %parallel_loop3A_870, %broadcast_in_dim3A_3 : vector<16xi1>, vector<16xf32>
        %parallel_loop3A_872 = arith.constant 0 : i32
        %parallel_loop3A_873 = arith.constant 3 : i32
        %parallel_loop3A_874 = arith.index_cast %parallel_loop3A_872 : i32 to index
        %parallel_loop3A_875 = arith.index_cast %parallel_loop3A_873 : i32 to index
        %parallel_loop3A_876 = arith.index_cast %parallel_loop3A_817 : i32 to index
        %parallel_loop3A_877 = arith.index_cast %parallel_loop3A_821 : i32 to index
        %parallel_loop3A_878 = tpu.vector_load %arg7[%parallel_loop3A_874, %parallel_loop3A_875, %parallel_loop3A_876, %parallel_loop3A_877] {strides = array<i32>} : memref<2x4x8x496xf32, #tpu.memory_space<vmem>>, vector<16xf32>,
        tpu.vector_store %arg7[%parallel_loop3A_874, %parallel_loop3A_875, %parallel_loop3A_876, %parallel_loop3A_877], %parallel_loop3A_871 {strides = array<i32>} : memref<2x4x8x496xf32, #tpu.memory_space<vmem>>, vector<16xf32>,
      } {sc.loop_unroll_factor = 8 : i64, sc.parallel_access}
      %mul3A_573 = arith.constant 64 : i32
      %mul3A_574 = arith.muli %select_n3A, %mul3A_573 : i32
      %add3A_575 = arith.addi %mul3A_574, %mul3A_39 : i32
      %add3A_576 = arith.constant 0 : i32
      %add3A_577 = arith.addi %add3A_575, %add3A_576 : i32
      %mul3A_578 = arith.constant 432 : i32
      %mul3A_579 = arith.muli %add3A_577, %mul3A_578 : i32
      %mul3A_580 = arith.constant 8 : i32
      %mul3A_581 = arith.muli %add3A_553, %mul3A_580 : i32
      %add3A_582 = arith.addi %mul3A_579, %mul3A_581 : i32
      %multiple_of3A_583 = tpu.assume_multiple %add3A_582, 8 : i32
      %dma_start3A_584 = arith.constant 0 : i32
      %dma_start3A_585 = arith.constant 0 : i32
      %dma_start3A_586 = arith.constant 0 : i32
      %dma_start3A_587 = arith.constant 0 : i32
      %dma_start3A_588 = tpu.memref_slice %arg7[%dma_start3A_584, %dma_start3A_585, %dma_start3A_586, %dma_start3A_587] : memref<2x4x8x496xf32, #tpu.memory_space<vmem>> -> memref<1x1x8x496xf32, #tpu.memory_space<vmem>>
      %dma_start3A_589 = tpu.memref_squeeze %dma_start3A_588 : memref<1x1x8x496xf32, #tpu.memory_space<vmem>> -> memref<8x496xf32, #tpu.memory_space<vmem>>
      %dma_start3A_590 = arith.constant 0 : i32
      %dma_start3A_591 = tpu.memref_slice %arg4[%multiple_of3A_583, %dma_start3A_590] : memref<110592x496xf32, #tpu.memory_space<hbm>> -> memref<8x496xf32, #tpu.memory_space<hbm>>
      %dma_start3A_592 = arith.constant 0 : i32
      %dma_start3A_593 = tpu.memref_slice %arg4[%multiple_of3A_583, %dma_start3A_592] : memref<110592x496xf32, #tpu.memory_space<hbm>> -> memref<8x496xf32, #tpu.memory_space<hbm>>
      %dma_start3A_594 = arith.constant 0 : i32
      %dma_start3A_595 = arith.constant 0 : i32
      %dma_start3A_596 = tpu.memref_slice %arg7[%dma_start3A_584, %dma_start3A_585, %dma_start3A_594, %dma_start3A_595] : memref<2x4x8x496xf32, #tpu.memory_space<vmem>> -> memref<1x1x8x496xf32, #tpu.memory_space<vmem>>
      %dma_start3A_597 = tpu.memref_squeeze %dma_start3A_596 : memref<1x1x8x496xf32, #tpu.memory_space<vmem>> -> memref<8x496xf32, #tpu.memory_space<vmem>>
      tpu.enqueue_dma source(%dma_start3A_597 : memref<8x496xf32, #tpu.memory_space<vmem>>) target(%dma_start3A_593 : memref<8x496xf32, #tpu.memory_space<hbm>>) target_semaphore(%arg10 : memref<!tpu.dma_semaphore, #tpu.memory_space<semaphore_mem>>)
      %mul3A_598 = arith.constant 64 : i32
      %mul3A_599 = arith.muli %select_n3A, %mul3A_598 : i32
      %add3A_600 = arith.addi %mul3A_599, %mul3A_39 : i32
      %add3A_601 = arith.constant 1 : i32
      %add3A_602 = arith.addi %add3A_600, %add3A_601 : i32
      %mul3A_603 = arith.constant 432 : i32
      %mul3A_604 = arith.muli %add3A_602, %mul3A_603 : i32
      %mul3A_605 = arith.constant 8 : i32
      %mul3A_606 = arith.muli %add3A_553, %mul3A_605 : i32
      %add3A_607 = arith.addi %mul3A_604, %mul3A_606 : i32
      %multiple_of3A_608 = tpu.assume_multiple %add3A_607, 8 : i32
      %dma_start3A_609 = arith.constant 0 : i32
      %dma_start3A_610 = arith.constant 1 : i32
      %dma_start3A_611 = arith.constant 0 : i32
      %dma_start3A_612 = arith.constant 0 : i32
      %dma_start3A_613 = tpu.memref_slice %arg7[%dma_start3A_609, %dma_start3A_610, %dma_start3A_611, %dma_start3A_612] : memref<2x4x8x496xf32, #tpu.memory_space<vmem>> -> memref<1x1x8x496xf32, #tpu.memory_space<vmem>>
      %dma_start3A_614 = tpu.memref_squeeze %dma_start3A_613 : memref<1x1x8x496xf32, #tpu.memory_space<vmem>> -> memref<8x496xf32, #tpu.memory_space<vmem>>
      %dma_start3A_615 = arith.constant 0 : i32
      %dma_start3A_616 = tpu.memref_slice %arg4[%multiple_of3A_608, %dma_start3A_615] : memref<110592x496xf32, #tpu.memory_space<hbm>> -> memref<8x496xf32, #tpu.memory_space<hbm>>
      %dma_start3A_617 = arith.constant 0 : i32
      %dma_start3A_618 = tpu.memref_slice %arg4[%multiple_of3A_608, %dma_start3A_617] : memref<110592x496xf32, #tpu.memory_space<hbm>> -> memref<8x496xf32, #tpu.memory_space<hbm>>
      %dma_start3A_619 = arith.constant 0 : i32
      %dma_start3A_620 = arith.constant 0 : i32
      %dma_start3A_621 = tpu.memref_slice %arg7[%dma_start3A_609, %dma_start3A_610, %dma_start3A_619, %dma_start3A_620] : memref<2x4x8x496xf32, #tpu.memory_space<vmem>> -> memref<1x1x8x496xf32, #tpu.memory_space<vmem>>
      %dma_start3A_622 = tpu.memref_squeeze %dma_start3A_621 : memref<1x1x8x496xf32, #tpu.memory_space<vmem>> -> memref<8x496xf32, #tpu.memory_space<vmem>>
      tpu.enqueue_dma source(%dma_start3A_622 : memref<8x496xf32, #tpu.memory_space<vmem>>) target(%dma_start3A_618 : memref<8x496xf32, #tpu.memory_space<hbm>>) target_semaphore(%arg10 : memref<!tpu.dma_semaphore, #tpu.memory_space<semaphore_mem>>)
      %mul3A_623 = arith.constant 64 : i32
      %mul3A_624 = arith.muli %select_n3A, %mul3A_623 : i32
      %add3A_625 = arith.addi %mul3A_624, %mul3A_39 : i32
      %add3A_626 = arith.constant 2 : i32
      %add3A_627 = arith.addi %add3A_625, %add3A_626 : i32
      %mul3A_628 = arith.constant 432 : i32
      %mul3A_629 = arith.muli %add3A_627, %mul3A_628 : i32
      %mul3A_630 = arith.constant 8 : i32
      %mul3A_631 = arith.muli %add3A_553, %mul3A_630 : i32
      %add3A_632 = arith.addi %mul3A_629, %mul3A_631 : i32
      %multiple_of3A_633 = tpu.assume_multiple %add3A_632, 8 : i32
      %dma_start3A_634 = arith.constant 0 : i32
      %dma_start3A_635 = arith.constant 2 : i32
      %dma_start3A_636 = arith.constant 0 : i32
      %dma_start3A_637 = arith.constant 0 : i32
      %dma_start3A_638 = tpu.memref_slice %arg7[%dma_start3A_634, %dma_start3A_635, %dma_start3A_636, %dma_start3A_637] : memref<2x4x8x496xf32, #tpu.memory_space<vmem>> -> memref<1x1x8x496xf32, #tpu.memory_space<vmem>>
      %dma_start3A_639 = tpu.memref_squeeze %dma_start3A_638 : memref<1x1x8x496xf32, #tpu.memory_space<vmem>> -> memref<8x496xf32, #tpu.memory_space<vmem>>
      %dma_start3A_640 = arith.constant 0 : i32
      %dma_start3A_641 = tpu.memref_slice %arg4[%multiple_of3A_633, %dma_start3A_640] : memref<110592x496xf32, #tpu.memory_space<hbm>> -> memref<8x496xf32, #tpu.memory_space<hbm>>
      %dma_start3A_642 = arith.constant 0 : i32
      %dma_start3A_643 = tpu.memref_slice %arg4[%multiple_of3A_633, %dma_start3A_642] : memref<110592x496xf32, #tpu.memory_space<hbm>> -> memref<8x496xf32, #tpu.memory_space<hbm>>
      %dma_start3A_644 = arith.constant 0 : i32
      %dma_start3A_645 = arith.constant 0 : i32
      %dma_start3A_646 = tpu.memref_slice %arg7[%dma_start3A_634, %dma_start3A_635, %dma_start3A_644, %dma_start3A_645] : memref<2x4x8x496xf32, #tpu.memory_space<vmem>> -> memref<1x1x8x496xf32, #tpu.memory_space<vmem>>
      %dma_start3A_647 = tpu.memref_squeeze %dma_start3A_646 : memref<1x1x8x496xf32, #tpu.memory_space<vmem>> -> memref<8x496xf32, #tpu.memory_space<vmem>>
      tpu.enqueue_dma source(%dma_start3A_647 : memref<8x496xf32, #tpu.memory_space<vmem>>) target(%dma_start3A_643 : memref<8x496xf32, #tpu.memory_space<hbm>>) target_semaphore(%arg10 : memref<!tpu.dma_semaphore, #tpu.memory_space<semaphore_mem>>)
      %mul3A_648 = arith.constant 64 : i32
      %mul3A_649 = arith.muli %select_n3A, %mul3A_648 : i32
      %add3A_650 = arith.addi %mul3A_649, %mul3A_39 : i32
      %add3A_651 = arith.constant 3 : i32
      %add3A_652 = arith.addi %add3A_650, %add3A_651 : i32
      %mul3A_653 = arith.constant 432 : i32
      %mul3A_654 = arith.muli %add3A_652, %mul3A_653 : i32
      %mul3A_655 = arith.constant 8 : i32
      %mul3A_656 = arith.muli %add3A_553, %mul3A_655 : i32
      %add3A_657 = arith.addi %mul3A_654, %mul3A_656 : i32
      %multiple_of3A_658 = tpu.assume_multiple %add3A_657, 8 : i32
      %dma_start3A_659 = arith.constant 0 : i32
      %dma_start3A_660 = arith.constant 3 : i32
      %dma_start3A_661 = arith.constant 0 : i32
      %dma_start3A_662 = arith.constant 0 : i32
      %dma_start3A_663 = tpu.memref_slice %arg7[%dma_start3A_659, %dma_start3A_660, %dma_start3A_661, %dma_start3A_662] : memref<2x4x8x496xf32, #tpu.memory_space<vmem>> -> memref<1x1x8x496xf32, #tpu.memory_space<vmem>>
      %dma_start3A_664 = tpu.memref_squeeze %dma_start3A_663 : memref<1x1x8x496xf32, #tpu.memory_space<vmem>> -> memref<8x496xf32, #tpu.memory_space<vmem>>
      %dma_start3A_665 = arith.constant 0 : i32
      %dma_start3A_666 = tpu.memref_slice %arg4[%multiple_of3A_658, %dma_start3A_665] : memref<110592x496xf32, #tpu.memory_space<hbm>> -> memref<8x496xf32, #tpu.memory_space<hbm>>
      %dma_start3A_667 = arith.constant 0 : i32
      %dma_start3A_668 = tpu.memref_slice %arg4[%multiple_of3A_658, %dma_start3A_667] : memref<110592x496xf32, #tpu.memory_space<hbm>> -> memref<8x496xf32, #tpu.memory_space<hbm>>
      %dma_start3A_669 = arith.constant 0 : i32
      %dma_start3A_670 = arith.constant 0 : i32
      %dma_start3A_671 = tpu.memref_slice %arg7[%dma_start3A_659, %dma_start3A_660, %dma_start3A_669, %dma_start3A_670] : memref<2x4x8x496xf32, #tpu.memory_space<vmem>> -> memref<1x1x8x496xf32, #tpu.memory_space<vmem>>
      %dma_start3A_672 = tpu.memref_squeeze %dma_start3A_671 : memref<1x1x8x496xf32, #tpu.memory_space<vmem>> -> memref<8x496xf32, #tpu.memory_space<vmem>>
      tpu.enqueue_dma source(%dma_start3A_672 : memref<8x496xf32, #tpu.memory_space<vmem>>) target(%dma_start3A_668 : memref<8x496xf32, #tpu.memory_space<hbm>>) target_semaphore(%arg10 : memref<!tpu.dma_semaphore, #tpu.memory_space<semaphore_mem>>)
      %add3A_673 = arith.constant 2 : i32
      %add3A_674 = arith.addi %add3A_553, %add3A_673 : i32
      %lt3A_675 = arith.constant 54 : i32
      %lt3A_676 = arith.cmpi slt, %add3A_674, %lt3A_675 : i32
      %convert_element_type3A_677 = arith.extui %lt3A_676 : i1 to i32
      %cond3A_678 = arith.constant 0 : i32
      %cond3A_679 = arith.cmpi ne, %convert_element_type3A_677, %cond3A_678 : i32
      scf.if %cond3A_679 {
        %add3A_815 = arith.constant 2 : i32
        %add3A_816 = arith.addi %add3A_553, %add3A_815 : i32
        %mul3A_817 = arith.constant 214272 : i32
        %mul3A_818 = arith.muli %select_n3A, %mul3A_817 : i32
        %mul3A_819 = arith.constant 3968 : i32
        %mul3A_820 = arith.muli %add3A_816, %mul3A_819 : i32
        %add3A_821 = arith.addi %mul3A_818, %mul3A_820 : i32
        %multiple_of3A_822 = tpu.assume_multiple %add3A_821, 8 : i32
        %dma_start3A_823 = arith.constant 0 : i32
        %dma_start3A_824 = arith.constant 0 : i32
        %dma_start3A_825 = tpu.memref_slice %arg6[%dma_start3A_823, %dma_start3A_824] : memref<2x3968xi32, #tpu.memory_space<vmem>> -> memref<1x3968xi32, #tpu.memory_space<vmem>>
        %dma_start3A_826 = tpu.memref_squeeze %dma_start3A_825 : memref<1x3968xi32, #tpu.memory_space<vmem>> -> memref<3968xi32, #tpu.memory_space<vmem>>
        %dma_start3A_827 = tpu.memref_slice %arg3[%multiple_of3A_822] : memref<857088xi32, #tpu.memory_space<hbm>> -> memref<3968xi32, #tpu.memory_space<hbm>>
        %dma_start3A_828 = arith.constant 0 : i32
        %dma_start3A_829 = tpu.memref_slice %arg6[%dma_start3A_823, %dma_start3A_828] : memref<2x3968xi32, #tpu.memory_space<vmem>> -> memref<1x3968xi32, #tpu.memory_space<vmem>>
        %dma_start3A_830 = tpu.memref_squeeze %dma_start3A_829 : memref<1x3968xi32, #tpu.memory_space<vmem>> -> memref<3968xi32, #tpu.memory_space<vmem>>
        %dma_start3A_831 = tpu.memref_slice %arg3[%multiple_of3A_822] : memref<857088xi32, #tpu.memory_space<hbm>> -> memref<3968xi32, #tpu.memory_space<hbm>>
        tpu.enqueue_dma source(%dma_start3A_831 : memref<3968xi32, #tpu.memory_space<hbm>>) target(%dma_start3A_830 : memref<3968xi32, #tpu.memory_space<vmem>>) target_semaphore(%arg8 : memref<!tpu.dma_semaphore, #tpu.memory_space<semaphore_mem>>)
      } else {
      }
      %mul3A_680 = arith.constant 2 : i32
      %mul3A_681 = arith.muli %mul3A_680, %scan3A_548 : i32
      %add3A_682 = arith.constant 1 : i32
      %add3A_683 = arith.addi %mul3A_681, %add3A_682 : i32
      %mul3A_684 = arith.constant 214272 : i32
      %mul3A_685 = arith.muli %select_n3A, %mul3A_684 : i32
      %mul3A_686 = arith.constant 3968 : i32
      %mul3A_687 = arith.muli %add3A_683, %mul3A_686 : i32
      %add3A_688 = arith.addi %mul3A_685, %mul3A_687 : i32
      %multiple_of3A_689 = tpu.assume_multiple %add3A_688, 8 : i32
      %dma_wait3A_690 = arith.constant 1 : i32
      %dma_wait3A_691 = arith.constant 0 : i32
      %dma_wait3A_692 = tpu.memref_slice %arg6[%dma_wait3A_690, %dma_wait3A_691] : memref<2x3968xi32, #tpu.memory_space<vmem>> -> memref<1x3968xi32, #tpu.memory_space<vmem>>
      %dma_wait3A_693 = tpu.memref_squeeze %dma_wait3A_692 : memref<1x3968xi32, #tpu.memory_space<vmem>> -> memref<3968xi32, #tpu.memory_space<vmem>>
      %dma_wait3A_694 = tpu.memref_slice %arg3[%multiple_of3A_689] : memref<857088xi32, #tpu.memory_space<hbm>> -> memref<3968xi32, #tpu.memory_space<hbm>>
      %dma_wait3A_695 = arith.constant 0 : i32
      %dma_wait3A_696 = tpu.memref_slice %arg6[%dma_wait3A_690, %dma_wait3A_695] : memref<2x3968xi32, #tpu.memory_space<vmem>> -> memref<1x3968xi32, #tpu.memory_space<vmem>>
      %dma_wait3A_697 = tpu.memref_squeeze %dma_wait3A_696 : memref<1x3968xi32, #tpu.memory_space<vmem>> -> memref<3968xi32, #tpu.memory_space<vmem>>
      %dma_wait3A_698 = tpu.memref_slice %arg3[%multiple_of3A_689] : memref<857088xi32, #tpu.memory_space<hbm>> -> memref<3968xi32, #tpu.memory_space<hbm>>
      tpu.wait_dma2 semaphore(%arg9 : memref<!tpu.dma_semaphore, #tpu.memory_space<semaphore_mem>>) src(%dma_wait3A_698 : memref<3968xi32, #tpu.memory_space<hbm>>) dst(%dma_wait3A_697 : memref<3968xi32, #tpu.memory_space<vmem>>)
      %gt3A_699 = arith.constant 0 : i32
      %gt3A_700 = arith.cmpi sgt, %scan3A_548, %gt3A_699 : i32
      %convert_element_type3A_701 = arith.extui %gt3A_700 : i1 to i32
      %cond3A_702 = arith.constant 0 : i32
      %cond3A_703 = arith.cmpi ne, %convert_element_type3A_701, %cond3A_702 : i32
      scf.if %cond3A_703 {
        %mul3A_815 = arith.constant 64 : i32
        %mul3A_816 = arith.muli %select_n3A, %mul3A_815 : i32
        %add3A_817 = arith.addi %mul3A_816, %mul3A_39 : i32
        %add3A_818 = arith.constant 0 : i32
        %add3A_819 = arith.addi %add3A_817, %add3A_818 : i32
        %mul3A_820 = arith.constant 432 : i32
        %mul3A_821 = arith.muli %add3A_819, %mul3A_820 : i32
        %mul3A_822 = arith.constant 8 : i32
        %mul3A_823 = arith.muli %add3A_683, %mul3A_822 : i32
        %add3A_824 = arith.addi %mul3A_821, %mul3A_823 : i32
        %multiple_of3A_825 = tpu.assume_multiple %add3A_824, 8 : i32
        %dma_wait3A_826 = arith.constant 1 : i32
        %dma_wait3A_827 = arith.constant 0 : i32
        %dma_wait3A_828 = arith.constant 0 : i32
        %dma_wait3A_829 = arith.constant 0 : i32
        %dma_wait3A_830 = tpu.memref_slice %arg7[%dma_wait3A_826, %dma_wait3A_827, %dma_wait3A_828, %dma_wait3A_829] : memref<2x4x8x496xf32, #tpu.memory_space<vmem>> -> memref<1x1x8x496xf32, #tpu.memory_space<vmem>>
        %dma_wait3A_831 = tpu.memref_squeeze %dma_wait3A_830 : memref<1x1x8x496xf32, #tpu.memory_space<vmem>> -> memref<8x496xf32, #tpu.memory_space<vmem>>
        %dma_wait3A_832 = arith.constant 0 : i32
        %dma_wait3A_833 = tpu.memref_slice %arg4[%multiple_of3A_825, %dma_wait3A_832] : memref<110592x496xf32, #tpu.memory_space<hbm>> -> memref<8x496xf32, #tpu.memory_space<hbm>>
        %dma_wait3A_834 = arith.constant 0 : i32
        %dma_wait3A_835 = tpu.memref_slice %arg4[%multiple_of3A_825, %dma_wait3A_834] : memref<110592x496xf32, #tpu.memory_space<hbm>> -> memref<8x496xf32, #tpu.memory_space<hbm>>
        %dma_wait3A_836 = arith.constant 0 : i32
        %dma_wait3A_837 = arith.constant 0 : i32
        %dma_wait3A_838 = tpu.memref_slice %arg7[%dma_wait3A_826, %dma_wait3A_827, %dma_wait3A_836, %dma_wait3A_837] : memref<2x4x8x496xf32, #tpu.memory_space<vmem>> -> memref<1x1x8x496xf32, #tpu.memory_space<vmem>>
        %dma_wait3A_839 = tpu.memref_squeeze %dma_wait3A_838 : memref<1x1x8x496xf32, #tpu.memory_space<vmem>> -> memref<8x496xf32, #tpu.memory_space<vmem>>
        tpu.wait_dma2 semaphore(%arg11 : memref<!tpu.dma_semaphore, #tpu.memory_space<semaphore_mem>>) src(%dma_wait3A_839 : memref<8x496xf32, #tpu.memory_space<vmem>>) dst(%dma_wait3A_835 : memref<8x496xf32, #tpu.memory_space<hbm>>)
        %mul3A_840 = arith.constant 64 : i32
        %mul3A_841 = arith.muli %select_n3A, %mul3A_840 : i32
        %add3A_842 = arith.addi %mul3A_841, %mul3A_39 : i32
        %add3A_843 = arith.constant 1 : i32
        %add3A_844 = arith.addi %add3A_842, %add3A_843 : i32
        %mul3A_845 = arith.constant 432 : i32
        %mul3A_846 = arith.muli %add3A_844, %mul3A_845 : i32
        %mul3A_847 = arith.constant 8 : i32
        %mul3A_848 = arith.muli %add3A_683, %mul3A_847 : i32
        %add3A_849 = arith.addi %mul3A_846, %mul3A_848 : i32
        %multiple_of3A_850 = tpu.assume_multiple %add3A_849, 8 : i32
        %dma_wait3A_851 = arith.constant 1 : i32
        %dma_wait3A_852 = arith.constant 1 : i32
        %dma_wait3A_853 = arith.constant 0 : i32
        %dma_wait3A_854 = arith.constant 0 : i32
        %dma_wait3A_855 = tpu.memref_slice %arg7[%dma_wait3A_851, %dma_wait3A_852, %dma_wait3A_853, %dma_wait3A_854] : memref<2x4x8x496xf32, #tpu.memory_space<vmem>> -> memref<1x1x8x496xf32, #tpu.memory_space<vmem>>
        %dma_wait3A_856 = tpu.memref_squeeze %dma_wait3A_855 : memref<1x1x8x496xf32, #tpu.memory_space<vmem>> -> memref<8x496xf32, #tpu.memory_space<vmem>>
        %dma_wait3A_857 = arith.constant 0 : i32
        %dma_wait3A_858 = tpu.memref_slice %arg4[%multiple_of3A_850, %dma_wait3A_857] : memref<110592x496xf32, #tpu.memory_space<hbm>> -> memref<8x496xf32, #tpu.memory_space<hbm>>
        %dma_wait3A_859 = arith.constant 0 : i32
        %dma_wait3A_860 = tpu.memref_slice %arg4[%multiple_of3A_850, %dma_wait3A_859] : memref<110592x496xf32, #tpu.memory_space<hbm>> -> memref<8x496xf32, #tpu.memory_space<hbm>>
        %dma_wait3A_861 = arith.constant 0 : i32
        %dma_wait3A_862 = arith.constant 0 : i32
        %dma_wait3A_863 = tpu.memref_slice %arg7[%dma_wait3A_851, %dma_wait3A_852, %dma_wait3A_861, %dma_wait3A_862] : memref<2x4x8x496xf32, #tpu.memory_space<vmem>> -> memref<1x1x8x496xf32, #tpu.memory_space<vmem>>
        %dma_wait3A_864 = tpu.memref_squeeze %dma_wait3A_863 : memref<1x1x8x496xf32, #tpu.memory_space<vmem>> -> memref<8x496xf32, #tpu.memory_space<vmem>>
        tpu.wait_dma2 semaphore(%arg11 : memref<!tpu.dma_semaphore, #tpu.memory_space<semaphore_mem>>) src(%dma_wait3A_864 : memref<8x496xf32, #tpu.memory_space<vmem>>) dst(%dma_wait3A_860 : memref<8x496xf32, #tpu.memory_space<hbm>>)
        %mul3A_865 = arith.constant 64 : i32
        %mul3A_866 = arith.muli %select_n3A, %mul3A_865 : i32
        %add3A_867 = arith.addi %mul3A_866, %mul3A_39 : i32
        %add3A_868 = arith.constant 2 : i32
        %add3A_869 = arith.addi %add3A_867, %add3A_868 : i32
        %mul3A_870 = arith.constant 432 : i32
        %mul3A_871 = arith.muli %add3A_869, %mul3A_870 : i32
        %mul3A_872 = arith.constant 8 : i32
        %mul3A_873 = arith.muli %add3A_683, %mul3A_872 : i32
        %add3A_874 = arith.addi %mul3A_871, %mul3A_873 : i32
        %multiple_of3A_875 = tpu.assume_multiple %add3A_874, 8 : i32
        %dma_wait3A_876 = arith.constant 1 : i32
        %dma_wait3A_877 = arith.constant 2 : i32
        %dma_wait3A_878 = arith.constant 0 : i32
        %dma_wait3A_879 = arith.constant 0 : i32
        %dma_wait3A_880 = tpu.memref_slice %arg7[%dma_wait3A_876, %dma_wait3A_877, %dma_wait3A_878, %dma_wait3A_879] : memref<2x4x8x496xf32, #tpu.memory_space<vmem>> -> memref<1x1x8x496xf32, #tpu.memory_space<vmem>>
        %dma_wait3A_881 = tpu.memref_squeeze %dma_wait3A_880 : memref<1x1x8x496xf32, #tpu.memory_space<vmem>> -> memref<8x496xf32, #tpu.memory_space<vmem>>
        %dma_wait3A_882 = arith.constant 0 : i32
        %dma_wait3A_883 = tpu.memref_slice %arg4[%multiple_of3A_875, %dma_wait3A_882] : memref<110592x496xf32, #tpu.memory_space<hbm>> -> memref<8x496xf32, #tpu.memory_space<hbm>>
        %dma_wait3A_884 = arith.constant 0 : i32
        %dma_wait3A_885 = tpu.memref_slice %arg4[%multiple_of3A_875, %dma_wait3A_884] : memref<110592x496xf32, #tpu.memory_space<hbm>> -> memref<8x496xf32, #tpu.memory_space<hbm>>
        %dma_wait3A_886 = arith.constant 0 : i32
        %dma_wait3A_887 = arith.constant 0 : i32
        %dma_wait3A_888 = tpu.memref_slice %arg7[%dma_wait3A_876, %dma_wait3A_877, %dma_wait3A_886, %dma_wait3A_887] : memref<2x4x8x496xf32, #tpu.memory_space<vmem>> -> memref<1x1x8x496xf32, #tpu.memory_space<vmem>>
        %dma_wait3A_889 = tpu.memref_squeeze %dma_wait3A_888 : memref<1x1x8x496xf32, #tpu.memory_space<vmem>> -> memref<8x496xf32, #tpu.memory_space<vmem>>
        tpu.wait_dma2 semaphore(%arg11 : memref<!tpu.dma_semaphore, #tpu.memory_space<semaphore_mem>>) src(%dma_wait3A_889 : memref<8x496xf32, #tpu.memory_space<vmem>>) dst(%dma_wait3A_885 : memref<8x496xf32, #tpu.memory_space<hbm>>)
        %mul3A_890 = arith.constant 64 : i32
        %mul3A_891 = arith.muli %select_n3A, %mul3A_890 : i32
        %add3A_892 = arith.addi %mul3A_891, %mul3A_39 : i32
        %add3A_893 = arith.constant 3 : i32
        %add3A_894 = arith.addi %add3A_892, %add3A_893 : i32
        %mul3A_895 = arith.constant 432 : i32
        %mul3A_896 = arith.muli %add3A_894, %mul3A_895 : i32
        %mul3A_897 = arith.constant 8 : i32
        %mul3A_898 = arith.muli %add3A_683, %mul3A_897 : i32
        %add3A_899 = arith.addi %mul3A_896, %mul3A_898 : i32
        %multiple_of3A_900 = tpu.assume_multiple %add3A_899, 8 : i32
        %dma_wait3A_901 = arith.constant 1 : i32
        %dma_wait3A_902 = arith.constant 3 : i32
        %dma_wait3A_903 = arith.constant 0 : i32
        %dma_wait3A_904 = arith.constant 0 : i32
        %dma_wait3A_905 = tpu.memref_slice %arg7[%dma_wait3A_901, %dma_wait3A_902, %dma_wait3A_903, %dma_wait3A_904] : memref<2x4x8x496xf32, #tpu.memory_space<vmem>> -> memref<1x1x8x496xf32, #tpu.memory_space<vmem>>
        %dma_wait3A_906 = tpu.memref_squeeze %dma_wait3A_905 : memref<1x1x8x496xf32, #tpu.memory_space<vmem>> -> memref<8x496xf32, #tpu.memory_space<vmem>>
        %dma_wait3A_907 = arith.constant 0 : i32
        %dma_wait3A_908 = tpu.memref_slice %arg4[%multiple_of3A_900, %dma_wait3A_907] : memref<110592x496xf32, #tpu.memory_space<hbm>> -> memref<8x496xf32, #tpu.memory_space<hbm>>
        %dma_wait3A_909 = arith.constant 0 : i32
        %dma_wait3A_910 = tpu.memref_slice %arg4[%multiple_of3A_900, %dma_wait3A_909] : memref<110592x496xf32, #tpu.memory_space<hbm>> -> memref<8x496xf32, #tpu.memory_space<hbm>>
        %dma_wait3A_911 = arith.constant 0 : i32
        %dma_wait3A_912 = arith.constant 0 : i32
        %dma_wait3A_913 = tpu.memref_slice %arg7[%dma_wait3A_901, %dma_wait3A_902, %dma_wait3A_911, %dma_wait3A_912] : memref<2x4x8x496xf32, #tpu.memory_space<vmem>> -> memref<1x1x8x496xf32, #tpu.memory_space<vmem>>
        %dma_wait3A_914 = tpu.memref_squeeze %dma_wait3A_913 : memref<1x1x8x496xf32, #tpu.memory_space<vmem>> -> memref<8x496xf32, #tpu.memory_space<vmem>>
        tpu.wait_dma2 semaphore(%arg11 : memref<!tpu.dma_semaphore, #tpu.memory_space<semaphore_mem>>) src(%dma_wait3A_914 : memref<8x496xf32, #tpu.memory_space<vmem>>) dst(%dma_wait3A_910 : memref<8x496xf32, #tpu.memory_space<hbm>>)
      } else {
      }
      %parallel_loop3A_704 = arith.constant 0 : i32
      %parallel_loop3A_705 = arith.constant 248 : i32
      %parallel_loop3A_706 = arith.constant 1 : i32
      scf.for %parallel_loop3A_815 = %parallel_loop3A_704 to %parallel_loop3A_705 step %parallel_loop3A_706  : i32 {
        %parallel_loop3A_816 = arith.constant 7 : i32
        %parallel_loop3A_817 = arith.andi %parallel_loop3A_815, %parallel_loop3A_816 : i32
        %parallel_loop3A_818 = arith.constant 3 : i32
        %parallel_loop3A_819 = arith.shrui %parallel_loop3A_815, %parallel_loop3A_818 : i32
        %parallel_loop3A_820 = arith.constant 4 : i32
        %parallel_loop3A_821 = arith.shli %parallel_loop3A_819, %parallel_loop3A_820 : i32
        %parallel_loop3A_822 = arith.constant 496 : i32
        %parallel_loop3A_823 = arith.muli %parallel_loop3A_817, %parallel_loop3A_822 : i32
        %parallel_loop3A_824 = arith.addi %parallel_loop3A_823, %parallel_loop3A_821 : i32
        %parallel_loop3A_825 = arith.constant 1 : i32
        %parallel_loop3A_826 = arith.index_cast %parallel_loop3A_825 : i32 to index
        %parallel_loop3A_827 = arith.index_cast %parallel_loop3A_824 : i32 to index
        %parallel_loop3A_828 = tpu.vector_load %arg6[%parallel_loop3A_826, %parallel_loop3A_827] {strides = array<i32>} : memref<2x3968xi32, #tpu.memory_space<vmem>>, vector<16xi32>,
        %parallel_loop3A_829 = arith.cmpi sge, %parallel_loop3A_828, %broadcast_in_dim3A_1 : vector<16xi32>
        %parallel_loop3A_830 = arith.maxsi %parallel_loop3A_828, %broadcast_in_dim3A_1 : vector<16xi32>
        %parallel_loop3A_831 = arith.constant 0 : i32
        %parallel_loop3A_832 = vector.broadcast %parallel_loop3A_831 : i32 to vector<16xi32>
        %parallel_loop3A_833 = arith.addi %parallel_loop3A_832, %parallel_loop3A_830 : vector<16xi32>
        %parallel_loop3A_834 = tpu.vector_load_idx %arg5[%parallel_loop3A_833] : memref<48000xf32, #tpu.memory_space<vmem>>[vector<16xi32>], vector<16xf32>,
        %parallel_loop3A_835 = arith.select %parallel_loop3A_829, %parallel_loop3A_834, %broadcast_in_dim3A_3 : vector<16xi1>, vector<16xf32>
        %parallel_loop3A_836 = arith.constant 1 : i32
        %parallel_loop3A_837 = arith.constant 0 : i32
        %parallel_loop3A_838 = arith.index_cast %parallel_loop3A_836 : i32 to index
        %parallel_loop3A_839 = arith.index_cast %parallel_loop3A_837 : i32 to index
        %parallel_loop3A_840 = arith.index_cast %parallel_loop3A_817 : i32 to index
        %parallel_loop3A_841 = arith.index_cast %parallel_loop3A_821 : i32 to index
        %parallel_loop3A_842 = tpu.vector_load %arg7[%parallel_loop3A_838, %parallel_loop3A_839, %parallel_loop3A_840, %parallel_loop3A_841] {strides = array<i32>} : memref<2x4x8x496xf32, #tpu.memory_space<vmem>>, vector<16xf32>,
        tpu.vector_store %arg7[%parallel_loop3A_838, %parallel_loop3A_839, %parallel_loop3A_840, %parallel_loop3A_841], %parallel_loop3A_835 {strides = array<i32>} : memref<2x4x8x496xf32, #tpu.memory_space<vmem>>, vector<16xf32>,
        %parallel_loop3A_843 = arith.constant 12000 : i32
        %parallel_loop3A_844 = vector.broadcast %parallel_loop3A_843 : i32 to vector<16xi32>
        %parallel_loop3A_845 = arith.addi %parallel_loop3A_844, %parallel_loop3A_830 : vector<16xi32>
        %parallel_loop3A_846 = tpu.vector_load_idx %arg5[%parallel_loop3A_845] : memref<48000xf32, #tpu.memory_space<vmem>>[vector<16xi32>], vector<16xf32>,
        %parallel_loop3A_847 = arith.select %parallel_loop3A_829, %parallel_loop3A_846, %broadcast_in_dim3A_3 : vector<16xi1>, vector<16xf32>
        %parallel_loop3A_848 = arith.constant 1 : i32
        %parallel_loop3A_849 = arith.constant 1 : i32
        %parallel_loop3A_850 = arith.index_cast %parallel_loop3A_848 : i32 to index
        %parallel_loop3A_851 = arith.index_cast %parallel_loop3A_849 : i32 to index
        %parallel_loop3A_852 = arith.index_cast %parallel_loop3A_817 : i32 to index
        %parallel_loop3A_853 = arith.index_cast %parallel_loop3A_821 : i32 to index
        %parallel_loop3A_854 = tpu.vector_load %arg7[%parallel_loop3A_850, %parallel_loop3A_851, %parallel_loop3A_852, %parallel_loop3A_853] {strides = array<i32>} : memref<2x4x8x496xf32, #tpu.memory_space<vmem>>, vector<16xf32>,
        tpu.vector_store %arg7[%parallel_loop3A_850, %parallel_loop3A_851, %parallel_loop3A_852, %parallel_loop3A_853], %parallel_loop3A_847 {strides = array<i32>} : memref<2x4x8x496xf32, #tpu.memory_space<vmem>>, vector<16xf32>,
        %parallel_loop3A_855 = arith.constant 24000 : i32
        %parallel_loop3A_856 = vector.broadcast %parallel_loop3A_855 : i32 to vector<16xi32>
        %parallel_loop3A_857 = arith.addi %parallel_loop3A_856, %parallel_loop3A_830 : vector<16xi32>
        %parallel_loop3A_858 = tpu.vector_load_idx %arg5[%parallel_loop3A_857] : memref<48000xf32, #tpu.memory_space<vmem>>[vector<16xi32>], vector<16xf32>,
        %parallel_loop3A_859 = arith.select %parallel_loop3A_829, %parallel_loop3A_858, %broadcast_in_dim3A_3 : vector<16xi1>, vector<16xf32>
        %parallel_loop3A_860 = arith.constant 1 : i32
        %parallel_loop3A_861 = arith.constant 2 : i32
        %parallel_loop3A_862 = arith.index_cast %parallel_loop3A_860 : i32 to index
        %parallel_loop3A_863 = arith.index_cast %parallel_loop3A_861 : i32 to index
        %parallel_loop3A_864 = arith.index_cast %parallel_loop3A_817 : i32 to index
        %parallel_loop3A_865 = arith.index_cast %parallel_loop3A_821 : i32 to index
        %parallel_loop3A_866 = tpu.vector_load %arg7[%parallel_loop3A_862, %parallel_loop3A_863, %parallel_loop3A_864, %parallel_loop3A_865] {strides = array<i32>} : memref<2x4x8x496xf32, #tpu.memory_space<vmem>>, vector<16xf32>,
        tpu.vector_store %arg7[%parallel_loop3A_862, %parallel_loop3A_863, %parallel_loop3A_864, %parallel_loop3A_865], %parallel_loop3A_859 {strides = array<i32>} : memref<2x4x8x496xf32, #tpu.memory_space<vmem>>, vector<16xf32>,
        %parallel_loop3A_867 = arith.constant 36000 : i32
        %parallel_loop3A_868 = vector.broadcast %parallel_loop3A_867 : i32 to vector<16xi32>
        %parallel_loop3A_869 = arith.addi %parallel_loop3A_868, %parallel_loop3A_830 : vector<16xi32>
        %parallel_loop3A_870 = tpu.vector_load_idx %arg5[%parallel_loop3A_869] : memref<48000xf32, #tpu.memory_space<vmem>>[vector<16xi32>], vector<16xf32>,
        %parallel_loop3A_871 = arith.select %parallel_loop3A_829, %parallel_loop3A_870, %broadcast_in_dim3A_3 : vector<16xi1>, vector<16xf32>
        %parallel_loop3A_872 = arith.constant 1 : i32
        %parallel_loop3A_873 = arith.constant 3 : i32
        %parallel_loop3A_874 = arith.index_cast %parallel_loop3A_872 : i32 to index
        %parallel_loop3A_875 = arith.index_cast %parallel_loop3A_873 : i32 to index
        %parallel_loop3A_876 = arith.index_cast %parallel_loop3A_817 : i32 to index
        %parallel_loop3A_877 = arith.index_cast %parallel_loop3A_821 : i32 to index
        %parallel_loop3A_878 = tpu.vector_load %arg7[%parallel_loop3A_874, %parallel_loop3A_875, %parallel_loop3A_876, %parallel_loop3A_877] {strides = array<i32>} : memref<2x4x8x496xf32, #tpu.memory_space<vmem>>, vector<16xf32>,
        tpu.vector_store %arg7[%parallel_loop3A_874, %parallel_loop3A_875, %parallel_loop3A_876, %parallel_loop3A_877], %parallel_loop3A_871 {strides = array<i32>} : memref<2x4x8x496xf32, #tpu.memory_space<vmem>>, vector<16xf32>,
      } {sc.loop_unroll_factor = 8 : i64, sc.parallel_access}
      %mul3A_707 = arith.constant 64 : i32
      %mul3A_708 = arith.muli %select_n3A, %mul3A_707 : i32
      %add3A_709 = arith.addi %mul3A_708, %mul3A_39 : i32
      %add3A_710 = arith.constant 0 : i32
      %add3A_711 = arith.addi %add3A_709, %add3A_710 : i32
      %mul3A_712 = arith.constant 432 : i32
      %mul3A_713 = arith.muli %add3A_711, %mul3A_712 : i32
      %mul3A_714 = arith.constant 8 : i32
      %mul3A_715 = arith.muli %add3A_683, %mul3A_714 : i32
      %add3A_716 = arith.addi %mul3A_713, %mul3A_715 : i32
      %multiple_of3A_717 = tpu.assume_multiple %add3A_716, 8 : i32
      %dma_start3A_718 = arith.constant 1 : i32
      %dma_start3A_719 = arith.constant 0 : i32
      %dma_start3A_720 = arith.constant 0 : i32
      %dma_start3A_721 = arith.constant 0 : i32
      %dma_start3A_722 = tpu.memref_slice %arg7[%dma_start3A_718, %dma_start3A_719, %dma_start3A_720, %dma_start3A_721] : memref<2x4x8x496xf32, #tpu.memory_space<vmem>> -> memref<1x1x8x496xf32, #tpu.memory_space<vmem>>
      %dma_start3A_723 = tpu.memref_squeeze %dma_start3A_722 : memref<1x1x8x496xf32, #tpu.memory_space<vmem>> -> memref<8x496xf32, #tpu.memory_space<vmem>>
      %dma_start3A_724 = arith.constant 0 : i32
      %dma_start3A_725 = tpu.memref_slice %arg4[%multiple_of3A_717, %dma_start3A_724] : memref<110592x496xf32, #tpu.memory_space<hbm>> -> memref<8x496xf32, #tpu.memory_space<hbm>>
      %dma_start3A_726 = arith.constant 0 : i32
      %dma_start3A_727 = tpu.memref_slice %arg4[%multiple_of3A_717, %dma_start3A_726] : memref<110592x496xf32, #tpu.memory_space<hbm>> -> memref<8x496xf32, #tpu.memory_space<hbm>>
      %dma_start3A_728 = arith.constant 0 : i32
      %dma_start3A_729 = arith.constant 0 : i32
      %dma_start3A_730 = tpu.memref_slice %arg7[%dma_start3A_718, %dma_start3A_719, %dma_start3A_728, %dma_start3A_729] : memref<2x4x8x496xf32, #tpu.memory_space<vmem>> -> memref<1x1x8x496xf32, #tpu.memory_space<vmem>>
      %dma_start3A_731 = tpu.memref_squeeze %dma_start3A_730 : memref<1x1x8x496xf32, #tpu.memory_space<vmem>> -> memref<8x496xf32, #tpu.memory_space<vmem>>
      tpu.enqueue_dma source(%dma_start3A_731 : memref<8x496xf32, #tpu.memory_space<vmem>>) target(%dma_start3A_727 : memref<8x496xf32, #tpu.memory_space<hbm>>) target_semaphore(%arg11 : memref<!tpu.dma_semaphore, #tpu.memory_space<semaphore_mem>>)
      %mul3A_732 = arith.constant 64 : i32
      %mul3A_733 = arith.muli %select_n3A, %mul3A_732 : i32
      %add3A_734 = arith.addi %mul3A_733, %mul3A_39 : i32
      %add3A_735 = arith.constant 1 : i32
      %add3A_736 = arith.addi %add3A_734, %add3A_735 : i32
      %mul3A_737 = arith.constant 432 : i32
      %mul3A_738 = arith.muli %add3A_736, %mul3A_737 : i32
      %mul3A_739 = arith.constant 8 : i32
      %mul3A_740 = arith.muli %add3A_683, %mul3A_739 : i32
      %add3A_741 = arith.addi %mul3A_738, %mul3A_740 : i32
      %multiple_of3A_742 = tpu.assume_multiple %add3A_741, 8 : i32
      %dma_start3A_743 = arith.constant 1 : i32
      %dma_start3A_744 = arith.constant 1 : i32
      %dma_start3A_745 = arith.constant 0 : i32
      %dma_start3A_746 = arith.constant 0 : i32
      %dma_start3A_747 = tpu.memref_slice %arg7[%dma_start3A_743, %dma_start3A_744, %dma_start3A_745, %dma_start3A_746] : memref<2x4x8x496xf32, #tpu.memory_space<vmem>> -> memref<1x1x8x496xf32, #tpu.memory_space<vmem>>
      %dma_start3A_748 = tpu.memref_squeeze %dma_start3A_747 : memref<1x1x8x496xf32, #tpu.memory_space<vmem>> -> memref<8x496xf32, #tpu.memory_space<vmem>>
      %dma_start3A_749 = arith.constant 0 : i32
      %dma_start3A_750 = tpu.memref_slice %arg4[%multiple_of3A_742, %dma_start3A_749] : memref<110592x496xf32, #tpu.memory_space<hbm>> -> memref<8x496xf32, #tpu.memory_space<hbm>>
      %dma_start3A_751 = arith.constant 0 : i32
      %dma_start3A_752 = tpu.memref_slice %arg4[%multiple_of3A_742, %dma_start3A_751] : memref<110592x496xf32, #tpu.memory_space<hbm>> -> memref<8x496xf32, #tpu.memory_space<hbm>>
      %dma_start3A_753 = arith.constant 0 : i32
      %dma_start3A_754 = arith.constant 0 : i32
      %dma_start3A_755 = tpu.memref_slice %arg7[%dma_start3A_743, %dma_start3A_744, %dma_start3A_753, %dma_start3A_754] : memref<2x4x8x496xf32, #tpu.memory_space<vmem>> -> memref<1x1x8x496xf32, #tpu.memory_space<vmem>>
      %dma_start3A_756 = tpu.memref_squeeze %dma_start3A_755 : memref<1x1x8x496xf32, #tpu.memory_space<vmem>> -> memref<8x496xf32, #tpu.memory_space<vmem>>
      tpu.enqueue_dma source(%dma_start3A_756 : memref<8x496xf32, #tpu.memory_space<vmem>>) target(%dma_start3A_752 : memref<8x496xf32, #tpu.memory_space<hbm>>) target_semaphore(%arg11 : memref<!tpu.dma_semaphore, #tpu.memory_space<semaphore_mem>>)
      %mul3A_757 = arith.constant 64 : i32
      %mul3A_758 = arith.muli %select_n3A, %mul3A_757 : i32
      %add3A_759 = arith.addi %mul3A_758, %mul3A_39 : i32
      %add3A_760 = arith.constant 2 : i32
      %add3A_761 = arith.addi %add3A_759, %add3A_760 : i32
      %mul3A_762 = arith.constant 432 : i32
      %mul3A_763 = arith.muli %add3A_761, %mul3A_762 : i32
      %mul3A_764 = arith.constant 8 : i32
      %mul3A_765 = arith.muli %add3A_683, %mul3A_764 : i32
      %add3A_766 = arith.addi %mul3A_763, %mul3A_765 : i32
      %multiple_of3A_767 = tpu.assume_multiple %add3A_766, 8 : i32
      %dma_start3A_768 = arith.constant 1 : i32
      %dma_start3A_769 = arith.constant 2 : i32
      %dma_start3A_770 = arith.constant 0 : i32
      %dma_start3A_771 = arith.constant 0 : i32
      %dma_start3A_772 = tpu.memref_slice %arg7[%dma_start3A_768, %dma_start3A_769, %dma_start3A_770, %dma_start3A_771] : memref<2x4x8x496xf32, #tpu.memory_space<vmem>> -> memref<1x1x8x496xf32, #tpu.memory_space<vmem>>
      %dma_start3A_773 = tpu.memref_squeeze %dma_start3A_772 : memref<1x1x8x496xf32, #tpu.memory_space<vmem>> -> memref<8x496xf32, #tpu.memory_space<vmem>>
      %dma_start3A_774 = arith.constant 0 : i32
      %dma_start3A_775 = tpu.memref_slice %arg4[%multiple_of3A_767, %dma_start3A_774] : memref<110592x496xf32, #tpu.memory_space<hbm>> -> memref<8x496xf32, #tpu.memory_space<hbm>>
      %dma_start3A_776 = arith.constant 0 : i32
      %dma_start3A_777 = tpu.memref_slice %arg4[%multiple_of3A_767, %dma_start3A_776] : memref<110592x496xf32, #tpu.memory_space<hbm>> -> memref<8x496xf32, #tpu.memory_space<hbm>>
      %dma_start3A_778 = arith.constant 0 : i32
      %dma_start3A_779 = arith.constant 0 : i32
      %dma_start3A_780 = tpu.memref_slice %arg7[%dma_start3A_768, %dma_start3A_769, %dma_start3A_778, %dma_start3A_779] : memref<2x4x8x496xf32, #tpu.memory_space<vmem>> -> memref<1x1x8x496xf32, #tpu.memory_space<vmem>>
      %dma_start3A_781 = tpu.memref_squeeze %dma_start3A_780 : memref<1x1x8x496xf32, #tpu.memory_space<vmem>> -> memref<8x496xf32, #tpu.memory_space<vmem>>
      tpu.enqueue_dma source(%dma_start3A_781 : memref<8x496xf32, #tpu.memory_space<vmem>>) target(%dma_start3A_777 : memref<8x496xf32, #tpu.memory_space<hbm>>) target_semaphore(%arg11 : memref<!tpu.dma_semaphore, #tpu.memory_space<semaphore_mem>>)
      %mul3A_782 = arith.constant 64 : i32
      %mul3A_783 = arith.muli %select_n3A, %mul3A_782 : i32
      %add3A_784 = arith.addi %mul3A_783, %mul3A_39 : i32
      %add3A_785 = arith.constant 3 : i32
      %add3A_786 = arith.addi %add3A_784, %add3A_785 : i32
      %mul3A_787 = arith.constant 432 : i32
      %mul3A_788 = arith.muli %add3A_786, %mul3A_787 : i32
      %mul3A_789 = arith.constant 8 : i32
      %mul3A_790 = arith.muli %add3A_683, %mul3A_789 : i32
      %add3A_791 = arith.addi %mul3A_788, %mul3A_790 : i32
      %multiple_of3A_792 = tpu.assume_multiple %add3A_791, 8 : i32
      %dma_start3A_793 = arith.constant 1 : i32
      %dma_start3A_794 = arith.constant 3 : i32
      %dma_start3A_795 = arith.constant 0 : i32
      %dma_start3A_796 = arith.constant 0 : i32
      %dma_start3A_797 = tpu.memref_slice %arg7[%dma_start3A_793, %dma_start3A_794, %dma_start3A_795, %dma_start3A_796] : memref<2x4x8x496xf32, #tpu.memory_space<vmem>> -> memref<1x1x8x496xf32, #tpu.memory_space<vmem>>
      %dma_start3A_798 = tpu.memref_squeeze %dma_start3A_797 : memref<1x1x8x496xf32, #tpu.memory_space<vmem>> -> memref<8x496xf32, #tpu.memory_space<vmem>>
      %dma_start3A_799 = arith.constant 0 : i32
      %dma_start3A_800 = tpu.memref_slice %arg4[%multiple_of3A_792, %dma_start3A_799] : memref<110592x496xf32, #tpu.memory_space<hbm>> -> memref<8x496xf32, #tpu.memory_space<hbm>>
      %dma_start3A_801 = arith.constant 0 : i32
      %dma_start3A_802 = tpu.memref_slice %arg4[%multiple_of3A_792, %dma_start3A_801] : memref<110592x496xf32, #tpu.memory_space<hbm>> -> memref<8x496xf32, #tpu.memory_space<hbm>>
      %dma_start3A_803 = arith.constant 0 : i32
      %dma_start3A_804 = arith.constant 0 : i32
      %dma_start3A_805 = tpu.memref_slice %arg7[%dma_start3A_793, %dma_start3A_794, %dma_start3A_803, %dma_start3A_804] : memref<2x4x8x496xf32, #tpu.memory_space<vmem>> -> memref<1x1x8x496xf32, #tpu.memory_space<vmem>>
      %dma_start3A_806 = tpu.memref_squeeze %dma_start3A_805 : memref<1x1x8x496xf32, #tpu.memory_space<vmem>> -> memref<8x496xf32, #tpu.memory_space<vmem>>
      tpu.enqueue_dma source(%dma_start3A_806 : memref<8x496xf32, #tpu.memory_space<vmem>>) target(%dma_start3A_802 : memref<8x496xf32, #tpu.memory_space<hbm>>) target_semaphore(%arg11 : memref<!tpu.dma_semaphore, #tpu.memory_space<semaphore_mem>>)
      %add3A_807 = arith.constant 2 : i32
      %add3A_808 = arith.addi %add3A_683, %add3A_807 : i32
      %lt3A_809 = arith.constant 54 : i32
      %lt3A_810 = arith.cmpi slt, %add3A_808, %lt3A_809 : i32
      %convert_element_type3A_811 = arith.extui %lt3A_810 : i1 to i32
      %cond3A_812 = arith.constant 0 : i32
      %cond3A_813 = arith.cmpi ne, %convert_element_type3A_811, %cond3A_812 : i32
      scf.if %cond3A_813 {
        %add3A_815 = arith.constant 2 : i32
        %add3A_816 = arith.addi %add3A_683, %add3A_815 : i32
        %mul3A_817 = arith.constant 214272 : i32
        %mul3A_818 = arith.muli %select_n3A, %mul3A_817 : i32
        %mul3A_819 = arith.constant 3968 : i32
        %mul3A_820 = arith.muli %add3A_816, %mul3A_819 : i32
        %add3A_821 = arith.addi %mul3A_818, %mul3A_820 : i32
        %multiple_of3A_822 = tpu.assume_multiple %add3A_821, 8 : i32
        %dma_start3A_823 = arith.constant 1 : i32
        %dma_start3A_824 = arith.constant 0 : i32
        %dma_start3A_825 = tpu.memref_slice %arg6[%dma_start3A_823, %dma_start3A_824] : memref<2x3968xi32, #tpu.memory_space<vmem>> -> memref<1x3968xi32, #tpu.memory_space<vmem>>
        %dma_start3A_826 = tpu.memref_squeeze %dma_start3A_825 : memref<1x3968xi32, #tpu.memory_space<vmem>> -> memref<3968xi32, #tpu.memory_space<vmem>>
        %dma_start3A_827 = tpu.memref_slice %arg3[%multiple_of3A_822] : memref<857088xi32, #tpu.memory_space<hbm>> -> memref<3968xi32, #tpu.memory_space<hbm>>
        %dma_start3A_828 = arith.constant 0 : i32
        %dma_start3A_829 = tpu.memref_slice %arg6[%dma_start3A_823, %dma_start3A_828] : memref<2x3968xi32, #tpu.memory_space<vmem>> -> memref<1x3968xi32, #tpu.memory_space<vmem>>
        %dma_start3A_830 = tpu.memref_squeeze %dma_start3A_829 : memref<1x3968xi32, #tpu.memory_space<vmem>> -> memref<3968xi32, #tpu.memory_space<vmem>>
        %dma_start3A_831 = tpu.memref_slice %arg3[%multiple_of3A_822] : memref<857088xi32, #tpu.memory_space<hbm>> -> memref<3968xi32, #tpu.memory_space<hbm>>
        tpu.enqueue_dma source(%dma_start3A_831 : memref<3968xi32, #tpu.memory_space<hbm>>) target(%dma_start3A_830 : memref<3968xi32, #tpu.memory_space<vmem>>) target_semaphore(%arg9 : memref<!tpu.dma_semaphore, #tpu.memory_space<semaphore_mem>>)
      } else {
      }
      %scan3A_814 = arith.constant 0 : i32
      scf.yield %scan3A_814 : i32
    }
    %scan3A_77 = arith.constant 27 : i32
    %mul3A_78 = arith.constant 64 : i32
    %mul3A_79 = arith.muli %select_n3A, %mul3A_78 : i32
    %add3A_80 = arith.addi %mul3A_79, %mul3A_39 : i32
    %add3A_81 = arith.constant 0 : i32
    %add3A_82 = arith.addi %add3A_80, %add3A_81 : i32
    %mul3A_83 = arith.constant 432 : i32
    %mul3A_84 = arith.muli %add3A_82, %mul3A_83 : i32
    %add3A_85 = arith.constant 416 : i32
    %add3A_86 = arith.addi %mul3A_84, %add3A_85 : i32
    %multiple_of3A_87 = tpu.assume_multiple %add3A_86, 8 : i32
    %dma_wait3A = arith.constant 0 : i32
    %dma_wait3A_88 = arith.constant 0 : i32
    %dma_wait3A_89 = arith.constant 0 : i32
    %dma_wait3A_90 = arith.constant 0 : i32
    %dma_wait3A_91 = tpu.memref_slice %arg7[%dma_wait3A, %dma_wait3A_88, %dma_wait3A_89, %dma_wait3A_90] : memref<2x4x8x496xf32, #tpu.memory_space<vmem>> -> memref<1x1x8x496xf32, #tpu.memory_space<vmem>>
    %dma_wait3A_92 = tpu.memref_squeeze %dma_wait3A_91 : memref<1x1x8x496xf32, #tpu.memory_space<vmem>> -> memref<8x496xf32, #tpu.memory_space<vmem>>
    %dma_wait3A_93 = arith.constant 0 : i32
    %dma_wait3A_94 = tpu.memref_slice %arg4[%multiple_of3A_87, %dma_wait3A_93] : memref<110592x496xf32, #tpu.memory_space<hbm>> -> memref<8x496xf32, #tpu.memory_space<hbm>>
    %dma_wait3A_95 = arith.constant 0 : i32
    %dma_wait3A_96 = tpu.memref_slice %arg4[%multiple_of3A_87, %dma_wait3A_95] : memref<110592x496xf32, #tpu.memory_space<hbm>> -> memref<8x496xf32, #tpu.memory_space<hbm>>
    %dma_wait3A_97 = arith.constant 0 : i32
    %dma_wait3A_98 = arith.constant 0 : i32
    %dma_wait3A_99 = tpu.memref_slice %arg7[%dma_wait3A, %dma_wait3A_88, %dma_wait3A_97, %dma_wait3A_98] : memref<2x4x8x496xf32, #tpu.memory_space<vmem>> -> memref<1x1x8x496xf32, #tpu.memory_space<vmem>>
    %dma_wait3A_100 = tpu.memref_squeeze %dma_wait3A_99 : memref<1x1x8x496xf32, #tpu.memory_space<vmem>> -> memref<8x496xf32, #tpu.memory_space<vmem>>
    tpu.wait_dma2 semaphore(%arg10 : memref<!tpu.dma_semaphore, #tpu.memory_space<semaphore_mem>>) src(%dma_wait3A_100 : memref<8x496xf32, #tpu.memory_space<vmem>>) dst(%dma_wait3A_96 : memref<8x496xf32, #tpu.memory_space<hbm>>)
    %mul3A_101 = arith.constant 64 : i32
    %mul3A_102 = arith.muli %select_n3A, %mul3A_101 : i32
    %add3A_103 = arith.addi %mul3A_102, %mul3A_39 : i32
    %add3A_104 = arith.constant 1 : i32
    %add3A_105 = arith.addi %add3A_103, %add3A_104 : i32
    %mul3A_106 = arith.constant 432 : i32
    %mul3A_107 = arith.muli %add3A_105, %mul3A_106 : i32
    %add3A_108 = arith.constant 416 : i32
    %add3A_109 = arith.addi %mul3A_107, %add3A_108 : i32
    %multiple_of3A_110 = tpu.assume_multiple %add3A_109, 8 : i32
    %dma_wait3A_111 = arith.constant 0 : i32
    %dma_wait3A_112 = arith.constant 1 : i32
    %dma_wait3A_113 = arith.constant 0 : i32
    %dma_wait3A_114 = arith.constant 0 : i32
    %dma_wait3A_115 = tpu.memref_slice %arg7[%dma_wait3A_111, %dma_wait3A_112, %dma_wait3A_113, %dma_wait3A_114] : memref<2x4x8x496xf32, #tpu.memory_space<vmem>> -> memref<1x1x8x496xf32, #tpu.memory_space<vmem>>
    %dma_wait3A_116 = tpu.memref_squeeze %dma_wait3A_115 : memref<1x1x8x496xf32, #tpu.memory_space<vmem>> -> memref<8x496xf32, #tpu.memory_space<vmem>>
    %dma_wait3A_117 = arith.constant 0 : i32
    %dma_wait3A_118 = tpu.memref_slice %arg4[%multiple_of3A_110, %dma_wait3A_117] : memref<110592x496xf32, #tpu.memory_space<hbm>> -> memref<8x496xf32, #tpu.memory_space<hbm>>
    %dma_wait3A_119 = arith.constant 0 : i32
    %dma_wait3A_120 = tpu.memref_slice %arg4[%multiple_of3A_110, %dma_wait3A_119] : memref<110592x496xf32, #tpu.memory_space<hbm>> -> memref<8x496xf32, #tpu.memory_space<hbm>>
    %dma_wait3A_121 = arith.constant 0 : i32
    %dma_wait3A_122 = arith.constant 0 : i32
    %dma_wait3A_123 = tpu.memref_slice %arg7[%dma_wait3A_111, %dma_wait3A_112, %dma_wait3A_121, %dma_wait3A_122] : memref<2x4x8x496xf32, #tpu.memory_space<vmem>> -> memref<1x1x8x496xf32, #tpu.memory_space<vmem>>
    %dma_wait3A_124 = tpu.memref_squeeze %dma_wait3A_123 : memref<1x1x8x496xf32, #tpu.memory_space<vmem>> -> memref<8x496xf32, #tpu.memory_space<vmem>>
    tpu.wait_dma2 semaphore(%arg10 : memref<!tpu.dma_semaphore, #tpu.memory_space<semaphore_mem>>) src(%dma_wait3A_124 : memref<8x496xf32, #tpu.memory_space<vmem>>) dst(%dma_wait3A_120 : memref<8x496xf32, #tpu.memory_space<hbm>>)
    %mul3A_125 = arith.constant 64 : i32
    %mul3A_126 = arith.muli %select_n3A, %mul3A_125 : i32
    %add3A_127 = arith.addi %mul3A_126, %mul3A_39 : i32
    %add3A_128 = arith.constant 2 : i32
    %add3A_129 = arith.addi %add3A_127, %add3A_128 : i32
    %mul3A_130 = arith.constant 432 : i32
    %mul3A_131 = arith.muli %add3A_129, %mul3A_130 : i32
    %add3A_132 = arith.constant 416 : i32
    %add3A_133 = arith.addi %mul3A_131, %add3A_132 : i32
    %multiple_of3A_134 = tpu.assume_multiple %add3A_133, 8 : i32
    %dma_wait3A_135 = arith.constant 0 : i32
    %dma_wait3A_136 = arith.constant 2 : i32
    %dma_wait3A_137 = arith.constant 0 : i32
    %dma_wait3A_138 = arith.constant 0 : i32
    %dma_wait3A_139 = tpu.memref_slice %arg7[%dma_wait3A_135, %dma_wait3A_136, %dma_wait3A_137, %dma_wait3A_138] : memref<2x4x8x496xf32, #tpu.memory_space<vmem>> -> memref<1x1x8x496xf32, #tpu.memory_space<vmem>>
    %dma_wait3A_140 = tpu.memref_squeeze %dma_wait3A_139 : memref<1x1x8x496xf32, #tpu.memory_space<vmem>> -> memref<8x496xf32, #tpu.memory_space<vmem>>
    %dma_wait3A_141 = arith.constant 0 : i32
    %dma_wait3A_142 = tpu.memref_slice %arg4[%multiple_of3A_134, %dma_wait3A_141] : memref<110592x496xf32, #tpu.memory_space<hbm>> -> memref<8x496xf32, #tpu.memory_space<hbm>>
    %dma_wait3A_143 = arith.constant 0 : i32
    %dma_wait3A_144 = tpu.memref_slice %arg4[%multiple_of3A_134, %dma_wait3A_143] : memref<110592x496xf32, #tpu.memory_space<hbm>> -> memref<8x496xf32, #tpu.memory_space<hbm>>
    %dma_wait3A_145 = arith.constant 0 : i32
    %dma_wait3A_146 = arith.constant 0 : i32
    %dma_wait3A_147 = tpu.memref_slice %arg7[%dma_wait3A_135, %dma_wait3A_136, %dma_wait3A_145, %dma_wait3A_146] : memref<2x4x8x496xf32, #tpu.memory_space<vmem>> -> memref<1x1x8x496xf32, #tpu.memory_space<vmem>>
    %dma_wait3A_148 = tpu.memref_squeeze %dma_wait3A_147 : memref<1x1x8x496xf32, #tpu.memory_space<vmem>> -> memref<8x496xf32, #tpu.memory_space<vmem>>
    tpu.wait_dma2 semaphore(%arg10 : memref<!tpu.dma_semaphore, #tpu.memory_space<semaphore_mem>>) src(%dma_wait3A_148 : memref<8x496xf32, #tpu.memory_space<vmem>>) dst(%dma_wait3A_144 : memref<8x496xf32, #tpu.memory_space<hbm>>)
    %mul3A_149 = arith.constant 64 : i32
    %mul3A_150 = arith.muli %select_n3A, %mul3A_149 : i32
    %add3A_151 = arith.addi %mul3A_150, %mul3A_39 : i32
    %add3A_152 = arith.constant 3 : i32
    %add3A_153 = arith.addi %add3A_151, %add3A_152 : i32
    %mul3A_154 = arith.constant 432 : i32
    %mul3A_155 = arith.muli %add3A_153, %mul3A_154 : i32
    %add3A_156 = arith.constant 416 : i32
    %add3A_157 = arith.addi %mul3A_155, %add3A_156 : i32
    %multiple_of3A_158 = tpu.assume_multiple %add3A_157, 8 : i32
    %dma_wait3A_159 = arith.constant 0 : i32
    %dma_wait3A_160 = arith.constant 3 : i32
    %dma_wait3A_161 = arith.constant 0 : i32
    %dma_wait3A_162 = arith.constant 0 : i32
    %dma_wait3A_163 = tpu.memref_slice %arg7[%dma_wait3A_159, %dma_wait3A_160, %dma_wait3A_161, %dma_wait3A_162] : memref<2x4x8x496xf32, #tpu.memory_space<vmem>> -> memref<1x1x8x496xf32, #tpu.memory_space<vmem>>
    %dma_wait3A_164 = tpu.memref_squeeze %dma_wait3A_163 : memref<1x1x8x496xf32, #tpu.memory_space<vmem>> -> memref<8x496xf32, #tpu.memory_space<vmem>>
    %dma_wait3A_165 = arith.constant 0 : i32
    %dma_wait3A_166 = tpu.memref_slice %arg4[%multiple_of3A_158, %dma_wait3A_165] : memref<110592x496xf32, #tpu.memory_space<hbm>> -> memref<8x496xf32, #tpu.memory_space<hbm>>
    %dma_wait3A_167 = arith.constant 0 : i32
    %dma_wait3A_168 = tpu.memref_slice %arg4[%multiple_of3A_158, %dma_wait3A_167] : memref<110592x496xf32, #tpu.memory_space<hbm>> -> memref<8x496xf32, #tpu.memory_space<hbm>>
    %dma_wait3A_169 = arith.constant 0 : i32
    %dma_wait3A_170 = arith.constant 0 : i32
    %dma_wait3A_171 = tpu.memref_slice %arg7[%dma_wait3A_159, %dma_wait3A_160, %dma_wait3A_169, %dma_wait3A_170] : memref<2x4x8x496xf32, #tpu.memory_space<vmem>> -> memref<1x1x8x496xf32, #tpu.memory_space<vmem>>
    %dma_wait3A_172 = tpu.memref_squeeze %dma_wait3A_171 : memref<1x1x8x496xf32, #tpu.memory_space<vmem>> -> memref<8x496xf32, #tpu.memory_space<vmem>>
    tpu.wait_dma2 semaphore(%arg10 : memref<!tpu.dma_semaphore, #tpu.memory_space<semaphore_mem>>) src(%dma_wait3A_172 : memref<8x496xf32, #tpu.memory_space<vmem>>) dst(%dma_wait3A_168 : memref<8x496xf32, #tpu.memory_space<hbm>>)
    %mul3A_173 = arith.constant 64 : i32
    %mul3A_174 = arith.muli %select_n3A, %mul3A_173 : i32
    %add3A_175 = arith.addi %mul3A_174, %mul3A_39 : i32
    %add3A_176 = arith.constant 0 : i32
    %add3A_177 = arith.addi %add3A_175, %add3A_176 : i32
    %mul3A_178 = arith.constant 432 : i32
    %mul3A_179 = arith.muli %add3A_177, %mul3A_178 : i32
    %add3A_180 = arith.constant 424 : i32
    %add3A_181 = arith.addi %mul3A_179, %add3A_180 : i32
    %multiple_of3A_182 = tpu.assume_multiple %add3A_181, 8 : i32
    %dma_wait3A_183 = arith.constant 1 : i32
    %dma_wait3A_184 = arith.constant 0 : i32
    %dma_wait3A_185 = arith.constant 0 : i32
    %dma_wait3A_186 = arith.constant 0 : i32
    %dma_wait3A_187 = tpu.memref_slice %arg7[%dma_wait3A_183, %dma_wait3A_184, %dma_wait3A_185, %dma_wait3A_186] : memref<2x4x8x496xf32, #tpu.memory_space<vmem>> -> memref<1x1x8x496xf32, #tpu.memory_space<vmem>>
    %dma_wait3A_188 = tpu.memref_squeeze %dma_wait3A_187 : memref<1x1x8x496xf32, #tpu.memory_space<vmem>> -> memref<8x496xf32, #tpu.memory_space<vmem>>
    %dma_wait3A_189 = arith.constant 0 : i32
    %dma_wait3A_190 = tpu.memref_slice %arg4[%multiple_of3A_182, %dma_wait3A_189] : memref<110592x496xf32, #tpu.memory_space<hbm>> -> memref<8x496xf32, #tpu.memory_space<hbm>>
    %dma_wait3A_191 = arith.constant 0 : i32
    %dma_wait3A_192 = tpu.memref_slice %arg4[%multiple_of3A_182, %dma_wait3A_191] : memref<110592x496xf32, #tpu.memory_space<hbm>> -> memref<8x496xf32, #tpu.memory_space<hbm>>
    %dma_wait3A_193 = arith.constant 0 : i32
    %dma_wait3A_194 = arith.constant 0 : i32
    %dma_wait3A_195 = tpu.memref_slice %arg7[%dma_wait3A_183, %dma_wait3A_184, %dma_wait3A_193, %dma_wait3A_194] : memref<2x4x8x496xf32, #tpu.memory_space<vmem>> -> memref<1x1x8x496xf32, #tpu.memory_space<vmem>>
    %dma_wait3A_196 = tpu.memref_squeeze %dma_wait3A_195 : memref<1x1x8x496xf32, #tpu.memory_space<vmem>> -> memref<8x496xf32, #tpu.memory_space<vmem>>
    tpu.wait_dma2 semaphore(%arg11 : memref<!tpu.dma_semaphore, #tpu.memory_space<semaphore_mem>>) src(%dma_wait3A_196 : memref<8x496xf32, #tpu.memory_space<vmem>>) dst(%dma_wait3A_192 : memref<8x496xf32, #tpu.memory_space<hbm>>)
    %mul3A_197 = arith.constant 64 : i32
    %mul3A_198 = arith.muli %select_n3A, %mul3A_197 : i32
    %add3A_199 = arith.addi %mul3A_198, %mul3A_39 : i32
    %add3A_200 = arith.constant 1 : i32
    %add3A_201 = arith.addi %add3A_199, %add3A_200 : i32
    %mul3A_202 = arith.constant 432 : i32
    %mul3A_203 = arith.muli %add3A_201, %mul3A_202 : i32
    %add3A_204 = arith.constant 424 : i32
    %add3A_205 = arith.addi %mul3A_203, %add3A_204 : i32
    %multiple_of3A_206 = tpu.assume_multiple %add3A_205, 8 : i32
    %dma_wait3A_207 = arith.constant 1 : i32
    %dma_wait3A_208 = arith.constant 1 : i32
    %dma_wait3A_209 = arith.constant 0 : i32
    %dma_wait3A_210 = arith.constant 0 : i32
    %dma_wait3A_211 = tpu.memref_slice %arg7[%dma_wait3A_207, %dma_wait3A_208, %dma_wait3A_209, %dma_wait3A_210] : memref<2x4x8x496xf32, #tpu.memory_space<vmem>> -> memref<1x1x8x496xf32, #tpu.memory_space<vmem>>
    %dma_wait3A_212 = tpu.memref_squeeze %dma_wait3A_211 : memref<1x1x8x496xf32, #tpu.memory_space<vmem>> -> memref<8x496xf32, #tpu.memory_space<vmem>>
    %dma_wait3A_213 = arith.constant 0 : i32
    %dma_wait3A_214 = tpu.memref_slice %arg4[%multiple_of3A_206, %dma_wait3A_213] : memref<110592x496xf32, #tpu.memory_space<hbm>> -> memref<8x496xf32, #tpu.memory_space<hbm>>
    %dma_wait3A_215 = arith.constant 0 : i32
    %dma_wait3A_216 = tpu.memref_slice %arg4[%multiple_of3A_206, %dma_wait3A_215] : memref<110592x496xf32, #tpu.memory_space<hbm>> -> memref<8x496xf32, #tpu.memory_space<hbm>>
    %dma_wait3A_217 = arith.constant 0 : i32
    %dma_wait3A_218 = arith.constant 0 : i32
    %dma_wait3A_219 = tpu.memref_slice %arg7[%dma_wait3A_207, %dma_wait3A_208, %dma_wait3A_217, %dma_wait3A_218] : memref<2x4x8x496xf32, #tpu.memory_space<vmem>> -> memref<1x1x8x496xf32, #tpu.memory_space<vmem>>
    %dma_wait3A_220 = tpu.memref_squeeze %dma_wait3A_219 : memref<1x1x8x496xf32, #tpu.memory_space<vmem>> -> memref<8x496xf32, #tpu.memory_space<vmem>>
    tpu.wait_dma2 semaphore(%arg11 : memref<!tpu.dma_semaphore, #tpu.memory_space<semaphore_mem>>) src(%dma_wait3A_220 : memref<8x496xf32, #tpu.memory_space<vmem>>) dst(%dma_wait3A_216 : memref<8x496xf32, #tpu.memory_space<hbm>>)
    %mul3A_221 = arith.constant 64 : i32
    %mul3A_222 = arith.muli %select_n3A, %mul3A_221 : i32
    %add3A_223 = arith.addi %mul3A_222, %mul3A_39 : i32
    %add3A_224 = arith.constant 2 : i32
    %add3A_225 = arith.addi %add3A_223, %add3A_224 : i32
    %mul3A_226 = arith.constant 432 : i32
    %mul3A_227 = arith.muli %add3A_225, %mul3A_226 : i32
    %add3A_228 = arith.constant 424 : i32
    %add3A_229 = arith.addi %mul3A_227, %add3A_228 : i32
    %multiple_of3A_230 = tpu.assume_multiple %add3A_229, 8 : i32
    %dma_wait3A_231 = arith.constant 1 : i32
    %dma_wait3A_232 = arith.constant 2 : i32
    %dma_wait3A_233 = arith.constant 0 : i32
    %dma_wait3A_234 = arith.constant 0 : i32
    %dma_wait3A_235 = tpu.memref_slice %arg7[%dma_wait3A_231, %dma_wait3A_232, %dma_wait3A_233, %dma_wait3A_234] : memref<2x4x8x496xf32, #tpu.memory_space<vmem>> -> memref<1x1x8x496xf32, #tpu.memory_space<vmem>>
    %dma_wait3A_236 = tpu.memref_squeeze %dma_wait3A_235 : memref<1x1x8x496xf32, #tpu.memory_space<vmem>> -> memref<8x496xf32, #tpu.memory_space<vmem>>
    %dma_wait3A_237 = arith.constant 0 : i32
    %dma_wait3A_238 = tpu.memref_slice %arg4[%multiple_of3A_230, %dma_wait3A_237] : memref<110592x496xf32, #tpu.memory_space<hbm>> -> memref<8x496xf32, #tpu.memory_space<hbm>>
    %dma_wait3A_239 = arith.constant 0 : i32
    %dma_wait3A_240 = tpu.memref_slice %arg4[%multiple_of3A_230, %dma_wait3A_239] : memref<110592x496xf32, #tpu.memory_space<hbm>> -> memref<8x496xf32, #tpu.memory_space<hbm>>
    %dma_wait3A_241 = arith.constant 0 : i32
    %dma_wait3A_242 = arith.constant 0 : i32
    %dma_wait3A_243 = tpu.memref_slice %arg7[%dma_wait3A_231, %dma_wait3A_232, %dma_wait3A_241, %dma_wait3A_242] : memref<2x4x8x496xf32, #tpu.memory_space<vmem>> -> memref<1x1x8x496xf32, #tpu.memory_space<vmem>>
    %dma_wait3A_244 = tpu.memref_squeeze %dma_wait3A_243 : memref<1x1x8x496xf32, #tpu.memory_space<vmem>> -> memref<8x496xf32, #tpu.memory_space<vmem>>
    tpu.wait_dma2 semaphore(%arg11 : memref<!tpu.dma_semaphore, #tpu.memory_space<semaphore_mem>>) src(%dma_wait3A_244 : memref<8x496xf32, #tpu.memory_space<vmem>>) dst(%dma_wait3A_240 : memref<8x496xf32, #tpu.memory_space<hbm>>)
    %mul3A_245 = arith.constant 64 : i32
    %mul3A_246 = arith.muli %select_n3A, %mul3A_245 : i32
    %add3A_247 = arith.addi %mul3A_246, %mul3A_39 : i32
    %add3A_248 = arith.constant 3 : i32
    %add3A_249 = arith.addi %add3A_247, %add3A_248 : i32
    %mul3A_250 = arith.constant 432 : i32
    %mul3A_251 = arith.muli %add3A_249, %mul3A_250 : i32
    %add3A_252 = arith.constant 424 : i32
    %add3A_253 = arith.addi %mul3A_251, %add3A_252 : i32
    %multiple_of3A_254 = tpu.assume_multiple %add3A_253, 8 : i32
    %dma_wait3A_255 = arith.constant 1 : i32
    %dma_wait3A_256 = arith.constant 3 : i32
    %dma_wait3A_257 = arith.constant 0 : i32
    %dma_wait3A_258 = arith.constant 0 : i32
    %dma_wait3A_259 = tpu.memref_slice %arg7[%dma_wait3A_255, %dma_wait3A_256, %dma_wait3A_257, %dma_wait3A_258] : memref<2x4x8x496xf32, #tpu.memory_space<vmem>> -> memref<1x1x8x496xf32, #tpu.memory_space<vmem>>
    %dma_wait3A_260 = tpu.memref_squeeze %dma_wait3A_259 : memref<1x1x8x496xf32, #tpu.memory_space<vmem>> -> memref<8x496xf32, #tpu.memory_space<vmem>>
    %dma_wait3A_261 = arith.constant 0 : i32
    %dma_wait3A_262 = tpu.memref_slice %arg4[%multiple_of3A_254, %dma_wait3A_261] : memref<110592x496xf32, #tpu.memory_space<hbm>> -> memref<8x496xf32, #tpu.memory_space<hbm>>
    %dma_wait3A_263 = arith.constant 0 : i32
    %dma_wait3A_264 = tpu.memref_slice %arg4[%multiple_of3A_254, %dma_wait3A_263] : memref<110592x496xf32, #tpu.memory_space<hbm>> -> memref<8x496xf32, #tpu.memory_space<hbm>>
    %dma_wait3A_265 = arith.constant 0 : i32
    %dma_wait3A_266 = arith.constant 0 : i32
    %dma_wait3A_267 = tpu.memref_slice %arg7[%dma_wait3A_255, %dma_wait3A_256, %dma_wait3A_265, %dma_wait3A_266] : memref<2x4x8x496xf32, #tpu.memory_space<vmem>> -> memref<1x1x8x496xf32, #tpu.memory_space<vmem>>
    %dma_wait3A_268 = tpu.memref_squeeze %dma_wait3A_267 : memref<1x1x8x496xf32, #tpu.memory_space<vmem>> -> memref<8x496xf32, #tpu.memory_space<vmem>>
    tpu.wait_dma2 semaphore(%arg11 : memref<!tpu.dma_semaphore, #tpu.memory_space<semaphore_mem>>) src(%dma_wait3A_268 : memref<8x496xf32, #tpu.memory_space<vmem>>) dst(%dma_wait3A_264 : memref<8x496xf32, #tpu.memory_space<hbm>>)
    %mul3A_269 = arith.constant 2 : i32
    %mul3A_270 = arith.muli %add3A, %mul3A_269 : i32
    %add3A_271 = arith.constant 1 : i32
    %add3A_272 = arith.addi %mul3A_270, %add3A_271 : i32
    %jit3A_273 = arith.constant 16 : i32
    %div3A_274 = arith.divsi %add3A_272, %jit3A_273 : i32
    %sign3A_275 = arith.constant 0 : i32
    %sign3A_276 = arith.cmpi sgt, %add3A_272, %sign3A_275 : i32
    %sign3A_277 = arith.extui %sign3A_276 : i1 to i32
    %sign3A_278 = arith.constant 0 : i32
    %sign3A_279 = arith.cmpi slt, %add3A_272, %sign3A_278 : i32
    %sign3A_280 = arith.extui %sign3A_279 : i1 to i32
    %sign3A_281 = arith.subi %sign3A_277, %sign3A_280 : i32
    %sign3A_282 = arith.constant 0 : i32
    %sign3A_283 = arith.cmpi sgt, %jit3A_273, %sign3A_282 : i32
    %sign3A_284 = arith.extui %sign3A_283 : i1 to i32
    %sign3A_285 = arith.constant 0 : i32
    %sign3A_286 = arith.cmpi slt, %jit3A_273, %sign3A_285 : i32
    %sign3A_287 = arith.extui %sign3A_286 : i1 to i32
    %sign3A_288 = arith.subi %sign3A_284, %sign3A_287 : i32
    %ne3A_289 = arith.cmpi ne, %sign3A_281, %sign3A_288 : i32
    %rem3A_290 = arith.remsi %add3A_272, %jit3A_273 : i32
    %ne3A_291 = arith.constant 0 : i32
    %ne3A_292 = arith.cmpi ne, %rem3A_290, %ne3A_291 : i32
    %and3A_293 = arith.andi %ne3A_289, %ne3A_292 : i1
    %sub3A_294 = arith.constant 1 : i32
    %sub3A_295 = arith.subi %div3A_274, %sub3A_294 : i32
    %select_n3A_296 = arith.select %and3A_293, %sub3A_295, %div3A_274 : i32
    %jit3A_297 = arith.constant 16 : i32
    %eq3A_298 = arith.constant 0 : i32
    %eq3A_299 = arith.cmpi eq, %jit3A_297, %eq3A_298 : i32
    %jit3A_300 = arith.constant 1 : i32
    %select_n3A_301 = arith.select %eq3A_299, %jit3A_300, %jit3A_297 : i32
    %rem3A_302 = arith.remsi %add3A_272, %select_n3A_301 : i32
    %ne3A_303 = arith.constant 0 : i32
    %ne3A_304 = arith.cmpi ne, %rem3A_302, %ne3A_303 : i32
    %lt3A_305 = arith.constant 0 : i32
    %lt3A_306 = arith.cmpi slt, %rem3A_302, %lt3A_305 : i32
    %lt3A_307 = arith.constant 0 : i32
    %lt3A_308 = arith.cmpi slt, %select_n3A_301, %lt3A_307 : i32
    %ne3A_309 = arith.xori %lt3A_306, %lt3A_308 : i1
    %and3A_310 = arith.andi %ne3A_309, %ne3A_304 : i1
    %add3A_311 = arith.addi %rem3A_302, %select_n3A_301 : i32
    %select_n3A_312 = arith.select %and3A_310, %add3A_311, %rem3A_302 : i32
    %mul3A_313 = arith.constant 4 : i32
    %mul3A_314 = arith.muli %select_n3A_312, %mul3A_313 : i32
    %mul3A_315 = arith.constant 214272 : i32
    %mul3A_316 = arith.muli %select_n3A_296, %mul3A_315 : i32
    %add3A_317 = arith.constant 0 : i32
    %add3A_318 = arith.addi %mul3A_316, %add3A_317 : i32
    %multiple_of3A_319 = tpu.assume_multiple %add3A_318, 8 : i32
    %dma_start3A_320 = arith.constant 0 : i32
    %dma_start3A_321 = arith.constant 0 : i32
    %dma_start3A_322 = tpu.memref_slice %arg6[%dma_start3A_320, %dma_start3A_321] : memref<2x3968xi32, #tpu.memory_space<vmem>> -> memref<1x3968xi32, #tpu.memory_space<vmem>>
    %dma_start3A_323 = tpu.memref_squeeze %dma_start3A_322 : memref<1x3968xi32, #tpu.memory_space<vmem>> -> memref<3968xi32, #tpu.memory_space<vmem>>
    %dma_start3A_324 = tpu.memref_slice %arg3[%multiple_of3A_319] : memref<857088xi32, #tpu.memory_space<hbm>> -> memref<3968xi32, #tpu.memory_space<hbm>>
    %dma_start3A_325 = arith.constant 0 : i32
    %dma_start3A_326 = tpu.memref_slice %arg6[%dma_start3A_320, %dma_start3A_325] : memref<2x3968xi32, #tpu.memory_space<vmem>> -> memref<1x3968xi32, #tpu.memory_space<vmem>>
    %dma_start3A_327 = tpu.memref_squeeze %dma_start3A_326 : memref<1x3968xi32, #tpu.memory_space<vmem>> -> memref<3968xi32, #tpu.memory_space<vmem>>
    %dma_start3A_328 = tpu.memref_slice %arg3[%multiple_of3A_319] : memref<857088xi32, #tpu.memory_space<hbm>> -> memref<3968xi32, #tpu.memory_space<hbm>>
    tpu.enqueue_dma source(%dma_start3A_328 : memref<3968xi32, #tpu.memory_space<hbm>>) target(%dma_start3A_327 : memref<3968xi32, #tpu.memory_space<vmem>>) target_semaphore(%arg8 : memref<!tpu.dma_semaphore, #tpu.memory_space<semaphore_mem>>)
    %mul3A_329 = arith.constant 214272 : i32
    %mul3A_330 = arith.muli %select_n3A_296, %mul3A_329 : i32
    %add3A_331 = arith.constant 3968 : i32
    %add3A_332 = arith.addi %mul3A_330, %add3A_331 : i32
    %multiple_of3A_333 = tpu.assume_multiple %add3A_332, 8 : i32
    %dma_start3A_334 = arith.constant 1 : i32
    %dma_start3A_335 = arith.constant 0 : i32
    %dma_start3A_336 = tpu.memref_slice %arg6[%dma_start3A_334, %dma_start3A_335] : memref<2x3968xi32, #tpu.memory_space<vmem>> -> memref<1x3968xi32, #tpu.memory_space<vmem>>
    %dma_start3A_337 = tpu.memref_squeeze %dma_start3A_336 : memref<1x3968xi32, #tpu.memory_space<vmem>> -> memref<3968xi32, #tpu.memory_space<vmem>>
    %dma_start3A_338 = tpu.memref_slice %arg3[%multiple_of3A_333] : memref<857088xi32, #tpu.memory_space<hbm>> -> memref<3968xi32, #tpu.memory_space<hbm>>
    %dma_start3A_339 = arith.constant 0 : i32
    %dma_start3A_340 = tpu.memref_slice %arg6[%dma_start3A_334, %dma_start3A_339] : memref<2x3968xi32, #tpu.memory_space<vmem>> -> memref<1x3968xi32, #tpu.memory_space<vmem>>
    %dma_start3A_341 = tpu.memref_squeeze %dma_start3A_340 : memref<1x3968xi32, #tpu.memory_space<vmem>> -> memref<3968xi32, #tpu.memory_space<vmem>>
    %dma_start3A_342 = tpu.memref_slice %arg3[%multiple_of3A_333] : memref<857088xi32, #tpu.memory_space<hbm>> -> memref<3968xi32, #tpu.memory_space<hbm>>
    tpu.enqueue_dma source(%dma_start3A_342 : memref<3968xi32, #tpu.memory_space<hbm>>) target(%dma_start3A_341 : memref<3968xi32, #tpu.memory_space<vmem>>) target_semaphore(%arg9 : memref<!tpu.dma_semaphore, #tpu.memory_space<semaphore_mem>>)
    %mul3A_343 = arith.constant 64 : i32
    %mul3A_344 = arith.muli %select_n3A_296, %mul3A_343 : i32
    %add3A_345 = arith.addi %mul3A_344, %mul3A_314 : i32
    %mul3A_346 = arith.constant 12000 : i32
    %mul3A_347 = arith.muli %add3A_345, %mul3A_346 : i32
    %multiple_of3A_348 = tpu.assume_multiple %mul3A_347, 8 : i32
    "tpu.region"() ({
      %run_scoped3A = tpu.sem_alloc : memref<!tpu.dma_semaphore, #tpu.memory_space<semaphore_mem>>
      %dma_start3A_548 = tpu.memref_slice %arg2[%multiple_of3A_348] : memref<3072000xf32, #tpu.memory_space<hbm>> -> memref<48000xf32, #tpu.memory_space<hbm>>
      %dma_start3A_549 = tpu.memref_slice %arg2[%multiple_of3A_348] : memref<3072000xf32, #tpu.memory_space<hbm>> -> memref<48000xf32, #tpu.memory_space<hbm>>
      tpu.enqueue_dma source(%dma_start3A_549 : memref<48000xf32, #tpu.memory_space<hbm>>) target(%arg5 : memref<48000xf32, #tpu.memory_space<vmem>>) target_semaphore(%run_scoped3A : memref<!tpu.dma_semaphore, #tpu.memory_space<semaphore_mem>>)
      %dma_wait3A_550 = tpu.memref_slice %arg2[%multiple_of3A_348] : memref<3072000xf32, #tpu.memory_space<hbm>> -> memref<48000xf32, #tpu.memory_space<hbm>>
      %dma_wait3A_551 = tpu.memref_slice %arg2[%multiple_of3A_348] : memref<3072000xf32, #tpu.memory_space<hbm>> -> memref<48000xf32, #tpu.memory_space<hbm>>
      tpu.wait_dma2 semaphore(%run_scoped3A : memref<!tpu.dma_semaphore, #tpu.memory_space<semaphore_mem>>) src(%dma_wait3A_551 : memref<48000xf32, #tpu.memory_space<hbm>>) dst(%arg5 : memref<48000xf32, #tpu.memory_space<vmem>>)
      tpu.yield
    }) : () -> ()
    %scan3A_349 = arith.constant 0 : i32
    %scan3A_350 = arith.constant 0 : i32
    %scan3A_351 = arith.constant 27 : i32
    %scan3A_352 = arith.addi %scan3A_350, %scan3A_351 : i32
    %scan3A_353 = arith.constant 1 : i32
    %scan3A_354 = scf.for %scan3A_548 = %scan3A_350 to %scan3A_352 step %scan3A_353 iter_args(%scan3A_549 = %scan3A_349) -> (i32)  : i32 {
      %mul3A_550 = arith.constant 2 : i32
      %mul3A_551 = arith.muli %mul3A_550, %scan3A_548 : i32
      %add3A_552 = arith.constant 0 : i32
      %add3A_553 = arith.addi %mul3A_551, %add3A_552 : i32
      %mul3A_554 = arith.constant 214272 : i32
      %mul3A_555 = arith.muli %select_n3A_296, %mul3A_554 : i32
      %mul3A_556 = arith.constant 3968 : i32
      %mul3A_557 = arith.muli %add3A_553, %mul3A_556 : i32
      %add3A_558 = arith.addi %mul3A_555, %mul3A_557 : i32
      %multiple_of3A_559 = tpu.assume_multiple %add3A_558, 8 : i32
      %dma_wait3A_560 = arith.constant 0 : i32
      %dma_wait3A_561 = arith.constant 0 : i32
      %dma_wait3A_562 = tpu.memref_slice %arg6[%dma_wait3A_560, %dma_wait3A_561] : memref<2x3968xi32, #tpu.memory_space<vmem>> -> memref<1x3968xi32, #tpu.memory_space<vmem>>
      %dma_wait3A_563 = tpu.memref_squeeze %dma_wait3A_562 : memref<1x3968xi32, #tpu.memory_space<vmem>> -> memref<3968xi32, #tpu.memory_space<vmem>>
      %dma_wait3A_564 = tpu.memref_slice %arg3[%multiple_of3A_559] : memref<857088xi32, #tpu.memory_space<hbm>> -> memref<3968xi32, #tpu.memory_space<hbm>>
      %dma_wait3A_565 = arith.constant 0 : i32
      %dma_wait3A_566 = tpu.memref_slice %arg6[%dma_wait3A_560, %dma_wait3A_565] : memref<2x3968xi32, #tpu.memory_space<vmem>> -> memref<1x3968xi32, #tpu.memory_space<vmem>>
      %dma_wait3A_567 = tpu.memref_squeeze %dma_wait3A_566 : memref<1x3968xi32, #tpu.memory_space<vmem>> -> memref<3968xi32, #tpu.memory_space<vmem>>
      %dma_wait3A_568 = tpu.memref_slice %arg3[%multiple_of3A_559] : memref<857088xi32, #tpu.memory_space<hbm>> -> memref<3968xi32, #tpu.memory_space<hbm>>
      tpu.wait_dma2 semaphore(%arg8 : memref<!tpu.dma_semaphore, #tpu.memory_space<semaphore_mem>>) src(%dma_wait3A_568 : memref<3968xi32, #tpu.memory_space<hbm>>) dst(%dma_wait3A_567 : memref<3968xi32, #tpu.memory_space<vmem>>)
      %gt3A = arith.constant 0 : i32
      %gt3A_569 = arith.cmpi sgt, %scan3A_548, %gt3A : i32
      %convert_element_type3A = arith.extui %gt3A_569 : i1 to i32
      %cond3A = arith.constant 0 : i32
      %cond3A_570 = arith.cmpi ne, %convert_element_type3A, %cond3A : i32
      scf.if %cond3A_570 {
        %mul3A_815 = arith.constant 64 : i32
        %mul3A_816 = arith.muli %select_n3A_296, %mul3A_815 : i32
        %add3A_817 = arith.addi %mul3A_816, %mul3A_314 : i32
        %add3A_818 = arith.constant 0 : i32
        %add3A_819 = arith.addi %add3A_817, %add3A_818 : i32
        %mul3A_820 = arith.constant 432 : i32
        %mul3A_821 = arith.muli %add3A_819, %mul3A_820 : i32
        %mul3A_822 = arith.constant 8 : i32
        %mul3A_823 = arith.muli %add3A_553, %mul3A_822 : i32
        %add3A_824 = arith.addi %mul3A_821, %mul3A_823 : i32
        %multiple_of3A_825 = tpu.assume_multiple %add3A_824, 8 : i32
        %dma_wait3A_826 = arith.constant 0 : i32
        %dma_wait3A_827 = arith.constant 0 : i32
        %dma_wait3A_828 = arith.constant 0 : i32
        %dma_wait3A_829 = arith.constant 0 : i32
        %dma_wait3A_830 = tpu.memref_slice %arg7[%dma_wait3A_826, %dma_wait3A_827, %dma_wait3A_828, %dma_wait3A_829] : memref<2x4x8x496xf32, #tpu.memory_space<vmem>> -> memref<1x1x8x496xf32, #tpu.memory_space<vmem>>
        %dma_wait3A_831 = tpu.memref_squeeze %dma_wait3A_830 : memref<1x1x8x496xf32, #tpu.memory_space<vmem>> -> memref<8x496xf32, #tpu.memory_space<vmem>>
        %dma_wait3A_832 = arith.constant 0 : i32
        %dma_wait3A_833 = tpu.memref_slice %arg4[%multiple_of3A_825, %dma_wait3A_832] : memref<110592x496xf32, #tpu.memory_space<hbm>> -> memref<8x496xf32, #tpu.memory_space<hbm>>
        %dma_wait3A_834 = arith.constant 0 : i32
        %dma_wait3A_835 = tpu.memref_slice %arg4[%multiple_of3A_825, %dma_wait3A_834] : memref<110592x496xf32, #tpu.memory_space<hbm>> -> memref<8x496xf32, #tpu.memory_space<hbm>>
        %dma_wait3A_836 = arith.constant 0 : i32
        %dma_wait3A_837 = arith.constant 0 : i32
        %dma_wait3A_838 = tpu.memref_slice %arg7[%dma_wait3A_826, %dma_wait3A_827, %dma_wait3A_836, %dma_wait3A_837] : memref<2x4x8x496xf32, #tpu.memory_space<vmem>> -> memref<1x1x8x496xf32, #tpu.memory_space<vmem>>
        %dma_wait3A_839 = tpu.memref_squeeze %dma_wait3A_838 : memref<1x1x8x496xf32, #tpu.memory_space<vmem>> -> memref<8x496xf32, #tpu.memory_space<vmem>>
        tpu.wait_dma2 semaphore(%arg10 : memref<!tpu.dma_semaphore, #tpu.memory_space<semaphore_mem>>) src(%dma_wait3A_839 : memref<8x496xf32, #tpu.memory_space<vmem>>) dst(%dma_wait3A_835 : memref<8x496xf32, #tpu.memory_space<hbm>>)
        %mul3A_840 = arith.constant 64 : i32
        %mul3A_841 = arith.muli %select_n3A_296, %mul3A_840 : i32
        %add3A_842 = arith.addi %mul3A_841, %mul3A_314 : i32
        %add3A_843 = arith.constant 1 : i32
        %add3A_844 = arith.addi %add3A_842, %add3A_843 : i32
        %mul3A_845 = arith.constant 432 : i32
        %mul3A_846 = arith.muli %add3A_844, %mul3A_845 : i32
        %mul3A_847 = arith.constant 8 : i32
        %mul3A_848 = arith.muli %add3A_553, %mul3A_847 : i32
        %add3A_849 = arith.addi %mul3A_846, %mul3A_848 : i32
        %multiple_of3A_850 = tpu.assume_multiple %add3A_849, 8 : i32
        %dma_wait3A_851 = arith.constant 0 : i32
        %dma_wait3A_852 = arith.constant 1 : i32
        %dma_wait3A_853 = arith.constant 0 : i32
        %dma_wait3A_854 = arith.constant 0 : i32
        %dma_wait3A_855 = tpu.memref_slice %arg7[%dma_wait3A_851, %dma_wait3A_852, %dma_wait3A_853, %dma_wait3A_854] : memref<2x4x8x496xf32, #tpu.memory_space<vmem>> -> memref<1x1x8x496xf32, #tpu.memory_space<vmem>>
        %dma_wait3A_856 = tpu.memref_squeeze %dma_wait3A_855 : memref<1x1x8x496xf32, #tpu.memory_space<vmem>> -> memref<8x496xf32, #tpu.memory_space<vmem>>
        %dma_wait3A_857 = arith.constant 0 : i32
        %dma_wait3A_858 = tpu.memref_slice %arg4[%multiple_of3A_850, %dma_wait3A_857] : memref<110592x496xf32, #tpu.memory_space<hbm>> -> memref<8x496xf32, #tpu.memory_space<hbm>>
        %dma_wait3A_859 = arith.constant 0 : i32
        %dma_wait3A_860 = tpu.memref_slice %arg4[%multiple_of3A_850, %dma_wait3A_859] : memref<110592x496xf32, #tpu.memory_space<hbm>> -> memref<8x496xf32, #tpu.memory_space<hbm>>
        %dma_wait3A_861 = arith.constant 0 : i32
        %dma_wait3A_862 = arith.constant 0 : i32
        %dma_wait3A_863 = tpu.memref_slice %arg7[%dma_wait3A_851, %dma_wait3A_852, %dma_wait3A_861, %dma_wait3A_862] : memref<2x4x8x496xf32, #tpu.memory_space<vmem>> -> memref<1x1x8x496xf32, #tpu.memory_space<vmem>>
        %dma_wait3A_864 = tpu.memref_squeeze %dma_wait3A_863 : memref<1x1x8x496xf32, #tpu.memory_space<vmem>> -> memref<8x496xf32, #tpu.memory_space<vmem>>
        tpu.wait_dma2 semaphore(%arg10 : memref<!tpu.dma_semaphore, #tpu.memory_space<semaphore_mem>>) src(%dma_wait3A_864 : memref<8x496xf32, #tpu.memory_space<vmem>>) dst(%dma_wait3A_860 : memref<8x496xf32, #tpu.memory_space<hbm>>)
        %mul3A_865 = arith.constant 64 : i32
        %mul3A_866 = arith.muli %select_n3A_296, %mul3A_865 : i32
        %add3A_867 = arith.addi %mul3A_866, %mul3A_314 : i32
        %add3A_868 = arith.constant 2 : i32
        %add3A_869 = arith.addi %add3A_867, %add3A_868 : i32
        %mul3A_870 = arith.constant 432 : i32
        %mul3A_871 = arith.muli %add3A_869, %mul3A_870 : i32
        %mul3A_872 = arith.constant 8 : i32
        %mul3A_873 = arith.muli %add3A_553, %mul3A_872 : i32
        %add3A_874 = arith.addi %mul3A_871, %mul3A_873 : i32
        %multiple_of3A_875 = tpu.assume_multiple %add3A_874, 8 : i32
        %dma_wait3A_876 = arith.constant 0 : i32
        %dma_wait3A_877 = arith.constant 2 : i32
        %dma_wait3A_878 = arith.constant 0 : i32
        %dma_wait3A_879 = arith.constant 0 : i32
        %dma_wait3A_880 = tpu.memref_slice %arg7[%dma_wait3A_876, %dma_wait3A_877, %dma_wait3A_878, %dma_wait3A_879] : memref<2x4x8x496xf32, #tpu.memory_space<vmem>> -> memref<1x1x8x496xf32, #tpu.memory_space<vmem>>
        %dma_wait3A_881 = tpu.memref_squeeze %dma_wait3A_880 : memref<1x1x8x496xf32, #tpu.memory_space<vmem>> -> memref<8x496xf32, #tpu.memory_space<vmem>>
        %dma_wait3A_882 = arith.constant 0 : i32
        %dma_wait3A_883 = tpu.memref_slice %arg4[%multiple_of3A_875, %dma_wait3A_882] : memref<110592x496xf32, #tpu.memory_space<hbm>> -> memref<8x496xf32, #tpu.memory_space<hbm>>
        %dma_wait3A_884 = arith.constant 0 : i32
        %dma_wait3A_885 = tpu.memref_slice %arg4[%multiple_of3A_875, %dma_wait3A_884] : memref<110592x496xf32, #tpu.memory_space<hbm>> -> memref<8x496xf32, #tpu.memory_space<hbm>>
        %dma_wait3A_886 = arith.constant 0 : i32
        %dma_wait3A_887 = arith.constant 0 : i32
        %dma_wait3A_888 = tpu.memref_slice %arg7[%dma_wait3A_876, %dma_wait3A_877, %dma_wait3A_886, %dma_wait3A_887] : memref<2x4x8x496xf32, #tpu.memory_space<vmem>> -> memref<1x1x8x496xf32, #tpu.memory_space<vmem>>
        %dma_wait3A_889 = tpu.memref_squeeze %dma_wait3A_888 : memref<1x1x8x496xf32, #tpu.memory_space<vmem>> -> memref<8x496xf32, #tpu.memory_space<vmem>>
        tpu.wait_dma2 semaphore(%arg10 : memref<!tpu.dma_semaphore, #tpu.memory_space<semaphore_mem>>) src(%dma_wait3A_889 : memref<8x496xf32, #tpu.memory_space<vmem>>) dst(%dma_wait3A_885 : memref<8x496xf32, #tpu.memory_space<hbm>>)
        %mul3A_890 = arith.constant 64 : i32
        %mul3A_891 = arith.muli %select_n3A_296, %mul3A_890 : i32
        %add3A_892 = arith.addi %mul3A_891, %mul3A_314 : i32
        %add3A_893 = arith.constant 3 : i32
        %add3A_894 = arith.addi %add3A_892, %add3A_893 : i32
        %mul3A_895 = arith.constant 432 : i32
        %mul3A_896 = arith.muli %add3A_894, %mul3A_895 : i32
        %mul3A_897 = arith.constant 8 : i32
        %mul3A_898 = arith.muli %add3A_553, %mul3A_897 : i32
        %add3A_899 = arith.addi %mul3A_896, %mul3A_898 : i32
        %multiple_of3A_900 = tpu.assume_multiple %add3A_899, 8 : i32
        %dma_wait3A_901 = arith.constant 0 : i32
        %dma_wait3A_902 = arith.constant 3 : i32
        %dma_wait3A_903 = arith.constant 0 : i32
        %dma_wait3A_904 = arith.constant 0 : i32
        %dma_wait3A_905 = tpu.memref_slice %arg7[%dma_wait3A_901, %dma_wait3A_902, %dma_wait3A_903, %dma_wait3A_904] : memref<2x4x8x496xf32, #tpu.memory_space<vmem>> -> memref<1x1x8x496xf32, #tpu.memory_space<vmem>>
        %dma_wait3A_906 = tpu.memref_squeeze %dma_wait3A_905 : memref<1x1x8x496xf32, #tpu.memory_space<vmem>> -> memref<8x496xf32, #tpu.memory_space<vmem>>
        %dma_wait3A_907 = arith.constant 0 : i32
        %dma_wait3A_908 = tpu.memref_slice %arg4[%multiple_of3A_900, %dma_wait3A_907] : memref<110592x496xf32, #tpu.memory_space<hbm>> -> memref<8x496xf32, #tpu.memory_space<hbm>>
        %dma_wait3A_909 = arith.constant 0 : i32
        %dma_wait3A_910 = tpu.memref_slice %arg4[%multiple_of3A_900, %dma_wait3A_909] : memref<110592x496xf32, #tpu.memory_space<hbm>> -> memref<8x496xf32, #tpu.memory_space<hbm>>
        %dma_wait3A_911 = arith.constant 0 : i32
        %dma_wait3A_912 = arith.constant 0 : i32
        %dma_wait3A_913 = tpu.memref_slice %arg7[%dma_wait3A_901, %dma_wait3A_902, %dma_wait3A_911, %dma_wait3A_912] : memref<2x4x8x496xf32, #tpu.memory_space<vmem>> -> memref<1x1x8x496xf32, #tpu.memory_space<vmem>>
        %dma_wait3A_914 = tpu.memref_squeeze %dma_wait3A_913 : memref<1x1x8x496xf32, #tpu.memory_space<vmem>> -> memref<8x496xf32, #tpu.memory_space<vmem>>
        tpu.wait_dma2 semaphore(%arg10 : memref<!tpu.dma_semaphore, #tpu.memory_space<semaphore_mem>>) src(%dma_wait3A_914 : memref<8x496xf32, #tpu.memory_space<vmem>>) dst(%dma_wait3A_910 : memref<8x496xf32, #tpu.memory_space<hbm>>)
      } else {
      }
      %parallel_loop3A = arith.constant 0 : i32
      %parallel_loop3A_571 = arith.constant 248 : i32
      %parallel_loop3A_572 = arith.constant 1 : i32
      scf.for %parallel_loop3A_815 = %parallel_loop3A to %parallel_loop3A_571 step %parallel_loop3A_572  : i32 {
        %parallel_loop3A_816 = arith.constant 7 : i32
        %parallel_loop3A_817 = arith.andi %parallel_loop3A_815, %parallel_loop3A_816 : i32
        %parallel_loop3A_818 = arith.constant 3 : i32
        %parallel_loop3A_819 = arith.shrui %parallel_loop3A_815, %parallel_loop3A_818 : i32
        %parallel_loop3A_820 = arith.constant 4 : i32
        %parallel_loop3A_821 = arith.shli %parallel_loop3A_819, %parallel_loop3A_820 : i32
        %parallel_loop3A_822 = arith.constant 496 : i32
        %parallel_loop3A_823 = arith.muli %parallel_loop3A_817, %parallel_loop3A_822 : i32
        %parallel_loop3A_824 = arith.addi %parallel_loop3A_823, %parallel_loop3A_821 : i32
        %parallel_loop3A_825 = arith.constant 0 : i32
        %parallel_loop3A_826 = arith.index_cast %parallel_loop3A_825 : i32 to index
        %parallel_loop3A_827 = arith.index_cast %parallel_loop3A_824 : i32 to index
        %parallel_loop3A_828 = tpu.vector_load %arg6[%parallel_loop3A_826, %parallel_loop3A_827] {strides = array<i32>} : memref<2x3968xi32, #tpu.memory_space<vmem>>, vector<16xi32>,
        %parallel_loop3A_829 = arith.cmpi sge, %parallel_loop3A_828, %broadcast_in_dim3A_1 : vector<16xi32>
        %parallel_loop3A_830 = arith.maxsi %parallel_loop3A_828, %broadcast_in_dim3A_1 : vector<16xi32>
        %parallel_loop3A_831 = arith.constant 0 : i32
        %parallel_loop3A_832 = vector.broadcast %parallel_loop3A_831 : i32 to vector<16xi32>
        %parallel_loop3A_833 = arith.addi %parallel_loop3A_832, %parallel_loop3A_830 : vector<16xi32>
        %parallel_loop3A_834 = tpu.vector_load_idx %arg5[%parallel_loop3A_833] : memref<48000xf32, #tpu.memory_space<vmem>>[vector<16xi32>], vector<16xf32>,
        %parallel_loop3A_835 = arith.select %parallel_loop3A_829, %parallel_loop3A_834, %broadcast_in_dim3A_3 : vector<16xi1>, vector<16xf32>
        %parallel_loop3A_836 = arith.constant 0 : i32
        %parallel_loop3A_837 = arith.constant 0 : i32
        %parallel_loop3A_838 = arith.index_cast %parallel_loop3A_836 : i32 to index
        %parallel_loop3A_839 = arith.index_cast %parallel_loop3A_837 : i32 to index
        %parallel_loop3A_840 = arith.index_cast %parallel_loop3A_817 : i32 to index
        %parallel_loop3A_841 = arith.index_cast %parallel_loop3A_821 : i32 to index
        %parallel_loop3A_842 = tpu.vector_load %arg7[%parallel_loop3A_838, %parallel_loop3A_839, %parallel_loop3A_840, %parallel_loop3A_841] {strides = array<i32>} : memref<2x4x8x496xf32, #tpu.memory_space<vmem>>, vector<16xf32>,
        tpu.vector_store %arg7[%parallel_loop3A_838, %parallel_loop3A_839, %parallel_loop3A_840, %parallel_loop3A_841], %parallel_loop3A_835 {strides = array<i32>} : memref<2x4x8x496xf32, #tpu.memory_space<vmem>>, vector<16xf32>,
        %parallel_loop3A_843 = arith.constant 12000 : i32
        %parallel_loop3A_844 = vector.broadcast %parallel_loop3A_843 : i32 to vector<16xi32>
        %parallel_loop3A_845 = arith.addi %parallel_loop3A_844, %parallel_loop3A_830 : vector<16xi32>
        %parallel_loop3A_846 = tpu.vector_load_idx %arg5[%parallel_loop3A_845] : memref<48000xf32, #tpu.memory_space<vmem>>[vector<16xi32>], vector<16xf32>,
        %parallel_loop3A_847 = arith.select %parallel_loop3A_829, %parallel_loop3A_846, %broadcast_in_dim3A_3 : vector<16xi1>, vector<16xf32>
        %parallel_loop3A_848 = arith.constant 0 : i32
        %parallel_loop3A_849 = arith.constant 1 : i32
        %parallel_loop3A_850 = arith.index_cast %parallel_loop3A_848 : i32 to index
        %parallel_loop3A_851 = arith.index_cast %parallel_loop3A_849 : i32 to index
        %parallel_loop3A_852 = arith.index_cast %parallel_loop3A_817 : i32 to index
        %parallel_loop3A_853 = arith.index_cast %parallel_loop3A_821 : i32 to index
        %parallel_loop3A_854 = tpu.vector_load %arg7[%parallel_loop3A_850, %parallel_loop3A_851, %parallel_loop3A_852, %parallel_loop3A_853] {strides = array<i32>} : memref<2x4x8x496xf32, #tpu.memory_space<vmem>>, vector<16xf32>,
        tpu.vector_store %arg7[%parallel_loop3A_850, %parallel_loop3A_851, %parallel_loop3A_852, %parallel_loop3A_853], %parallel_loop3A_847 {strides = array<i32>} : memref<2x4x8x496xf32, #tpu.memory_space<vmem>>, vector<16xf32>,
        %parallel_loop3A_855 = arith.constant 24000 : i32
        %parallel_loop3A_856 = vector.broadcast %parallel_loop3A_855 : i32 to vector<16xi32>
        %parallel_loop3A_857 = arith.addi %parallel_loop3A_856, %parallel_loop3A_830 : vector<16xi32>
        %parallel_loop3A_858 = tpu.vector_load_idx %arg5[%parallel_loop3A_857] : memref<48000xf32, #tpu.memory_space<vmem>>[vector<16xi32>], vector<16xf32>,
        %parallel_loop3A_859 = arith.select %parallel_loop3A_829, %parallel_loop3A_858, %broadcast_in_dim3A_3 : vector<16xi1>, vector<16xf32>
        %parallel_loop3A_860 = arith.constant 0 : i32
        %parallel_loop3A_861 = arith.constant 2 : i32
        %parallel_loop3A_862 = arith.index_cast %parallel_loop3A_860 : i32 to index
        %parallel_loop3A_863 = arith.index_cast %parallel_loop3A_861 : i32 to index
        %parallel_loop3A_864 = arith.index_cast %parallel_loop3A_817 : i32 to index
        %parallel_loop3A_865 = arith.index_cast %parallel_loop3A_821 : i32 to index
        %parallel_loop3A_866 = tpu.vector_load %arg7[%parallel_loop3A_862, %parallel_loop3A_863, %parallel_loop3A_864, %parallel_loop3A_865] {strides = array<i32>} : memref<2x4x8x496xf32, #tpu.memory_space<vmem>>, vector<16xf32>,
        tpu.vector_store %arg7[%parallel_loop3A_862, %parallel_loop3A_863, %parallel_loop3A_864, %parallel_loop3A_865], %parallel_loop3A_859 {strides = array<i32>} : memref<2x4x8x496xf32, #tpu.memory_space<vmem>>, vector<16xf32>,
        %parallel_loop3A_867 = arith.constant 36000 : i32
        %parallel_loop3A_868 = vector.broadcast %parallel_loop3A_867 : i32 to vector<16xi32>
        %parallel_loop3A_869 = arith.addi %parallel_loop3A_868, %parallel_loop3A_830 : vector<16xi32>
        %parallel_loop3A_870 = tpu.vector_load_idx %arg5[%parallel_loop3A_869] : memref<48000xf32, #tpu.memory_space<vmem>>[vector<16xi32>], vector<16xf32>,
        %parallel_loop3A_871 = arith.select %parallel_loop3A_829, %parallel_loop3A_870, %broadcast_in_dim3A_3 : vector<16xi1>, vector<16xf32>
        %parallel_loop3A_872 = arith.constant 0 : i32
        %parallel_loop3A_873 = arith.constant 3 : i32
        %parallel_loop3A_874 = arith.index_cast %parallel_loop3A_872 : i32 to index
        %parallel_loop3A_875 = arith.index_cast %parallel_loop3A_873 : i32 to index
        %parallel_loop3A_876 = arith.index_cast %parallel_loop3A_817 : i32 to index
        %parallel_loop3A_877 = arith.index_cast %parallel_loop3A_821 : i32 to index
        %parallel_loop3A_878 = tpu.vector_load %arg7[%parallel_loop3A_874, %parallel_loop3A_875, %parallel_loop3A_876, %parallel_loop3A_877] {strides = array<i32>} : memref<2x4x8x496xf32, #tpu.memory_space<vmem>>, vector<16xf32>,
        tpu.vector_store %arg7[%parallel_loop3A_874, %parallel_loop3A_875, %parallel_loop3A_876, %parallel_loop3A_877], %parallel_loop3A_871 {strides = array<i32>} : memref<2x4x8x496xf32, #tpu.memory_space<vmem>>, vector<16xf32>,
      } {sc.loop_unroll_factor = 8 : i64, sc.parallel_access}
      %mul3A_573 = arith.constant 64 : i32
      %mul3A_574 = arith.muli %select_n3A_296, %mul3A_573 : i32
      %add3A_575 = arith.addi %mul3A_574, %mul3A_314 : i32
      %add3A_576 = arith.constant 0 : i32
      %add3A_577 = arith.addi %add3A_575, %add3A_576 : i32
      %mul3A_578 = arith.constant 432 : i32
      %mul3A_579 = arith.muli %add3A_577, %mul3A_578 : i32
      %mul3A_580 = arith.constant 8 : i32
      %mul3A_581 = arith.muli %add3A_553, %mul3A_580 : i32
      %add3A_582 = arith.addi %mul3A_579, %mul3A_581 : i32
      %multiple_of3A_583 = tpu.assume_multiple %add3A_582, 8 : i32
      %dma_start3A_584 = arith.constant 0 : i32
      %dma_start3A_585 = arith.constant 0 : i32
      %dma_start3A_586 = arith.constant 0 : i32
      %dma_start3A_587 = arith.constant 0 : i32
      %dma_start3A_588 = tpu.memref_slice %arg7[%dma_start3A_584, %dma_start3A_585, %dma_start3A_586, %dma_start3A_587] : memref<2x4x8x496xf32, #tpu.memory_space<vmem>> -> memref<1x1x8x496xf32, #tpu.memory_space<vmem>>
      %dma_start3A_589 = tpu.memref_squeeze %dma_start3A_588 : memref<1x1x8x496xf32, #tpu.memory_space<vmem>> -> memref<8x496xf32, #tpu.memory_space<vmem>>
      %dma_start3A_590 = arith.constant 0 : i32
      %dma_start3A_591 = tpu.memref_slice %arg4[%multiple_of3A_583, %dma_start3A_590] : memref<110592x496xf32, #tpu.memory_space<hbm>> -> memref<8x496xf32, #tpu.memory_space<hbm>>
      %dma_start3A_592 = arith.constant 0 : i32
      %dma_start3A_593 = tpu.memref_slice %arg4[%multiple_of3A_583, %dma_start3A_592] : memref<110592x496xf32, #tpu.memory_space<hbm>> -> memref<8x496xf32, #tpu.memory_space<hbm>>
      %dma_start3A_594 = arith.constant 0 : i32
      %dma_start3A_595 = arith.constant 0 : i32
      %dma_start3A_596 = tpu.memref_slice %arg7[%dma_start3A_584, %dma_start3A_585, %dma_start3A_594, %dma_start3A_595] : memref<2x4x8x496xf32, #tpu.memory_space<vmem>> -> memref<1x1x8x496xf32, #tpu.memory_space<vmem>>
      %dma_start3A_597 = tpu.memref_squeeze %dma_start3A_596 : memref<1x1x8x496xf32, #tpu.memory_space<vmem>> -> memref<8x496xf32, #tpu.memory_space<vmem>>
      tpu.enqueue_dma source(%dma_start3A_597 : memref<8x496xf32, #tpu.memory_space<vmem>>) target(%dma_start3A_593 : memref<8x496xf32, #tpu.memory_space<hbm>>) target_semaphore(%arg10 : memref<!tpu.dma_semaphore, #tpu.memory_space<semaphore_mem>>)
      %mul3A_598 = arith.constant 64 : i32
      %mul3A_599 = arith.muli %select_n3A_296, %mul3A_598 : i32
      %add3A_600 = arith.addi %mul3A_599, %mul3A_314 : i32
      %add3A_601 = arith.constant 1 : i32
      %add3A_602 = arith.addi %add3A_600, %add3A_601 : i32
      %mul3A_603 = arith.constant 432 : i32
      %mul3A_604 = arith.muli %add3A_602, %mul3A_603 : i32
      %mul3A_605 = arith.constant 8 : i32
      %mul3A_606 = arith.muli %add3A_553, %mul3A_605 : i32
      %add3A_607 = arith.addi %mul3A_604, %mul3A_606 : i32
      %multiple_of3A_608 = tpu.assume_multiple %add3A_607, 8 : i32
      %dma_start3A_609 = arith.constant 0 : i32
      %dma_start3A_610 = arith.constant 1 : i32
      %dma_start3A_611 = arith.constant 0 : i32
      %dma_start3A_612 = arith.constant 0 : i32
      %dma_start3A_613 = tpu.memref_slice %arg7[%dma_start3A_609, %dma_start3A_610, %dma_start3A_611, %dma_start3A_612] : memref<2x4x8x496xf32, #tpu.memory_space<vmem>> -> memref<1x1x8x496xf32, #tpu.memory_space<vmem>>
      %dma_start3A_614 = tpu.memref_squeeze %dma_start3A_613 : memref<1x1x8x496xf32, #tpu.memory_space<vmem>> -> memref<8x496xf32, #tpu.memory_space<vmem>>
      %dma_start3A_615 = arith.constant 0 : i32
      %dma_start3A_616 = tpu.memref_slice %arg4[%multiple_of3A_608, %dma_start3A_615] : memref<110592x496xf32, #tpu.memory_space<hbm>> -> memref<8x496xf32, #tpu.memory_space<hbm>>
      %dma_start3A_617 = arith.constant 0 : i32
      %dma_start3A_618 = tpu.memref_slice %arg4[%multiple_of3A_608, %dma_start3A_617] : memref<110592x496xf32, #tpu.memory_space<hbm>> -> memref<8x496xf32, #tpu.memory_space<hbm>>
      %dma_start3A_619 = arith.constant 0 : i32
      %dma_start3A_620 = arith.constant 0 : i32
      %dma_start3A_621 = tpu.memref_slice %arg7[%dma_start3A_609, %dma_start3A_610, %dma_start3A_619, %dma_start3A_620] : memref<2x4x8x496xf32, #tpu.memory_space<vmem>> -> memref<1x1x8x496xf32, #tpu.memory_space<vmem>>
      %dma_start3A_622 = tpu.memref_squeeze %dma_start3A_621 : memref<1x1x8x496xf32, #tpu.memory_space<vmem>> -> memref<8x496xf32, #tpu.memory_space<vmem>>
      tpu.enqueue_dma source(%dma_start3A_622 : memref<8x496xf32, #tpu.memory_space<vmem>>) target(%dma_start3A_618 : memref<8x496xf32, #tpu.memory_space<hbm>>) target_semaphore(%arg10 : memref<!tpu.dma_semaphore, #tpu.memory_space<semaphore_mem>>)
      %mul3A_623 = arith.constant 64 : i32
      %mul3A_624 = arith.muli %select_n3A_296, %mul3A_623 : i32
      %add3A_625 = arith.addi %mul3A_624, %mul3A_314 : i32
      %add3A_626 = arith.constant 2 : i32
      %add3A_627 = arith.addi %add3A_625, %add3A_626 : i32
      %mul3A_628 = arith.constant 432 : i32
      %mul3A_629 = arith.muli %add3A_627, %mul3A_628 : i32
      %mul3A_630 = arith.constant 8 : i32
      %mul3A_631 = arith.muli %add3A_553, %mul3A_630 : i32
      %add3A_632 = arith.addi %mul3A_629, %mul3A_631 : i32
      %multiple_of3A_633 = tpu.assume_multiple %add3A_632, 8 : i32
      %dma_start3A_634 = arith.constant 0 : i32
      %dma_start3A_635 = arith.constant 2 : i32
      %dma_start3A_636 = arith.constant 0 : i32
      %dma_start3A_637 = arith.constant 0 : i32
      %dma_start3A_638 = tpu.memref_slice %arg7[%dma_start3A_634, %dma_start3A_635, %dma_start3A_636, %dma_start3A_637] : memref<2x4x8x496xf32, #tpu.memory_space<vmem>> -> memref<1x1x8x496xf32, #tpu.memory_space<vmem>>
      %dma_start3A_639 = tpu.memref_squeeze %dma_start3A_638 : memref<1x1x8x496xf32, #tpu.memory_space<vmem>> -> memref<8x496xf32, #tpu.memory_space<vmem>>
      %dma_start3A_640 = arith.constant 0 : i32
      %dma_start3A_641 = tpu.memref_slice %arg4[%multiple_of3A_633, %dma_start3A_640] : memref<110592x496xf32, #tpu.memory_space<hbm>> -> memref<8x496xf32, #tpu.memory_space<hbm>>
      %dma_start3A_642 = arith.constant 0 : i32
      %dma_start3A_643 = tpu.memref_slice %arg4[%multiple_of3A_633, %dma_start3A_642] : memref<110592x496xf32, #tpu.memory_space<hbm>> -> memref<8x496xf32, #tpu.memory_space<hbm>>
      %dma_start3A_644 = arith.constant 0 : i32
      %dma_start3A_645 = arith.constant 0 : i32
      %dma_start3A_646 = tpu.memref_slice %arg7[%dma_start3A_634, %dma_start3A_635, %dma_start3A_644, %dma_start3A_645] : memref<2x4x8x496xf32, #tpu.memory_space<vmem>> -> memref<1x1x8x496xf32, #tpu.memory_space<vmem>>
      %dma_start3A_647 = tpu.memref_squeeze %dma_start3A_646 : memref<1x1x8x496xf32, #tpu.memory_space<vmem>> -> memref<8x496xf32, #tpu.memory_space<vmem>>
      tpu.enqueue_dma source(%dma_start3A_647 : memref<8x496xf32, #tpu.memory_space<vmem>>) target(%dma_start3A_643 : memref<8x496xf32, #tpu.memory_space<hbm>>) target_semaphore(%arg10 : memref<!tpu.dma_semaphore, #tpu.memory_space<semaphore_mem>>)
      %mul3A_648 = arith.constant 64 : i32
      %mul3A_649 = arith.muli %select_n3A_296, %mul3A_648 : i32
      %add3A_650 = arith.addi %mul3A_649, %mul3A_314 : i32
      %add3A_651 = arith.constant 3 : i32
      %add3A_652 = arith.addi %add3A_650, %add3A_651 : i32
      %mul3A_653 = arith.constant 432 : i32
      %mul3A_654 = arith.muli %add3A_652, %mul3A_653 : i32
      %mul3A_655 = arith.constant 8 : i32
      %mul3A_656 = arith.muli %add3A_553, %mul3A_655 : i32
      %add3A_657 = arith.addi %mul3A_654, %mul3A_656 : i32
      %multiple_of3A_658 = tpu.assume_multiple %add3A_657, 8 : i32
      %dma_start3A_659 = arith.constant 0 : i32
      %dma_start3A_660 = arith.constant 3 : i32
      %dma_start3A_661 = arith.constant 0 : i32
      %dma_start3A_662 = arith.constant 0 : i32
      %dma_start3A_663 = tpu.memref_slice %arg7[%dma_start3A_659, %dma_start3A_660, %dma_start3A_661, %dma_start3A_662] : memref<2x4x8x496xf32, #tpu.memory_space<vmem>> -> memref<1x1x8x496xf32, #tpu.memory_space<vmem>>
      %dma_start3A_664 = tpu.memref_squeeze %dma_start3A_663 : memref<1x1x8x496xf32, #tpu.memory_space<vmem>> -> memref<8x496xf32, #tpu.memory_space<vmem>>
      %dma_start3A_665 = arith.constant 0 : i32
      %dma_start3A_666 = tpu.memref_slice %arg4[%multiple_of3A_658, %dma_start3A_665] : memref<110592x496xf32, #tpu.memory_space<hbm>> -> memref<8x496xf32, #tpu.memory_space<hbm>>
      %dma_start3A_667 = arith.constant 0 : i32
      %dma_start3A_668 = tpu.memref_slice %arg4[%multiple_of3A_658, %dma_start3A_667] : memref<110592x496xf32, #tpu.memory_space<hbm>> -> memref<8x496xf32, #tpu.memory_space<hbm>>
      %dma_start3A_669 = arith.constant 0 : i32
      %dma_start3A_670 = arith.constant 0 : i32
      %dma_start3A_671 = tpu.memref_slice %arg7[%dma_start3A_659, %dma_start3A_660, %dma_start3A_669, %dma_start3A_670] : memref<2x4x8x496xf32, #tpu.memory_space<vmem>> -> memref<1x1x8x496xf32, #tpu.memory_space<vmem>>
      %dma_start3A_672 = tpu.memref_squeeze %dma_start3A_671 : memref<1x1x8x496xf32, #tpu.memory_space<vmem>> -> memref<8x496xf32, #tpu.memory_space<vmem>>
      tpu.enqueue_dma source(%dma_start3A_672 : memref<8x496xf32, #tpu.memory_space<vmem>>) target(%dma_start3A_668 : memref<8x496xf32, #tpu.memory_space<hbm>>) target_semaphore(%arg10 : memref<!tpu.dma_semaphore, #tpu.memory_space<semaphore_mem>>)
      %add3A_673 = arith.constant 2 : i32
      %add3A_674 = arith.addi %add3A_553, %add3A_673 : i32
      %lt3A_675 = arith.constant 54 : i32
      %lt3A_676 = arith.cmpi slt, %add3A_674, %lt3A_675 : i32
      %convert_element_type3A_677 = arith.extui %lt3A_676 : i1 to i32
      %cond3A_678 = arith.constant 0 : i32
      %cond3A_679 = arith.cmpi ne, %convert_element_type3A_677, %cond3A_678 : i32
      scf.if %cond3A_679 {
        %add3A_815 = arith.constant 2 : i32
        %add3A_816 = arith.addi %add3A_553, %add3A_815 : i32
        %mul3A_817 = arith.constant 214272 : i32
        %mul3A_818 = arith.muli %select_n3A_296, %mul3A_817 : i32
        %mul3A_819 = arith.constant 3968 : i32
        %mul3A_820 = arith.muli %add3A_816, %mul3A_819 : i32
        %add3A_821 = arith.addi %mul3A_818, %mul3A_820 : i32
        %multiple_of3A_822 = tpu.assume_multiple %add3A_821, 8 : i32
        %dma_start3A_823 = arith.constant 0 : i32
        %dma_start3A_824 = arith.constant 0 : i32
        %dma_start3A_825 = tpu.memref_slice %arg6[%dma_start3A_823, %dma_start3A_824] : memref<2x3968xi32, #tpu.memory_space<vmem>> -> memref<1x3968xi32, #tpu.memory_space<vmem>>
        %dma_start3A_826 = tpu.memref_squeeze %dma_start3A_825 : memref<1x3968xi32, #tpu.memory_space<vmem>> -> memref<3968xi32, #tpu.memory_space<vmem>>
        %dma_start3A_827 = tpu.memref_slice %arg3[%multiple_of3A_822] : memref<857088xi32, #tpu.memory_space<hbm>> -> memref<3968xi32, #tpu.memory_space<hbm>>
        %dma_start3A_828 = arith.constant 0 : i32
        %dma_start3A_829 = tpu.memref_slice %arg6[%dma_start3A_823, %dma_start3A_828] : memref<2x3968xi32, #tpu.memory_space<vmem>> -> memref<1x3968xi32, #tpu.memory_space<vmem>>
        %dma_start3A_830 = tpu.memref_squeeze %dma_start3A_829 : memref<1x3968xi32, #tpu.memory_space<vmem>> -> memref<3968xi32, #tpu.memory_space<vmem>>
        %dma_start3A_831 = tpu.memref_slice %arg3[%multiple_of3A_822] : memref<857088xi32, #tpu.memory_space<hbm>> -> memref<3968xi32, #tpu.memory_space<hbm>>
        tpu.enqueue_dma source(%dma_start3A_831 : memref<3968xi32, #tpu.memory_space<hbm>>) target(%dma_start3A_830 : memref<3968xi32, #tpu.memory_space<vmem>>) target_semaphore(%arg8 : memref<!tpu.dma_semaphore, #tpu.memory_space<semaphore_mem>>)
      } else {
      }
      %mul3A_680 = arith.constant 2 : i32
      %mul3A_681 = arith.muli %mul3A_680, %scan3A_548 : i32
      %add3A_682 = arith.constant 1 : i32
      %add3A_683 = arith.addi %mul3A_681, %add3A_682 : i32
      %mul3A_684 = arith.constant 214272 : i32
      %mul3A_685 = arith.muli %select_n3A_296, %mul3A_684 : i32
      %mul3A_686 = arith.constant 3968 : i32
      %mul3A_687 = arith.muli %add3A_683, %mul3A_686 : i32
      %add3A_688 = arith.addi %mul3A_685, %mul3A_687 : i32
      %multiple_of3A_689 = tpu.assume_multiple %add3A_688, 8 : i32
      %dma_wait3A_690 = arith.constant 1 : i32
      %dma_wait3A_691 = arith.constant 0 : i32
      %dma_wait3A_692 = tpu.memref_slice %arg6[%dma_wait3A_690, %dma_wait3A_691] : memref<2x3968xi32, #tpu.memory_space<vmem>> -> memref<1x3968xi32, #tpu.memory_space<vmem>>
      %dma_wait3A_693 = tpu.memref_squeeze %dma_wait3A_692 : memref<1x3968xi32, #tpu.memory_space<vmem>> -> memref<3968xi32, #tpu.memory_space<vmem>>
      %dma_wait3A_694 = tpu.memref_slice %arg3[%multiple_of3A_689] : memref<857088xi32, #tpu.memory_space<hbm>> -> memref<3968xi32, #tpu.memory_space<hbm>>
      %dma_wait3A_695 = arith.constant 0 : i32
      %dma_wait3A_696 = tpu.memref_slice %arg6[%dma_wait3A_690, %dma_wait3A_695] : memref<2x3968xi32, #tpu.memory_space<vmem>> -> memref<1x3968xi32, #tpu.memory_space<vmem>>
      %dma_wait3A_697 = tpu.memref_squeeze %dma_wait3A_696 : memref<1x3968xi32, #tpu.memory_space<vmem>> -> memref<3968xi32, #tpu.memory_space<vmem>>
      %dma_wait3A_698 = tpu.memref_slice %arg3[%multiple_of3A_689] : memref<857088xi32, #tpu.memory_space<hbm>> -> memref<3968xi32, #tpu.memory_space<hbm>>
      tpu.wait_dma2 semaphore(%arg9 : memref<!tpu.dma_semaphore, #tpu.memory_space<semaphore_mem>>) src(%dma_wait3A_698 : memref<3968xi32, #tpu.memory_space<hbm>>) dst(%dma_wait3A_697 : memref<3968xi32, #tpu.memory_space<vmem>>)
      %gt3A_699 = arith.constant 0 : i32
      %gt3A_700 = arith.cmpi sgt, %scan3A_548, %gt3A_699 : i32
      %convert_element_type3A_701 = arith.extui %gt3A_700 : i1 to i32
      %cond3A_702 = arith.constant 0 : i32
      %cond3A_703 = arith.cmpi ne, %convert_element_type3A_701, %cond3A_702 : i32
      scf.if %cond3A_703 {
        %mul3A_815 = arith.constant 64 : i32
        %mul3A_816 = arith.muli %select_n3A_296, %mul3A_815 : i32
        %add3A_817 = arith.addi %mul3A_816, %mul3A_314 : i32
        %add3A_818 = arith.constant 0 : i32
        %add3A_819 = arith.addi %add3A_817, %add3A_818 : i32
        %mul3A_820 = arith.constant 432 : i32
        %mul3A_821 = arith.muli %add3A_819, %mul3A_820 : i32
        %mul3A_822 = arith.constant 8 : i32
        %mul3A_823 = arith.muli %add3A_683, %mul3A_822 : i32
        %add3A_824 = arith.addi %mul3A_821, %mul3A_823 : i32
        %multiple_of3A_825 = tpu.assume_multiple %add3A_824, 8 : i32
        %dma_wait3A_826 = arith.constant 1 : i32
        %dma_wait3A_827 = arith.constant 0 : i32
        %dma_wait3A_828 = arith.constant 0 : i32
        %dma_wait3A_829 = arith.constant 0 : i32
        %dma_wait3A_830 = tpu.memref_slice %arg7[%dma_wait3A_826, %dma_wait3A_827, %dma_wait3A_828, %dma_wait3A_829] : memref<2x4x8x496xf32, #tpu.memory_space<vmem>> -> memref<1x1x8x496xf32, #tpu.memory_space<vmem>>
        %dma_wait3A_831 = tpu.memref_squeeze %dma_wait3A_830 : memref<1x1x8x496xf32, #tpu.memory_space<vmem>> -> memref<8x496xf32, #tpu.memory_space<vmem>>
        %dma_wait3A_832 = arith.constant 0 : i32
        %dma_wait3A_833 = tpu.memref_slice %arg4[%multiple_of3A_825, %dma_wait3A_832] : memref<110592x496xf32, #tpu.memory_space<hbm>> -> memref<8x496xf32, #tpu.memory_space<hbm>>
        %dma_wait3A_834 = arith.constant 0 : i32
        %dma_wait3A_835 = tpu.memref_slice %arg4[%multiple_of3A_825, %dma_wait3A_834] : memref<110592x496xf32, #tpu.memory_space<hbm>> -> memref<8x496xf32, #tpu.memory_space<hbm>>
        %dma_wait3A_836 = arith.constant 0 : i32
        %dma_wait3A_837 = arith.constant 0 : i32
        %dma_wait3A_838 = tpu.memref_slice %arg7[%dma_wait3A_826, %dma_wait3A_827, %dma_wait3A_836, %dma_wait3A_837] : memref<2x4x8x496xf32, #tpu.memory_space<vmem>> -> memref<1x1x8x496xf32, #tpu.memory_space<vmem>>
        %dma_wait3A_839 = tpu.memref_squeeze %dma_wait3A_838 : memref<1x1x8x496xf32, #tpu.memory_space<vmem>> -> memref<8x496xf32, #tpu.memory_space<vmem>>
        tpu.wait_dma2 semaphore(%arg11 : memref<!tpu.dma_semaphore, #tpu.memory_space<semaphore_mem>>) src(%dma_wait3A_839 : memref<8x496xf32, #tpu.memory_space<vmem>>) dst(%dma_wait3A_835 : memref<8x496xf32, #tpu.memory_space<hbm>>)
        %mul3A_840 = arith.constant 64 : i32
        %mul3A_841 = arith.muli %select_n3A_296, %mul3A_840 : i32
        %add3A_842 = arith.addi %mul3A_841, %mul3A_314 : i32
        %add3A_843 = arith.constant 1 : i32
        %add3A_844 = arith.addi %add3A_842, %add3A_843 : i32
        %mul3A_845 = arith.constant 432 : i32
        %mul3A_846 = arith.muli %add3A_844, %mul3A_845 : i32
        %mul3A_847 = arith.constant 8 : i32
        %mul3A_848 = arith.muli %add3A_683, %mul3A_847 : i32
        %add3A_849 = arith.addi %mul3A_846, %mul3A_848 : i32
        %multiple_of3A_850 = tpu.assume_multiple %add3A_849, 8 : i32
        %dma_wait3A_851 = arith.constant 1 : i32
        %dma_wait3A_852 = arith.constant 1 : i32
        %dma_wait3A_853 = arith.constant 0 : i32
        %dma_wait3A_854 = arith.constant 0 : i32
        %dma_wait3A_855 = tpu.memref_slice %arg7[%dma_wait3A_851, %dma_wait3A_852, %dma_wait3A_853, %dma_wait3A_854] : memref<2x4x8x496xf32, #tpu.memory_space<vmem>> -> memref<1x1x8x496xf32, #tpu.memory_space<vmem>>
        %dma_wait3A_856 = tpu.memref_squeeze %dma_wait3A_855 : memref<1x1x8x496xf32, #tpu.memory_space<vmem>> -> memref<8x496xf32, #tpu.memory_space<vmem>>
        %dma_wait3A_857 = arith.constant 0 : i32
        %dma_wait3A_858 = tpu.memref_slice %arg4[%multiple_of3A_850, %dma_wait3A_857] : memref<110592x496xf32, #tpu.memory_space<hbm>> -> memref<8x496xf32, #tpu.memory_space<hbm>>
        %dma_wait3A_859 = arith.constant 0 : i32
        %dma_wait3A_860 = tpu.memref_slice %arg4[%multiple_of3A_850, %dma_wait3A_859] : memref<110592x496xf32, #tpu.memory_space<hbm>> -> memref<8x496xf32, #tpu.memory_space<hbm>>
        %dma_wait3A_861 = arith.constant 0 : i32
        %dma_wait3A_862 = arith.constant 0 : i32
        %dma_wait3A_863 = tpu.memref_slice %arg7[%dma_wait3A_851, %dma_wait3A_852, %dma_wait3A_861, %dma_wait3A_862] : memref<2x4x8x496xf32, #tpu.memory_space<vmem>> -> memref<1x1x8x496xf32, #tpu.memory_space<vmem>>
        %dma_wait3A_864 = tpu.memref_squeeze %dma_wait3A_863 : memref<1x1x8x496xf32, #tpu.memory_space<vmem>> -> memref<8x496xf32, #tpu.memory_space<vmem>>
        tpu.wait_dma2 semaphore(%arg11 : memref<!tpu.dma_semaphore, #tpu.memory_space<semaphore_mem>>) src(%dma_wait3A_864 : memref<8x496xf32, #tpu.memory_space<vmem>>) dst(%dma_wait3A_860 : memref<8x496xf32, #tpu.memory_space<hbm>>)
        %mul3A_865 = arith.constant 64 : i32
        %mul3A_866 = arith.muli %select_n3A_296, %mul3A_865 : i32
        %add3A_867 = arith.addi %mul3A_866, %mul3A_314 : i32
        %add3A_868 = arith.constant 2 : i32
        %add3A_869 = arith.addi %add3A_867, %add3A_868 : i32
        %mul3A_870 = arith.constant 432 : i32
        %mul3A_871 = arith.muli %add3A_869, %mul3A_870 : i32
        %mul3A_872 = arith.constant 8 : i32
        %mul3A_873 = arith.muli %add3A_683, %mul3A_872 : i32
        %add3A_874 = arith.addi %mul3A_871, %mul3A_873 : i32
        %multiple_of3A_875 = tpu.assume_multiple %add3A_874, 8 : i32
        %dma_wait3A_876 = arith.constant 1 : i32
        %dma_wait3A_877 = arith.constant 2 : i32
        %dma_wait3A_878 = arith.constant 0 : i32
        %dma_wait3A_879 = arith.constant 0 : i32
        %dma_wait3A_880 = tpu.memref_slice %arg7[%dma_wait3A_876, %dma_wait3A_877, %dma_wait3A_878, %dma_wait3A_879] : memref<2x4x8x496xf32, #tpu.memory_space<vmem>> -> memref<1x1x8x496xf32, #tpu.memory_space<vmem>>
        %dma_wait3A_881 = tpu.memref_squeeze %dma_wait3A_880 : memref<1x1x8x496xf32, #tpu.memory_space<vmem>> -> memref<8x496xf32, #tpu.memory_space<vmem>>
        %dma_wait3A_882 = arith.constant 0 : i32
        %dma_wait3A_883 = tpu.memref_slice %arg4[%multiple_of3A_875, %dma_wait3A_882] : memref<110592x496xf32, #tpu.memory_space<hbm>> -> memref<8x496xf32, #tpu.memory_space<hbm>>
        %dma_wait3A_884 = arith.constant 0 : i32
        %dma_wait3A_885 = tpu.memref_slice %arg4[%multiple_of3A_875, %dma_wait3A_884] : memref<110592x496xf32, #tpu.memory_space<hbm>> -> memref<8x496xf32, #tpu.memory_space<hbm>>
        %dma_wait3A_886 = arith.constant 0 : i32
        %dma_wait3A_887 = arith.constant 0 : i32
        %dma_wait3A_888 = tpu.memref_slice %arg7[%dma_wait3A_876, %dma_wait3A_877, %dma_wait3A_886, %dma_wait3A_887] : memref<2x4x8x496xf32, #tpu.memory_space<vmem>> -> memref<1x1x8x496xf32, #tpu.memory_space<vmem>>
        %dma_wait3A_889 = tpu.memref_squeeze %dma_wait3A_888 : memref<1x1x8x496xf32, #tpu.memory_space<vmem>> -> memref<8x496xf32, #tpu.memory_space<vmem>>
        tpu.wait_dma2 semaphore(%arg11 : memref<!tpu.dma_semaphore, #tpu.memory_space<semaphore_mem>>) src(%dma_wait3A_889 : memref<8x496xf32, #tpu.memory_space<vmem>>) dst(%dma_wait3A_885 : memref<8x496xf32, #tpu.memory_space<hbm>>)
        %mul3A_890 = arith.constant 64 : i32
        %mul3A_891 = arith.muli %select_n3A_296, %mul3A_890 : i32
        %add3A_892 = arith.addi %mul3A_891, %mul3A_314 : i32
        %add3A_893 = arith.constant 3 : i32
        %add3A_894 = arith.addi %add3A_892, %add3A_893 : i32
        %mul3A_895 = arith.constant 432 : i32
        %mul3A_896 = arith.muli %add3A_894, %mul3A_895 : i32
        %mul3A_897 = arith.constant 8 : i32
        %mul3A_898 = arith.muli %add3A_683, %mul3A_897 : i32
        %add3A_899 = arith.addi %mul3A_896, %mul3A_898 : i32
        %multiple_of3A_900 = tpu.assume_multiple %add3A_899, 8 : i32
        %dma_wait3A_901 = arith.constant 1 : i32
        %dma_wait3A_902 = arith.constant 3 : i32
        %dma_wait3A_903 = arith.constant 0 : i32
        %dma_wait3A_904 = arith.constant 0 : i32
        %dma_wait3A_905 = tpu.memref_slice %arg7[%dma_wait3A_901, %dma_wait3A_902, %dma_wait3A_903, %dma_wait3A_904] : memref<2x4x8x496xf32, #tpu.memory_space<vmem>> -> memref<1x1x8x496xf32, #tpu.memory_space<vmem>>
        %dma_wait3A_906 = tpu.memref_squeeze %dma_wait3A_905 : memref<1x1x8x496xf32, #tpu.memory_space<vmem>> -> memref<8x496xf32, #tpu.memory_space<vmem>>
        %dma_wait3A_907 = arith.constant 0 : i32
        %dma_wait3A_908 = tpu.memref_slice %arg4[%multiple_of3A_900, %dma_wait3A_907] : memref<110592x496xf32, #tpu.memory_space<hbm>> -> memref<8x496xf32, #tpu.memory_space<hbm>>
        %dma_wait3A_909 = arith.constant 0 : i32
        %dma_wait3A_910 = tpu.memref_slice %arg4[%multiple_of3A_900, %dma_wait3A_909] : memref<110592x496xf32, #tpu.memory_space<hbm>> -> memref<8x496xf32, #tpu.memory_space<hbm>>
        %dma_wait3A_911 = arith.constant 0 : i32
        %dma_wait3A_912 = arith.constant 0 : i32
        %dma_wait3A_913 = tpu.memref_slice %arg7[%dma_wait3A_901, %dma_wait3A_902, %dma_wait3A_911, %dma_wait3A_912] : memref<2x4x8x496xf32, #tpu.memory_space<vmem>> -> memref<1x1x8x496xf32, #tpu.memory_space<vmem>>
        %dma_wait3A_914 = tpu.memref_squeeze %dma_wait3A_913 : memref<1x1x8x496xf32, #tpu.memory_space<vmem>> -> memref<8x496xf32, #tpu.memory_space<vmem>>
        tpu.wait_dma2 semaphore(%arg11 : memref<!tpu.dma_semaphore, #tpu.memory_space<semaphore_mem>>) src(%dma_wait3A_914 : memref<8x496xf32, #tpu.memory_space<vmem>>) dst(%dma_wait3A_910 : memref<8x496xf32, #tpu.memory_space<hbm>>)
      } else {
      }
      %parallel_loop3A_704 = arith.constant 0 : i32
      %parallel_loop3A_705 = arith.constant 248 : i32
      %parallel_loop3A_706 = arith.constant 1 : i32
      scf.for %parallel_loop3A_815 = %parallel_loop3A_704 to %parallel_loop3A_705 step %parallel_loop3A_706  : i32 {
        %parallel_loop3A_816 = arith.constant 7 : i32
        %parallel_loop3A_817 = arith.andi %parallel_loop3A_815, %parallel_loop3A_816 : i32
        %parallel_loop3A_818 = arith.constant 3 : i32
        %parallel_loop3A_819 = arith.shrui %parallel_loop3A_815, %parallel_loop3A_818 : i32
        %parallel_loop3A_820 = arith.constant 4 : i32
        %parallel_loop3A_821 = arith.shli %parallel_loop3A_819, %parallel_loop3A_820 : i32
        %parallel_loop3A_822 = arith.constant 496 : i32
        %parallel_loop3A_823 = arith.muli %parallel_loop3A_817, %parallel_loop3A_822 : i32
        %parallel_loop3A_824 = arith.addi %parallel_loop3A_823, %parallel_loop3A_821 : i32
        %parallel_loop3A_825 = arith.constant 1 : i32
        %parallel_loop3A_826 = arith.index_cast %parallel_loop3A_825 : i32 to index
        %parallel_loop3A_827 = arith.index_cast %parallel_loop3A_824 : i32 to index
        %parallel_loop3A_828 = tpu.vector_load %arg6[%parallel_loop3A_826, %parallel_loop3A_827] {strides = array<i32>} : memref<2x3968xi32, #tpu.memory_space<vmem>>, vector<16xi32>,
        %parallel_loop3A_829 = arith.cmpi sge, %parallel_loop3A_828, %broadcast_in_dim3A_1 : vector<16xi32>
        %parallel_loop3A_830 = arith.maxsi %parallel_loop3A_828, %broadcast_in_dim3A_1 : vector<16xi32>
        %parallel_loop3A_831 = arith.constant 0 : i32
        %parallel_loop3A_832 = vector.broadcast %parallel_loop3A_831 : i32 to vector<16xi32>
        %parallel_loop3A_833 = arith.addi %parallel_loop3A_832, %parallel_loop3A_830 : vector<16xi32>
        %parallel_loop3A_834 = tpu.vector_load_idx %arg5[%parallel_loop3A_833] : memref<48000xf32, #tpu.memory_space<vmem>>[vector<16xi32>], vector<16xf32>,
        %parallel_loop3A_835 = arith.select %parallel_loop3A_829, %parallel_loop3A_834, %broadcast_in_dim3A_3 : vector<16xi1>, vector<16xf32>
        %parallel_loop3A_836 = arith.constant 1 : i32
        %parallel_loop3A_837 = arith.constant 0 : i32
        %parallel_loop3A_838 = arith.index_cast %parallel_loop3A_836 : i32 to index
        %parallel_loop3A_839 = arith.index_cast %parallel_loop3A_837 : i32 to index
        %parallel_loop3A_840 = arith.index_cast %parallel_loop3A_817 : i32 to index
        %parallel_loop3A_841 = arith.index_cast %parallel_loop3A_821 : i32 to index
        %parallel_loop3A_842 = tpu.vector_load %arg7[%parallel_loop3A_838, %parallel_loop3A_839, %parallel_loop3A_840, %parallel_loop3A_841] {strides = array<i32>} : memref<2x4x8x496xf32, #tpu.memory_space<vmem>>, vector<16xf32>,
        tpu.vector_store %arg7[%parallel_loop3A_838, %parallel_loop3A_839, %parallel_loop3A_840, %parallel_loop3A_841], %parallel_loop3A_835 {strides = array<i32>} : memref<2x4x8x496xf32, #tpu.memory_space<vmem>>, vector<16xf32>,
        %parallel_loop3A_843 = arith.constant 12000 : i32
        %parallel_loop3A_844 = vector.broadcast %parallel_loop3A_843 : i32 to vector<16xi32>
        %parallel_loop3A_845 = arith.addi %parallel_loop3A_844, %parallel_loop3A_830 : vector<16xi32>
        %parallel_loop3A_846 = tpu.vector_load_idx %arg5[%parallel_loop3A_845] : memref<48000xf32, #tpu.memory_space<vmem>>[vector<16xi32>], vector<16xf32>,
        %parallel_loop3A_847 = arith.select %parallel_loop3A_829, %parallel_loop3A_846, %broadcast_in_dim3A_3 : vector<16xi1>, vector<16xf32>
        %parallel_loop3A_848 = arith.constant 1 : i32
        %parallel_loop3A_849 = arith.constant 1 : i32
        %parallel_loop3A_850 = arith.index_cast %parallel_loop3A_848 : i32 to index
        %parallel_loop3A_851 = arith.index_cast %parallel_loop3A_849 : i32 to index
        %parallel_loop3A_852 = arith.index_cast %parallel_loop3A_817 : i32 to index
        %parallel_loop3A_853 = arith.index_cast %parallel_loop3A_821 : i32 to index
        %parallel_loop3A_854 = tpu.vector_load %arg7[%parallel_loop3A_850, %parallel_loop3A_851, %parallel_loop3A_852, %parallel_loop3A_853] {strides = array<i32>} : memref<2x4x8x496xf32, #tpu.memory_space<vmem>>, vector<16xf32>,
        tpu.vector_store %arg7[%parallel_loop3A_850, %parallel_loop3A_851, %parallel_loop3A_852, %parallel_loop3A_853], %parallel_loop3A_847 {strides = array<i32>} : memref<2x4x8x496xf32, #tpu.memory_space<vmem>>, vector<16xf32>,
        %parallel_loop3A_855 = arith.constant 24000 : i32
        %parallel_loop3A_856 = vector.broadcast %parallel_loop3A_855 : i32 to vector<16xi32>
        %parallel_loop3A_857 = arith.addi %parallel_loop3A_856, %parallel_loop3A_830 : vector<16xi32>
        %parallel_loop3A_858 = tpu.vector_load_idx %arg5[%parallel_loop3A_857] : memref<48000xf32, #tpu.memory_space<vmem>>[vector<16xi32>], vector<16xf32>,
        %parallel_loop3A_859 = arith.select %parallel_loop3A_829, %parallel_loop3A_858, %broadcast_in_dim3A_3 : vector<16xi1>, vector<16xf32>
        %parallel_loop3A_860 = arith.constant 1 : i32
        %parallel_loop3A_861 = arith.constant 2 : i32
        %parallel_loop3A_862 = arith.index_cast %parallel_loop3A_860 : i32 to index
        %parallel_loop3A_863 = arith.index_cast %parallel_loop3A_861 : i32 to index
        %parallel_loop3A_864 = arith.index_cast %parallel_loop3A_817 : i32 to index
        %parallel_loop3A_865 = arith.index_cast %parallel_loop3A_821 : i32 to index
        %parallel_loop3A_866 = tpu.vector_load %arg7[%parallel_loop3A_862, %parallel_loop3A_863, %parallel_loop3A_864, %parallel_loop3A_865] {strides = array<i32>} : memref<2x4x8x496xf32, #tpu.memory_space<vmem>>, vector<16xf32>,
        tpu.vector_store %arg7[%parallel_loop3A_862, %parallel_loop3A_863, %parallel_loop3A_864, %parallel_loop3A_865], %parallel_loop3A_859 {strides = array<i32>} : memref<2x4x8x496xf32, #tpu.memory_space<vmem>>, vector<16xf32>,
        %parallel_loop3A_867 = arith.constant 36000 : i32
        %parallel_loop3A_868 = vector.broadcast %parallel_loop3A_867 : i32 to vector<16xi32>
        %parallel_loop3A_869 = arith.addi %parallel_loop3A_868, %parallel_loop3A_830 : vector<16xi32>
        %parallel_loop3A_870 = tpu.vector_load_idx %arg5[%parallel_loop3A_869] : memref<48000xf32, #tpu.memory_space<vmem>>[vector<16xi32>], vector<16xf32>,
        %parallel_loop3A_871 = arith.select %parallel_loop3A_829, %parallel_loop3A_870, %broadcast_in_dim3A_3 : vector<16xi1>, vector<16xf32>
        %parallel_loop3A_872 = arith.constant 1 : i32
        %parallel_loop3A_873 = arith.constant 3 : i32
        %parallel_loop3A_874 = arith.index_cast %parallel_loop3A_872 : i32 to index
        %parallel_loop3A_875 = arith.index_cast %parallel_loop3A_873 : i32 to index
        %parallel_loop3A_876 = arith.index_cast %parallel_loop3A_817 : i32 to index
        %parallel_loop3A_877 = arith.index_cast %parallel_loop3A_821 : i32 to index
        %parallel_loop3A_878 = tpu.vector_load %arg7[%parallel_loop3A_874, %parallel_loop3A_875, %parallel_loop3A_876, %parallel_loop3A_877] {strides = array<i32>} : memref<2x4x8x496xf32, #tpu.memory_space<vmem>>, vector<16xf32>,
        tpu.vector_store %arg7[%parallel_loop3A_874, %parallel_loop3A_875, %parallel_loop3A_876, %parallel_loop3A_877], %parallel_loop3A_871 {strides = array<i32>} : memref<2x4x8x496xf32, #tpu.memory_space<vmem>>, vector<16xf32>,
      } {sc.loop_unroll_factor = 8 : i64, sc.parallel_access}
      %mul3A_707 = arith.constant 64 : i32
      %mul3A_708 = arith.muli %select_n3A_296, %mul3A_707 : i32
      %add3A_709 = arith.addi %mul3A_708, %mul3A_314 : i32
      %add3A_710 = arith.constant 0 : i32
      %add3A_711 = arith.addi %add3A_709, %add3A_710 : i32
      %mul3A_712 = arith.constant 432 : i32
      %mul3A_713 = arith.muli %add3A_711, %mul3A_712 : i32
      %mul3A_714 = arith.constant 8 : i32
      %mul3A_715 = arith.muli %add3A_683, %mul3A_714 : i32
      %add3A_716 = arith.addi %mul3A_713, %mul3A_715 : i32
      %multiple_of3A_717 = tpu.assume_multiple %add3A_716, 8 : i32
      %dma_start3A_718 = arith.constant 1 : i32
      %dma_start3A_719 = arith.constant 0 : i32
      %dma_start3A_720 = arith.constant 0 : i32
      %dma_start3A_721 = arith.constant 0 : i32
      %dma_start3A_722 = tpu.memref_slice %arg7[%dma_start3A_718, %dma_start3A_719, %dma_start3A_720, %dma_start3A_721] : memref<2x4x8x496xf32, #tpu.memory_space<vmem>> -> memref<1x1x8x496xf32, #tpu.memory_space<vmem>>
      %dma_start3A_723 = tpu.memref_squeeze %dma_start3A_722 : memref<1x1x8x496xf32, #tpu.memory_space<vmem>> -> memref<8x496xf32, #tpu.memory_space<vmem>>
      %dma_start3A_724 = arith.constant 0 : i32
      %dma_start3A_725 = tpu.memref_slice %arg4[%multiple_of3A_717, %dma_start3A_724] : memref<110592x496xf32, #tpu.memory_space<hbm>> -> memref<8x496xf32, #tpu.memory_space<hbm>>
      %dma_start3A_726 = arith.constant 0 : i32
      %dma_start3A_727 = tpu.memref_slice %arg4[%multiple_of3A_717, %dma_start3A_726] : memref<110592x496xf32, #tpu.memory_space<hbm>> -> memref<8x496xf32, #tpu.memory_space<hbm>>
      %dma_start3A_728 = arith.constant 0 : i32
      %dma_start3A_729 = arith.constant 0 : i32
      %dma_start3A_730 = tpu.memref_slice %arg7[%dma_start3A_718, %dma_start3A_719, %dma_start3A_728, %dma_start3A_729] : memref<2x4x8x496xf32, #tpu.memory_space<vmem>> -> memref<1x1x8x496xf32, #tpu.memory_space<vmem>>
      %dma_start3A_731 = tpu.memref_squeeze %dma_start3A_730 : memref<1x1x8x496xf32, #tpu.memory_space<vmem>> -> memref<8x496xf32, #tpu.memory_space<vmem>>
      tpu.enqueue_dma source(%dma_start3A_731 : memref<8x496xf32, #tpu.memory_space<vmem>>) target(%dma_start3A_727 : memref<8x496xf32, #tpu.memory_space<hbm>>) target_semaphore(%arg11 : memref<!tpu.dma_semaphore, #tpu.memory_space<semaphore_mem>>)
      %mul3A_732 = arith.constant 64 : i32
      %mul3A_733 = arith.muli %select_n3A_296, %mul3A_732 : i32
      %add3A_734 = arith.addi %mul3A_733, %mul3A_314 : i32
      %add3A_735 = arith.constant 1 : i32
      %add3A_736 = arith.addi %add3A_734, %add3A_735 : i32
      %mul3A_737 = arith.constant 432 : i32
      %mul3A_738 = arith.muli %add3A_736, %mul3A_737 : i32
      %mul3A_739 = arith.constant 8 : i32
      %mul3A_740 = arith.muli %add3A_683, %mul3A_739 : i32
      %add3A_741 = arith.addi %mul3A_738, %mul3A_740 : i32
      %multiple_of3A_742 = tpu.assume_multiple %add3A_741, 8 : i32
      %dma_start3A_743 = arith.constant 1 : i32
      %dma_start3A_744 = arith.constant 1 : i32
      %dma_start3A_745 = arith.constant 0 : i32
      %dma_start3A_746 = arith.constant 0 : i32
      %dma_start3A_747 = tpu.memref_slice %arg7[%dma_start3A_743, %dma_start3A_744, %dma_start3A_745, %dma_start3A_746] : memref<2x4x8x496xf32, #tpu.memory_space<vmem>> -> memref<1x1x8x496xf32, #tpu.memory_space<vmem>>
      %dma_start3A_748 = tpu.memref_squeeze %dma_start3A_747 : memref<1x1x8x496xf32, #tpu.memory_space<vmem>> -> memref<8x496xf32, #tpu.memory_space<vmem>>
      %dma_start3A_749 = arith.constant 0 : i32
      %dma_start3A_750 = tpu.memref_slice %arg4[%multiple_of3A_742, %dma_start3A_749] : memref<110592x496xf32, #tpu.memory_space<hbm>> -> memref<8x496xf32, #tpu.memory_space<hbm>>
      %dma_start3A_751 = arith.constant 0 : i32
      %dma_start3A_752 = tpu.memref_slice %arg4[%multiple_of3A_742, %dma_start3A_751] : memref<110592x496xf32, #tpu.memory_space<hbm>> -> memref<8x496xf32, #tpu.memory_space<hbm>>
      %dma_start3A_753 = arith.constant 0 : i32
      %dma_start3A_754 = arith.constant 0 : i32
      %dma_start3A_755 = tpu.memref_slice %arg7[%dma_start3A_743, %dma_start3A_744, %dma_start3A_753, %dma_start3A_754] : memref<2x4x8x496xf32, #tpu.memory_space<vmem>> -> memref<1x1x8x496xf32, #tpu.memory_space<vmem>>
      %dma_start3A_756 = tpu.memref_squeeze %dma_start3A_755 : memref<1x1x8x496xf32, #tpu.memory_space<vmem>> -> memref<8x496xf32, #tpu.memory_space<vmem>>
      tpu.enqueue_dma source(%dma_start3A_756 : memref<8x496xf32, #tpu.memory_space<vmem>>) target(%dma_start3A_752 : memref<8x496xf32, #tpu.memory_space<hbm>>) target_semaphore(%arg11 : memref<!tpu.dma_semaphore, #tpu.memory_space<semaphore_mem>>)
      %mul3A_757 = arith.constant 64 : i32
      %mul3A_758 = arith.muli %select_n3A_296, %mul3A_757 : i32
      %add3A_759 = arith.addi %mul3A_758, %mul3A_314 : i32
      %add3A_760 = arith.constant 2 : i32
      %add3A_761 = arith.addi %add3A_759, %add3A_760 : i32
      %mul3A_762 = arith.constant 432 : i32
      %mul3A_763 = arith.muli %add3A_761, %mul3A_762 : i32
      %mul3A_764 = arith.constant 8 : i32
      %mul3A_765 = arith.muli %add3A_683, %mul3A_764 : i32
      %add3A_766 = arith.addi %mul3A_763, %mul3A_765 : i32
      %multiple_of3A_767 = tpu.assume_multiple %add3A_766, 8 : i32
      %dma_start3A_768 = arith.constant 1 : i32
      %dma_start3A_769 = arith.constant 2 : i32
      %dma_start3A_770 = arith.constant 0 : i32
      %dma_start3A_771 = arith.constant 0 : i32
      %dma_start3A_772 = tpu.memref_slice %arg7[%dma_start3A_768, %dma_start3A_769, %dma_start3A_770, %dma_start3A_771] : memref<2x4x8x496xf32, #tpu.memory_space<vmem>> -> memref<1x1x8x496xf32, #tpu.memory_space<vmem>>
      %dma_start3A_773 = tpu.memref_squeeze %dma_start3A_772 : memref<1x1x8x496xf32, #tpu.memory_space<vmem>> -> memref<8x496xf32, #tpu.memory_space<vmem>>
      %dma_start3A_774 = arith.constant 0 : i32
      %dma_start3A_775 = tpu.memref_slice %arg4[%multiple_of3A_767, %dma_start3A_774] : memref<110592x496xf32, #tpu.memory_space<hbm>> -> memref<8x496xf32, #tpu.memory_space<hbm>>
      %dma_start3A_776 = arith.constant 0 : i32
      %dma_start3A_777 = tpu.memref_slice %arg4[%multiple_of3A_767, %dma_start3A_776] : memref<110592x496xf32, #tpu.memory_space<hbm>> -> memref<8x496xf32, #tpu.memory_space<hbm>>
      %dma_start3A_778 = arith.constant 0 : i32
      %dma_start3A_779 = arith.constant 0 : i32
      %dma_start3A_780 = tpu.memref_slice %arg7[%dma_start3A_768, %dma_start3A_769, %dma_start3A_778, %dma_start3A_779] : memref<2x4x8x496xf32, #tpu.memory_space<vmem>> -> memref<1x1x8x496xf32, #tpu.memory_space<vmem>>
      %dma_start3A_781 = tpu.memref_squeeze %dma_start3A_780 : memref<1x1x8x496xf32, #tpu.memory_space<vmem>> -> memref<8x496xf32, #tpu.memory_space<vmem>>
      tpu.enqueue_dma source(%dma_start3A_781 : memref<8x496xf32, #tpu.memory_space<vmem>>) target(%dma_start3A_777 : memref<8x496xf32, #tpu.memory_space<hbm>>) target_semaphore(%arg11 : memref<!tpu.dma_semaphore, #tpu.memory_space<semaphore_mem>>)
      %mul3A_782 = arith.constant 64 : i32
      %mul3A_783 = arith.muli %select_n3A_296, %mul3A_782 : i32
      %add3A_784 = arith.addi %mul3A_783, %mul3A_314 : i32
      %add3A_785 = arith.constant 3 : i32
      %add3A_786 = arith.addi %add3A_784, %add3A_785 : i32
      %mul3A_787 = arith.constant 432 : i32
      %mul3A_788 = arith.muli %add3A_786, %mul3A_787 : i32
      %mul3A_789 = arith.constant 8 : i32
      %mul3A_790 = arith.muli %add3A_683, %mul3A_789 : i32
      %add3A_791 = arith.addi %mul3A_788, %mul3A_790 : i32
      %multiple_of3A_792 = tpu.assume_multiple %add3A_791, 8 : i32
      %dma_start3A_793 = arith.constant 1 : i32
      %dma_start3A_794 = arith.constant 3 : i32
      %dma_start3A_795 = arith.constant 0 : i32
      %dma_start3A_796 = arith.constant 0 : i32
      %dma_start3A_797 = tpu.memref_slice %arg7[%dma_start3A_793, %dma_start3A_794, %dma_start3A_795, %dma_start3A_796] : memref<2x4x8x496xf32, #tpu.memory_space<vmem>> -> memref<1x1x8x496xf32, #tpu.memory_space<vmem>>
      %dma_start3A_798 = tpu.memref_squeeze %dma_start3A_797 : memref<1x1x8x496xf32, #tpu.memory_space<vmem>> -> memref<8x496xf32, #tpu.memory_space<vmem>>
      %dma_start3A_799 = arith.constant 0 : i32
      %dma_start3A_800 = tpu.memref_slice %arg4[%multiple_of3A_792, %dma_start3A_799] : memref<110592x496xf32, #tpu.memory_space<hbm>> -> memref<8x496xf32, #tpu.memory_space<hbm>>
      %dma_start3A_801 = arith.constant 0 : i32
      %dma_start3A_802 = tpu.memref_slice %arg4[%multiple_of3A_792, %dma_start3A_801] : memref<110592x496xf32, #tpu.memory_space<hbm>> -> memref<8x496xf32, #tpu.memory_space<hbm>>
      %dma_start3A_803 = arith.constant 0 : i32
      %dma_start3A_804 = arith.constant 0 : i32
      %dma_start3A_805 = tpu.memref_slice %arg7[%dma_start3A_793, %dma_start3A_794, %dma_start3A_803, %dma_start3A_804] : memref<2x4x8x496xf32, #tpu.memory_space<vmem>> -> memref<1x1x8x496xf32, #tpu.memory_space<vmem>>
      %dma_start3A_806 = tpu.memref_squeeze %dma_start3A_805 : memref<1x1x8x496xf32, #tpu.memory_space<vmem>> -> memref<8x496xf32, #tpu.memory_space<vmem>>
      tpu.enqueue_dma source(%dma_start3A_806 : memref<8x496xf32, #tpu.memory_space<vmem>>) target(%dma_start3A_802 : memref<8x496xf32, #tpu.memory_space<hbm>>) target_semaphore(%arg11 : memref<!tpu.dma_semaphore, #tpu.memory_space<semaphore_mem>>)
      %add3A_807 = arith.constant 2 : i32
      %add3A_808 = arith.addi %add3A_683, %add3A_807 : i32
      %lt3A_809 = arith.constant 54 : i32
      %lt3A_810 = arith.cmpi slt, %add3A_808, %lt3A_809 : i32
      %convert_element_type3A_811 = arith.extui %lt3A_810 : i1 to i32
      %cond3A_812 = arith.constant 0 : i32
      %cond3A_813 = arith.cmpi ne, %convert_element_type3A_811, %cond3A_812 : i32
      scf.if %cond3A_813 {
        %add3A_815 = arith.constant 2 : i32
        %add3A_816 = arith.addi %add3A_683, %add3A_815 : i32
        %mul3A_817 = arith.constant 214272 : i32
        %mul3A_818 = arith.muli %select_n3A_296, %mul3A_817 : i32
        %mul3A_819 = arith.constant 3968 : i32
        %mul3A_820 = arith.muli %add3A_816, %mul3A_819 : i32
        %add3A_821 = arith.addi %mul3A_818, %mul3A_820 : i32
        %multiple_of3A_822 = tpu.assume_multiple %add3A_821, 8 : i32
        %dma_start3A_823 = arith.constant 1 : i32
        %dma_start3A_824 = arith.constant 0 : i32
        %dma_start3A_825 = tpu.memref_slice %arg6[%dma_start3A_823, %dma_start3A_824] : memref<2x3968xi32, #tpu.memory_space<vmem>> -> memref<1x3968xi32, #tpu.memory_space<vmem>>
        %dma_start3A_826 = tpu.memref_squeeze %dma_start3A_825 : memref<1x3968xi32, #tpu.memory_space<vmem>> -> memref<3968xi32, #tpu.memory_space<vmem>>
        %dma_start3A_827 = tpu.memref_slice %arg3[%multiple_of3A_822] : memref<857088xi32, #tpu.memory_space<hbm>> -> memref<3968xi32, #tpu.memory_space<hbm>>
        %dma_start3A_828 = arith.constant 0 : i32
        %dma_start3A_829 = tpu.memref_slice %arg6[%dma_start3A_823, %dma_start3A_828] : memref<2x3968xi32, #tpu.memory_space<vmem>> -> memref<1x3968xi32, #tpu.memory_space<vmem>>
        %dma_start3A_830 = tpu.memref_squeeze %dma_start3A_829 : memref<1x3968xi32, #tpu.memory_space<vmem>> -> memref<3968xi32, #tpu.memory_space<vmem>>
        %dma_start3A_831 = tpu.memref_slice %arg3[%multiple_of3A_822] : memref<857088xi32, #tpu.memory_space<hbm>> -> memref<3968xi32, #tpu.memory_space<hbm>>
        tpu.enqueue_dma source(%dma_start3A_831 : memref<3968xi32, #tpu.memory_space<hbm>>) target(%dma_start3A_830 : memref<3968xi32, #tpu.memory_space<vmem>>) target_semaphore(%arg9 : memref<!tpu.dma_semaphore, #tpu.memory_space<semaphore_mem>>)
      } else {
      }
      %scan3A_814 = arith.constant 0 : i32
      scf.yield %scan3A_814 : i32
    }
    %scan3A_355 = arith.constant 27 : i32
    %mul3A_356 = arith.constant 64 : i32
    %mul3A_357 = arith.muli %select_n3A_296, %mul3A_356 : i32
    %add3A_358 = arith.addi %mul3A_357, %mul3A_314 : i32
    %add3A_359 = arith.constant 0 : i32
    %add3A_360 = arith.addi %add3A_358, %add3A_359 : i32
    %mul3A_361 = arith.constant 432 : i32
    %mul3A_362 = arith.muli %add3A_360, %mul3A_361 : i32
    %add3A_363 = arith.constant 416 : i32
    %add3A_364 = arith.addi %mul3A_362, %add3A_363 : i32
    %multiple_of3A_365 = tpu.assume_multiple %add3A_364, 8 : i32
    %dma_wait3A_366 = arith.constant 0 : i32
    %dma_wait3A_367 = arith.constant 0 : i32
    %dma_wait3A_368 = arith.constant 0 : i32
    %dma_wait3A_369 = arith.constant 0 : i32
    %dma_wait3A_370 = tpu.memref_slice %arg7[%dma_wait3A_366, %dma_wait3A_367, %dma_wait3A_368, %dma_wait3A_369] : memref<2x4x8x496xf32, #tpu.memory_space<vmem>> -> memref<1x1x8x496xf32, #tpu.memory_space<vmem>>
    %dma_wait3A_371 = tpu.memref_squeeze %dma_wait3A_370 : memref<1x1x8x496xf32, #tpu.memory_space<vmem>> -> memref<8x496xf32, #tpu.memory_space<vmem>>
    %dma_wait3A_372 = arith.constant 0 : i32
    %dma_wait3A_373 = tpu.memref_slice %arg4[%multiple_of3A_365, %dma_wait3A_372] : memref<110592x496xf32, #tpu.memory_space<hbm>> -> memref<8x496xf32, #tpu.memory_space<hbm>>
    %dma_wait3A_374 = arith.constant 0 : i32
    %dma_wait3A_375 = tpu.memref_slice %arg4[%multiple_of3A_365, %dma_wait3A_374] : memref<110592x496xf32, #tpu.memory_space<hbm>> -> memref<8x496xf32, #tpu.memory_space<hbm>>
    %dma_wait3A_376 = arith.constant 0 : i32
    %dma_wait3A_377 = arith.constant 0 : i32
    %dma_wait3A_378 = tpu.memref_slice %arg7[%dma_wait3A_366, %dma_wait3A_367, %dma_wait3A_376, %dma_wait3A_377] : memref<2x4x8x496xf32, #tpu.memory_space<vmem>> -> memref<1x1x8x496xf32, #tpu.memory_space<vmem>>
    %dma_wait3A_379 = tpu.memref_squeeze %dma_wait3A_378 : memref<1x1x8x496xf32, #tpu.memory_space<vmem>> -> memref<8x496xf32, #tpu.memory_space<vmem>>
    tpu.wait_dma2 semaphore(%arg10 : memref<!tpu.dma_semaphore, #tpu.memory_space<semaphore_mem>>) src(%dma_wait3A_379 : memref<8x496xf32, #tpu.memory_space<vmem>>) dst(%dma_wait3A_375 : memref<8x496xf32, #tpu.memory_space<hbm>>)
    %mul3A_380 = arith.constant 64 : i32
    %mul3A_381 = arith.muli %select_n3A_296, %mul3A_380 : i32
    %add3A_382 = arith.addi %mul3A_381, %mul3A_314 : i32
    %add3A_383 = arith.constant 1 : i32
    %add3A_384 = arith.addi %add3A_382, %add3A_383 : i32
    %mul3A_385 = arith.constant 432 : i32
    %mul3A_386 = arith.muli %add3A_384, %mul3A_385 : i32
    %add3A_387 = arith.constant 416 : i32
    %add3A_388 = arith.addi %mul3A_386, %add3A_387 : i32
    %multiple_of3A_389 = tpu.assume_multiple %add3A_388, 8 : i32
    %dma_wait3A_390 = arith.constant 0 : i32
    %dma_wait3A_391 = arith.constant 1 : i32
    %dma_wait3A_392 = arith.constant 0 : i32
    %dma_wait3A_393 = arith.constant 0 : i32
    %dma_wait3A_394 = tpu.memref_slice %arg7[%dma_wait3A_390, %dma_wait3A_391, %dma_wait3A_392, %dma_wait3A_393] : memref<2x4x8x496xf32, #tpu.memory_space<vmem>> -> memref<1x1x8x496xf32, #tpu.memory_space<vmem>>
    %dma_wait3A_395 = tpu.memref_squeeze %dma_wait3A_394 : memref<1x1x8x496xf32, #tpu.memory_space<vmem>> -> memref<8x496xf32, #tpu.memory_space<vmem>>
    %dma_wait3A_396 = arith.constant 0 : i32
    %dma_wait3A_397 = tpu.memref_slice %arg4[%multiple_of3A_389, %dma_wait3A_396] : memref<110592x496xf32, #tpu.memory_space<hbm>> -> memref<8x496xf32, #tpu.memory_space<hbm>>
    %dma_wait3A_398 = arith.constant 0 : i32
    %dma_wait3A_399 = tpu.memref_slice %arg4[%multiple_of3A_389, %dma_wait3A_398] : memref<110592x496xf32, #tpu.memory_space<hbm>> -> memref<8x496xf32, #tpu.memory_space<hbm>>
    %dma_wait3A_400 = arith.constant 0 : i32
    %dma_wait3A_401 = arith.constant 0 : i32
    %dma_wait3A_402 = tpu.memref_slice %arg7[%dma_wait3A_390, %dma_wait3A_391, %dma_wait3A_400, %dma_wait3A_401] : memref<2x4x8x496xf32, #tpu.memory_space<vmem>> -> memref<1x1x8x496xf32, #tpu.memory_space<vmem>>
    %dma_wait3A_403 = tpu.memref_squeeze %dma_wait3A_402 : memref<1x1x8x496xf32, #tpu.memory_space<vmem>> -> memref<8x496xf32, #tpu.memory_space<vmem>>
    tpu.wait_dma2 semaphore(%arg10 : memref<!tpu.dma_semaphore, #tpu.memory_space<semaphore_mem>>) src(%dma_wait3A_403 : memref<8x496xf32, #tpu.memory_space<vmem>>) dst(%dma_wait3A_399 : memref<8x496xf32, #tpu.memory_space<hbm>>)
    %mul3A_404 = arith.constant 64 : i32
    %mul3A_405 = arith.muli %select_n3A_296, %mul3A_404 : i32
    %add3A_406 = arith.addi %mul3A_405, %mul3A_314 : i32
    %add3A_407 = arith.constant 2 : i32
    %add3A_408 = arith.addi %add3A_406, %add3A_407 : i32
    %mul3A_409 = arith.constant 432 : i32
    %mul3A_410 = arith.muli %add3A_408, %mul3A_409 : i32
    %add3A_411 = arith.constant 416 : i32
    %add3A_412 = arith.addi %mul3A_410, %add3A_411 : i32
    %multiple_of3A_413 = tpu.assume_multiple %add3A_412, 8 : i32
    %dma_wait3A_414 = arith.constant 0 : i32
    %dma_wait3A_415 = arith.constant 2 : i32
    %dma_wait3A_416 = arith.constant 0 : i32
    %dma_wait3A_417 = arith.constant 0 : i32
    %dma_wait3A_418 = tpu.memref_slice %arg7[%dma_wait3A_414, %dma_wait3A_415, %dma_wait3A_416, %dma_wait3A_417] : memref<2x4x8x496xf32, #tpu.memory_space<vmem>> -> memref<1x1x8x496xf32, #tpu.memory_space<vmem>>
    %dma_wait3A_419 = tpu.memref_squeeze %dma_wait3A_418 : memref<1x1x8x496xf32, #tpu.memory_space<vmem>> -> memref<8x496xf32, #tpu.memory_space<vmem>>
    %dma_wait3A_420 = arith.constant 0 : i32
    %dma_wait3A_421 = tpu.memref_slice %arg4[%multiple_of3A_413, %dma_wait3A_420] : memref<110592x496xf32, #tpu.memory_space<hbm>> -> memref<8x496xf32, #tpu.memory_space<hbm>>
    %dma_wait3A_422 = arith.constant 0 : i32
    %dma_wait3A_423 = tpu.memref_slice %arg4[%multiple_of3A_413, %dma_wait3A_422] : memref<110592x496xf32, #tpu.memory_space<hbm>> -> memref<8x496xf32, #tpu.memory_space<hbm>>
    %dma_wait3A_424 = arith.constant 0 : i32
    %dma_wait3A_425 = arith.constant 0 : i32
    %dma_wait3A_426 = tpu.memref_slice %arg7[%dma_wait3A_414, %dma_wait3A_415, %dma_wait3A_424, %dma_wait3A_425] : memref<2x4x8x496xf32, #tpu.memory_space<vmem>> -> memref<1x1x8x496xf32, #tpu.memory_space<vmem>>
    %dma_wait3A_427 = tpu.memref_squeeze %dma_wait3A_426 : memref<1x1x8x496xf32, #tpu.memory_space<vmem>> -> memref<8x496xf32, #tpu.memory_space<vmem>>
    tpu.wait_dma2 semaphore(%arg10 : memref<!tpu.dma_semaphore, #tpu.memory_space<semaphore_mem>>) src(%dma_wait3A_427 : memref<8x496xf32, #tpu.memory_space<vmem>>) dst(%dma_wait3A_423 : memref<8x496xf32, #tpu.memory_space<hbm>>)
    %mul3A_428 = arith.constant 64 : i32
    %mul3A_429 = arith.muli %select_n3A_296, %mul3A_428 : i32
    %add3A_430 = arith.addi %mul3A_429, %mul3A_314 : i32
    %add3A_431 = arith.constant 3 : i32
    %add3A_432 = arith.addi %add3A_430, %add3A_431 : i32
    %mul3A_433 = arith.constant 432 : i32
    %mul3A_434 = arith.muli %add3A_432, %mul3A_433 : i32
    %add3A_435 = arith.constant 416 : i32
    %add3A_436 = arith.addi %mul3A_434, %add3A_435 : i32
    %multiple_of3A_437 = tpu.assume_multiple %add3A_436, 8 : i32
    %dma_wait3A_438 = arith.constant 0 : i32
    %dma_wait3A_439 = arith.constant 3 : i32
    %dma_wait3A_440 = arith.constant 0 : i32
    %dma_wait3A_441 = arith.constant 0 : i32
    %dma_wait3A_442 = tpu.memref_slice %arg7[%dma_wait3A_438, %dma_wait3A_439, %dma_wait3A_440, %dma_wait3A_441] : memref<2x4x8x496xf32, #tpu.memory_space<vmem>> -> memref<1x1x8x496xf32, #tpu.memory_space<vmem>>
    %dma_wait3A_443 = tpu.memref_squeeze %dma_wait3A_442 : memref<1x1x8x496xf32, #tpu.memory_space<vmem>> -> memref<8x496xf32, #tpu.memory_space<vmem>>
    %dma_wait3A_444 = arith.constant 0 : i32
    %dma_wait3A_445 = tpu.memref_slice %arg4[%multiple_of3A_437, %dma_wait3A_444] : memref<110592x496xf32, #tpu.memory_space<hbm>> -> memref<8x496xf32, #tpu.memory_space<hbm>>
    %dma_wait3A_446 = arith.constant 0 : i32
    %dma_wait3A_447 = tpu.memref_slice %arg4[%multiple_of3A_437, %dma_wait3A_446] : memref<110592x496xf32, #tpu.memory_space<hbm>> -> memref<8x496xf32, #tpu.memory_space<hbm>>
    %dma_wait3A_448 = arith.constant 0 : i32
    %dma_wait3A_449 = arith.constant 0 : i32
    %dma_wait3A_450 = tpu.memref_slice %arg7[%dma_wait3A_438, %dma_wait3A_439, %dma_wait3A_448, %dma_wait3A_449] : memref<2x4x8x496xf32, #tpu.memory_space<vmem>> -> memref<1x1x8x496xf32, #tpu.memory_space<vmem>>
    %dma_wait3A_451 = tpu.memref_squeeze %dma_wait3A_450 : memref<1x1x8x496xf32, #tpu.memory_space<vmem>> -> memref<8x496xf32, #tpu.memory_space<vmem>>
    tpu.wait_dma2 semaphore(%arg10 : memref<!tpu.dma_semaphore, #tpu.memory_space<semaphore_mem>>) src(%dma_wait3A_451 : memref<8x496xf32, #tpu.memory_space<vmem>>) dst(%dma_wait3A_447 : memref<8x496xf32, #tpu.memory_space<hbm>>)
    %mul3A_452 = arith.constant 64 : i32
    %mul3A_453 = arith.muli %select_n3A_296, %mul3A_452 : i32
    %add3A_454 = arith.addi %mul3A_453, %mul3A_314 : i32
    %add3A_455 = arith.constant 0 : i32
    %add3A_456 = arith.addi %add3A_454, %add3A_455 : i32
    %mul3A_457 = arith.constant 432 : i32
    %mul3A_458 = arith.muli %add3A_456, %mul3A_457 : i32
    %add3A_459 = arith.constant 424 : i32
    %add3A_460 = arith.addi %mul3A_458, %add3A_459 : i32
    %multiple_of3A_461 = tpu.assume_multiple %add3A_460, 8 : i32
    %dma_wait3A_462 = arith.constant 1 : i32
    %dma_wait3A_463 = arith.constant 0 : i32
    %dma_wait3A_464 = arith.constant 0 : i32
    %dma_wait3A_465 = arith.constant 0 : i32
    %dma_wait3A_466 = tpu.memref_slice %arg7[%dma_wait3A_462, %dma_wait3A_463, %dma_wait3A_464, %dma_wait3A_465] : memref<2x4x8x496xf32, #tpu.memory_space<vmem>> -> memref<1x1x8x496xf32, #tpu.memory_space<vmem>>
    %dma_wait3A_467 = tpu.memref_squeeze %dma_wait3A_466 : memref<1x1x8x496xf32, #tpu.memory_space<vmem>> -> memref<8x496xf32, #tpu.memory_space<vmem>>
    %dma_wait3A_468 = arith.constant 0 : i32
    %dma_wait3A_469 = tpu.memref_slice %arg4[%multiple_of3A_461, %dma_wait3A_468] : memref<110592x496xf32, #tpu.memory_space<hbm>> -> memref<8x496xf32, #tpu.memory_space<hbm>>
    %dma_wait3A_470 = arith.constant 0 : i32
    %dma_wait3A_471 = tpu.memref_slice %arg4[%multiple_of3A_461, %dma_wait3A_470] : memref<110592x496xf32, #tpu.memory_space<hbm>> -> memref<8x496xf32, #tpu.memory_space<hbm>>
    %dma_wait3A_472 = arith.constant 0 : i32
    %dma_wait3A_473 = arith.constant 0 : i32
    %dma_wait3A_474 = tpu.memref_slice %arg7[%dma_wait3A_462, %dma_wait3A_463, %dma_wait3A_472, %dma_wait3A_473] : memref<2x4x8x496xf32, #tpu.memory_space<vmem>> -> memref<1x1x8x496xf32, #tpu.memory_space<vmem>>
    %dma_wait3A_475 = tpu.memref_squeeze %dma_wait3A_474 : memref<1x1x8x496xf32, #tpu.memory_space<vmem>> -> memref<8x496xf32, #tpu.memory_space<vmem>>
    tpu.wait_dma2 semaphore(%arg11 : memref<!tpu.dma_semaphore, #tpu.memory_space<semaphore_mem>>) src(%dma_wait3A_475 : memref<8x496xf32, #tpu.memory_space<vmem>>) dst(%dma_wait3A_471 : memref<8x496xf32, #tpu.memory_space<hbm>>)
    %mul3A_476 = arith.constant 64 : i32
    %mul3A_477 = arith.muli %select_n3A_296, %mul3A_476 : i32
    %add3A_478 = arith.addi %mul3A_477, %mul3A_314 : i32
    %add3A_479 = arith.constant 1 : i32
    %add3A_480 = arith.addi %add3A_478, %add3A_479 : i32
    %mul3A_481 = arith.constant 432 : i32
    %mul3A_482 = arith.muli %add3A_480, %mul3A_481 : i32
    %add3A_483 = arith.constant 424 : i32
    %add3A_484 = arith.addi %mul3A_482, %add3A_483 : i32
    %multiple_of3A_485 = tpu.assume_multiple %add3A_484, 8 : i32
    %dma_wait3A_486 = arith.constant 1 : i32
    %dma_wait3A_487 = arith.constant 1 : i32
    %dma_wait3A_488 = arith.constant 0 : i32
    %dma_wait3A_489 = arith.constant 0 : i32
    %dma_wait3A_490 = tpu.memref_slice %arg7[%dma_wait3A_486, %dma_wait3A_487, %dma_wait3A_488, %dma_wait3A_489] : memref<2x4x8x496xf32, #tpu.memory_space<vmem>> -> memref<1x1x8x496xf32, #tpu.memory_space<vmem>>
    %dma_wait3A_491 = tpu.memref_squeeze %dma_wait3A_490 : memref<1x1x8x496xf32, #tpu.memory_space<vmem>> -> memref<8x496xf32, #tpu.memory_space<vmem>>
    %dma_wait3A_492 = arith.constant 0 : i32
    %dma_wait3A_493 = tpu.memref_slice %arg4[%multiple_of3A_485, %dma_wait3A_492] : memref<110592x496xf32, #tpu.memory_space<hbm>> -> memref<8x496xf32, #tpu.memory_space<hbm>>
    %dma_wait3A_494 = arith.constant 0 : i32
    %dma_wait3A_495 = tpu.memref_slice %arg4[%multiple_of3A_485, %dma_wait3A_494] : memref<110592x496xf32, #tpu.memory_space<hbm>> -> memref<8x496xf32, #tpu.memory_space<hbm>>
    %dma_wait3A_496 = arith.constant 0 : i32
    %dma_wait3A_497 = arith.constant 0 : i32
    %dma_wait3A_498 = tpu.memref_slice %arg7[%dma_wait3A_486, %dma_wait3A_487, %dma_wait3A_496, %dma_wait3A_497] : memref<2x4x8x496xf32, #tpu.memory_space<vmem>> -> memref<1x1x8x496xf32, #tpu.memory_space<vmem>>
    %dma_wait3A_499 = tpu.memref_squeeze %dma_wait3A_498 : memref<1x1x8x496xf32, #tpu.memory_space<vmem>> -> memref<8x496xf32, #tpu.memory_space<vmem>>
    tpu.wait_dma2 semaphore(%arg11 : memref<!tpu.dma_semaphore, #tpu.memory_space<semaphore_mem>>) src(%dma_wait3A_499 : memref<8x496xf32, #tpu.memory_space<vmem>>) dst(%dma_wait3A_495 : memref<8x496xf32, #tpu.memory_space<hbm>>)
    %mul3A_500 = arith.constant 64 : i32
    %mul3A_501 = arith.muli %select_n3A_296, %mul3A_500 : i32
    %add3A_502 = arith.addi %mul3A_501, %mul3A_314 : i32
    %add3A_503 = arith.constant 2 : i32
    %add3A_504 = arith.addi %add3A_502, %add3A_503 : i32
    %mul3A_505 = arith.constant 432 : i32
    %mul3A_506 = arith.muli %add3A_504, %mul3A_505 : i32
    %add3A_507 = arith.constant 424 : i32
    %add3A_508 = arith.addi %mul3A_506, %add3A_507 : i32
    %multiple_of3A_509 = tpu.assume_multiple %add3A_508, 8 : i32
    %dma_wait3A_510 = arith.constant 1 : i32
    %dma_wait3A_511 = arith.constant 2 : i32
    %dma_wait3A_512 = arith.constant 0 : i32
    %dma_wait3A_513 = arith.constant 0 : i32
    %dma_wait3A_514 = tpu.memref_slice %arg7[%dma_wait3A_510, %dma_wait3A_511, %dma_wait3A_512, %dma_wait3A_513] : memref<2x4x8x496xf32, #tpu.memory_space<vmem>> -> memref<1x1x8x496xf32, #tpu.memory_space<vmem>>
    %dma_wait3A_515 = tpu.memref_squeeze %dma_wait3A_514 : memref<1x1x8x496xf32, #tpu.memory_space<vmem>> -> memref<8x496xf32, #tpu.memory_space<vmem>>
    %dma_wait3A_516 = arith.constant 0 : i32
    %dma_wait3A_517 = tpu.memref_slice %arg4[%multiple_of3A_509, %dma_wait3A_516] : memref<110592x496xf32, #tpu.memory_space<hbm>> -> memref<8x496xf32, #tpu.memory_space<hbm>>
    %dma_wait3A_518 = arith.constant 0 : i32
    %dma_wait3A_519 = tpu.memref_slice %arg4[%multiple_of3A_509, %dma_wait3A_518] : memref<110592x496xf32, #tpu.memory_space<hbm>> -> memref<8x496xf32, #tpu.memory_space<hbm>>
    %dma_wait3A_520 = arith.constant 0 : i32
    %dma_wait3A_521 = arith.constant 0 : i32
    %dma_wait3A_522 = tpu.memref_slice %arg7[%dma_wait3A_510, %dma_wait3A_511, %dma_wait3A_520, %dma_wait3A_521] : memref<2x4x8x496xf32, #tpu.memory_space<vmem>> -> memref<1x1x8x496xf32, #tpu.memory_space<vmem>>
    %dma_wait3A_523 = tpu.memref_squeeze %dma_wait3A_522 : memref<1x1x8x496xf32, #tpu.memory_space<vmem>> -> memref<8x496xf32, #tpu.memory_space<vmem>>
    tpu.wait_dma2 semaphore(%arg11 : memref<!tpu.dma_semaphore, #tpu.memory_space<semaphore_mem>>) src(%dma_wait3A_523 : memref<8x496xf32, #tpu.memory_space<vmem>>) dst(%dma_wait3A_519 : memref<8x496xf32, #tpu.memory_space<hbm>>)
    %mul3A_524 = arith.constant 64 : i32
    %mul3A_525 = arith.muli %select_n3A_296, %mul3A_524 : i32
    %add3A_526 = arith.addi %mul3A_525, %mul3A_314 : i32
    %add3A_527 = arith.constant 3 : i32
    %add3A_528 = arith.addi %add3A_526, %add3A_527 : i32
    %mul3A_529 = arith.constant 432 : i32
    %mul3A_530 = arith.muli %add3A_528, %mul3A_529 : i32
    %add3A_531 = arith.constant 424 : i32
    %add3A_532 = arith.addi %mul3A_530, %add3A_531 : i32
    %multiple_of3A_533 = tpu.assume_multiple %add3A_532, 8 : i32
    %dma_wait3A_534 = arith.constant 1 : i32
    %dma_wait3A_535 = arith.constant 3 : i32
    %dma_wait3A_536 = arith.constant 0 : i32
    %dma_wait3A_537 = arith.constant 0 : i32
    %dma_wait3A_538 = tpu.memref_slice %arg7[%dma_wait3A_534, %dma_wait3A_535, %dma_wait3A_536, %dma_wait3A_537] : memref<2x4x8x496xf32, #tpu.memory_space<vmem>> -> memref<1x1x8x496xf32, #tpu.memory_space<vmem>>
    %dma_wait3A_539 = tpu.memref_squeeze %dma_wait3A_538 : memref<1x1x8x496xf32, #tpu.memory_space<vmem>> -> memref<8x496xf32, #tpu.memory_space<vmem>>
    %dma_wait3A_540 = arith.constant 0 : i32
    %dma_wait3A_541 = tpu.memref_slice %arg4[%multiple_of3A_533, %dma_wait3A_540] : memref<110592x496xf32, #tpu.memory_space<hbm>> -> memref<8x496xf32, #tpu.memory_space<hbm>>
    %dma_wait3A_542 = arith.constant 0 : i32
    %dma_wait3A_543 = tpu.memref_slice %arg4[%multiple_of3A_533, %dma_wait3A_542] : memref<110592x496xf32, #tpu.memory_space<hbm>> -> memref<8x496xf32, #tpu.memory_space<hbm>>
    %dma_wait3A_544 = arith.constant 0 : i32
    %dma_wait3A_545 = arith.constant 0 : i32
    %dma_wait3A_546 = tpu.memref_slice %arg7[%dma_wait3A_534, %dma_wait3A_535, %dma_wait3A_544, %dma_wait3A_545] : memref<2x4x8x496xf32, #tpu.memory_space<vmem>> -> memref<1x1x8x496xf32, #tpu.memory_space<vmem>>
    %dma_wait3A_547 = tpu.memref_squeeze %dma_wait3A_546 : memref<1x1x8x496xf32, #tpu.memory_space<vmem>> -> memref<8x496xf32, #tpu.memory_space<vmem>>
    tpu.wait_dma2 semaphore(%arg11 : memref<!tpu.dma_semaphore, #tpu.memory_space<semaphore_mem>>) src(%dma_wait3A_547 : memref<8x496xf32, #tpu.memory_space<vmem>>) dst(%dma_wait3A_543 : memref<8x496xf32, #tpu.memory_space<hbm>>)
    return
  }
}

</mosaic_0001>

<sc_bundles>
// kernel: kernel.4.cloned.1.call-start
scs
__scs_entry_jumppad:
0x0: {  	(pc) =	sbr.rel $0x88, $3  }
0x1: {  	(tag) =	ssettag $0x0;
	lr =	simm.s32 $0x1  }
0x2: {  	[smem:$0x3F9F] =	sst lr;
	_ =	strace $0xD0000000  }
0x3: {  	_ = 	snop  }
0x4: {  	_ = 	snop  }
0x5: {  	_ = 	snop  }
0x6: {  	_ = 	snop  }
0x7: {  	_ = 	snop  }
__scs_overlays_trampoline_lowered:
0x8: {  	[smem:$0x3FAE] =	sst s0  }
0x9: {  	[smem:$0x3FAF] =	sst s1  }
0xa: {  	[smem:$0x3FB0] =	sst s2  }
0xb: {  	[smem:$0x3FB1] =	sst s3  }
0xc: {  	[smem:$0x3FB2] =	sst s4  }
0xd: {  	[smem:$0x3FB3] =	sst s5  }
0xe: {  	[smem:$0x3FB4] =	sst s6  }
0xf: {  	[smem:$0x3FB5] =	sst s7  }
0x10: {  	[smem:$0x3FB6] =	sst s8  }
0x11: {  	[smem:$0x3FB7] =	sst s9;
	s0 =	simm.s32 @!p0 $0x0  }
0x12: {  	s1 =	sld [smem:$0x3F9D];
	s0 =	simm.s32 @p0 $0x1  }
0x13: {  	[smem:$0x3FB8] =	sst s0;
	s0 =	simm.s32 @!p1 $0x0  }
0x14: {  	s2 =	sld [smem:$0x3F9C];
	s0 =	simm.s32 @p1 $0x1  }
0x15: {  	[smem:$0x3FB9] =	sst s0;
	s0 =	simm.s32 @!p2 $0x0  }
0x16: {  	s3 =	sld [smem:$0x3FDB];
	s0 =	simm.s32 @p2 $0x1  }
0x17: {  	s4 =	simm.s32 $0x1BF5;
	[smem:$0x3FBB] =	sst s0  }
0x18: {  	s0 =	sld [smem:$0x3F9E];
	_ =	swait.ge [sflag:s4], $0x0  }
0x19: {  	s7 =	sld [smem:$0x3F9F]  }
0x1a: {  	s8 =	sadd.s32 $0xFFFFE003, lr  }
0x1b: {  	s9 =	sadd.s32 $0xFFFFFEF7, lr;
	s5 =	simm.s32 $0xFFFFFFFF;
	p2 =	slt.u32 s8, $0xFFFFF086  }
0x1c: {  	p1 =	slt.u32 s9, $0xF7A;
	s5 =	simm.s32 @!p2 $0x0  }
0x1d: {  	s5 =	simm.s32 @p1 $0x1;
	p0 =	seq.s32 s7, s2  }
0x1e: {  	s7 =	smul.u32 @!p0 $0xF7A, s2;
	p2 =	seq.s32 @!p0 s5, $0x0  }
0x1f: {  	s9 =	smul.u32 $0xF7A, s1;
	s8 =	simm.s32 @!p0 $0x1BF5;
	p2 =	por !p2, p0  }
0x20: {  	[sflag:s8] =	ssyncset.s32 @!p0 $0xFFFFF086;
	s6 =	sadd.s32 @!p0 s3, s7;
	s7 =	simm.s32 @!p0 $0x108  }
0x21: {  	s3 =	sadd.s32 s3, s9;
	s6 =	sadd.s32 @!p0 $0x88, s6;
	s7 =	simm.s32 @p2 $0x1082  }
0x22: {  	[simem:s7], [sflag:s8] =	dma.local @!p0 [hbm:s6], $0xF7A  }
0x23: {  	s9 =	sor.u32 $0xD0000000, s2;
	s6 =	simm.s32 $0x108;
	_ =	swait.ge @!p0 [sflag:s8], $0x0  }
0x24: {  	s3 =	sadd.s32 $0x88, s3;
	s6 =	simm.s32 @!p1 $0x1082;
	[sflag:s4] =	ssyncset.s32 $0xFFFFF086  }
0x25: {  	[simem:s6], [sflag:s4] =	dma.local [hbm:s3], $0xF7A  }
0x26: {  	[smem:$0x3F9F] =	sst s1;
	(tag) =	ssettag s2;
	_ =	strace s9  }
0x27: {  	s1 =	sld [smem:$0x3FAF]  }
0x28: {  	s2 =	sld [smem:$0x3FB0]  }
0x29: {  	s4 =	sld [smem:$0x3FB2]  }
0x2a: {  	p0 =	seq.s32 s5, $0x0;
	s5 =	sld [smem:$0x3FB3]  }
0x2b: {  	s6 =	sld [smem:$0x3FB4]  }
0x2c: {  	s7 =	sld [smem:$0x3FB5]  }
0x2d: {  	s3 =	simm.s32 $0x108;
	s8 =	sld [smem:$0x3FB6]  }
0x2e: {  	s3 =	simm.s32 @!p0 $0x1082;
	s9 =	sld [smem:$0x3FB7]  }
0x2f: {  	lr =	sadd.s32 s0, s3;
	s0 =	sld [smem:$0x3FAE]  }
0x30: {  	s3 =	sld [smem:$0x3FB1]  }
0x31: {  	[smem:$0x3FBA] =	sst s10  }
0x32: {  	s10 =	sld [smem:$0x3FB8];
	_ =	sdelay $0x3  }
0x33: {  	p0 =	seq.s32 s10, $0x1;
	s10 =	sld [smem:$0x3FBA];
	_ =	sdelay $0x3  }
0x34: {  	[smem:$0x3FBA] =	sst s10  }
0x35: {  	s10 =	sld [smem:$0x3FB9];
	_ =	sdelay $0x3  }
0x36: {  	p1 =	seq.s32 s10, $0x1;
	s10 =	sld [smem:$0x3FBA];
	_ =	sdelay $0x3  }
0x37: {  	[smem:$0x3FBA] =	sst s10  }
0x38: {  	s10 =	sld [smem:$0x3FBB]  }
0x39: {  	_ = 	snop;
	(pc) =	sbr.ind lr, $3  }
0x3a: {  	_ = 	snop  }
0x3b: {  	_ = 	snop  }
0x3c: {  	p2 =	seq.s32 s10, $0x1;
	s10 =	sld [smem:$0x3FBA]  }
0x3d: {  	_ =	shalt  }
0x3e: {  	_ =	shalt  }
0x3f: {  	_ =	shalt  }
0x40: {  	_ =	shalt  }
0x41: {  	_ =	shalt  }
0x42: {  	_ =	shalt  }
0x43: {  	_ =	shalt  }
0x44: {  	_ =	shalt  }
0x45: {  	_ =	shalt  }
0x46: {  	_ =	shalt  }
0x47: {  	_ =	shalt  }
0x48: {  	_ =	shalt  }
0x49: {  	_ =	shalt  }
0x4a: {  	_ =	shalt  }
0x4b: {  	_ =	shalt  }
0x4c: {  	_ =	shalt  }
0x4d: {  	_ =	shalt  }
0x4e: {  	_ =	shalt  }
0x4f: {  	_ =	shalt  }
0x50: {  	_ =	shalt  }
0x51: {  	_ =	shalt  }
0x52: {  	_ =	shalt  }
0x53: {  	_ =	shalt  }
0x54: {  	_ =	shalt  }
0x55: {  	_ =	shalt  }
0x56: {  	_ =	shalt  }
0x57: {  	_ =	shalt  }
0x58: {  	_ =	shalt  }
0x59: {  	_ =	shalt  }
0x5a: {  	_ =	shalt  }
0x5b: {  	_ =	shalt  }
0x5c: {  	_ =	shalt  }
0x5d: {  	_ =	shalt  }
0x5e: {  	_ =	shalt  }
0x5f: {  	_ =	shalt  }
0x60: {  	_ =	shalt  }
0x61: {  	_ =	shalt  }
0x62: {  	_ =	shalt  }
0x63: {  	_ =	shalt  }
0x64: {  	_ =	shalt  }
0x65: {  	_ =	shalt  }
0x66: {  	_ =	shalt  }
0x67: {  	_ =	shalt  }
0x68: {  	_ =	shalt  }
0x69: {  	_ =	shalt  }
0x6a: {  	_ =	shalt  }
0x6b: {  	_ =	shalt  }
0x6c: {  	_ =	shalt  }
0x6d: {  	_ =	shalt  }
0x6e: {  	_ =	shalt  }
0x6f: {  	_ =	shalt  }
0x70: {  	_ =	shalt  }
0x71: {  	_ =	shalt  }
0x72: {  	_ =	shalt  }
0x73: {  	_ =	shalt  }
0x74: {  	_ =	shalt  }
0x75: {  	_ =	shalt  }
0x76: {  	_ =	shalt  }
0x77: {  	_ =	shalt  }
0x78: {  	_ =	shalt  }
0x79: {  	_ =	shalt  }
0x7a: {  	_ =	shalt  }
0x7b: {  	_ =	shalt  }
0x7c: {  	_ =	shalt  }
0x7d: {  	_ =	shalt  }
0x7e: {  	_ =	shalt  }
0x7f: {  	_ =	shalt  }
0x80: {  	_ =	shalt  }
0x81: {  	_ =	shalt  }
0x82: {  	_ =	shalt  }
0x83: {  	_ =	shalt  }
0x84: {  	_ =	shalt  }
0x85: {  	_ =	shalt  }
0x86: {  	_ =	shalt  }
0x87: {  	_ =	shalt  }
.Lfunc_end0:
.L_simem_size_0:
called_computation_lowered:
.L_overlay_start_0:
0x88: {  	s2 =	sld [smem:$0x3FD9]  }
0x89: {  	s3 =	sld [smem:$0x3FFE];
	_ =	sdelay $0x1  }
0x8a: {  	s1 =	srdreg.scid  }
0x8b: {  	s0 =	sand.u32 $0x1, s1  }
0x8c: {  	s17 =	sshll.u32 s0, $0xA;
	s2 =	sadd.s32 s3, s2  }
0x8d: {  	s2 =	sadd.s32 s2, s17  }
0x8e: {  	[smem:$0x3FC6] =	sst s2  }
0x8f: {  	_ = 	snop  }
0x90: {  	s2 =	sld [smem:$0x3FD0];
	(tm) =	ssettm $0x1  }
0x91: {  	s18 =	sld [smem:$0x3FFB];
	_ =	sdelay $0x3  }
0x92: {  	_ =	strace s18  }
0x93: {  	s3 =	sld [smem:$0x3FFC];
	_ =	sdelay $0x3  }
0x94: {  	_ =	strace s3  }
0x95: {  	s3 =	sld [smem:$0x3FFD];
	_ =	sdelay $0x3  }
0x96: {  	_ =	strace s3  }
0x97: {  	_ =	strace $0x8FFFFFFF  }
0x98: {  	s19 =	sld [smem:$0x3FDB];
	_ =	sdelay $0x1  }
0x99: {  	s4 =	simm.s32 $_scs_section_size  }
0x9a: {  	s5 =	simm.s32 $_size__tile_overlayer_lowered;
	s6 =	simm.s32 $_tile_overlayer_lowered  }
0x9b: {  	s22 =	simm.s32 $0x1BFF;
	s21 =	sshll.u32 s6, $0x1;
	s3 =	sadd.s32 s4, s19  }
0x9c: {  	s7 =	simm.s32 $0x0;
	s20 =	sshll.u32 s5, $0x1;
	s5 =	sadd.s32 s21, s3  }
0x9d: {  	[timem:s7], [sflag:s22] =	dma.local [hbm:s5], s20  }
0x9e: {  	_ =	swait.ge [sflag:s22], s20  }
0x9f: {  	s4 =	ssub.s32 $0x0, s20;
	[sflag:s22] =	ssyncset.done $0x0  }
0xa0: {  	[sflag:s22] =	ssyncadd.s32 s4;
	_ =	sdelay $0x1  }
0xa1: {  	s23 =	simm.s32 $0x1B8B  }
0xa2: {  	_ =	swait.ge [sflag:s23], $0x1  }
0xa3: {  	[sflag:s23] =	ssyncset.done $0x0  }
0xa4: {  	s25 =	simm.s32 $0x1B8E;
	s24 =	sld [smem:$0x3FFE];
	[sflag:s23] =	ssyncadd.s32 $0xFFFFFFFF  }
0xa5: {  	s26 =	simm.s32 $execute0_lowered;
	[smem:$0x3FD2] =	sst s25  }
0xa6: {  	s5 =	sshll.u32 s26, $0x1;
	_ =	strace $0x80000046;
	[dreg:$0x1] =	wrdreg $0xFFFFFFFF  }
0xa7: {  	s28 =	simm.s32 $_size_execute0_lowered;
	s3 =	sadd.s32 s3, s5;
	[dreg:$0x0] =	wrdreg $0x0  }
0xa8: {  	s5 =	sshll.u32 s28, $0x1;
	[dreg:$0x2] =	wrdreg s3  }
0xa9: {  	[dreg:$0x3] =	wrdreg s5  }
0xaa: {  	[dreg:$0x4] =	wrdreg $0xC0  }
0xab: {  	_ =	task [dreg:s7], $0x5FFFF  }
0xac: {  	[dreg:$0x1] =	wrdreg $0xFFFFFFFF  }
0xad: {  	[dreg:$0x0] =	wrdreg $0x60  }
0xae: {  	[dreg:$0x2] =	wrdreg s2  }
0xaf: {  	[dreg:$0x3] =	wrdreg s24  }
0xb0: {  	[dreg:$0x4] =	wrdreg $0x9  }
0xb1: {  	_ =	task.clear_ibuf [dreg:s7], $0x5FFFF;
	_ =	strace $0x90000046  }
0xb2: {  	s29 =	simm.s32 $0x9;
	_ =	strace $0x80000048  }
0xb3: {  	_ =	swait.ge [sflag:s29], $0x1  }
0xb4: {  	[sflag:s29] =	ssyncadd.s32 $0xFFFFFFFF  }
0xb5: {  	_ =	strace $0x90000048  }
0xb6: {  	_ =	sfence  }
0xb7: {  	s30 =	sld [smem:$0x0];
	_ =	sdelay $0x2  }
0xb8: {  	s31 =	sshll.u32 s1, $0xD;
	s1 =	sshrl.u32 s1, $0x2  }
0xb9: {  	s3 =	sand.u32 $0x4000, s31;
	s1 =	sadd.s32 s1, s30  }
0xba: {  	s0 =	sor.u32 s3, s0;
	s1 =	sshll.u32 s1, $0x11  }
0xbb: {  	s0 =	sor.u32 s1, s0  }
0xbc: {  	s0 =	sadd.s32 $0x8F2B, s0  }
0xbd: {  	[sflag:s0] =	ssyncadd.remote.s32 $0x1  }
0xbe: {  	_ =	sfence.sel $0xFFFF  }
0xbf: {  	[dreg:$0x0] =	wrdreg $0xFFFFFFFF;
	(pc) =	sbr.abs _section_cstart, $3  }
0xc0: {  	[dreg:$0x1] =	wrdreg $0xFFFFFFFF  }
0xc1: {  	_ =	task.clear_ibuf [dreg:s7], $0x2FFFF;
	_ =	strace $0x9FFFFFFF  }
0xc2: {  	(tm) =	ssettm $0x7FFFFFFF  }
0xc3: {  	_ =	shalt  }
tec
execute0_lowered:
.L_overlay_start_1:
0x0: {  	(tag) =	ssettag $0x1  }
0x1: {  	s0 =	stileid.u32;
	s6 =	rddreg [dreg:$0x0]  }
0x2: {  	s1 =	srdreg.scid;
	s8 =	rddreg [dreg:$0x1];
	s10 =	simm.s32 $0x1  }
0x3: {  	s11 =	simm.s32 $0x8D00;
	s2 =	sshll.u32 s0, $0x1;
	s3 =	sshrl.u32 s0, $0x2  }
0x4: {  	s4 =	sand.u32 $0x1, s1;
	s28 =	sand.u32 $0x6, s2;
	s5 =	smul.u32 $0x34500, s3  }
0x5: {  	s12 =	simm.s32 $0x2;
	s3 =	smul.u32 $0x5DC, s3;
	s1 =	sor.u32 s4, s28  }
0x6: {  	s13 =	simm.s32 $0x0;
	s2 =	simm.s32 $0x0;
	s7 =	smul.u32 $0x68A0, s1  }
0x7: {  	[smem:$0x7FF] =	sst s2;
	s4 =	ssub.s32 $0x2, s4;
	s9 =	smul.u32 $0x36, s1  }
0x8: {  	s1 =	rddreg [dreg:$0x2];
	_ =	strace $0x80000047;
	s29 =	sadd.s32 s3, s8  }
0x9: {  	s30 =	sshrl.u32 s4, $0x1;
	s3 =	sadd.s32 s6, s3;
	s5 =	sadd.s32 s5, s7  }
0xa: {  	vm0 =	vmmov $0x1;
	v3 =	vimm.s32 $0x0;
	s31 =	ssub.s32 s4, s30;
	s4 =	sadd.s32 $0x2400, s29;
	s5 =	sshrl.u32 s5, $0x3  }
0xb: {  	v2 =	vlaneseq.u32;
	v3 =	vsel vm0, $0xFFFFFFFF, v3;
	v0 =	vmov s9;
	s7 =	smax.u32 s31, $0x1;
	s9 =	simm.s32 $0x5E00;
	s8 =	sadd.s32 s5, s8  }
0xc: {  	v1 =	vimm.s32 $0xFFFFFFFF;
	v4 =	vor.u32 $0x2ED0, v2;
	[tilespmem:$0x1FFF0] =	vst v3;
	v3 =	vor.u32 $0x2EC0, v2;
	s5 =	sadd.s32 $0xC00, s29;
	s6 =	sadd.s32 $0x3C00, s8;
	s8 =	simm.s32 $0x2F00  }
.LBB2_1:
0xd: {  	[tilespmem:s2], [sflag:$0x1] =	stream.linear.gather [hbm4b:s3+s2], $0x2EE0, $0x38;
	[tilespmem:$0xF600] =	vst v63  }
0xe: {  	_ = 	snop  }
0xf: {  	[tilespmem:s8], [sflag:$0x1] =	stream.linear.gather [hbm4b:s4+s2], $0x2EE0, $0x38;
	[tilespmem:$0xF600] =	vst v63  }
0x10: {  	s14 =	simm.s32 $0x8D10  }
0x11: {  	[tilespmem:s9], [sflag:$0x1] =	stream.linear.gather [hbm4b:s5+s2], $0x2EE0, $0x38;
	[tilespmem:$0xF600] =	vst v63  }
0x12: {  	s15 =	simm.s32 $0x0;
	[tilespmem:s14+$0xFFFFFFF0] =	vst v1  }
.LBB2_2:
0x13: {  	s15 =	sadd.s32 $0x2, s15  }
0x14: {  	p0 =	slt.u32 s15, $0x688  }
.Ltmp0:
0x15: {  	_ = 	snop;
	(pc) =	sbr.rel @p0 .LBB2_2-.Ltmp0, $3  }
0x16: {  	_ =	sdelay $0x1  }
0x17: {  	[tilespmem:s14+$0x0] =	vst v1;
	s14 =	sadd.s32 $0x20, s14  }
0x18: {  	[tilespmem:s14+$0xFFFFFFF0] =	vst v1  }
0x19: {  	[tilespmem:s14+$0x0] =	vst v1  }
0x1a: {  	_ =	swait.ge [sflag:s10], $0x2EE0  }
0x1b: {  	[sflag:s10] =	ssyncset.done $0x0  }
0x1c: {  	[sflag:s10] =	ssyncadd.s32 $0xFFFFD120  }
0x1d: {  	_ =	swait.ge [sflag:s10], $0x2EE0  }
0x1e: {  	[sflag:s10] =	ssyncset.done $0x0  }
0x1f: {  	[sflag:s10] =	ssyncadd.s32 $0xFFFFD120  }
0x20: {  	_ =	swait.ge [sflag:s10], $0x2EE0  }
0x21: {  	s14 =	simm.s32 $0x0;
	s15 =	simm.s32 $0x2F20;
	[sflag:s10] =	ssyncset.done $0x0  }
0x22: {  	s16 =	simm.s32 $0x5E20;
	s17 =	simm.s32 $0x20;
	[sflag:s10] =	ssyncadd.s32 $0xFFFFD120  }
.LBB2_4:
0x23: {  	v6 =	vld [tilespmem:s17+$0xFFFFFFE0];
	_ =	sdelay $0x2  }
0x24: {  	v5 =	vld [tilespmem:s15+$0xFFFFFFE0];
	_ =	sdelay $0x1  }
0x25: {  	vm1 =	veq.s32 v6, $0x1;
	v6 =	vld [tilespmem:$0x1FFF0]  }
0x26: {  	v7 =	vld [tilespmem:s16+$0xFFFFFFE0];
	_ =	sdelay $0x1  }
0x27: {  	v5 =	vsub.s32 v5, v0  }
0x28: {  	vm2 =	vlt.u32 v5, $0x36;
	v5 =	vmul.u32 $0x1F0, v5  }
0x29: {  	vm1 =	vmand vm1, vm2;
	vm0 =	vnez.u8 v6  }
0x2a: {  	vm3 =	vcmask $0x704;
	v5 =	vadd.s32 v7, v5;
	vm2 =	vmand vm1, vm0  }
0x2b: {  	vm4 =	vcmask $0xB08;
	vm3 =	vmand vm1, vm3;
	v5 =	vnsel vm1, $0x0, v5  }
0x2c: {  	vm5 =	vcmask $0xF0C;
	vm4 =	vmand vm1, vm4  }
0x2d: {  	vm6 =	vcmask $0x1310;
	vm5 =	vmand vm1, vm5  }
0x2e: {  	s18 =	sshll.u32 s14, $0x4;
	vm7 =	vcmask $0x1714;
	vm6 =	vmand vm1, vm6  }
0x2f: {  	vm7 =	vmand vm1, vm7;
	v6 =	vor.u32 s18, v2;
	vm0 =	vcmask $0x1B18  }
0x30: {  	vm14 =	vcmask $0x1F1C;
	[tilespmem:v5+s11+$0x0] =	vst.idx.msk vm2, v6;
	vm2 =	vmand vm1, vm0  }
0x31: {  	vm15 =	vcmask $0x2320;
	[tilespmem:v5+s11+$0x0] =	vst.idx.msk vm3, v6;
	vm3 =	vmand vm1, vm14  }
0x32: {  	vm8 =	vcmask $0x2724;
	[tilespmem:v5+s11+$0x0] =	vst.idx.msk vm4, v6;
	vm4 =	vmand vm1, vm15  }
0x33: {  	vm9 =	vcmask $0x2B28;
	[tilespmem:v5+s11+$0x0] =	vst.idx.msk vm5, v6;
	vm5 =	vmand vm1, vm8  }
0x34: {  	vm10 =	vcmask $0x2F2C;
	[tilespmem:v5+s11+$0x0] =	vst.idx.msk vm6, v6;
	vm6 =	vmand vm1, vm9  }
0x35: {  	vm11 =	vcmask $0x3330;
	[tilespmem:v5+s11+$0x0] =	vst.idx.msk vm7, v6;
	vm7 =	vmand vm1, vm10  }
0x36: {  	vm12 =	vcmask $0x3734;
	[tilespmem:v5+s11+$0x0] =	vst.idx.msk vm2, v6;
	vm2 =	vmand vm1, vm11  }
0x37: {  	vm13 =	vcmask $0x3B38;
	[tilespmem:v5+s11+$0x0] =	vst.idx.msk vm3, v6;
	vm3 =	vmand vm1, vm12  }
0x38: {  	vm0 =	vcmask $0x3F3C;
	[tilespmem:v5+s11+$0x0] =	vst.idx.msk vm4, v6;
	vm4 =	vmand vm1, vm13  }
0x39: {  	vm1 =	vmand vm1, vm0;
	[tilespmem:v5+s11+$0x0] =	vst.idx.msk vm5, v6  }
0x3a: {  	[tilespmem:v5+s11+$0x0] =	vst.idx.msk vm6, v6  }
0x3b: {  	[tilespmem:v5+s11+$0x0] =	vst.idx.msk vm7, v6  }
0x3c: {  	[tilespmem:v5+s11+$0x0] =	vst.idx.msk vm2, v6  }
0x3d: {  	[tilespmem:v5+s11+$0x0] =	vst.idx.msk vm3, v6  }
0x3e: {  	[tilespmem:v5+s11+$0x0] =	vst.idx.msk vm4, v6  }
0x3f: {  	[tilespmem:v5+s11+$0x0] =	vst.idx.msk vm1, v6  }
0x40: {  	v6 =	vld [tilespmem:s17+$0xFFFFFFF0];
	_ =	sdelay $0x2  }
0x41: {  	v5 =	vld [tilespmem:s15+$0xFFFFFFF0];
	_ =	sdelay $0x1  }
0x42: {  	vm1 =	veq.s32 v6, $0x1;
	v6 =	vld [tilespmem:$0x1FFF0]  }
0x43: {  	v7 =	vld [tilespmem:s16+$0xFFFFFFF0];
	_ =	sdelay $0x1  }
0x44: {  	v5 =	vsub.s32 v5, v0  }
0x45: {  	vm2 =	vlt.u32 v5, $0x36;
	v5 =	vmul.u32 $0x1F0, v5  }
0x46: {  	vm1 =	vmand vm1, vm2;
	vm8 =	vnez.u8 v6  }
0x47: {  	vm3 =	vcmask $0x704;
	v5 =	vadd.s32 v7, v5;
	vm2 =	vmand vm1, vm8  }
0x48: {  	vm4 =	vcmask $0xB08;
	vm3 =	vmand vm1, vm3;
	v5 =	vnsel vm1, $0x0, v5  }
0x49: {  	vm5 =	vcmask $0xF0C;
	vm4 =	vmand vm1, vm4  }
0x4a: {  	vm6 =	vcmask $0x1310;
	vm5 =	vmand vm1, vm5  }
0x4b: {  	s19 =	sadd.s32 $0x10, s18;
	vm7 =	vcmask $0x1714;
	vm6 =	vmand vm1, vm6  }
0x4c: {  	vm0 =	vcmask $0x1B18;
	vm7 =	vmand vm1, vm7;
	v6 =	vor.u32 s19, v2  }
0x4d: {  	[tilespmem:v5+s11+$0x0] =	vst.idx.msk vm2, v6;
	vm2 =	vmand vm1, vm0  }
0x4e: {  	[tilespmem:v5+s11+$0x0] =	vst.idx.msk vm3, v6;
	vm3 =	vmand vm1, vm14  }
0x4f: {  	vm0 =	vcmask $0x2724;
	[tilespmem:v5+s11+$0x0] =	vst.idx.msk vm4, v6;
	vm4 =	vmand vm1, vm15  }
0x50: {  	[tilespmem:v5+s11+$0x0] =	vst.idx.msk vm5, v6;
	vm5 =	vmand vm1, vm0  }
0x51: {  	[tilespmem:v5+s11+$0x0] =	vst.idx.msk vm6, v6  }
0x52: {  	vm6 =	vmand vm1, vm9;
	[tilespmem:v5+s11+$0x0] =	vst.idx.msk vm7, v6  }
0x53: {  	vm7 =	vmand vm1, vm10;
	[tilespmem:v5+s11+$0x0] =	vst.idx.msk vm2, v6  }
0x54: {  	vm2 =	vmand vm1, vm11;
	[tilespmem:v5+s11+$0x0] =	vst.idx.msk vm3, v6  }
0x55: {  	vm3 =	vmand vm1, vm12;
	[tilespmem:v5+s11+$0x0] =	vst.idx.msk vm4, v6  }
0x56: {  	vm4 =	vmand vm1, vm13;
	[tilespmem:v5+s11+$0x0] =	vst.idx.msk vm5, v6;
	vm5 =	vcmask $0x3F3C  }
0x57: {  	vm1 =	vmand vm1, vm5  }
0x58: {  	[tilespmem:v5+s11+$0x0] =	vst.idx.msk vm6, v6  }
0x59: {  	[tilespmem:v5+s11+$0x0] =	vst.idx.msk vm7, v6  }
0x5a: {  	[tilespmem:v5+s11+$0x0] =	vst.idx.msk vm2, v6  }
0x5b: {  	[tilespmem:v5+s11+$0x0] =	vst.idx.msk vm3, v6  }
0x5c: {  	[tilespmem:v5+s11+$0x0] =	vst.idx.msk vm4, v6  }
0x5d: {  	[tilespmem:v5+s11+$0x0] =	vst.idx.msk vm1, v6  }
0x5e: {  	v5 =	vld [tilespmem:s15+$0x0]  }
0x5f: {  	v6 =	vld [tilespmem:s17+$0x0];
	_ =	sdelay $0x1  }
0x60: {  	v7 =	vld [tilespmem:s16+$0x0];
	_ =	sdelay $0x1  }
0x61: {  	v5 =	vsub.s32 v5, v0  }
0x62: {  	vm1 =	veq.s32 v6, $0x1;
	vm2 =	vlt.u32 v5, $0x36;
	v5 =	vmul.u32 $0x1F0, v5  }
0x63: {  	vm1 =	vmand vm1, vm2  }
0x64: {  	vm3 =	vcmask $0x704;
	v5 =	vadd.s32 v7, v5;
	vm2 =	vmand vm1, vm8  }
0x65: {  	vm4 =	vcmask $0xB08;
	vm3 =	vmand vm1, vm3;
	v5 =	vnsel vm1, $0x0, v5  }
0x66: {  	vm5 =	vcmask $0xF0C;
	vm4 =	vmand vm1, vm4  }
0x67: {  	vm6 =	vcmask $0x1310;
	vm5 =	vmand vm1, vm5  }
0x68: {  	s31 =	sadd.s32 $0x20, s18;
	vm7 =	vcmask $0x1714;
	vm6 =	vmand vm1, vm6  }
0x69: {  	vm0 =	vcmask $0x1B18;
	v6 =	vor.u32 s31, v2;
	vm7 =	vmand vm1, vm7  }
0x6a: {  	[tilespmem:v5+s11+$0x0] =	vst.idx.msk vm2, v6;
	vm2 =	vmand vm1, vm0  }
0x6b: {  	[tilespmem:v5+s11+$0x0] =	vst.idx.msk vm3, v6;
	vm3 =	vmand vm1, vm14  }
0x6c: {  	vm8 =	vcmask $0x2724;
	[tilespmem:v5+s11+$0x0] =	vst.idx.msk vm4, v6;
	vm4 =	vmand vm1, vm15  }
0x6d: {  	[tilespmem:v5+s11+$0x0] =	vst.idx.msk vm5, v6;
	vm5 =	vmand vm1, vm8  }
0x6e: {  	[tilespmem:v5+s11+$0x0] =	vst.idx.msk vm6, v6;
	vm6 =	vmand vm1, vm9  }
0x6f: {  	[tilespmem:v5+s11+$0x0] =	vst.idx.msk vm7, v6;
	vm7 =	vmand vm1, vm10  }
0x70: {  	[tilespmem:v5+s11+$0x0] =	vst.idx.msk vm2, v6;
	vm2 =	vmand vm1, vm11  }
0x71: {  	[tilespmem:v5+s11+$0x0] =	vst.idx.msk vm3, v6;
	vm3 =	vmand vm1, vm12  }
0x72: {  	vm0 =	vcmask $0x3F3C;
	[tilespmem:v5+s11+$0x0] =	vst.idx.msk vm4, v6;
	vm4 =	vmand vm1, vm13  }
0x73: {  	vm1 =	vmand vm1, vm0;
	[tilespmem:v5+s11+$0x0] =	vst.idx.msk vm5, v6  }
0x74: {  	[tilespmem:v5+s11+$0x0] =	vst.idx.msk vm6, v6  }
0x75: {  	[tilespmem:v5+s11+$0x0] =	vst.idx.msk vm7, v6  }
0x76: {  	[tilespmem:v5+s11+$0x0] =	vst.idx.msk vm2, v6  }
0x77: {  	[tilespmem:v5+s11+$0x0] =	vst.idx.msk vm3, v6  }
0x78: {  	[tilespmem:v5+s11+$0x0] =	vst.idx.msk vm4, v6  }
0x79: {  	[tilespmem:v5+s11+$0x0] =	vst.idx.msk vm1, v6  }
0x7a: {  	v6 =	vld [tilespmem:s17+$0x10];
	_ =	sdelay $0x2  }
0x7b: {  	v5 =	vld [tilespmem:s15+$0x10];
	_ =	sdelay $0x1  }
0x7c: {  	vm1 =	veq.s32 v6, $0x1;
	v6 =	vld [tilespmem:$0x1FFF0]  }
0x7d: {  	v7 =	vld [tilespmem:s16+$0x10];
	_ =	sdelay $0x1  }
0x7e: {  	v5 =	vsub.s32 v5, v0  }
0x7f: {  	vm2 =	vlt.u32 v5, $0x36;
	v5 =	vmul.u32 $0x1F0, v5  }
0x80: {  	vm1 =	vmand vm1, vm2;
	vm2 =	vnez.u8 v6  }
0x81: {  	v5 =	vadd.s32 v7, v5;
	vm2 =	vmand vm1, vm2  }
0x82: {  	vm3 =	vcmask $0x704;
	v5 =	vnsel vm1, $0x0, v5  }
0x83: {  	vm4 =	vcmask $0xB08;
	vm3 =	vmand vm1, vm3  }
0x84: {  	vm5 =	vcmask $0xF0C;
	vm4 =	vmand vm1, vm4  }
0x85: {  	s18 =	sadd.s32 $0x30, s18;
	vm6 =	vcmask $0x1310;
	vm5 =	vmand vm1, vm5  }
0x86: {  	vm7 =	vcmask $0x1714;
	vm6 =	vmand vm1, vm6;
	v6 =	vor.u32 s18, v2  }
0x87: {  	vm7 =	vmand vm1, vm7;
	[tilespmem:v5+s11+$0x0] =	vst.idx.msk vm2, v6;
	vm2 =	vcmask $0x1B18  }
0x88: {  	vm2 =	vmand vm1, vm2  }
0x89: {  	[tilespmem:v5+s11+$0x0] =	vst.idx.msk vm3, v6;
	vm3 =	vmand vm1, vm14  }
0x8a: {  	[tilespmem:v5+s11+$0x0] =	vst.idx.msk vm4, v6;
	vm4 =	vmand vm1, vm15  }
0x8b: {  	[tilespmem:v5+s11+$0x0] =	vst.idx.msk vm5, v6;
	vm5 =	vmand vm1, vm8  }
0x8c: {  	[tilespmem:v5+s11+$0x0] =	vst.idx.msk vm6, v6;
	vm6 =	vmand vm1, vm9  }
0x8d: {  	[tilespmem:v5+s11+$0x0] =	vst.idx.msk vm7, v6;
	vm7 =	vmand vm1, vm10  }
0x8e: {  	[tilespmem:v5+s11+$0x0] =	vst.idx.msk vm2, v6;
	vm2 =	vmand vm1, vm11  }
0x8f: {  	[tilespmem:v5+s11+$0x0] =	vst.idx.msk vm3, v6;
	vm3 =	vmand vm1, vm12  }
0x90: {  	[tilespmem:v5+s11+$0x0] =	vst.idx.msk vm4, v6;
	vm4 =	vmand vm1, vm13  }
0x91: {  	vm1 =	vmand vm1, vm0;
	[tilespmem:v5+s11+$0x0] =	vst.idx.msk vm5, v6  }
0x92: {  	p0 =	slt.u32 s14, $0x2E8;
	[tilespmem:v5+s11+$0x0] =	vst.idx.msk vm6, v6  }
.Ltmp1:
0x93: {  	[tilespmem:v5+s11+$0x0] =	vst.idx.msk vm7, v6;
	(pc) =	sbr.rel @p0 .LBB2_4-.Ltmp1, $4  }
0x94: {  	[tilespmem:v5+s11+$0x0] =	vst.idx.msk vm2, v6  }
0x95: {  	[tilespmem:v5+s11+$0x0] =	vst.idx.msk vm3, v6  }
0x96: {  	s14 =	sadd.s32 $0x4, s14;
	vm5 =	vcmask $0xF0C;
	vm6 =	vcmask $0x1310;
	[tilespmem:v5+s11+$0x0] =	vst.idx.msk vm4, v6  }
0x97: {  	s15 =	sadd.s32 $0x40, s15;
	s16 =	sadd.s32 $0x40, s16;
	s17 =	sadd.s32 $0x40, s17;
	vm7 =	vcmask $0x1714;
	vm3 =	vcmask $0x704;
	vm4 =	vcmask $0xB08;
	[tilespmem:v5+s11+$0x0] =	vst.idx.msk vm1, v6  }
0x98: {  	v6 =	vld [tilespmem:$0x2EC0];
	_ =	sdelay $0x2  }
0x99: {  	v5 =	vld [tilespmem:$0x5DC0];
	_ =	sdelay $0x1  }
0x9a: {  	vm1 =	veq.s32 v6, $0x1;
	v6 =	vld [tilespmem:$0x1FFF0]  }
0x9b: {  	v7 =	vld [tilespmem:$0x8CC0];
	_ =	sdelay $0x1  }
0x9c: {  	v5 =	vsub.s32 v5, v0  }
0x9d: {  	vm2 =	vlt.u32 v5, $0x36;
	v5 =	vmul.u32 $0x1F0, v5  }
0x9e: {  	vm1 =	vmand vm1, vm2;
	vm0 =	vnez.u8 v6  }
0x9f: {  	v5 =	vadd.s32 v7, v5;
	vm2 =	vmand vm1, vm0  }
0xa0: {  	vm3 =	vmand vm1, vm3;
	v5 =	vnsel vm1, $0x0, v5  }
0xa1: {  	vm4 =	vmand vm1, vm4  }
0xa2: {  	vm5 =	vmand vm1, vm5  }
0xa3: {  	vm6 =	vmand vm1, vm6  }
0xa4: {  	vm15 =	vcmask $0x1B18;
	vm7 =	vmand vm1, vm7  }
0xa5: {  	vm13 =	vcmask $0x1F1C;
	[tilespmem:v5+s11+$0x0] =	vst.idx.msk vm2, v3;
	vm2 =	vmand vm1, vm15  }
0xa6: {  	vm14 =	vcmask $0x2320;
	[tilespmem:v5+s11+$0x0] =	vst.idx.msk vm3, v3;
	vm3 =	vmand vm1, vm13  }
0xa7: {  	vm8 =	vcmask $0x2724;
	[tilespmem:v5+s11+$0x0] =	vst.idx.msk vm4, v3;
	vm4 =	vmand vm1, vm14  }
0xa8: {  	vm9 =	vcmask $0x2B28;
	[tilespmem:v5+s11+$0x0] =	vst.idx.msk vm5, v3;
	vm5 =	vmand vm1, vm8  }
0xa9: {  	vm10 =	vcmask $0x2F2C;
	[tilespmem:v5+s11+$0x0] =	vst.idx.msk vm6, v3;
	vm6 =	vmand vm1, vm9  }
0xaa: {  	vm11 =	vcmask $0x3330;
	[tilespmem:v5+s11+$0x0] =	vst.idx.msk vm7, v3;
	vm7 =	vmand vm1, vm10  }
0xab: {  	vm12 =	vcmask $0x3734;
	[tilespmem:v5+s11+$0x0] =	vst.idx.msk vm2, v3;
	vm2 =	vmand vm1, vm11  }
0xac: {  	vm0 =	vcmask $0x3B38;
	[tilespmem:v5+s11+$0x0] =	vst.idx.msk vm3, v3;
	vm3 =	vmand vm1, vm12  }
0xad: {  	[tilespmem:v5+s11+$0x0] =	vst.idx.msk vm4, v3;
	vm4 =	vmand vm1, vm0;
	vm0 =	vcmask $0x3F3C  }
0xae: {  	[tilespmem:v5+s11+$0x0] =	vst.idx.msk vm5, v3;
	vm1 =	vmand vm1, vm0  }
0xaf: {  	[tilespmem:v5+s11+$0x0] =	vst.idx.msk vm6, v3  }
0xb0: {  	[tilespmem:v5+s11+$0x0] =	vst.idx.msk vm7, v3  }
0xb1: {  	[tilespmem:v5+s11+$0x0] =	vst.idx.msk vm2, v3  }
0xb2: {  	[tilespmem:v5+s11+$0x0] =	vst.idx.msk vm3, v3  }
0xb3: {  	[tilespmem:v5+s11+$0x0] =	vst.idx.msk vm4, v3  }
0xb4: {  	[tilespmem:v5+s11+$0x0] =	vst.idx.msk vm1, v3  }
0xb5: {  	v6 =	vld [tilespmem:$0x2ED0];
	_ =	sdelay $0x2  }
0xb6: {  	v5 =	vld [tilespmem:$0x5DD0];
	_ =	sdelay $0x1  }
0xb7: {  	vm4 =	veq.s32 v6, $0x1;
	v6 =	vld [tilespmem:$0x1FFF0]  }
0xb8: {  	v7 =	vld [tilespmem:$0x8CD0];
	_ =	sdelay $0x1  }
0xb9: {  	v5 =	vsub.s32 v5, v0  }
0xba: {  	vm5 =	vlt.u32 v5, $0x36;
	v5 =	vmul.u32 $0x1F0, v5  }
0xbb: {  	vm1 =	vmand vm4, vm5;
	vm6 =	vnez.u8 v6  }
0xbc: {  	vm7 =	vcmask $0x704;
	v5 =	vadd.s32 v7, v5;
	vm2 =	vmand vm1, vm6  }
0xbd: {  	vm4 =	vcmask $0xB08;
	vm3 =	vmand vm1, vm7;
	v5 =	vnsel vm1, $0x0, v5  }
0xbe: {  	vm5 =	vcmask $0xF0C;
	vm4 =	vmand vm1, vm4  }
0xbf: {  	vm5 =	vmand vm1, vm5;
	vm6 =	vcmask $0x1310  }
0xc0: {  	vm7 =	vcmask $0x1714;
	vm6 =	vmand vm1, vm6  }
0xc1: {  	vm7 =	vmand vm1, vm7  }
0xc2: {  	[tilespmem:v5+s11+$0x0] =	vst.idx.msk vm2, v4;
	vm2 =	vmand vm1, vm15  }
0xc3: {  	[tilespmem:v5+s11+$0x0] =	vst.idx.msk vm3, v4;
	vm3 =	vmand vm1, vm13  }
0xc4: {  	vm15 =	vmand vm1, vm14;
	[tilespmem:v5+s11+$0x0] =	vst.idx.msk vm4, v4  }
0xc5: {  	[tilespmem:v5+s11+$0x0] =	vst.idx.msk vm5, v4  }
0xc6: {  	vm5 =	vmand vm1, vm8;
	[tilespmem:v5+s11+$0x0] =	vst.idx.msk vm6, v4  }
0xc7: {  	vm9 =	vmand vm1, vm9;
	[tilespmem:v5+s11+$0x0] =	vst.idx.msk vm7, v4  }
0xc8: {  	vm10 =	vmand vm1, vm10;
	[tilespmem:v5+s11+$0x0] =	vst.idx.msk vm2, v4  }
0xc9: {  	vm13 =	vmand vm1, vm11;
	[tilespmem:v5+s11+$0x0] =	vst.idx.msk vm3, v4  }
0xca: {  	vm14 =	vmand vm1, vm12;
	[tilespmem:v5+s11+$0x0] =	vst.idx.msk vm15, v4;
	vm15 =	vcmask $0x3B38  }
0xcb: {  	vm4 =	vmand vm1, vm15  }
0xcc: {  	[tilespmem:v5+s11+$0x0] =	vst.idx.msk vm5, v4;
	vm1 =	vmand vm1, vm0  }
0xcd: {  	[tilespmem:v5+s11+$0x0] =	vst.idx.msk vm9, v4  }
0xce: {  	[tilespmem:v5+s11+$0x0] =	vst.idx.msk vm10, v4  }
0xcf: {  	[tilespmem:v5+s11+$0x0] =	vst.idx.msk vm13, v4  }
0xd0: {  	s13 =	sadd.s32 $0x1, s13;
	[tilespmem:v5+s11+$0x0] =	vst.idx.msk vm14, v4  }
0xd1: {  	p0 =	sne.s32 s13, s7;
	[tilespmem:v5+s11+$0x0] =	vst.idx.msk vm4, v4  }
.Ltmp2:
0xd2: {  	[tilespmem:v5+s11+$0x0] =	vst.idx.msk vm1, v4;
	(pc) =	sbr.rel @p0 .LBB2_1-.Ltmp2, $4  }
0xd3: {  	[hbm4b:s6+s2] =	stream.linear.scatter [tilespmem:s11], [sflag:$0x2], $0x68A0, $0x38;
	[tilespmem:$0xF600] =	vst v63  }
0xd4: {  	_ =	swait.ge [sflag:s12], $0x68A0  }
0xd5: {  	[sflag:s12] =	ssyncset.done $0x0  }
0xd6: {  	[sflag:s12] =	ssyncadd.s32 $0xFFFF9760  }
0xd7: {  	_ =	sfence.sel $0x180000  }
0xd8: {  	[bflag:$0x0] =	sbarrier.arrive $0xFFFF  }
0xd9: {  	p0 =	sne.s32 s0, $0x0;
	_ =	strace $0x90000047  }
0xda: {  	s0 =	sadd.s32 @!p0 $0x100000, s1;
	[bflag:$0x2] =	sbarrier.arrive $0xFFFF  }
0xdb: {  	[sflag:s0] =	ssyncadd.tile.s32 @!p0 $0x1;
	_ =	shalt  }
.Lfunc_end2:
_tile_overlayer_lowered:
.L_overlay_start_2:
0xdc: {  	(tag) =	ssettag $0x2  }
0xdd: {  	s0 =	rddreg [dreg:$0x0];
	s2 =	stileid.u32  }
0xde: {  	s1 =	rddreg [dreg:$0x1];
	p0 =	sne.s32 s2, $0x0  }
0xdf: {  	s3 =	rddreg [dreg:$0x2];
	[bflag:$0x3] =	sbarrier.arrive $0xFFFF;
	s2 =	simm.s32 @!p0 $0x1C02  }
0xe0: {  	[timem:s3], [sflag:s2] =	dma.local @!p0 [hbm:s0], s1  }
0xe1: {  	s0 =	simm.s32 @!p0 $0x2  }
0xe2: {  	_ =	swait.ge @!p0 [sflag:s0], s1  }
0xe3: {  	s1 =	ssub.s32 @!p0 $0x0, s1;
	[sflag:s0] =	ssyncset.done @!p0 $0x0  }
0xe4: {  	[sflag:s0] =	ssyncadd.s32 @!p0 s1  }
0xe5: {  	[bflag:$0x3] =	sbarrier.arrive $0xFFFF  }
0xe6: {  	_ =	shalt  }

// kernel: kernel.7.cloned.1.call-start
scs
__scs_entry_jumppad:
0x0: {  	(pc) =	sbr.rel $0x88, $3  }
0x1: {  	(tag) =	ssettag $0x0;
	lr =	simm.s32 $0x1  }
0x2: {  	[smem:$0x3F9F] =	sst lr;
	_ =	strace $0xD0000000  }
0x3: {  	_ = 	snop  }
0x4: {  	_ = 	snop  }
0x5: {  	_ = 	snop  }
0x6: {  	_ = 	snop  }
0x7: {  	_ = 	snop  }
__scs_overlays_trampoline_lowered:
0x8: {  	[smem:$0x3FAE] =	sst s0  }
0x9: {  	[smem:$0x3FAF] =	sst s1  }
0xa: {  	[smem:$0x3FB0] =	sst s2  }
0xb: {  	[smem:$0x3FB1] =	sst s3  }
0xc: {  	[smem:$0x3FB2] =	sst s4  }
0xd: {  	[smem:$0x3FB3] =	sst s5  }
0xe: {  	[smem:$0x3FB4] =	sst s6  }
0xf: {  	[smem:$0x3FB5] =	sst s7  }
0x10: {  	[smem:$0x3FB6] =	sst s8  }
0x11: {  	[smem:$0x3FB7] =	sst s9;
	s0 =	simm.s32 @!p0 $0x0  }
0x12: {  	s1 =	sld [smem:$0x3F9D];
	s0 =	simm.s32 @p0 $0x1  }
0x13: {  	[smem:$0x3FB8] =	sst s0;
	s0 =	simm.s32 @!p1 $0x0  }
0x14: {  	s2 =	sld [smem:$0x3F9C];
	s0 =	simm.s32 @p1 $0x1  }
0x15: {  	[smem:$0x3FB9] =	sst s0;
	s0 =	simm.s32 @!p2 $0x0  }
0x16: {  	s3 =	sld [smem:$0x3FDB];
	s0 =	simm.s32 @p2 $0x1  }
0x17: {  	s4 =	simm.s32 $0x1BF5;
	[smem:$0x3FBB] =	sst s0  }
0x18: {  	s0 =	sld [smem:$0x3F9E];
	_ =	swait.ge [sflag:s4], $0x0  }
0x19: {  	s7 =	sld [smem:$0x3F9F]  }
0x1a: {  	s8 =	sadd.s32 $0xFFFFE003, lr  }
0x1b: {  	s9 =	sadd.s32 $0xFFFFFEF7, lr;
	s5 =	simm.s32 $0xFFFFFFFF;
	p2 =	slt.u32 s8, $0xFFFFF086  }
0x1c: {  	p1 =	slt.u32 s9, $0xF7A;
	s5 =	simm.s32 @!p2 $0x0  }
0x1d: {  	s5 =	simm.s32 @p1 $0x1;
	p0 =	seq.s32 s7, s2  }
0x1e: {  	s7 =	smul.u32 @!p0 $0xF7A, s2;
	p2 =	seq.s32 @!p0 s5, $0x0  }
0x1f: {  	s9 =	smul.u32 $0xF7A, s1;
	s8 =	simm.s32 @!p0 $0x1BF5;
	p2 =	por !p2, p0  }
0x20: {  	[sflag:s8] =	ssyncset.s32 @!p0 $0xFFFFF086;
	s6 =	sadd.s32 @!p0 s3, s7;
	s7 =	simm.s32 @!p0 $0x108  }
0x21: {  	s3 =	sadd.s32 s3, s9;
	s6 =	sadd.s32 @!p0 $0x88, s6;
	s7 =	simm.s32 @p2 $0x1082  }
0x22: {  	[simem:s7], [sflag:s8] =	dma.local @!p0 [hbm:s6], $0xF7A  }
0x23: {  	s9 =	sor.u32 $0xD0000000, s2;
	s6 =	simm.s32 $0x108;
	_ =	swait.ge @!p0 [sflag:s8], $0x0  }
0x24: {  	s3 =	sadd.s32 $0x88, s3;
	s6 =	simm.s32 @!p1 $0x1082;
	[sflag:s4] =	ssyncset.s32 $0xFFFFF086  }
0x25: {  	[simem:s6], [sflag:s4] =	dma.local [hbm:s3], $0xF7A  }
0x26: {  	[smem:$0x3F9F] =	sst s1;
	(tag) =	ssettag s2;
	_ =	strace s9  }
0x27: {  	s1 =	sld [smem:$0x3FAF]  }
0x28: {  	s2 =	sld [smem:$0x3FB0]  }
0x29: {  	s4 =	sld [smem:$0x3FB2]  }
0x2a: {  	p0 =	seq.s32 s5, $0x0;
	s5 =	sld [smem:$0x3FB3]  }
0x2b: {  	s6 =	sld [smem:$0x3FB4]  }
0x2c: {  	s7 =	sld [smem:$0x3FB5]  }
0x2d: {  	s3 =	simm.s32 $0x108;
	s8 =	sld [smem:$0x3FB6]  }
0x2e: {  	s3 =	simm.s32 @!p0 $0x1082;
	s9 =	sld [smem:$0x3FB7]  }
0x2f: {  	lr =	sadd.s32 s0, s3;
	s0 =	sld [smem:$0x3FAE]  }
0x30: {  	s3 =	sld [smem:$0x3FB1]  }
0x31: {  	[smem:$0x3FBA] =	sst s10  }
0x32: {  	s10 =	sld [smem:$0x3FB8];
	_ =	sdelay $0x3  }
0x33: {  	p0 =	seq.s32 s10, $0x1;
	s10 =	sld [smem:$0x3FBA];
	_ =	sdelay $0x3  }
0x34: {  	[smem:$0x3FBA] =	sst s10  }
0x35: {  	s10 =	sld [smem:$0x3FB9];
	_ =	sdelay $0x3  }
0x36: {  	p1 =	seq.s32 s10, $0x1;
	s10 =	sld [smem:$0x3FBA];
	_ =	sdelay $0x3  }
0x37: {  	[smem:$0x3FBA] =	sst s10  }
0x38: {  	s10 =	sld [smem:$0x3FBB]  }
0x39: {  	_ = 	snop;
	(pc) =	sbr.ind lr, $3  }
0x3a: {  	_ = 	snop  }
0x3b: {  	_ = 	snop  }
0x3c: {  	p2 =	seq.s32 s10, $0x1;
	s10 =	sld [smem:$0x3FBA]  }
0x3d: {  	_ =	shalt  }
0x3e: {  	_ =	shalt  }
0x3f: {  	_ =	shalt  }
0x40: {  	_ =	shalt  }
0x41: {  	_ =	shalt  }
0x42: {  	_ =	shalt  }
0x43: {  	_ =	shalt  }
0x44: {  	_ =	shalt  }
0x45: {  	_ =	shalt  }
0x46: {  	_ =	shalt  }
0x47: {  	_ =	shalt  }
0x48: {  	_ =	shalt  }
0x49: {  	_ =	shalt  }
0x4a: {  	_ =	shalt  }
0x4b: {  	_ =	shalt  }
0x4c: {  	_ =	shalt  }
0x4d: {  	_ =	shalt  }
0x4e: {  	_ =	shalt  }
0x4f: {  	_ =	shalt  }
0x50: {  	_ =	shalt  }
0x51: {  	_ =	shalt  }
0x52: {  	_ =	shalt  }
0x53: {  	_ =	shalt  }
0x54: {  	_ =	shalt  }
0x55: {  	_ =	shalt  }
0x56: {  	_ =	shalt  }
0x57: {  	_ =	shalt  }
0x58: {  	_ =	shalt  }
0x59: {  	_ =	shalt  }
0x5a: {  	_ =	shalt  }
0x5b: {  	_ =	shalt  }
0x5c: {  	_ =	shalt  }
0x5d: {  	_ =	shalt  }
0x5e: {  	_ =	shalt  }
0x5f: {  	_ =	shalt  }
0x60: {  	_ =	shalt  }
0x61: {  	_ =	shalt  }
0x62: {  	_ =	shalt  }
0x63: {  	_ =	shalt  }
0x64: {  	_ =	shalt  }
0x65: {  	_ =	shalt  }
0x66: {  	_ =	shalt  }
0x67: {  	_ =	shalt  }
0x68: {  	_ =	shalt  }
0x69: {  	_ =	shalt  }
0x6a: {  	_ =	shalt  }
0x6b: {  	_ =	shalt  }
0x6c: {  	_ =	shalt  }
0x6d: {  	_ =	shalt  }
0x6e: {  	_ =	shalt  }
0x6f: {  	_ =	shalt  }
0x70: {  	_ =	shalt  }
0x71: {  	_ =	shalt  }
0x72: {  	_ =	shalt  }
0x73: {  	_ =	shalt  }
0x74: {  	_ =	shalt  }
0x75: {  	_ =	shalt  }
0x76: {  	_ =	shalt  }
0x77: {  	_ =	shalt  }
0x78: {  	_ =	shalt  }
0x79: {  	_ =	shalt  }
0x7a: {  	_ =	shalt  }
0x7b: {  	_ =	shalt  }
0x7c: {  	_ =	shalt  }
0x7d: {  	_ =	shalt  }
0x7e: {  	_ =	shalt  }
0x7f: {  	_ =	shalt  }
0x80: {  	_ =	shalt  }
0x81: {  	_ =	shalt  }
0x82: {  	_ =	shalt  }
0x83: {  	_ =	shalt  }
0x84: {  	_ =	shalt  }
0x85: {  	_ =	shalt  }
0x86: {  	_ =	shalt  }
0x87: {  	_ =	shalt  }
.Lfunc_end0:
.L_simem_size_0:
called_computation.1_lowered:
.L_overlay_start_0:
0x88: {  	s2 =	sld [smem:$0x3FD9]  }
0x89: {  	s3 =	sld [smem:$0x3FFE];
	_ =	sdelay $0x1  }
0x8a: {  	s1 =	srdreg.scid  }
0x8b: {  	s0 =	sand.u32 $0x1, s1  }
0x8c: {  	s17 =	sshll.u32 s0, $0xA;
	s2 =	sadd.s32 s3, s2  }
0x8d: {  	s2 =	sadd.s32 s2, s17  }
0x8e: {  	[smem:$0x3FC6] =	sst s2  }
0x8f: {  	_ = 	snop  }
0x90: {  	s2 =	sld [smem:$0x3FD0];
	(tm) =	ssettm $0x1  }
0x91: {  	s18 =	sld [smem:$0x3FFB];
	_ =	sdelay $0x3  }
0x92: {  	_ =	strace s18  }
0x93: {  	s3 =	sld [smem:$0x3FFC];
	_ =	sdelay $0x3  }
0x94: {  	_ =	strace s3  }
0x95: {  	s3 =	sld [smem:$0x3FFD];
	_ =	sdelay $0x3  }
0x96: {  	_ =	strace s3  }
0x97: {  	_ =	strace $0x8FFFFFFF  }
0x98: {  	s19 =	sld [smem:$0x3FDB];
	_ =	sdelay $0x1  }
0x99: {  	s4 =	simm.s32 $_scs_section_size  }
0x9a: {  	s5 =	simm.s32 $_size__tile_overlayer_lowered;
	s6 =	simm.s32 $_tile_overlayer_lowered  }
0x9b: {  	s22 =	simm.s32 $0x1BFF;
	s21 =	sshll.u32 s6, $0x1;
	s3 =	sadd.s32 s4, s19  }
0x9c: {  	s7 =	simm.s32 $0x0;
	s20 =	sshll.u32 s5, $0x1;
	s5 =	sadd.s32 s21, s3  }
0x9d: {  	[timem:s7], [sflag:s22] =	dma.local [hbm:s5], s20  }
0x9e: {  	_ =	swait.ge [sflag:s22], s20  }
0x9f: {  	s4 =	ssub.s32 $0x0, s20;
	[sflag:s22] =	ssyncset.done $0x0  }
0xa0: {  	[sflag:s22] =	ssyncadd.s32 s4;
	_ =	sdelay $0x1  }
0xa1: {  	s23 =	simm.s32 $0x1B8B  }
0xa2: {  	_ =	swait.ge [sflag:s23], $0x1  }
0xa3: {  	[sflag:s23] =	ssyncset.done $0x0  }
0xa4: {  	s25 =	simm.s32 $0x1B8E;
	s24 =	sld [smem:$0x3FFE];
	[sflag:s23] =	ssyncadd.s32 $0xFFFFFFFF  }
0xa5: {  	s26 =	simm.s32 $execute0_lowered;
	[smem:$0x3FD2] =	sst s25  }
0xa6: {  	s5 =	sshll.u32 s26, $0x1;
	_ =	strace $0x80000049;
	[dreg:$0x1] =	wrdreg $0xFFFFFFFF  }
0xa7: {  	s28 =	simm.s32 $_size_execute0_lowered;
	s3 =	sadd.s32 s3, s5;
	[dreg:$0x0] =	wrdreg $0x0  }
0xa8: {  	s5 =	sshll.u32 s28, $0x1;
	[dreg:$0x2] =	wrdreg s3  }
0xa9: {  	[dreg:$0x3] =	wrdreg s5  }
0xaa: {  	[dreg:$0x4] =	wrdreg $0xC0  }
0xab: {  	_ =	task [dreg:s7], $0x5FFFF  }
0xac: {  	[dreg:$0x1] =	wrdreg $0xFFFFFFFF  }
0xad: {  	[dreg:$0x0] =	wrdreg $0x60  }
0xae: {  	[dreg:$0x2] =	wrdreg s24  }
0xaf: {  	[dreg:$0x3] =	wrdreg s2  }
0xb0: {  	[dreg:$0x4] =	wrdreg $0x9  }
0xb1: {  	_ =	task.clear_ibuf [dreg:s7], $0x5FFFF;
	_ =	strace $0x90000049  }
0xb2: {  	s29 =	simm.s32 $0x9;
	_ =	strace $0x8000004B  }
0xb3: {  	_ =	swait.ge [sflag:s29], $0x1  }
0xb4: {  	[sflag:s29] =	ssyncadd.s32 $0xFFFFFFFF  }
0xb5: {  	_ =	strace $0x9000004B  }
0xb6: {  	_ =	sfence  }
0xb7: {  	s30 =	sld [smem:$0x0];
	_ =	sdelay $0x2  }
0xb8: {  	s31 =	sshll.u32 s1, $0xD;
	s1 =	sshrl.u32 s1, $0x2  }
0xb9: {  	s3 =	sand.u32 $0x4000, s31;
	s1 =	sadd.s32 s1, s30  }
0xba: {  	s0 =	sor.u32 s3, s0;
	s1 =	sshll.u32 s1, $0x11  }
0xbb: {  	s0 =	sor.u32 s1, s0  }
0xbc: {  	s0 =	sadd.s32 $0x8F2B, s0  }
0xbd: {  	[sflag:s0] =	ssyncadd.remote.s32 $0x1  }
0xbe: {  	_ =	sfence.sel $0xFFFF  }
0xbf: {  	[dreg:$0x0] =	wrdreg $0xFFFFFFFF;
	(pc) =	sbr.abs _section_cstart, $3  }
0xc0: {  	[dreg:$0x1] =	wrdreg $0xFFFFFFFF  }
0xc1: {  	_ =	task.clear_ibuf [dreg:s7], $0x2FFFF;
	_ =	strace $0x9FFFFFFF  }
0xc2: {  	(tm) =	ssettm $0x7FFFFFFF  }
0xc3: {  	_ =	shalt  }
tec
execute0_lowered:
.L_overlay_start_1:
0x0: {  	(tag) =	ssettag $0x1  }
0x1: {  	s0 =	rddreg [dreg:$0x0]  }
0x2: {  	s1 =	rddreg [dreg:$0x1];
	s3 =	simm.s32 $0x0;
	s2 =	srdreg.scid  }
0x3: {  	s6 =	stileid.u32;
	s28 =	simm.s32 $0x4;
	[smem:$0x7FF] =	sst s3  }
0x4: {  	s2 =	sand.u32 $0x1, s2;
	s4 =	sshll.u32 s6, $0x4;
	s6 =	sshrl.u32 s6, $0x2  }
0x5: {  	s13 =	sadd.s32 $0x1E000, s0;
	_ =	strace $0x8000004A;
	s5 =	sshll.u32 s2, $0x3  }
0x6: {  	s4 =	sand.u32 $0x30, s4;
	s8 =	smul.u32 $0x34500, s6;
	s2 =	ssub.s32 $0x2, s2  }
0x7: {  	s6 =	sshll.u32 s6, $0x6;
	s5 =	sor.u32 s5, s4;
	s7 =	sshrl.u32 s2, $0x1  }
0x8: {  	s20 =	sor.u32 s6, s5;
	s2 =	ssub.s32 s2, s7;
	s24 =	sadd.s32 $0x1F00, s8  }
0x9: {  	s25 =	sadd.s32 $0x2E80, s8;
	s9 =	smul.u32 $0x5DC, s20;
	[dreg:$0x8] =	wrdreg s24  }
0xa: {  	s6 =	smul.u32 $0x1B0, s20;
	[dreg:$0x9] =	wrdreg s25;
	s31 =	smax.u32 s2, $0x1  }
0xb: {  	s4 =	sadd.s32 $0x3C00, s0;
	s21 =	sshrl.u32 s8, $0x3;
	[dreg:$0xe] =	wrdreg s31  }
0xc: {  	s5 =	sadd.s32 s4, s21;
	s9 =	sadd.s32 s13, s9;
	[dreg:$0x7] =	wrdreg s6  }
0xd: {  	s0 =	sor.u32 $0x4, s20;
	s22 =	sadd.s32 $0x1B0, s6;
	[dreg:$0x3] =	wrdreg s9  }
0xe: {  	s15 =	smul.u32 $0x5DC, s0;
	s23 =	sadd.s32 $0x360, s6;
	[dreg:$0x4] =	wrdreg s22  }
0xf: {  	s0 =	smul.u32 $0x1B0, s0;
	s6 =	sadd.s32 $0x510, s6;
	[dreg:$0x5] =	wrdreg s23  }
.Ltmp0:
0x10: {  	[dreg:$0x6] =	wrdreg s6;
	s26 =	sadd.s32 s13, s15;
	(pc) =	sbr.rel .LBB2_1-.Ltmp0, $4  }
0x11: {  	s21 =	simm.s32 $0x1;
	s29 =	sadd.s32 $0x1B0, s0;
	[dreg:$0xa] =	wrdreg s26  }
0x12: {  	s2 =	simm.s32 $0x0;
	s30 =	sadd.s32 $0x360, s0;
	[dreg:$0xb] =	wrdreg s29  }
0x13: {  	s18 =	smov.u32 s0;
	s0 =	sadd.s32 $0x510, s0;
	[dreg:$0xc] =	wrdreg s30  }
0x14: {  	s7 =	sadd.s32 $0x1F0, s5;
	[dreg:$0xd] =	wrdreg s0;
	s26 =	simm.s32 $0x2  }
.LBB2_39:
0x15: {  	s0 =	simm.s32 $0x3  }
0x16: {  	_ =	swait.ge [sflag:s0], $0x1000  }
0x17: {  	[sflag:s0] =	ssyncset.done $0x0  }
0x18: {  	[sflag:s0] =	ssyncadd.s32 $0xFFFFF000  }
0x19: {  	_ =	swait.ge [sflag:s0], $0x1000  }
0x1a: {  	[sflag:s0] =	ssyncset.done $0x0  }
0x1b: {  	[sflag:s0] =	ssyncadd.s32 $0xFFFFF000  }
0x1c: {  	_ =	swait.ge [sflag:s0], $0x1000  }
0x1d: {  	[sflag:s0] =	ssyncset.done $0x0  }
0x1e: {  	[sflag:s0] =	ssyncadd.s32 $0xFFFFF000  }
0x1f: {  	_ =	swait.ge [sflag:s0], $0x1000  }
0x20: {  	[sflag:s0] =	ssyncset.done $0x0  }
0x21: {  	[sflag:s0] =	ssyncadd.s32 $0xFFFFF000  }
0x22: {  	_ =	swait.ge [sflag:s28], $0x1000  }
0x23: {  	[sflag:s28] =	ssyncset.done $0x0  }
0x24: {  	[sflag:s28] =	ssyncadd.s32 $0xFFFFF000  }
0x25: {  	_ =	swait.ge [sflag:s28], $0x1000  }
0x26: {  	[sflag:s28] =	ssyncset.done $0x0  }
0x27: {  	[sflag:s28] =	ssyncadd.s32 $0xFFFFF000  }
0x28: {  	_ =	swait.ge [sflag:s28], $0x1000  }
0x29: {  	[sflag:s28] =	ssyncset.done $0x0  }
0x2a: {  	[sflag:s28] =	ssyncadd.s32 $0xFFFFF000  }
0x2b: {  	_ =	swait.ge [sflag:s28], $0x1000  }
0x2c: {  	s2 =	rddreg [dreg:$0xf]  }
0x2d: {  	s31 =	rddreg [dreg:$0xe];
	s2 =	sadd.s32 $0x1, s2  }
0x2e: {  	p0 =	sne.s32 s2, s31  }
.Ltmp1:
0x2f: {  	_ = 	snop;
	(pc) =	sbr.rel @!p0 .LBB2_40-.Ltmp1, $3  }
0x30: {  	_ =	sdelay $0x1  }
0x31: {  	[sflag:s28] =	ssyncset.done $0x0  }
0x32: {  	[sflag:s28] =	ssyncadd.s32 $0xFFFFF000  }
.LBB2_1:
0x33: {  	[dreg:$0xf] =	wrdreg s2;
	s2 =	simm.s32 $0xBB80  }
0x34: {  	s8 =	simm.s32 $0x10;
	s15 =	sadd.s32 $0x0, s5;
	s13 =	simm.s32 $0xBC80  }
.LBB2_2:
0x35: {  	[tilespmem:s2], [sflag:$0x1] =	stream.linear.gather [hbm4b:s15+s3], $0x80, $0x38;
	[tilespmem:$0x15A80] =	vst v63  }
0x36: {  	s15 =	smov.u32 s8;
	s2 =	smov.u32 s13;
	p0 =	sne.s32 s8, $0x1E0  }
.Ltmp2:
0x37: {  	s8 =	sadd.s32 $0x10, s8;
	(pc) =	sbr.rel @p0 .LBB2_2-.Ltmp2, $2  }
0x38: {  	_ =	sdelay $0x2  }
0x39: {  	s13 =	sadd.s32 $0x100, s13;
	s15 =	sadd.s32 s15, s5  }
0x3a: {  	[tilespmem:s2], [sflag:$0x1] =	stream.linear.gather [hbm4b:s15+s3], $0x80, $0x38;
	[tilespmem:$0x15A80] =	vst v63  }
0x3b: {  	s2 =	simm.s32 $0xBC00  }
0x3c: {  	s8 =	simm.s32 $0x10;
	s15 =	sadd.s32 $0x0, s7;
	s13 =	simm.s32 $0xBD00  }
.LBB2_4:
0x3d: {  	[tilespmem:s2], [sflag:$0x2] =	stream.linear.gather [hbm4b:s15+s3], $0x80, $0x38;
	[tilespmem:$0x15A80] =	vst v63  }
0x3e: {  	s15 =	smov.u32 s8;
	s2 =	smov.u32 s13;
	p0 =	sne.s32 s8, $0x1E0  }
.Ltmp3:
0x3f: {  	s8 =	sadd.s32 $0x10, s8;
	(pc) =	sbr.rel @p0 .LBB2_4-.Ltmp3, $2  }
0x40: {  	_ =	sdelay $0x2  }
0x41: {  	s13 =	sadd.s32 $0x100, s13;
	s15 =	sadd.s32 s15, s7  }
0x42: {  	[tilespmem:s2], [sflag:$0x2] =	stream.linear.gather [hbm4b:s15+s3], $0x80, $0x38;
	[tilespmem:$0x15A80] =	vst v63  }
0x43: {  	s15 =	simm.s32 $0x0;
	s0 =	rddreg [dreg:$0x3];
	s31 =	simm.s32 $0x5  }
0x44: {  	[tilespmem:s15], [sflag:$0x5] =	stream.linear.gather [hbm4b:s0+s15], $0xBB80, $0x38;
	[tilespmem:$0x15A80] =	vst v63  }
0x45: {  	_ =	swait.ge [sflag:s31], $0xBB80  }
0x46: {  	[sflag:s31] =	ssyncset.done $0x0  }
0x47: {  	s19 =	simm.s32 $0x0;
	[sflag:s31] =	ssyncadd.s32 $0xFFFF4480  }
.LBB2_6:
0x48: {  	_ =	swait.ge [sflag:s21], $0xF80  }
0x49: {  	p0 =	seq.s32 s19, $0x0;
	[sflag:s21] =	ssyncset.done $0x0  }
0x4a: {  	s2 =	simm.s32 @!p0 $0x3;
	[sflag:s21] =	ssyncadd.s32 $0xFFFFF080  }
0x4b: {  	_ =	swait.ge @!p0 [sflag:s2], $0x1000  }
0x4c: {  	[sflag:s2] =	ssyncset.done @!p0 $0x0  }
0x4d: {  	[sflag:s2] =	ssyncadd.s32 @!p0 $0xFFFFF000  }
0x4e: {  	_ =	swait.ge @!p0 [sflag:s2], $0x1000  }
0x4f: {  	[sflag:s2] =	ssyncset.done @!p0 $0x0  }
0x50: {  	[sflag:s2] =	ssyncadd.s32 @!p0 $0xFFFFF000  }
0x51: {  	_ =	swait.ge @!p0 [sflag:s2], $0x1000  }
0x52: {  	[sflag:s2] =	ssyncset.done @!p0 $0x0  }
0x53: {  	[sflag:s2] =	ssyncadd.s32 @!p0 $0xFFFFF000  }
0x54: {  	s8 =	simm.s32 $0xD90;
	s13 =	simm.s32 $0x1B20;
	_ =	swait.ge @!p0 [sflag:s2], $0x1000  }
0x55: {  	s8 =	sand.u32 $0x70, s8;
	s13 =	sand.u32 $0x1F00, s13;
	[sflag:s2] =	ssyncset.done @!p0 $0x0  }
0x56: {  	s12 =	sor.u32 s8, s13;
	[sflag:s2] =	ssyncadd.s32 @!p0 $0xFFFFF000  }
0x57: {  	v0 =	vld [tilespmem:s12+$0xBB80]  }
0x58: {  	s14 =	simm.s32 $0x3E0  }
0x59: {  	s16 =	simm.s32 $0x7C0;
	s20 =	simm.s32 $0x5D0;
	s13 =	simm.s32 $0x1F0  }
0x5a: {  	s22 =	simm.s32 $0xBA0;
	s23 =	sand.u32 $0x700, s14;
	s2 =	sand.u32 $0x70, s13  }
0x5b: {  	s24 =	sand.u32 $0xF00, s16;
	s8 =	sand.u32 $0x70, s14;
	s2 =	sor.u32 s2, s23  }
0x5c: {  	s25 =	simm.s32 $0xF80;
	s29 =	simm.s32 $0x9B0;
	s24 =	sor.u32 s8, s24;
	v4 =	vld [tilespmem:s2+$0xBB80];
	vm0 =	vgt.s32 v0, $0x0  }
0x5d: {  	s30 =	simm.s32 $0x1360;
	s20 =	sand.u32 $0x70, s20;
	s17 =	sand.u32 $0xF00, s22;
	v5 =	vld [tilespmem:s24+$0xBB80];
	v3 =	vnsel vm0, $0x0, v0  }
0x5e: {  	s20 =	sor.u32 s20, s17;
	s8 =	sand.u32 $0x1F00, s25;
	s13 =	sand.u32 $0x70, s16  }
0x5f: {  	s31 =	sand.u32 $0x70, s29;
	v6 =	vld [tilespmem:s20+$0xBB80];
	s8 =	sor.u32 s13, s8;
	s2 =	sand.u32 $0x1700, s30  }
0x60: {  	s0 =	simm.s32 $0x1740;
	v7 =	vld [tilespmem:s8+$0xBB80];
	s2 =	sor.u32 s31, s2  }
0x61: {  	s6 =	sand.u32 $0x70, s22;
	s13 =	sand.u32 $0x1F00, s0;
	v8 =	vld [tilespmem:s2+$0xBB80];
	vm0 =	vgt.s32 v4, $0x0  }
0x62: {  	s8 =	sor.u32 s6, s13;
	v10 =	vnsel vm0, $0x0, v4;
	vm0 =	vgt.s32 v5, $0x0;
	v1 =	vld.idx.msk [tilespmem:v3+s3+$0x0], $0xffff  }
0x63: {  	v11 =	vld [tilespmem:s8+$0xBB80];
	v12 =	vnsel vm0, $0x0, v5  }
0x64: {  	v9 =	vadd.s32 $0x2EE0, v3;
	vm0 =	vgt.s32 v6, $0x0  }
0x65: {  	v13 =	vnsel vm0, $0x0, v6;
	vm0 =	vgt.s32 v7, $0x0  }
0x66: {  	s9 =	sor.u32 s15, s15;
	vm3 =	vgt.s32 v0, $0xFFFFFFFF;
	v0 =	vnsel vm0, $0x0, v7;
	vm0 =	vgt.s32 v8, $0x0  }
0x67: {  	s2 =	sor.u32 $0x380, s9;
	v2 =	vnsel vm0, $0x0, v8;
	v14 =	vld.idx.msk [tilespmem:v10+s3+$0x0], $0xffff;
	v1 =	vnsel vm3, $0x0, v1  }
0x68: {  	vm0 =	vgt.s32 v11, $0x0;
	v15 =	vld.idx.msk [tilespmem:v12+s3+$0x0], $0xffff;
	[tilespmem:s2+$0xDA80] =	vst v1  }
0x69: {  	v1 =	vnsel vm0, $0x0, v11;
	v9 =	vld.idx.msk [tilespmem:v9+s3+$0x0], $0xffff  }
0x6a: {  	v18 =	vadd.s32 $0x2EE0, v10;
	v16 =	vld.idx.msk [tilespmem:v13+s3+$0x0], $0xffff  }
0x6b: {  	s10 =	sand.u32 $0x300, s15;
	s11 =	sand.u32 $0x70, s15;
	s22 =	simm.s32 $0x3F0;
	v17 =	vadd.s32 $0x5DC0, v3;
	v19 =	vld.idx.msk [tilespmem:v0+s3+$0x0], $0xffff  }
0x6c: {  	s29 =	simm.s32 $0xFA0;
	s12 =	sand.u32 $0xC00, s15;
	vm7 =	vgt.s32 v4, $0xFFFFFFFF;
	v4 =	vadd.s32 $0x2EE0, v12;
	v20 =	vld.idx.msk [tilespmem:v2+s3+$0x0], $0xffff;
	s2 =	sor.u32 s11, s10  }
0x6d: {  	s14 =	simm.s32 $0xDA0;
	s25 =	simm.s32 $0x7D0;
	s8 =	sor.u32 s11, s12;
	v14 =	vnsel vm7, $0x0, v14;
	v21 =	vld [tilespmem:s2+$0xBB80]  }
0x6e: {  	s16 =	simm.s32 $0x1B40;
	s20 =	simm.s32 $0x400;
	s23 =	simm.s32 $0x7E0;
	vm1 =	vgt.s32 v5, $0xFFFFFFFF;
	v5 =	vadd.s32 $0x2EE0, v13;
	[tilespmem:s8+$0xDB00] =	vst v14;
	v22 =	vld.idx.msk [tilespmem:v1+s3+$0x0], $0xffff;
	v9 =	vnsel vm3, $0x0, v9  }
0x6f: {  	s13 =	sand.u32 $0x1F00, s16;
	s16 =	sand.u32 $0x1F00, s29;
	vm2 =	vgt.s32 v6, $0xFFFFFFFF;
	v6 =	vadd.s32 $0x2EE0, v0;
	s2 =	sand.u32 $0x70, s14;
	[tilespmem:s8+$0xEE00] =	vst v9;
	v9 =	vnsel vm1, $0x0, v15;
	v15 =	vld.idx.msk [tilespmem:v18+s3+$0x0], $0xffff  }
0x70: {  	vm4 =	vgt.s32 v7, $0xFFFFFFFF;
	v7 =	vadd.s32 $0x2EE0, v2;
	s14 =	sand.u32 $0x70, s25;
	s2 =	sor.u32 s2, s13;
	s13 =	sand.u32 $0x700, s20;
	v14 =	vld.idx.msk [tilespmem:v17+s3+$0x0], $0xffff;
	[tilespmem:s8+$0xDB80] =	vst v9  }
0x71: {  	vm0 =	vgt.s32 v8, $0xFFFFFFFF;
	v8 =	vadd.s32 $0x2EE0, v1;
	s20 =	sand.u32 $0x70, s22;
	s22 =	sand.u32 $0xF00, s23;
	s23 =	sor.u32 s14, s16;
	v9 =	vnsel vm2, $0x0, v16;
	v4 =	vld.idx.msk [tilespmem:v4+s3+$0x0], $0xffff  }
0x72: {  	vm6 =	vgt.s32 v11, $0xFFFFFFFF;
	v11 =	vadd.s32 $0x5DC0, v10;
	[tilespmem:s8+$0xDC00] =	vst v9;
	v9 =	vnsel vm4, $0x0, v19;
	v19 =	vld [tilespmem:s23+$0xBB80]  }
0x73: {  	v3 =	vadd.s32 $0x8CA0, v3;
	vm5 =	vgt.s32 v21, $0x0;
	v5 =	vld.idx.msk [tilespmem:v5+s3+$0x0], $0xffff;
	[tilespmem:s8+$0xDC80] =	vst v9;
	v9 =	vnsel vm0, $0x0, v20  }
0x74: {  	v16 =	vnsel vm5, $0x0, v21;
	v6 =	vld.idx.msk [tilespmem:v6+s3+$0x0], $0xffff;
	[tilespmem:s8+$0xDD00] =	vst v9;
	v9 =	vnsel vm6, $0x0, v22  }
0x75: {  	v17 =	vadd.s32 $0x5DC0, v12;
	v7 =	vld.idx.msk [tilespmem:v7+s3+$0x0], $0xffff;
	[tilespmem:s8+$0xDD80] =	vst v9;
	v15 =	vnsel vm7, $0x0, v15  }
0x76: {  	v9 =	vnsel vm3, $0x0, v14;
	v8 =	vld.idx.msk [tilespmem:v8+s3+$0x0], $0xffff;
	[tilespmem:s8+$0xEB00] =	vst v15  }
0x77: {  	v14 =	vadd.s32 $0x5DC0, v13;
	[tilespmem:s8+$0xFE00] =	vst v9;
	v11 =	vld.idx.msk [tilespmem:v11+s3+$0x0], $0xffff  }
0x78: {  	v9 =	vadd.s32 $0x5DC0, v0;
	v4 =	vnsel vm1, $0x0, v4;
	v3 =	vld.idx.msk [tilespmem:v3+s3+$0x0], $0xffff  }
0x79: {  	vm4 =	vmmov vm4;
	v15 =	vadd.s32 $0x5DC0, v2;
	[tilespmem:s8+$0xEB80] =	vst v4;
	v4 =	vnsel vm2, $0x0, v5;
	v5 =	vld.idx.msk [tilespmem:v16+s3+$0x0], $0xffff  }
0x7a: {  	v18 =	vadd.s32 $0x5DC0, v1;
	vm5 =	vmmov vm0;
	[tilespmem:s8+$0xEC00] =	vst v4;
	v4 =	vld.idx.msk [tilespmem:v17+s3+$0x0], $0xffff;
	v6 =	vnsel vm4, $0x0, v6  }
0x7b: {  	v10 =	vadd.s32 $0x8CA0, v10;
	[tilespmem:s8+$0xEC80] =	vst v6;
	v6 =	vnsel vm5, $0x0, v7;
	v7 =	vld [tilespmem:s2+$0xBB80]  }
0x7c: {  	vm6 =	vmmov vm6;
	v17 =	vadd.s32 $0x2EE0, v16;
	v14 =	vld.idx.msk [tilespmem:v14+s3+$0x0], $0xffff  }
0x7d: {  	vm0 =	vgt.s32 v21, $0xFFFFFFFF;
	[tilespmem:s8+$0xED00] =	vst v6;
	v6 =	vnsel vm6, $0x0, v8;
	v8 =	vld.idx.msk [tilespmem:v9+s3+$0x0], $0xffff  }
0x7e: {  	vm0 =	vmmov vm0;
	v9 =	vadd.s32 $0x8CA0, v13;
	[tilespmem:s8+$0xED80] =	vst v6;
	v6 =	vnsel vm7, $0x0, v11;
	v11 =	vld.idx.msk [tilespmem:v15+s3+$0x0], $0xffff  }
0x7f: {  	s17 =	simm.s32 $0x200;
	s24 =	simm.s32 $0x5E0;
	s31 =	simm.s32 $0xBC0;
	v5 =	vnsel vm0, $0x0, v5;
	[tilespmem:s8+$0xFB00] =	vst v6;
	v6 =	vld.idx.msk [tilespmem:v18+s3+$0x0], $0xffff  }
0x80: {  	s0 =	sand.u32 $0x70, s24;
	s6 =	sand.u32 $0xF00, s31;
	s2 =	sand.u32 $0x70, s17;
	[tilespmem:s8+$0xDA80] =	vst v5;
	v5 =	vld.idx.msk [tilespmem:v10+s3+$0x0], $0xffff;
	v4 =	vnsel vm1, $0x0, v4  }
0x81: {  	s2 =	sor.u32 s2, s13;
	s13 =	sor.u32 s0, s6;
	vm8 =	vgt.s32 v7, $0x0;
	v13 =	vld.idx.msk [tilespmem:v17+s3+$0x0], $0xffff;
	[tilespmem:s8+$0xFB80] =	vst v4;
	v4 =	vnsel vm2, $0x0, v14  }
0x82: {  	v17 =	vld [tilespmem:s13+$0xBB80];
	v10 =	vnsel vm8, $0x0, v7;
	[tilespmem:s8+$0xFC00] =	vst v4  }
0x83: {  	s30 =	simm.s32 $0x9C0;
	s10 =	simm.s32 $0x1380;
	v12 =	vadd.s32 $0x8CA0, v12;
	v4 =	vld.idx.msk [tilespmem:v9+s3+$0x0], $0xffff  }
0x84: {  	s9 =	sor.u32 s20, s22;
	s20 =	sand.u32 $0x1700, s10;
	v0 =	vadd.s32 $0x8CA0, v0;
	s17 =	sand.u32 $0x70, s30;
	v9 =	vld [tilespmem:s2+$0xBB80]  }
0x85: {  	s13 =	sor.u32 s17, s20;
	v14 =	vld [tilespmem:s9+$0xBB80]  }
0x86: {  	v1 =	vadd.s32 $0x8CA0, v1;
	v2 =	vadd.s32 $0x8CA0, v2;
	v20 =	vld [tilespmem:s13+$0xBB80]  }
0x87: {  	s12 =	simm.s32 $0x1760;
	s11 =	simm.s32 $0xBB0;
	vm10 =	vgt.s32 v19, $0xFFFFFFFF;
	v15 =	vadd.s32 $0x5DC0, v16;
	v8 =	vnsel vm4, $0x0, v8;
	v18 =	vld.idx.msk [tilespmem:v10+s3+$0x0], $0xffff  }
0x88: {  	s22 =	sand.u32 $0x70, s11;
	v16 =	vadd.s32 $0x8CA0, v16;
	v3 =	vnsel vm3, $0x0, v3;
	v12 =	vld.idx.msk [tilespmem:v12+s3+$0x0], $0xffff;
	s2 =	sand.u32 $0x1F00, s12;
	v6 =	vnsel vm6, $0x0, v6;
	[tilespmem:s8+$0xFC80] =	vst v8  }
0x89: {  	v21 =	vadd.s32 $0x2EE0, v10;
	s2 =	sor.u32 s22, s2;
	v0 =	vld.idx.msk [tilespmem:v0+s3+$0x0], $0xffff;
	[tilespmem:s8+$0xFD80] =	vst v6;
	v13 =	vnsel vm0, $0x0, v13;
	vm3 =	vgt.s32 v9, $0x0  }
0x8a: {  	s25 =	simm.s32 $0x10;
	v11 =	vnsel vm5, $0x0, v11;
	v5 =	vnsel vm7, $0x0, v5;
	[tilespmem:s8+$0xEA80] =	vst v13;
	v13 =	vld [tilespmem:s2+$0xBB80];
	s2 =	simm.s32 $0x80;
	v22 =	vnsel vm3, $0x0, v9  }
0x8b: {  	vm7 =	vgt.s32 v7, $0xFFFFFFFF;
	v24 =	vld.idx.msk [tilespmem:v1+s3+$0x0], $0xffff;
	vm8 =	vgt.s32 v20, $0xFFFFFFFF;
	s29 =	sor.u32 s2, s25;
	vm3 =	vgt.s32 v14, $0x0  }
0x8c: {  	[tilespmem:s8+$0xFD00] =	vst v11;
	v8 =	vld.idx.msk [tilespmem:v15+s3+$0x0], $0xffff;
	s20 =	sor.u32 $0x380, s29;
	v11 =	vnsel vm3, $0x0, v14;
	vm3 =	vgt.s32 v17, $0x0;
	v6 =	vnsel vm7, $0x0, v18  }
0x8d: {  	s30 =	simm.s32 $0x20;
	v4 =	vnsel vm2, $0x0, v4;
	v15 =	vnsel vm3, $0x0, v17;
	vm3 =	vgt.s32 v19, $0x0;
	v18 =	vld.idx.msk [tilespmem:v2+s3+$0x0], $0xffff;
	[tilespmem:s20+$0xDA80] =	vst v6  }
0x8e: {  	s13 =	sand.u32 $0x70, s25;
	vm2 =	vgt.s32 v14, $0xFFFFFFFF;
	v23 =	vnsel vm3, $0x0, v19;
	vm3 =	vgt.s32 v20, $0x0;
	s20 =	sand.u32 $0x300, s30;
	v6 =	vld.idx.msk [tilespmem:v21+s3+$0x0], $0xffff  }
0x8f: {  	v0 =	vnsel vm4, $0x0, v0;
	v1 =	vnsel vm3, $0x0, v20;
	vm3 =	vgt.s32 v13, $0x0;
	s20 =	sor.u32 s13, s20;
	v7 =	vld.idx.msk [tilespmem:v22+s3+$0x0], $0xffff  }
0x90: {  	[tilespmem:s8+$0x10B00] =	vst v5;
	v5 =	vadd.s32 $0x2EE0, v22;
	v28 =	vadd.s32 $0x5DC0, v22;
	v14 =	vnsel vm3, $0x0, v13;
	v32 =	vld [tilespmem:s20+$0xBB80]  }
0x91: {  	[tilespmem:s8+$0x10E00] =	vst v3;
	v2 =	vnsel vm1, $0x0, v12;
	vm1 =	vgt.s32 v9, $0xFFFFFFFF;
	v19 =	vadd.s32 $0x5DC0, v10;
	v3 =	vld.idx.msk [tilespmem:v11+s3+$0x0], $0xffff  }
0x92: {  	vm9 =	vgt.s32 v13, $0xFFFFFFFF;
	[tilespmem:s8+$0x10B80] =	vst v2;
	v2 =	vnsel vm0, $0x0, v8;
	vm3 =	vgt.s32 v17, $0xFFFFFFFF;
	v17 =	vld.idx.msk [tilespmem:v15+s3+$0x0], $0xffff  }
0x93: {  	s31 =	sand.u32 $0xC00, s2;
	[tilespmem:s8+$0x10C00] =	vst v4;
	v12 =	vadd.s32 $0x5DC0, v15;
	v20 =	vadd.s32 $0x2EE0, v11;
	v21 =	vadd.s32 $0x2EE0, v15;
	v26 =	vld.idx.msk [tilespmem:v23+s3+$0x0], $0xffff  }
0x94: {  	v25 =	vadd.s32 $0x2EE0, v23;
	s13 =	sor.u32 s13, s31;
	[tilespmem:s8+$0xFA80] =	vst v2;
	v9 =	vadd.s32 $0x5DC0, v23;
	v29 =	vld.idx.msk [tilespmem:v1+s3+$0x0], $0xffff;
	v4 =	vnsel vm7, $0x0, v6  }
0x95: {  	v27 =	vadd.s32 $0x2EE0, v1;
	v13 =	vadd.s32 $0x5DC0, v11;
	v31 =	vld.idx.msk [tilespmem:v14+s3+$0x0], $0xffff;
	v2 =	vnsel vm1, $0x0, v7;
	[tilespmem:s13+$0xEE00] =	vst v4  }
0x96: {  	v8 =	vadd.s32 $0x5DC0, v1;
	v30 =	vadd.s32 $0x2EE0, v14;
	[tilespmem:s13+$0xDB00] =	vst v2;
	v2 =	vnsel vm2, $0x0, v3;
	v33 =	vld.idx.msk [tilespmem:v19+s3+$0x0], $0xffff  }
0x97: {  	v6 =	vadd.s32 $0x5DC0, v14;
	v4 =	vadd.s32 $0x8CA0, v11;
	v11 =	vld.idx.msk [tilespmem:v5+s3+$0x0], $0xffff;
	[tilespmem:s13+$0xDB80] =	vst v2;
	v3 =	vnsel vm3, $0x0, v17  }
0x98: {  	v7 =	vadd.s32 $0x8CA0, v22;
	v5 =	vadd.s32 $0x8CA0, v15;
	v2 =	vadd.s32 $0x8CA0, v23;
	v20 =	vld.idx.msk [tilespmem:v20+s3+$0x0], $0xffff;
	[tilespmem:s13+$0xDC00] =	vst v3  }
0x99: {  	[tilespmem:s8+$0x10C80] =	vst v0;
	v15 =	vnsel vm10, $0x0, v26;
	v3 =	vadd.s32 $0x8CA0, v1;
	v23 =	vld.idx.msk [tilespmem:v21+s3+$0x0], $0xffff;
	v21 =	vadd.s32 $0x8CA0, v10  }
0x9a: {  	v16 =	vld.idx.msk [tilespmem:v16+s3+$0x0], $0xffff;
	[tilespmem:s13+$0xDC80] =	vst v15;
	v15 =	vnsel vm8, $0x0, v29;
	v10 =	vnsel vm6, $0x0, v24;
	vm6 =	vgt.s32 v32, $0x0  }
0x9b: {  	v1 =	vadd.s32 $0x8CA0, v14;
	v19 =	vld.idx.msk [tilespmem:v25+s3+$0x0], $0xffff;
	[tilespmem:s13+$0xDD00] =	vst v15;
	v14 =	vnsel vm9, $0x0, v31;
	v22 =	vnsel vm6, $0x0, v32  }
0x9c: {  	vm4 =	vmmov vm10;
	v15 =	vnsel vm5, $0x0, v18;
	v17 =	vld.idx.msk [tilespmem:v27+s3+$0x0], $0xffff;
	[tilespmem:s13+$0xDD80] =	vst v14;
	v14 =	vnsel vm7, $0x0, v33  }
0x9d: {  	vm5 =	vmmov vm8;
	vm8 =	vgt.s32 v32, $0xFFFFFFFF;
	v18 =	vld.idx.msk [tilespmem:v30+s3+$0x0], $0xffff;
	v0 =	vnsel vm1, $0x0, v11;
	[tilespmem:s13+$0xFE00] =	vst v14  }
0x9e: {  	vm6 =	vmmov vm9;
	v14 =	vadd.s32 $0x2EE0, v22;
	[tilespmem:s13+$0xEB00] =	vst v0;
	v63 =	vnsel vm2, $0x0, v20;
	v21 =	vld.idx.msk [tilespmem:v21+s3+$0x0], $0xffff  }
0x9f: {  	s23 =	simm.s32 $0x20;
	s22 =	simm.s32 $0x40;
	s20 =	simm.s32 $0x8;
	v11 =	vadd.s32 $0x5DC0, v22;
	v0 =	vadd.s32 $0x8CA0, v22;
	v20 =	vld.idx.msk [tilespmem:v28+s3+$0x0], $0xffff;
	[tilespmem:s13+$0xEB80] =	vst v63;
	v23 =	vnsel vm3, $0x0, v23  }
.LBB2_7:
0xa0: {  	s24 =	sadd.s32 $0xD90, s23;
	s25 =	sadd.s32 $0x1B20, s22;
	s20 =	sadd.s32 $0x8, s20;
	v22 =	vld.idx.msk [tilespmem:v22+s3+$0x0], $0xffff;
	[tilespmem:s13+$0xEC00] =	vst v23;
	v19 =	vnsel vm4, $0x0, v19  }
0xa1: {  	v17 =	vnsel vm5, $0x0, v17;
	s24 =	sand.u32 $0x70, s24;
	s25 =	sand.u32 $0x1F00, s25;
	p1 =	slt.u32 s20, $0xF0;
	v13 =	vld.idx.msk [tilespmem:v13+s3+$0x0], $0xffff;
	[tilespmem:s13+$0xEC80] =	vst v19  }
0xa2: {  	s29 =	sadd.s32 $0x1F0, s23;
	s30 =	sadd.s32 $0x3E0, s22;
	s24 =	sor.u32 s24, s25;
	v12 =	vld.idx.msk [tilespmem:v12+s3+$0x0], $0xffff;
	[tilespmem:s13+$0xED00] =	vst v17;
	v17 =	vnsel vm6, $0x0, v18  }
0xa3: {  	s31 =	sadd.s32 $0x7C0, s22;
	s0 =	sadd.s32 $0x5D0, s23;
	s25 =	sadd.s32 $0x3E0, s23;
	v16 =	vnsel vm0, $0x0, v16;
	vm0 =	vmmov vm8;
	v18 =	vld [tilespmem:s24+$0xBB80];
	[tilespmem:s13+$0xED80] =	vst v17  }
0xa4: {  	s14 =	sadd.s32 $0x7C0, s23;
	s6 =	sadd.s32 $0xF80, s22;
	s24 =	sadd.s32 $0xBA0, s22;
	v17 =	vnsel vm7, $0x0, v21;
	v9 =	vld.idx.msk [tilespmem:v9+s3+$0x0], $0xffff;
	[tilespmem:s8+$0x10D00] =	vst v15  }
0xa5: {  	s9 =	sadd.s32 $0x9B0, s23;
	s10 =	sadd.s32 $0x1360, s22;
	s11 =	sadd.s32 $0xBA0, s23;
	v15 =	vnsel vm1, $0x0, v20;
	v8 =	vld.idx.msk [tilespmem:v8+s3+$0x0], $0xffff;
	[tilespmem:s13+$0x10E00] =	vst v17  }
0xa6: {  	s16 =	sadd.s32 $0x1740, s22;
	s29 =	sand.u32 $0x70, s29;
	s30 =	sand.u32 $0x700, s30;
	v17 =	vnsel vm0, $0x0, v22;
	[tilespmem:s13+$0xFB00] =	vst v15;
	v6 =	vld.idx.msk [tilespmem:v6+s3+$0x0], $0xffff  }
0xa7: {  	s31 =	sand.u32 $0xF00, s31;
	s0 =	sand.u32 $0x70, s0;
	s25 =	sand.u32 $0x70, s25;
	v13 =	vnsel vm2, $0x0, v13;
	[tilespmem:s13+$0xDA80] =	vst v17;
	v7 =	vld.idx.msk [tilespmem:v7+s3+$0x0], $0xffff  }
0xa8: {  	s14 =	sand.u32 $0x70, s14;
	s6 =	sand.u32 $0x1F00, s6;
	s12 =	sand.u32 $0xF00, s24;
	v12 =	vnsel vm3, $0x0, v12;
	vm7 =	vgt.s32 v18, $0x0;
	v15 =	vld.idx.msk [tilespmem:v14+s3+$0x0], $0xffff;
	[tilespmem:s13+$0xFB80] =	vst v13  }
0xa9: {  	s9 =	sand.u32 $0x70, s9;
	s10 =	sand.u32 $0x1700, s10;
	s11 =	sand.u32 $0x70, s11;
	v14 =	vnsel vm7, $0x0, v18;
	v4 =	vld.idx.msk [tilespmem:v4+s3+$0x0], $0xffff;
	[tilespmem:s13+$0xFC00] =	vst v12  }
0xaa: {  	s16 =	sand.u32 $0x1F00, s16;
	s29 =	sor.u32 s29, s30;
	s24 =	sand.u32 $0x300, s22;
	v9 =	vnsel vm4, $0x0, v9;
	v5 =	vld.idx.msk [tilespmem:v5+s3+$0x0], $0xffff;
	[tilespmem:s8+$0x10D80] =	vst v10  }
0xab: {  	s6 =	sor.u32 s14, s6;
	s25 =	sor.u32 s25, s31;
	s0 =	sor.u32 s0, s12;
	v8 =	vnsel vm5, $0x0, v8;
	v10 =	vld [tilespmem:s29+$0xBB80];
	[tilespmem:s13+$0xFC80] =	vst v9  }
0xac: {  	s9 =	sor.u32 s9, s10;
	s10 =	sor.u32 s11, s16;
	v6 =	vnsel vm6, $0x0, v6;
	v9 =	vld [tilespmem:s25+$0xBB80];
	[tilespmem:s13+$0xFD00] =	vst v8  }
0xad: {  	v7 =	vnsel vm1, $0x0, v7;
	v8 =	vld [tilespmem:s0+$0xBB80];
	[tilespmem:s13+$0xFD80] =	vst v6  }
0xae: {  	v12 =	vnsel vm0, $0x0, v15;
	v6 =	vld.idx.msk [tilespmem:v14+s3+$0x0], $0xffff;
	[tilespmem:s13+$0x10B00] =	vst v7  }
0xaf: {  	v4 =	vnsel vm2, $0x0, v4;
	v7 =	vld [tilespmem:s6+$0xBB80];
	[tilespmem:s13+$0xEA80] =	vst v12  }
0xb0: {  	vm1 =	vgt.s32 v10, $0xFFFFFFFF;
	vm2 =	vgt.s32 v10, $0x0;
	v12 =	vld [tilespmem:s9+$0xBB80];
	[tilespmem:s13+$0x10B80] =	vst v4;
	v4 =	vnsel vm3, $0x0, v5  }
0xb1: {  	v13 =	vadd.s32 $0x2EE0, v14;
	v5 =	vnsel vm2, $0x0, v10;
	vm3 =	vgt.s32 v9, $0x0;
	v10 =	vld [tilespmem:s10+$0xBB80];
	[tilespmem:s13+$0x10C00] =	vst v4  }
0xb2: {  	s2 =	sadd.s32 $0x80, s2;
	vm2 =	vgt.s32 v9, $0xFFFFFFFF;
	v4 =	vnsel vm3, $0x0, v9;
	vm7 =	vgt.s32 v8, $0x0;
	v11 =	vld.idx.msk [tilespmem:v11+s3+$0x0], $0xffff;
	[tilespmem:s8+$0x10A80] =	vst v16;
	s8 =	smov.u32 s13  }
0xb3: {  	s0 =	sor.u32 s2, s23;
	vm3 =	vgt.s32 v8, $0xFFFFFFFF;
	v15 =	vnsel vm7, $0x0, v8;
	vm7 =	vgt.s32 v18, $0xFFFFFFFF;
	v16 =	vld.idx.msk [tilespmem:v2+s3+$0x0], $0xffff  }
0xb4: {  	s0 =	sor.u32 $0x380, s0;
	vm8 =	vgt.s32 v7, $0xFFFFFFFF;
	vm9 =	vgt.s32 v7, $0x0;
	v2 =	vnsel vm7, $0x0, v6;
	v17 =	vld.idx.msk [tilespmem:v3+s3+$0x0], $0xffff  }
0xb5: {  	v3 =	vnsel vm9, $0x0, v7;
	vm10 =	vgt.s32 v12, $0xFFFFFFFF;
	vm9 =	vgt.s32 v12, $0x0;
	[tilespmem:s0+$0xDA80] =	vst v2;
	v18 =	vld.idx.msk [tilespmem:v1+s3+$0x0], $0xffff  }
0xb6: {  	v1 =	vnsel vm9, $0x0, v12;
	vm9 =	vgt.s32 v10, $0xFFFFFFFF;
	vm11 =	vgt.s32 v10, $0x0;
	v2 =	vld.idx.msk [tilespmem:v13+s3+$0x0], $0xffff  }
0xb7: {  	v20 =	vadd.s32 $0x2EE0, v5;
	v21 =	vadd.s32 $0x2EE0, v4;
	v19 =	vld.idx.msk [tilespmem:v5+s3+$0x0], $0xffff;
	v10 =	vnsel vm11, $0x0, v10  }
0xb8: {  	v23 =	vadd.s32 $0x2EE0, v15;
	v24 =	vadd.s32 $0x2EE0, v3;
	v25 =	vadd.s32 $0x2EE0, v1;
	v22 =	vld.idx.msk [tilespmem:v4+s3+$0x0], $0xffff  }
0xb9: {  	v29 =	vadd.s32 $0x5DC0, v14;
	v26 =	vadd.s32 $0x5DC0, v5;
	v28 =	vadd.s32 $0x2EE0, v10;
	v27 =	vld.idx.msk [tilespmem:v15+s3+$0x0], $0xffff  }
0xba: {  	v13 =	vadd.s32 $0x5DC0, v4;
	v12 =	vadd.s32 $0x5DC0, v15;
	v9 =	vadd.s32 $0x5DC0, v3;
	v30 =	vld.idx.msk [tilespmem:v3+s3+$0x0], $0xffff  }
0xbb: {  	s6 =	sand.u32 $0xC00, s2;
	s0 =	sand.u32 $0x70, s23;
	v8 =	vadd.s32 $0x5DC0, v1;
	v11 =	vnsel vm0, $0x0, v11;
	v6 =	vadd.s32 $0x5DC0, v10;
	v31 =	vld.idx.msk [tilespmem:v1+s3+$0x0], $0xffff  }
0xbc: {  	v7 =	vadd.s32 $0x8CA0, v5;
	s9 =	sor.u32 s0, s24;
	s13 =	sor.u32 s0, s6;
	v4 =	vadd.s32 $0x8CA0, v4;
	v33 =	vnsel vm7, $0x0, v2;
	v32 =	vld.idx.msk [tilespmem:v10+s3+$0x0], $0xffff;
	[tilespmem:s8+$0xFA80] =	vst v11  }
0xbd: {  	v5 =	vadd.s32 $0x8CA0, v15;
	v2 =	vadd.s32 $0x8CA0, v3;
	v19 =	vnsel vm1, $0x0, v19;
	v11 =	vld [tilespmem:s9+$0xBB80];
	[tilespmem:s13+$0xEE00] =	vst v33  }
0xbe: {  	v3 =	vadd.s32 $0x8CA0, v1;
	v1 =	vadd.s32 $0x8CA0, v10;
	v15 =	vnsel vm2, $0x0, v22;
	[tilespmem:s13+$0xDB00] =	vst v19;
	v29 =	vld.idx.msk [tilespmem:v29+s3+$0x0], $0xffff  }
0xbf: {  	v16 =	vnsel vm4, $0x0, v16;
	v10 =	vnsel vm3, $0x0, v27;
	v20 =	vld.idx.msk [tilespmem:v20+s3+$0x0], $0xffff;
	[tilespmem:s13+$0xDB80] =	vst v15;
	v15 =	vnsel vm5, $0x0, v17  }
0xc0: {  	vm4 =	vmmov vm8;
	v17 =	vnsel vm8, $0x0, v30;
	v21 =	vld.idx.msk [tilespmem:v21+s3+$0x0], $0xffff;
	[tilespmem:s13+$0xDC00] =	vst v10;
	v10 =	vnsel vm6, $0x0, v18  }
0xc1: {  	v27 =	vadd.s32 $0x8CA0, v14;
	vm5 =	vmmov vm10;
	v23 =	vld.idx.msk [tilespmem:v23+s3+$0x0], $0xffff;
	[tilespmem:s13+$0xDC80] =	vst v17;
	v17 =	vnsel vm10, $0x0, v31  }
0xc2: {  	v14 =	vnsel vm9, $0x0, v32;
	vm8 =	vgt.s32 v11, $0xFFFFFFFF;
	vm6 =	vgt.s32 v11, $0x0;
	v19 =	vld.idx.msk [tilespmem:v24+s3+$0x0], $0xffff;
	[tilespmem:s13+$0xDD00] =	vst v17  }
.Ltmp4:
0xc3: {  	v22 =	vnsel vm6, $0x0, v11;
	v17 =	vld.idx.msk [tilespmem:v25+s3+$0x0], $0xffff;
	[tilespmem:s13+$0xDD80] =	vst v14;
	vm6 =	vmmov vm9;
	(pc) =	sbr.rel @p1 .LBB2_7-.Ltmp4, $4  }
0xc4: {  	v24 =	vnsel vm7, $0x0, v29;
	v14 =	vadd.s32 $0x2EE0, v22;
	v11 =	vadd.s32 $0x5DC0, v22;
	v18 =	vld.idx.msk [tilespmem:v28+s3+$0x0], $0xffff;
	[tilespmem:s8+$0x10C80] =	vst v16  }
0xc5: {  	v20 =	vnsel vm1, $0x0, v20;
	[tilespmem:s13+$0xFE00] =	vst v24;
	v16 =	vld.idx.msk [tilespmem:v0+s3+$0x0], $0xffff;
	v0 =	vadd.s32 $0x8CA0, v22  }
0xc6: {  	v24 =	vnsel vm2, $0x0, v21;
	[tilespmem:s13+$0xEB00] =	vst v20;
	v21 =	vld.idx.msk [tilespmem:v27+s3+$0x0], $0xffff  }
0xc7: {  	s22 =	sadd.s32 $0x20, s22;
	s23 =	sadd.s32 $0x10, s23;
	v23 =	vnsel vm3, $0x0, v23;
	v20 =	vld.idx.msk [tilespmem:v26+s3+$0x0], $0xffff;
	[tilespmem:s13+$0xEB80] =	vst v24  }
0xc8: {  	_ =	sdelay $0x3  }
0xc9: {  	v22 =	vld.idx.msk [tilespmem:v22+s3+$0x0], $0xffff;
	_ =	sdelay $0x1  }
0xca: {  	[tilespmem:s13+$0xEC00] =	vst v23  }
0xcb: {  	[tilespmem:s8+$0x10D00] =	vst v15  }
0xcc: {  	v19 =	vnsel vm4, $0x0, v19;
	vm8 =	vmmov vm8;
	[tilespmem:s8+$0x10D80] =	vst v10  }
0xcd: {  	[tilespmem:s13+$0xEC80] =	vst v19;
	v56 =	vnsel vm8, $0x0, v22  }
0xce: {  	v13 =	vld.idx.msk [tilespmem:v13+s3+$0x0], $0xffff;
	v17 =	vnsel vm5, $0x0, v17;
	[tilespmem:s13+$0xDA80] =	vst v56  }
0xcf: {  	[tilespmem:s13+$0xED00] =	vst v17;
	v57 =	vnsel vm6, $0x0, v18;
	v14 =	vld.idx.msk [tilespmem:v14+s3+$0x0], $0xffff  }
0xd0: {  	v12 =	vld.idx.msk [tilespmem:v12+s3+$0x0], $0xffff;
	[tilespmem:s13+$0xED80] =	vst v57;
	v63 =	vnsel vm0, $0x0, v16  }
0xd1: {  	v9 =	vld.idx.msk [tilespmem:v9+s3+$0x0], $0xffff;
	v58 =	vnsel vm7, $0x0, v21;
	[tilespmem:s8+$0x10A80] =	vst v63  }
0xd2: {  	v8 =	vld.idx.msk [tilespmem:v8+s3+$0x0], $0xffff;
	v59 =	vnsel vm1, $0x0, v20;
	[tilespmem:s13+$0x10E00] =	vst v58  }
0xd3: {  	v6 =	vld.idx.msk [tilespmem:v6+s3+$0x0], $0xffff;
	[tilespmem:s13+$0xFB00] =	vst v59;
	v13 =	vnsel vm2, $0x0, v13  }
0xd4: {  	[tilespmem:s13+$0xFB80] =	vst v13;
	v7 =	vld.idx.msk [tilespmem:v7+s3+$0x0], $0xffff;
	v60 =	vnsel vm8, $0x0, v14  }
0xd5: {  	v12 =	vnsel vm3, $0x0, v12;
	v4 =	vld.idx.msk [tilespmem:v4+s3+$0x0], $0xffff;
	[tilespmem:s13+$0xEA80] =	vst v60  }
0xd6: {  	[tilespmem:s13+$0xFC00] =	vst v12;
	v9 =	vnsel vm4, $0x0, v9;
	v11 =	vld.idx.msk [tilespmem:v11+s3+$0x0], $0xffff  }
0xd7: {  	v8 =	vnsel vm5, $0x0, v8;
	v5 =	vld.idx.msk [tilespmem:v5+s3+$0x0], $0xffff;
	[tilespmem:s13+$0xFC80] =	vst v9  }
0xd8: {  	[tilespmem:s13+$0xFD00] =	vst v8;
	v6 =	vnsel vm6, $0x0, v6;
	v2 =	vld.idx.msk [tilespmem:v2+s3+$0x0], $0xffff  }
0xd9: {  	[tilespmem:s13+$0xFD80] =	vst v6;
	v3 =	vld.idx.msk [tilespmem:v3+s3+$0x0], $0xffff;
	v7 =	vnsel vm1, $0x0, v7  }
0xda: {  	[tilespmem:s13+$0x10B00] =	vst v7;
	v4 =	vnsel vm2, $0x0, v4  }
0xdb: {  	[tilespmem:s13+$0x10B80] =	vst v4;
	v61 =	vnsel vm8, $0x0, v11  }
0xdc: {  	v1 =	vld.idx.msk [tilespmem:v1+s3+$0x0], $0xffff;
	v62 =	vnsel vm3, $0x0, v5;
	[tilespmem:s13+$0xFA80] =	vst v61  }
0xdd: {  	[tilespmem:s13+$0x10C00] =	vst v62;
	v2 =	vnsel vm4, $0x0, v2;
	v0 =	vld.idx.msk [tilespmem:v0+s3+$0x0], $0xffff  }
0xde: {  	v3 =	vnsel vm5, $0x0, v3;
	[tilespmem:s13+$0x10C80] =	vst v2  }
0xdf: {  	[tilespmem:s13+$0x10D00] =	vst v3  }
0xe0: {  	s20 =	sshll.u32 s19, $0x4;
	s0 =	rddreg [dreg:$0x7]  }
0xe1: {  	v1 =	vnsel vm6, $0x0, v1;
	s0 =	sadd.s32 s0, s20  }
0xe2: {  	[tilespmem:s13+$0x10D80] =	vst v1;
	s0 =	sshll.u32 s0, $0x6;
	v0 =	vnsel vm8, $0x0, v0  }
0xe3: {  	s2 =	simm.s32 $0xDA80;
	s0 =	sadd.s32 s1, s0;
	[tilespmem:s13+$0x10A80] =	vst v0  }
0xe4: {  	[hbm4b:s0+s3] =	stream.linear.scatter [tilespmem:s2], [sflag:$0x3], $0x1000, $0x38;
	[tilespmem:$0x15A80] =	vst v63  }
0xe5: {  	s23 =	rddreg [dreg:$0x4]  }
0xe6: {  	s0 =	sadd.s32 s23, s20  }
0xe7: {  	s0 =	sshll.u32 s0, $0x6  }
0xe8: {  	s24 =	simm.s32 $0xEA80;
	s25 =	rddreg [dreg:$0x5];
	s0 =	sadd.s32 s1, s0  }
0xe9: {  	[hbm4b:s0+s3] =	stream.linear.scatter [tilespmem:s24], [sflag:$0x3], $0x1000, $0x38;
	[tilespmem:$0x15A80] =	vst v63  }
0xea: {  	s0 =	sadd.s32 s25, s20  }
0xeb: {  	s0 =	sshll.u32 s0, $0x6  }
0xec: {  	s29 =	simm.s32 $0xFA80;
	p1 =	sne.s32 s19, $0x1A;
	s0 =	sadd.s32 s1, s0  }
0xed: {  	[hbm4b:s0+s3] =	stream.linear.scatter [tilespmem:s29], [sflag:$0x3], $0x1000, $0x38;
	[tilespmem:$0x15A80] =	vst v63  }
.Ltmp5:
0xee: {  	s30 =	rddreg [dreg:$0x6];
	(pc) =	sbr.rel @p1 .LBB2_10-.Ltmp5, $4  }
0xef: {  	s0 =	sadd.s32 s30, s20  }
0xf0: {  	s0 =	sshll.u32 s0, $0x6  }
0xf1: {  	s31 =	simm.s32 $0x10A80;
	s0 =	sadd.s32 s1, s0  }
0xf2: {  	[hbm4b:s0+s3] =	stream.linear.scatter [tilespmem:s31], [sflag:$0x3], $0x1000, $0x38;
	[tilespmem:$0x15A80] =	vst v63  }
.Ltmp6:
0xf3: {  	(pc) =	sbr.rel .LBB2_13-.Ltmp6, $4  }
0xf4: {  	_ = 	snop  }
0xf5: {  	_ =	swait.ge [sflag:s26], $0xF80  }
0xf6: {  	[sflag:s26] =	ssyncset.done $0x0  }
0xf7: {  	[sflag:s26] =	ssyncadd.s32 $0xFFFFF080  }
.LBB2_10:
0xf8: {  	s0 =	smul.u32 $0x1F00, s19  }
0xf9: {  	s2 =	rddreg [dreg:$0x8]  }
0xfa: {  	s0 =	sadd.s32 s0, s2  }
0xfb: {  	s0 =	sshrl.u32 s0, $0x3  }
0xfc: {  	s8 =	simm.s32 $0xBB80;
	s2 =	sadd.s32 s4, s0  }
0xfd: {  	s13 =	simm.s32 $0x10;
	s22 =	simm.s32 $0xBC80;
	s23 =	sadd.s32 $0x0, s2  }
.LBB2_11:
0xfe: {  	[tilespmem:s8], [sflag:$0x1] =	stream.linear.gather [hbm4b:s23+s3], $0x80, $0x38;
	[tilespmem:$0x15A80] =	vst v63  }
0xff: {  	s0 =	smov.u32 s13;
	s8 =	smov.u32 s22;
	p1 =	sne.s32 s13, $0x1E0  }
.Ltmp7:
0x100: {  	s13 =	sadd.s32 $0x10, s13;
	(pc) =	sbr.rel @p1 .LBB2_11-.Ltmp7, $2  }
0x101: {  	_ =	sdelay $0x2  }
0x102: {  	s22 =	sadd.s32 $0x100, s22;
	s23 =	sadd.s32 s0, s2  }
.Ltmp8:
0x103: {  	(pc) =	sbr.rel @p0 .LBB2_14-.Ltmp8, $4  }
0x104: {  	[tilespmem:s8], [sflag:$0x1] =	stream.linear.gather [hbm4b:s23+s3], $0x80, $0x38;
	[tilespmem:$0x15A80] =	vst v63  }
0x105: {  	_ =	swait.ge [sflag:s26], $0xF80  }
0x106: {  	[sflag:s26] =	ssyncset.done $0x0  }
0x107: {  	[sflag:s26] =	ssyncadd.s32 $0xFFFFF080  }
.LBB2_13:
0x108: {  	_ =	swait.ge [sflag:s28], $0x1000  }
0x109: {  	[sflag:s28] =	ssyncset.done $0x0  }
0x10a: {  	[sflag:s28] =	ssyncadd.s32 $0xFFFFF000  }
0x10b: {  	_ =	swait.ge [sflag:s28], $0x1000  }
0x10c: {  	[sflag:s28] =	ssyncset.done $0x0  }
0x10d: {  	[sflag:s28] =	ssyncadd.s32 $0xFFFFF000  }
0x10e: {  	_ =	swait.ge [sflag:s28], $0x1000  }
0x10f: {  	[sflag:s28] =	ssyncset.done $0x0  }
0x110: {  	[sflag:s28] =	ssyncadd.s32 $0xFFFFF000  }
0x111: {  	_ =	swait.ge [sflag:s28], $0x1000  }
0x112: {  	[sflag:s28] =	ssyncset.done $0x0  }
0x113: {  	[sflag:s28] =	ssyncadd.s32 $0xFFFFF000  }
.LBB2_14:
0x114: {  	s0 =	simm.s32 $0xD90;
	s2 =	simm.s32 $0x1B20;
	s14 =	simm.s32 $0x3E0  }
0x115: {  	s6 =	simm.s32 $0x3E0;
	s8 =	simm.s32 $0x7C0;
	s9 =	simm.s32 $0x5D0  }
0x116: {  	s10 =	simm.s32 $0xBA0;
	s11 =	simm.s32 $0x7C0;
	s12 =	simm.s32 $0xF80  }
0x117: {  	s0 =	sand.u32 $0x70, s0;
	s2 =	sand.u32 $0x1F00, s2;
	s6 =	sand.u32 $0x70, s6  }
0x118: {  	s8 =	sand.u32 $0xF00, s8;
	s0 =	sor.u32 s0, s2;
	s2 =	simm.s32 $0x1F0  }
0x119: {  	s22 =	sor.u32 s6, s8;
	v0 =	vld [tilespmem:s0+$0xBC00];
	s0 =	sand.u32 $0x70, s2;
	s2 =	sand.u32 $0x700, s14  }
0x11a: {  	s16 =	sand.u32 $0x70, s9;
	s17 =	sand.u32 $0xF00, s10;
	v5 =	vld [tilespmem:s22+$0xBC00];
	s0 =	sor.u32 s0, s2  }
0x11b: {  	s29 =	sand.u32 $0x70, s11;
	s30 =	sand.u32 $0x1F00, s12;
	s2 =	sor.u32 s16, s17;
	v4 =	vld [tilespmem:s0+$0xBC00]  }
0x11c: {  	s13 =	simm.s32 $0x9B0;
	s23 =	simm.s32 $0x1360;
	s9 =	sor.u32 s29, s30;
	v6 =	vld [tilespmem:s2+$0xBC00]  }
0x11d: {  	s31 =	sand.u32 $0x70, s13;
	s6 =	sand.u32 $0x1700, s23;
	v7 =	vld [tilespmem:s9+$0xBC00]  }
0x11e: {  	s2 =	sor.u32 s31, s6;
	vm0 =	vgt.s32 v0, $0x0  }
0x11f: {  	v8 =	vld [tilespmem:s2+$0xBC00];
	v3 =	vnsel vm0, $0x0, v0  }
0x120: {  	s24 =	simm.s32 $0xBA0;
	s25 =	simm.s32 $0x1740;
	vm0 =	vgt.s32 v4, $0x0  }
0x121: {  	s8 =	sand.u32 $0x70, s24;
	s0 =	sand.u32 $0x1F00, s25;
	vm1 =	vgt.s32 v6, $0x0;
	v11 =	vnsel vm0, $0x0, v4;
	vm0 =	vgt.s32 v5, $0x0  }
0x122: {  	s9 =	simm.s32 $0x0;
	s0 =	sor.u32 s8, s0;
	s8 =	simm.s32 $0x0;
	v13 =	vnsel vm1, $0x0, v6;
	vm1 =	vgt.s32 v7, $0x0;
	v12 =	vnsel vm0, $0x0, v5  }
0x123: {  	v9 =	vld [tilespmem:s0+$0xBC00];
	s10 =	sand.u32 $0x300, s8;
	s0 =	sand.u32 $0x70, s9;
	vm0 =	vgt.s32 v0, $0xFFFFFFFF;
	v0 =	vnsel vm1, $0x0, v7  }
0x124: {  	s6 =	sor.u32 s0, s10;
	vm1 =	vgt.s32 v8, $0x0;
	v1 =	vld.idx.msk [tilespmem:v3+s3+$0x0], $0xffff  }
0x125: {  	v14 =	vld [tilespmem:s6+$0xBC00];
	v2 =	vnsel vm1, $0x0, v8  }
0x126: {  	v10 =	vadd.s32 $0x2EE0, v3;
	v15 =	vld.idx.msk [tilespmem:v11+s3+$0x0], $0xffff  }
0x127: {  	v16 =	vld.idx.msk [tilespmem:v12+s3+$0x0], $0xffff  }
0x128: {  	s2 =	sand.u32 $0xC00, s8;
	vm6 =	vgt.s32 v5, $0xFFFFFFFF;
	vm2 =	vgt.s32 v4, $0xFFFFFFFF;
	v18 =	vadd.s32 $0x2EE0, v11;
	v20 =	vld.idx.msk [tilespmem:v0+s3+$0x0], $0xffff  }
0x129: {  	s8 =	sor.u32 s0, s2;
	vm1 =	vgt.s32 v9, $0x0;
	v4 =	vadd.s32 $0x2EE0, v12;
	v1 =	vnsel vm0, $0x0, v1  }
0x12a: {  	v5 =	vadd.s32 $0x2EE0, v0;
	v22 =	vld.idx.msk [tilespmem:v2+s3+$0x0], $0xffff;
	[tilespmem:s8+$0x11E00] =	vst v1;
	v1 =	vnsel vm1, $0x0, v9;
	vm1 =	vgt.s32 v14, $0x0  }
0x12b: {  	vm4 =	vgt.s32 v7, $0xFFFFFFFF;
	v10 =	vld.idx.msk [tilespmem:v10+s3+$0x0], $0xffff;
	v21 =	vnsel vm1, $0x0, v14;
	v15 =	vnsel vm2, $0x0, v15  }
0x12c: {  	v19 =	vld.idx.msk [tilespmem:v13+s3+$0x0], $0xffff;
	vm1 =	vgt.s32 v6, $0xFFFFFFFF;
	v6 =	vadd.s32 $0x2EE0, v2;
	[tilespmem:s8+$0x11B00] =	vst v15;
	v15 =	vnsel vm6, $0x0, v16  }
0x12d: {  	v17 =	vadd.s32 $0x5DC0, v3;
	vm5 =	vgt.s32 v8, $0xFFFFFFFF;
	v8 =	vnsel vm4, $0x0, v20;
	v16 =	vld.idx.msk [tilespmem:v18+s3+$0x0], $0xffff;
	[tilespmem:s8+$0x11B80] =	vst v15  }
0x12e: {  	[tilespmem:s8+$0x11C80] =	vst v8;
	v4 =	vld.idx.msk [tilespmem:v4+s3+$0x0], $0xffff  }
0x12f: {  	v8 =	vnsel vm5, $0x0, v22;
	v5 =	vld.idx.msk [tilespmem:v5+s3+$0x0], $0xffff  }
0x130: {  	v23 =	vadd.s32 $0x2EE0, v13;
	[tilespmem:s8+$0x11D00] =	vst v8;
	v24 =	vld.idx.msk [tilespmem:v1+s3+$0x0], $0xffff;
	v10 =	vnsel vm0, $0x0, v10  }
0x131: {  	vm3 =	vgt.s32 v14, $0xFFFFFFFF;
	v14 =	vadd.s32 $0x5DC0, v12;
	v6 =	vld.idx.msk [tilespmem:v6+s3+$0x0], $0xffff;
	[tilespmem:s8+$0x12E00] =	vst v10  }
0x132: {  	v15 =	vnsel vm1, $0x0, v19;
	v10 =	vld.idx.msk [tilespmem:v17+s3+$0x0], $0xffff  }
0x133: {  	v7 =	vadd.s32 $0x2EE0, v1;
	[tilespmem:s8+$0x11C00] =	vst v15;
	v16 =	vnsel vm2, $0x0, v16  }
0x134: {  	s11 =	simm.s32 $0x1B40;
	s2 =	simm.s32 $0xDA0;
	v3 =	vadd.s32 $0x8CA0, v3;
	vm4 =	vmmov vm4;
	v17 =	vld.idx.msk [tilespmem:v21+s3+$0x0], $0xffff;
	[tilespmem:s8+$0x12B00] =	vst v16;
	v4 =	vnsel vm6, $0x0, v4  }
0x135: {  	s0 =	sand.u32 $0x1F00, s11;
	s12 =	sand.u32 $0x70, s2;
	vm7 =	vgt.s32 v9, $0xFFFFFFFF;
	v9 =	vadd.s32 $0x5DC0, v11;
	v15 =	vld.idx.msk [tilespmem:v23+s3+$0x0], $0xffff;
	v5 =	vnsel vm4, $0x0, v5;
	[tilespmem:s8+$0x12B80] =	vst v4  }
0x136: {  	s0 =	sor.u32 s12, s0;
	v18 =	vadd.s32 $0x2EE0, v21;
	vm5 =	vmmov vm5;
	v8 =	vnsel vm7, $0x0, v24;
	[tilespmem:s8+$0x12C80] =	vst v5;
	v14 =	vld.idx.msk [tilespmem:v14+s3+$0x0], $0xffff  }
0x137: {  	[tilespmem:s8+$0x11D80] =	vst v8;
	v5 =	vnsel vm5, $0x0, v6;
	v6 =	vld [tilespmem:s0+$0xBC00];
	v8 =	vnsel vm0, $0x0, v10  }
0x138: {  	s23 =	simm.s32 $0x7E0;
	s24 =	simm.s32 $0x5E0;
	vm3 =	vmmov vm3;
	v16 =	vadd.s32 $0x5DC0, v0;
	v7 =	vld.idx.msk [tilespmem:v7+s3+$0x0], $0xffff;
	[tilespmem:s8+$0x13E00] =	vst v8  }
0x139: {  	s29 =	simm.s32 $0x7D0;
	s14 =	simm.s32 $0xFA0;
	s30 =	sand.u32 $0x70, s24;
	v10 =	vadd.s32 $0x5DC0, v13;
	v8 =	vnsel vm3, $0x0, v17;
	v3 =	vld.idx.msk [tilespmem:v3+s3+$0x0], $0xffff  }
0x13a: {  	s24 =	sand.u32 $0x1F00, s14;
	s10 =	sand.u32 $0xF00, s23;
	s23 =	sand.u32 $0x70, s29;
	[tilespmem:s8+$0x11A80] =	vst v8;
	v8 =	vld.idx.msk [tilespmem:v9+s3+$0x0], $0xffff;
	v9 =	vadd.s32 $0x5DC0, v2  }
0x13b: {  	s11 =	sor.u32 s23, s24;
	v4 =	vnsel vm1, $0x0, v15;
	v15 =	vadd.s32 $0x5DC0, v1;
	v17 =	vld.idx.msk [tilespmem:v18+s3+$0x0], $0xffff  }
0x13c: {  	vm8 =	vmmov vm7;
	[tilespmem:s8+$0x12C00] =	vst v4;
	v18 =	vld [tilespmem:s11+$0xBC00]  }
0x13d: {  	v4 =	vadd.s32 $0x8CA0, v11;
	[tilespmem:s8+$0x12D00] =	vst v5;
	v5 =	vnsel vm8, $0x0, v7;
	v7 =	vld.idx.msk [tilespmem:v16+s3+$0x0], $0xffff  }
0x13e: {  	s13 =	simm.s32 $0x200;
	s17 =	simm.s32 $0x400;
	s25 =	simm.s32 $0xBC0;
	v11 =	vadd.s32 $0x5DC0, v21;
	v10 =	vld.idx.msk [tilespmem:v10+s3+$0x0], $0xffff  }
0x13f: {  	s31 =	sand.u32 $0xF00, s25;
	s6 =	sand.u32 $0x700, s17;
	v12 =	vadd.s32 $0x8CA0, v12;
	s0 =	sand.u32 $0x70, s13;
	[tilespmem:s8+$0x12D80] =	vst v5;
	v5 =	vnsel vm2, $0x0, v8;
	v8 =	vld.idx.msk [tilespmem:v9+s3+$0x0], $0xffff  }
0x140: {  	s0 =	sor.u32 s0, s6;
	s6 =	sor.u32 s30, s31;
	[tilespmem:s8+$0x13B00] =	vst v5;
	v5 =	vld.idx.msk [tilespmem:v15+s3+$0x0], $0xffff  }
0x141: {  	v13 =	vadd.s32 $0x8CA0, v13;
	v9 =	vnsel vm3, $0x0, v17;
	v15 =	vld [tilespmem:s6+$0xBC00]  }
0x142: {  	vm7 =	vgt.s32 v6, $0x0;
	[tilespmem:s8+$0x12A80] =	vst v9;
	v4 =	vld.idx.msk [tilespmem:v4+s3+$0x0], $0xffff;
	v9 =	vnsel vm6, $0x0, v14  }
0x143: {  	v16 =	vnsel vm7, $0x0, v6;
	v11 =	vld.idx.msk [tilespmem:v11+s3+$0x0], $0xffff;
	[tilespmem:s8+$0x13B80] =	vst v9  }
0x144: {  	s22 =	simm.s32 $0x3F0;
	v9 =	vnsel vm1, $0x0, v10;
	v10 =	vld.idx.msk [tilespmem:v12+s3+$0x0], $0xffff  }
0x145: {  	s9 =	sand.u32 $0x70, s22;
	v0 =	vadd.s32 $0x8CA0, v0;
	[tilespmem:s8+$0x13C00] =	vst v9;
	v12 =	vld [tilespmem:s0+$0xBC00]  }
0x146: {  	s16 =	simm.s32 $0x9C0;
	s10 =	sor.u32 s9, s10;
	s12 =	simm.s32 $0x1380;
	v2 =	vadd.s32 $0x8CA0, v2;
	v9 =	vld.idx.msk [tilespmem:v13+s3+$0x0], $0xffff  }
0x147: {  	s25 =	sand.u32 $0x70, s16;
	s9 =	sand.u32 $0x1700, s12;
	v1 =	vadd.s32 $0x8CA0, v1;
	v13 =	vld [tilespmem:s10+$0xBC00]  }
0x148: {  	vm7 =	vgt.s32 v6, $0xFFFFFFFF;
	v20 =	vadd.s32 $0x2EE0, v16;
	s6 =	sor.u32 s25, s9;
	v17 =	vld.idx.msk [tilespmem:v16+s3+$0x0], $0xffff;
	v7 =	vnsel vm4, $0x0, v7  }
0x149: {  	s22 =	simm.s32 $0x1760;
	s17 =	simm.s32 $0xBB0;
	v63 =	vadd.s32 $0x8CA0, v16;
	v3 =	vnsel vm0, $0x0, v3;
	v19 =	vld [tilespmem:s6+$0xBC00];
	[tilespmem:s8+$0x13C80] =	vst v7;
	v8 =	vnsel vm5, $0x0, v8  }
0x14a: {  	s29 =	simm.s32 $0x20;
	vm11 =	vgt.s32 v18, $0xFFFFFFFF;
	v14 =	vadd.s32 $0x8CA0, v21;
	s0 =	sand.u32 $0x1F00, s22;
	v22 =	vld.idx.msk [tilespmem:v0+s3+$0x0], $0xffff;
	s10 =	sand.u32 $0x70, s17;
	v5 =	vnsel vm8, $0x0, v5;
	[tilespmem:s8+$0x13D00] =	vst v8  }
0x14b: {  	s30 =	simm.s32 $0x10;
	s22 =	simm.s32 $0x80;
	s0 =	sor.u32 s10, s0;
	v4 =	vnsel vm2, $0x0, v4;
	v23 =	vld.idx.msk [tilespmem:v2+s3+$0x0], $0xffff;
	[tilespmem:s8+$0x13D80] =	vst v5;
	v11 =	vnsel vm3, $0x0, v11;
	vm0 =	vgt.s32 v12, $0x0  }
0x14c: {  	s6 =	sand.u32 $0x70, s30;
	s31 =	sand.u32 $0xC00, s22;
	[tilespmem:s8+$0x13A80] =	vst v11;
	v11 =	vld [tilespmem:s0+$0xBC00];
	v7 =	vnsel vm6, $0x0, v10;
	s0 =	sand.u32 $0x300, s29;
	v10 =	vnsel vm0, $0x0, v12;
	vm0 =	vgt.s32 v13, $0x0  }
0x14d: {  	s13 =	sor.u32 s6, s31;
	v6 =	vnsel vm7, $0x0, v17;
	v32 =	vld.idx.msk [tilespmem:v1+s3+$0x0], $0xffff;
	s0 =	sor.u32 s6, s0;
	v8 =	vnsel vm0, $0x0, v13;
	vm0 =	vgt.s32 v15, $0x0  }
0x14e: {  	vm2 =	vgt.s32 v18, $0x0;
	vm9 =	vgt.s32 v19, $0xFFFFFFFF;
	[tilespmem:s13+$0x11E00] =	vst v6;
	v2 =	vld [tilespmem:s0+$0xBC00];
	v0 =	vnsel vm0, $0x0, v15  }
0x14f: {  	v61 =	vnsel vm2, $0x0, v18;
	vm2 =	vgt.s32 v19, $0x0;
	v6 =	vnsel vm1, $0x0, v9;
	v9 =	vld.idx.msk [tilespmem:v20+s3+$0x0], $0xffff  }
0x150: {  	v25 =	vnsel vm2, $0x0, v19;
	vm2 =	vgt.s32 v15, $0xFFFFFFFF;
	v26 =	vadd.s32 $0x2EE0, v61;
	v21 =	vld.idx.msk [tilespmem:v14+s3+$0x0], $0xffff  }
0x151: {  	[tilespmem:s8+$0x14E00] =	vst v3;
	v20 =	vadd.s32 $0x5DC0, v16;
	vm0 =	vgt.s32 v12, $0xFFFFFFFF;
	vm6 =	vgt.s32 v11, $0x0;
	v12 =	vld.idx.msk [tilespmem:v10+s3+$0x0], $0xffff  }
0x152: {  	[tilespmem:s8+$0x14B00] =	vst v4;
	vm1 =	vgt.s32 v13, $0xFFFFFFFF;
	v28 =	vadd.s32 $0x2EE0, v25;
	v13 =	vnsel vm6, $0x0, v11;
	v3 =	vld.idx.msk [tilespmem:v8+s3+$0x0], $0xffff  }
0x153: {  	[tilespmem:s8+$0x14B80] =	vst v7;
	v5 =	vadd.s32 $0x2EE0, v10;
	v29 =	vadd.s32 $0x5DC0, v10;
	vm6 =	vgt.s32 v2, $0x0;
	v19 =	vld.idx.msk [tilespmem:v0+s3+$0x0], $0xffff  }
0x154: {  	[tilespmem:s8+$0x14C00] =	vst v6;
	v18 =	vadd.s32 $0x2EE0, v8;
	v27 =	vld.idx.msk [tilespmem:v61+s3+$0x0], $0xffff;
	v6 =	vnsel vm7, $0x0, v9;
	v7 =	vnsel vm6, $0x0, v2  }
0x155: {  	v15 =	vadd.s32 $0x5DC0, v8;
	v4 =	vadd.s32 $0x2EE0, v0;
	v14 =	vadd.s32 $0x5DC0, v0;
	v30 =	vld.idx.msk [tilespmem:v25+s3+$0x0], $0xffff;
	[tilespmem:s13+$0x12E00] =	vst v6  }
0x156: {  	vm10 =	vgt.s32 v11, $0xFFFFFFFF;
	v11 =	vadd.s32 $0x5DC0, v61;
	v20 =	vld.idx.msk [tilespmem:v20+s3+$0x0], $0xffff;
	v9 =	vnsel vm0, $0x0, v12  }
0x157: {  	v10 =	vadd.s32 $0x8CA0, v10;
	vm6 =	vgt.s32 v2, $0xFFFFFFFF;
	v2 =	vld.idx.msk [tilespmem:v13+s3+$0x0], $0xffff;
	[tilespmem:s13+$0x11B00] =	vst v9;
	v1 =	vnsel vm1, $0x0, v3  }
0x158: {  	v31 =	vadd.s32 $0x2EE0, v13;
	v8 =	vadd.s32 $0x8CA0, v8;
	v33 =	vld.idx.msk [tilespmem:v5+s3+$0x0], $0xffff;
	[tilespmem:s13+$0x11B80] =	vst v1;
	v3 =	vnsel vm2, $0x0, v19  }
0x159: {  	v17 =	vadd.s32 $0x2EE0, v7;
	v6 =	vadd.s32 $0x5DC0, v7;
	v34 =	vld.idx.msk [tilespmem:v7+s3+$0x0], $0xffff;
	[tilespmem:s13+$0x11C00] =	vst v3;
	v3 =	vnsel vm11, $0x0, v27  }
0x15a: {  	vm6 =	vmmov vm6;
	v12 =	vadd.s32 $0x5DC0, v25;
	v62 =	vld.idx.msk [tilespmem:v18+s3+$0x0], $0xffff;
	[tilespmem:s13+$0x11C80] =	vst v3;
	v3 =	vnsel vm9, $0x0, v30  }
0x15b: {  	v9 =	vadd.s32 $0x5DC0, v13;
	v1 =	vadd.s32 $0x8CA0, v7;
	v16 =	vld.idx.msk [tilespmem:v4+s3+$0x0], $0xffff;
	v4 =	vnsel vm3, $0x0, v21;
	[tilespmem:s13+$0x11D00] =	vst v3  }
0x15c: {  	v7 =	vadd.s32 $0x8CA0, v0;
	v5 =	vnsel vm5, $0x0, v23;
	v0 =	vnsel vm10, $0x0, v2;
	v18 =	vld.idx.msk [tilespmem:v26+s3+$0x0], $0xffff;
	[tilespmem:s8+$0x14A80] =	vst v4  }
0x15d: {  	vm5 =	vmmov vm9;
	v21 =	vnsel vm7, $0x0, v20;
	vm3 =	vmmov vm11;
	[tilespmem:s13+$0x11D80] =	vst v0;
	v19 =	vld.idx.msk [tilespmem:v28+s3+$0x0], $0xffff  }
0x15e: {  	[tilespmem:s13+$0x13E00] =	vst v21;
	v0 =	vadd.s32 $0x8CA0, v13;
	v13 =	vnsel vm4, $0x0, v22;
	v22 =	vnsel vm0, $0x0, v33;
	v20 =	vld.idx.msk [tilespmem:v31+s3+$0x0], $0xffff  }
0x15f: {  	v3 =	vadd.s32 $0x8CA0, v61;
	v2 =	vadd.s32 $0x8CA0, v25;
	v21 =	vnsel vm6, $0x0, v34;
	[tilespmem:s13+$0x12B00] =	vst v22;
	v22 =	vld.idx.msk [tilespmem:v63+s3+$0x0], $0xffff  }
0x160: {  	s23 =	simm.s32 $0x8;
	s24 =	simm.s32 $0x40;
	v4 =	vnsel vm8, $0x0, v32;
	vm4 =	vmmov vm10;
	[tilespmem:s13+$0x11A80] =	vst v21;
	v23 =	vnsel vm1, $0x0, v62;
	v21 =	vld.idx.msk [tilespmem:v29+s3+$0x0], $0xffff  }
.LBB2_15:
0x161: {  	s0 =	sadd.s32 $0x1B20, s24;
	s23 =	sadd.s32 $0x8, s23;
	v17 =	vld.idx.msk [tilespmem:v17+s3+$0x0], $0xffff;
	[tilespmem:s13+$0x12B80] =	vst v23;
	v16 =	vnsel vm2, $0x0, v16;
	s2 =	sadd.s32 $0x10, s2  }
0x162: {  	s6 =	sand.u32 $0x70, s2;
	s0 =	sand.u32 $0x1F00, s0;
	p0 =	slt.u32 s23, $0xF0;
	v15 =	vld.idx.msk [tilespmem:v15+s3+$0x0], $0xffff;
	[tilespmem:s13+$0x12C00] =	vst v16;
	v16 =	vnsel vm3, $0x0, v18  }
0x163: {  	s10 =	sadd.s32 $0x3E0, s24;
	s9 =	sadd.s32 $0xFFFFF460, s2;
	s0 =	sor.u32 s6, s0;
	v14 =	vld.idx.msk [tilespmem:v14+s3+$0x0], $0xffff;
	[tilespmem:s13+$0x12C80] =	vst v16;
	v16 =	vnsel vm5, $0x0, v19  }
0x164: {  	s11 =	sadd.s32 $0x7C0, s24;
	s12 =	sadd.s32 $0xFFFFF840, s2;
	s6 =	sadd.s32 $0xFFFFF650, s2;
	v18 =	vld [tilespmem:s0+$0xBC00];
	[tilespmem:s13+$0x12D00] =	vst v16;
	v16 =	vnsel vm4, $0x0, v20  }
0x165: {  	s16 =	sadd.s32 $0xF80, s24;
	s14 =	sadd.s32 $0xFFFFFA30, s2;
	s0 =	sadd.s32 $0xBA0, s24;
	v11 =	vld.idx.msk [tilespmem:v11+s3+$0x0], $0xffff;
	[tilespmem:s13+$0x12D80] =	vst v16;
	v16 =	vnsel vm7, $0x0, v22  }
0x166: {  	s29 =	sadd.s32 $0x1360, s24;
	s25 =	sadd.s32 $0xFFFFFC20, s2;
	s30 =	sadd.s32 $0xFFFFFE10, s2;
	v19 =	vnsel vm0, $0x0, v21;
	v12 =	vld.idx.msk [tilespmem:v12+s3+$0x0], $0xffff;
	[tilespmem:s13+$0x14E00] =	vst v16  }
0x167: {  	s31 =	sadd.s32 $0x1740, s24;
	s10 =	sand.u32 $0x700, s10;
	s9 =	sand.u32 $0x70, s9;
	v16 =	vnsel vm6, $0x0, v17;
	[tilespmem:s13+$0x13B00] =	vst v19;
	v9 =	vld.idx.msk [tilespmem:v9+s3+$0x0], $0xffff  }
0x168: {  	s11 =	sand.u32 $0xF00, s11;
	s12 =	sand.u32 $0x70, s12;
	s6 =	sand.u32 $0x70, s6;
	v15 =	vnsel vm1, $0x0, v15;
	[tilespmem:s13+$0x12A80] =	vst v16;
	v10 =	vld.idx.msk [tilespmem:v10+s3+$0x0], $0xffff  }
0x169: {  	s16 =	sand.u32 $0x1F00, s16;
	s14 =	sand.u32 $0x70, s14;
	s0 =	sand.u32 $0xF00, s0;
	v14 =	vnsel vm2, $0x0, v14;
	vm7 =	vgt.s32 v18, $0x0;
	v6 =	vld.idx.msk [tilespmem:v6+s3+$0x0], $0xffff;
	[tilespmem:s13+$0x13B80] =	vst v15  }
0x16a: {  	s29 =	sand.u32 $0x1700, s29;
	s25 =	sand.u32 $0x70, s25;
	s30 =	sand.u32 $0x70, s30;
	v16 =	vnsel vm7, $0x0, v18;
	v8 =	vld.idx.msk [tilespmem:v8+s3+$0x0], $0xffff;
	[tilespmem:s13+$0x13C00] =	vst v14  }
0x16b: {  	s17 =	sand.u32 $0x300, s24;
	s9 =	sor.u32 s9, s10;
	s10 =	sand.u32 $0x1F00, s31;
	v11 =	vnsel vm3, $0x0, v11;
	v7 =	vld.idx.msk [tilespmem:v7+s3+$0x0], $0xffff;
	[tilespmem:s8+$0x14C80] =	vst v13  }
0x16c: {  	s6 =	sor.u32 s6, s11;
	s0 =	sor.u32 s12, s0;
	v13 =	vld [tilespmem:s9+$0xBC00];
	s9 =	sor.u32 s14, s16;
	[tilespmem:s13+$0x13C80] =	vst v11;
	v11 =	vnsel vm5, $0x0, v12  }
0x16d: {  	s10 =	sor.u32 s30, s10;
	v9 =	vnsel vm4, $0x0, v9;
	v12 =	vld [tilespmem:s6+$0xBC00];
	s6 =	sor.u32 s25, s29;
	[tilespmem:s13+$0x13D00] =	vst v11  }
0x16e: {  	v10 =	vnsel vm0, $0x0, v10;
	v11 =	vld [tilespmem:s0+$0xBC00];
	[tilespmem:s13+$0x13D80] =	vst v9  }
0x16f: {  	v6 =	vnsel vm6, $0x0, v6;
	v9 =	vld.idx.msk [tilespmem:v16+s3+$0x0], $0xffff;
	[tilespmem:s13+$0x14B00] =	vst v10  }
0x170: {  	v10 =	vld [tilespmem:s9+$0xBC00];
	[tilespmem:s13+$0x13A80] =	vst v6;
	v6 =	vnsel vm1, $0x0, v8  }
0x171: {  	vm0 =	vgt.s32 v13, $0xFFFFFFFF;
	vm1 =	vgt.s32 v13, $0x0;
	v8 =	vld [tilespmem:s6+$0xBC00];
	[tilespmem:s13+$0x14B80] =	vst v6;
	v6 =	vnsel vm2, $0x0, v7  }
0x172: {  	v14 =	vadd.s32 $0x2EE0, v16;
	v7 =	vnsel vm1, $0x0, v13;
	vm2 =	vgt.s32 v12, $0x0;
	v13 =	vld [tilespmem:s10+$0xBC00];
	[tilespmem:s13+$0x14C00] =	vst v6  }
0x173: {  	s22 =	sadd.s32 $0x80, s22;
	s0 =	sadd.s32 $0xFFFFF270, s2;
	vm1 =	vgt.s32 v12, $0xFFFFFFFF;
	v19 =	vnsel vm2, $0x0, v12;
	vm7 =	vgt.s32 v11, $0x0;
	v20 =	vld.idx.msk [tilespmem:v1+s3+$0x0], $0xffff;
	[tilespmem:s8+$0x14D00] =	vst v5  }
0x174: {  	s0 =	sand.u32 $0x70, s0;
	s6 =	sand.u32 $0xC00, s22;
	vm2 =	vgt.s32 v11, $0xFFFFFFFF;
	v5 =	vnsel vm7, $0x0, v11;
	vm7 =	vgt.s32 v18, $0xFFFFFFFF;
	v18 =	vld.idx.msk [tilespmem:v3+s3+$0x0], $0xffff;
	[tilespmem:s8+$0x14D80] =	vst v4;
	s8 =	smov.u32 s13  }
0x175: {  	s9 =	sor.u32 s0, s17;
	s13 =	sor.u32 s0, s6;
	vm8 =	vgt.s32 v10, $0xFFFFFFFF;
	vm9 =	vgt.s32 v10, $0x0;
	v1 =	vnsel vm7, $0x0, v9;
	v4 =	vld.idx.msk [tilespmem:v2+s3+$0x0], $0xffff  }
0x176: {  	v2 =	vld [tilespmem:s9+$0xBC00];
	v3 =	vnsel vm9, $0x0, v10;
	vm9 =	vgt.s32 v8, $0xFFFFFFFF;
	vm10 =	vgt.s32 v8, $0x0;
	[tilespmem:s13+$0x11E00] =	vst v1  }
0x177: {  	v21 =	vnsel vm10, $0x0, v8;
	vm10 =	vgt.s32 v13, $0xFFFFFFFF;
	vm11 =	vgt.s32 v13, $0x0;
	v1 =	vld.idx.msk [tilespmem:v14+s3+$0x0], $0xffff  }
0x178: {  	v22 =	vadd.s32 $0x2EE0, v7;
	v23 =	vadd.s32 $0x2EE0, v19;
	v8 =	vld.idx.msk [tilespmem:v7+s3+$0x0], $0xffff;
	v13 =	vnsel vm11, $0x0, v13  }
0x179: {  	v25 =	vadd.s32 $0x2EE0, v5;
	v26 =	vadd.s32 $0x2EE0, v3;
	v27 =	vadd.s32 $0x2EE0, v21;
	v24 =	vld.idx.msk [tilespmem:v19+s3+$0x0], $0xffff  }
0x17a: {  	v31 =	vadd.s32 $0x5DC0, v16;
	v28 =	vadd.s32 $0x5DC0, v7;
	v30 =	vadd.s32 $0x2EE0, v13;
	v29 =	vld.idx.msk [tilespmem:v5+s3+$0x0], $0xffff  }
0x17b: {  	v15 =	vadd.s32 $0x5DC0, v19;
	vm11 =	vgt.s32 v2, $0xFFFFFFFF;
	vm12 =	vgt.s32 v2, $0x0;
	v32 =	vld.idx.msk [tilespmem:v3+s3+$0x0], $0xffff  }
0x17c: {  	v14 =	vadd.s32 $0x5DC0, v5;
	v11 =	vadd.s32 $0x5DC0, v3;
	v2 =	vnsel vm12, $0x0, v2;
	v33 =	vld.idx.msk [tilespmem:v21+s3+$0x0], $0xffff  }
0x17d: {  	v1 =	vnsel vm7, $0x0, v1;
	v17 =	vadd.s32 $0x2EE0, v2;
	v6 =	vadd.s32 $0x5DC0, v2;
	v34 =	vld.idx.msk [tilespmem:v13+s3+$0x0], $0xffff  }
0x17e: {  	v12 =	vadd.s32 $0x5DC0, v21;
	v9 =	vadd.s32 $0x5DC0, v13;
	v8 =	vnsel vm0, $0x0, v8;
	[tilespmem:s13+$0x12E00] =	vst v1;
	v35 =	vld.idx.msk [tilespmem:v0+s3+$0x0], $0xffff  }
0x17f: {  	v10 =	vadd.s32 $0x8CA0, v7;
	v1 =	vadd.s32 $0x8CA0, v2;
	v0 =	vnsel vm1, $0x0, v24;
	[tilespmem:s13+$0x11B00] =	vst v8;
	v24 =	vld.idx.msk [tilespmem:v31+s3+$0x0], $0xffff  }
0x180: {  	v7 =	vadd.s32 $0x8CA0, v5;
	v8 =	vadd.s32 $0x8CA0, v19;
	v22 =	vld.idx.msk [tilespmem:v22+s3+$0x0], $0xffff;
	[tilespmem:s13+$0x11B80] =	vst v0;
	v0 =	vnsel vm2, $0x0, v29  }
0x181: {  	v3 =	vadd.s32 $0x8CA0, v3;
	v29 =	vld.idx.msk [tilespmem:v2+s3+$0x0], $0xffff;
	[tilespmem:s13+$0x11C00] =	vst v0;
	v0 =	vnsel vm8, $0x0, v32;
	v2 =	vadd.s32 $0x8CA0, v21  }
0x182: {  	v5 =	vnsel vm9, $0x0, v33;
	v21 =	vadd.s32 $0x8CA0, v16;
	v23 =	vld.idx.msk [tilespmem:v23+s3+$0x0], $0xffff;
	[tilespmem:s13+$0x11C80] =	vst v0;
	v0 =	vadd.s32 $0x8CA0, v13  }
0x183: {  	v20 =	vnsel vm6, $0x0, v20;
	v13 =	vnsel vm3, $0x0, v18;
	v16 =	vld.idx.msk [tilespmem:v25+s3+$0x0], $0xffff;
	[tilespmem:s13+$0x11D00] =	vst v5;
	v5 =	vnsel vm10, $0x0, v34  }
.Ltmp9:
0x184: {  	vm3 =	vmmov vm8;
	v18 =	vld.idx.msk [tilespmem:v26+s3+$0x0], $0xffff;
	[tilespmem:s13+$0x11D80] =	vst v5;
	v5 =	vnsel vm5, $0x0, v4;
	v4 =	vnsel vm4, $0x0, v35;
	(pc) =	sbr.rel @p0 .LBB2_15-.Ltmp9, $4  }
0x185: {  	v24 =	vnsel vm7, $0x0, v24;
	vm5 =	vmmov vm9;
	vm4 =	vmmov vm10;
	v19 =	vld.idx.msk [tilespmem:v27+s3+$0x0], $0xffff;
	[tilespmem:s8+$0x14A80] =	vst v20  }
0x186: {  	vm6 =	vmmov vm11;
	v22 =	vnsel vm0, $0x0, v22;
	v20 =	vld.idx.msk [tilespmem:v30+s3+$0x0], $0xffff;
	[tilespmem:s13+$0x13E00] =	vst v24  }
0x187: {  	v24 =	vnsel vm6, $0x0, v29;
	[tilespmem:s13+$0x12B00] =	vst v22;
	v22 =	vld.idx.msk [tilespmem:v21+s3+$0x0], $0xffff  }
0x188: {  	s24 =	sadd.s32 $0x20, s24;
	v23 =	vnsel vm1, $0x0, v23;
	[tilespmem:s13+$0x11A80] =	vst v24;
	v21 =	vld.idx.msk [tilespmem:v28+s3+$0x0], $0xffff  }
0x189: {  	_ =	sdelay $0x2  }
0x18a: {  	[tilespmem:s13+$0x12B80] =	vst v23  }
0x18b: {  	v17 =	vld.idx.msk [tilespmem:v17+s3+$0x0], $0xffff;
	[tilespmem:s8+$0x14C80] =	vst v13  }
0x18c: {  	[tilespmem:s8+$0x14D00] =	vst v5  }
0x18d: {  	v16 =	vnsel vm2, $0x0, v16;
	[tilespmem:s8+$0x14D80] =	vst v4  }
0x18e: {  	v53 =	vnsel vm3, $0x0, v18;
	[tilespmem:s13+$0x12C00] =	vst v16  }
0x18f: {  	v15 =	vld.idx.msk [tilespmem:v15+s3+$0x0], $0xffff;
	[tilespmem:s13+$0x12C80] =	vst v53;
	v54 =	vnsel vm5, $0x0, v19  }
0x190: {  	v14 =	vld.idx.msk [tilespmem:v14+s3+$0x0], $0xffff;
	[tilespmem:s13+$0x12D00] =	vst v54;
	v57 =	vnsel vm6, $0x0, v17  }
0x191: {  	v55 =	vnsel vm4, $0x0, v20;
	v11 =	vld.idx.msk [tilespmem:v11+s3+$0x0], $0xffff;
	[tilespmem:s13+$0x12A80] =	vst v57  }
0x192: {  	[tilespmem:s13+$0x12D80] =	vst v55;
	v56 =	vnsel vm7, $0x0, v22;
	v6 =	vld.idx.msk [tilespmem:v6+s3+$0x0], $0xffff  }
0x193: {  	v12 =	vld.idx.msk [tilespmem:v12+s3+$0x0], $0xffff;
	[tilespmem:s13+$0x14E00] =	vst v56;
	v58 =	vnsel vm0, $0x0, v21  }
0x194: {  	v9 =	vld.idx.msk [tilespmem:v9+s3+$0x0], $0xffff;
	[tilespmem:s13+$0x13B00] =	vst v58;
	v15 =	vnsel vm1, $0x0, v15  }
0x195: {  	v10 =	vld.idx.msk [tilespmem:v10+s3+$0x0], $0xffff;
	[tilespmem:s13+$0x13B80] =	vst v15;
	v14 =	vnsel vm2, $0x0, v14  }
0x196: {  	v11 =	vnsel vm3, $0x0, v11;
	[tilespmem:s13+$0x13C00] =	vst v14;
	v8 =	vld.idx.msk [tilespmem:v8+s3+$0x0], $0xffff  }
0x197: {  	[tilespmem:s13+$0x13C80] =	vst v11;
	v7 =	vld.idx.msk [tilespmem:v7+s3+$0x0], $0xffff;
	v6 =	vnsel vm6, $0x0, v6  }
0x198: {  	v59 =	vnsel vm5, $0x0, v12;
	v3 =	vld.idx.msk [tilespmem:v3+s3+$0x0], $0xffff;
	[tilespmem:s13+$0x13A80] =	vst v6  }
0x199: {  	[tilespmem:s13+$0x13D00] =	vst v59;
	v9 =	vnsel vm4, $0x0, v9;
	v1 =	vld.idx.msk [tilespmem:v1+s3+$0x0], $0xffff  }
0x19a: {  	[tilespmem:s13+$0x13D80] =	vst v9;
	v60 =	vnsel vm0, $0x0, v10  }
0x19b: {  	v2 =	vld.idx.msk [tilespmem:v2+s3+$0x0], $0xffff;
	[tilespmem:s13+$0x14B00] =	vst v60;
	v61 =	vnsel vm1, $0x0, v8  }
0x19c: {  	v0 =	vld.idx.msk [tilespmem:v0+s3+$0x0], $0xffff;
	[tilespmem:s13+$0x14B80] =	vst v61;
	v62 =	vnsel vm2, $0x0, v7  }
0x19d: {  	v3 =	vnsel vm3, $0x0, v3;
	[tilespmem:s13+$0x14C00] =	vst v62  }
0x19e: {  	[tilespmem:s13+$0x14C80] =	vst v3;
	v1 =	vnsel vm6, $0x0, v1  }
0x19f: {  	[tilespmem:s13+$0x14A80] =	vst v1  }
0x1a0: {  	s0 =	sor.u32 $0x8, s20;
	v63 =	vnsel vm5, $0x0, v2;
	s2 =	rddreg [dreg:$0x7]  }
0x1a1: {  	v0 =	vnsel vm4, $0x0, v0;
	[tilespmem:s13+$0x14D00] =	vst v63;
	s2 =	sadd.s32 s2, s0  }
0x1a2: {  	[tilespmem:s13+$0x14D80] =	vst v0;
	s2 =	sshll.u32 s2, $0x6  }
0x1a3: {  	s6 =	simm.s32 $0x11A80;
	s23 =	rddreg [dreg:$0x4];
	s2 =	sadd.s32 s1, s2  }
0x1a4: {  	[hbm4b:s2+s3] =	stream.linear.scatter [tilespmem:s6], [sflag:$0x4], $0x1000, $0x38;
	[tilespmem:$0x15A80] =	vst v63  }
0x1a5: {  	s2 =	sadd.s32 s23, s0  }
0x1a6: {  	s2 =	sshll.u32 s2, $0x6  }
0x1a7: {  	s24 =	simm.s32 $0x12A80;
	s25 =	rddreg [dreg:$0x5];
	s2 =	sadd.s32 s1, s2  }
0x1a8: {  	[hbm4b:s2+s3] =	stream.linear.scatter [tilespmem:s24], [sflag:$0x4], $0x1000, $0x38;
	[tilespmem:$0x15A80] =	vst v63  }
0x1a9: {  	p0 =	seq.s32 s19, $0x1A;
	s30 =	rddreg [dreg:$0x6];
	s2 =	sadd.s32 s25, s0  }
.Ltmp10:
0x1aa: {  	s0 =	sadd.s32 s30, s0;
	s2 =	sshll.u32 s2, $0x6;
	(pc) =	sbr.rel @p0 .LBB2_20-.Ltmp10, $4  }
0x1ab: {  	s29 =	simm.s32 $0x13A80;
	s0 =	sshll.u32 s0, $0x6;
	s2 =	sadd.s32 s1, s2  }
0x1ac: {  	[hbm4b:s2+s3] =	stream.linear.scatter [tilespmem:s29], [sflag:$0x4], $0x1000, $0x38;
	[tilespmem:$0x15A80] =	vst v63  }
0x1ad: {  	s31 =	simm.s32 $0x14A80;
	s0 =	sadd.s32 s1, s0  }
0x1ae: {  	[hbm4b:s0+s3] =	stream.linear.scatter [tilespmem:s31], [sflag:$0x4], $0x1000, $0x38;
	[tilespmem:$0x15A80] =	vst v63  }
0x1af: {  	s0 =	smul.u32 $0x1F00, s19  }
0x1b0: {  	s2 =	rddreg [dreg:$0x9]  }
0x1b1: {  	s0 =	sadd.s32 s0, s2  }
0x1b2: {  	s0 =	sshrl.u32 s0, $0x3  }
0x1b3: {  	s8 =	simm.s32 $0xBC00;
	s2 =	sadd.s32 s4, s0  }
0x1b4: {  	s13 =	simm.s32 $0x10;
	s20 =	simm.s32 $0xBD00;
	s22 =	sadd.s32 $0x0, s2  }
.LBB2_18:
0x1b5: {  	[tilespmem:s8], [sflag:$0x2] =	stream.linear.gather [hbm4b:s22+s3], $0x80, $0x38;
	[tilespmem:$0x15A80] =	vst v63  }
0x1b6: {  	s0 =	smov.u32 s13;
	s8 =	smov.u32 s20;
	p0 =	sne.s32 s13, $0x1E0  }
.Ltmp11:
0x1b7: {  	s13 =	sadd.s32 $0x10, s13;
	(pc) =	sbr.rel @p0 .LBB2_18-.Ltmp11, $2  }
0x1b8: {  	_ =	sdelay $0x2  }
0x1b9: {  	s20 =	sadd.s32 $0x100, s20;
	s22 =	sadd.s32 s0, s2  }
.Ltmp12:
0x1ba: {  	(pc) =	sbr.rel .LBB2_6-.Ltmp12, $3  }
0x1bb: {  	_ =	sdelay $0x1  }
0x1bc: {  	[tilespmem:s8], [sflag:$0x2] =	stream.linear.gather [hbm4b:s22+s3], $0x80, $0x38;
	[tilespmem:$0x15A80] =	vst v63  }
0x1bd: {  	s19 =	sadd.s32 $0x1, s19  }
.LBB2_20:
0x1be: {  	s0 =	simm.s32 $0x3  }
0x1bf: {  	_ =	swait.ge [sflag:s0], $0x1000  }
0x1c0: {  	[sflag:s0] =	ssyncset.done $0x0  }
0x1c1: {  	[sflag:s0] =	ssyncadd.s32 $0xFFFFF000  }
0x1c2: {  	_ =	swait.ge [sflag:s0], $0x1000  }
0x1c3: {  	[sflag:s0] =	ssyncset.done $0x0  }
0x1c4: {  	[sflag:s0] =	ssyncadd.s32 $0xFFFFF000  }
0x1c5: {  	_ =	swait.ge [sflag:s0], $0x1000  }
0x1c6: {  	[sflag:s0] =	ssyncset.done $0x0  }
0x1c7: {  	[sflag:s0] =	ssyncadd.s32 $0xFFFFF000  }
0x1c8: {  	_ =	swait.ge [sflag:s0], $0x1000  }
0x1c9: {  	[sflag:s0] =	ssyncset.done $0x0  }
0x1ca: {  	[sflag:s0] =	ssyncadd.s32 $0xFFFFF000  }
0x1cb: {  	_ =	swait.ge [sflag:s28], $0x1000  }
0x1cc: {  	[sflag:s28] =	ssyncset.done $0x0  }
0x1cd: {  	[sflag:s28] =	ssyncadd.s32 $0xFFFFF000  }
0x1ce: {  	_ =	swait.ge [sflag:s28], $0x1000  }
0x1cf: {  	[sflag:s28] =	ssyncset.done $0x0  }
0x1d0: {  	[sflag:s28] =	ssyncadd.s32 $0xFFFFF000  }
0x1d1: {  	_ =	swait.ge [sflag:s28], $0x1000  }
0x1d2: {  	[sflag:s28] =	ssyncset.done $0x0  }
0x1d3: {  	[sflag:s28] =	ssyncadd.s32 $0xFFFFF000  }
0x1d4: {  	_ =	swait.ge [sflag:s28], $0x1000  }
0x1d5: {  	s2 =	simm.s32 $0x0;
	[sflag:s28] =	ssyncset.done $0x0  }
0x1d6: {  	s8 =	simm.s32 $0xBB80;
	s13 =	simm.s32 $0x0;
	[sflag:s28] =	ssyncadd.s32 $0xFFFFF000  }
.LBB2_21:
0x1d7: {  	p0 =	sne.s32 s13, $0x1E0  }
.Ltmp13:
0x1d8: {  	_ = 	snop;
	(pc) =	sbr.rel @p0 .LBB2_21-.Ltmp13, $4  }
0x1d9: {  	_ = 	snop  }
0x1da: {  	s0 =	sadd.s32 s13, s5  }
0x1db: {  	[tilespmem:s8], [sflag:$0x1] =	stream.linear.gather [hbm4b:s0+s2], $0x80, $0x38;
	[tilespmem:$0x15A80] =	vst v63  }
0x1dc: {  	s13 =	sadd.s32 $0x10, s13;
	s8 =	sadd.s32 $0x100, s8  }
0x1dd: {  	s2 =	simm.s32 $0xBC00  }
0x1de: {  	s8 =	simm.s32 $0x10;
	s15 =	sadd.s32 $0x0, s7;
	s13 =	simm.s32 $0xBD00  }
.LBB2_23:
0x1df: {  	[tilespmem:s2], [sflag:$0x2] =	stream.linear.gather [hbm4b:s15+s3], $0x80, $0x38;
	[tilespmem:$0x15A80] =	vst v63  }
0x1e0: {  	s0 =	smov.u32 s8;
	s2 =	smov.u32 s13;
	p0 =	sne.s32 s8, $0x1E0  }
.Ltmp14:
0x1e1: {  	s8 =	sadd.s32 $0x10, s8;
	(pc) =	sbr.rel @p0 .LBB2_23-.Ltmp14, $2  }
0x1e2: {  	_ =	sdelay $0x2  }
0x1e3: {  	s13 =	sadd.s32 $0x100, s13;
	s15 =	sadd.s32 s0, s7  }
0x1e4: {  	[tilespmem:s2], [sflag:$0x2] =	stream.linear.gather [hbm4b:s15+s3], $0x80, $0x38;
	[tilespmem:$0x15A80] =	vst v63  }
0x1e5: {  	s15 =	simm.s32 $0x0;
	s0 =	rddreg [dreg:$0xa];
	s31 =	simm.s32 $0x5  }
0x1e6: {  	[tilespmem:s15], [sflag:$0x5] =	stream.linear.gather [hbm4b:s0+s15], $0xBB80, $0x38;
	[tilespmem:$0x15A80] =	vst v63  }
0x1e7: {  	_ =	swait.ge [sflag:s31], $0xBB80  }
0x1e8: {  	[sflag:s31] =	ssyncset.done $0x0  }
0x1e9: {  	s19 =	simm.s32 $0x0;
	[sflag:s31] =	ssyncadd.s32 $0xFFFF4480  }
.LBB2_25:
0x1ea: {  	_ =	swait.ge [sflag:s21], $0xF80  }
0x1eb: {  	p0 =	seq.s32 s19, $0x0;
	[sflag:s21] =	ssyncset.done $0x0  }
0x1ec: {  	s0 =	simm.s32 @!p0 $0x3;
	[sflag:s21] =	ssyncadd.s32 $0xFFFFF080  }
0x1ed: {  	_ =	swait.ge @!p0 [sflag:s0], $0x1000  }
0x1ee: {  	[sflag:s0] =	ssyncset.done @!p0 $0x0  }
0x1ef: {  	[sflag:s0] =	ssyncadd.s32 @!p0 $0xFFFFF000  }
0x1f0: {  	_ =	swait.ge @!p0 [sflag:s0], $0x1000  }
0x1f1: {  	[sflag:s0] =	ssyncset.done @!p0 $0x0  }
0x1f2: {  	[sflag:s0] =	ssyncadd.s32 @!p0 $0xFFFFF000  }
0x1f3: {  	_ =	swait.ge @!p0 [sflag:s0], $0x1000  }
0x1f4: {  	[sflag:s0] =	ssyncset.done @!p0 $0x0  }
0x1f5: {  	[sflag:s0] =	ssyncadd.s32 @!p0 $0xFFFFF000  }
0x1f6: {  	s2 =	simm.s32 $0xD90;
	s6 =	simm.s32 $0x1B20;
	_ =	swait.ge @!p0 [sflag:s0], $0x1000  }
0x1f7: {  	s2 =	sand.u32 $0x70, s2;
	s6 =	sand.u32 $0x1F00, s6;
	[sflag:s0] =	ssyncset.done @!p0 $0x0  }
0x1f8: {  	s14 =	sor.u32 s2, s6;
	[sflag:s0] =	ssyncadd.s32 @!p0 $0xFFFFF000  }
0x1f9: {  	v0 =	vld [tilespmem:s14+$0xBB80]  }
0x1fa: {  	s16 =	simm.s32 $0x1F0  }
0x1fb: {  	s17 =	simm.s32 $0x3E0;
	s20 =	simm.s32 $0x7C0;
	s8 =	simm.s32 $0x5D0  }
0x1fc: {  	s9 =	simm.s32 $0xBA0;
	s10 =	sand.u32 $0x700, s17;
	s0 =	sand.u32 $0x70, s16  }
0x1fd: {  	s11 =	sand.u32 $0xF00, s20;
	s2 =	sand.u32 $0x70, s17;
	s0 =	sor.u32 s0, s10  }
0x1fe: {  	s24 =	simm.s32 $0xF80;
	s25 =	simm.s32 $0x9B0;
	s23 =	sor.u32 s2, s11;
	v4 =	vld [tilespmem:s0+$0xBB80];
	vm0 =	vgt.s32 v0, $0x0  }
0x1ff: {  	s29 =	simm.s32 $0x1360;
	s8 =	sand.u32 $0x70, s8;
	s22 =	sand.u32 $0xF00, s9;
	v5 =	vld [tilespmem:s23+$0xBB80];
	v3 =	vnsel vm0, $0x0, v0  }
0x200: {  	s8 =	sor.u32 s8, s22;
	s6 =	sand.u32 $0x70, s20;
	s2 =	sand.u32 $0x1F00, s24  }
0x201: {  	s30 =	sand.u32 $0x70, s25;
	s2 =	sor.u32 s6, s2;
	v6 =	vld [tilespmem:s8+$0xBB80];
	s0 =	sand.u32 $0x1700, s29  }
0x202: {  	s31 =	simm.s32 $0x1740;
	v7 =	vld [tilespmem:s2+$0xBB80];
	s0 =	sor.u32 s30, s0  }
0x203: {  	s9 =	sand.u32 $0x70, s9;
	s6 =	sand.u32 $0x1F00, s31;
	v8 =	vld [tilespmem:s0+$0xBB80];
	vm0 =	vgt.s32 v4, $0x0  }
0x204: {  	s10 =	sor.u32 s9, s6;
	v10 =	vnsel vm0, $0x0, v4;
	vm0 =	vgt.s32 v5, $0x0;
	v1 =	vld.idx.msk [tilespmem:v3+s3+$0x0], $0xffff  }
0x205: {  	v11 =	vld [tilespmem:s10+$0xBB80];
	v12 =	vnsel vm0, $0x0, v5  }
0x206: {  	v9 =	vadd.s32 $0x2EE0, v3;
	vm0 =	vgt.s32 v6, $0x0  }
0x207: {  	v13 =	vnsel vm0, $0x0, v6;
	vm0 =	vgt.s32 v7, $0x0  }
0x208: {  	s11 =	sor.u32 s15, s15;
	vm3 =	vgt.s32 v0, $0xFFFFFFFF;
	v0 =	vnsel vm0, $0x0, v7;
	vm0 =	vgt.s32 v8, $0x0  }
0x209: {  	s0 =	sor.u32 $0x380, s11;
	v2 =	vnsel vm0, $0x0, v8;
	v14 =	vld.idx.msk [tilespmem:v10+s3+$0x0], $0xffff;
	v1 =	vnsel vm3, $0x0, v1  }
0x20a: {  	vm0 =	vgt.s32 v11, $0x0;
	v15 =	vld.idx.msk [tilespmem:v12+s3+$0x0], $0xffff;
	[tilespmem:s0+$0xDA80] =	vst v1  }
0x20b: {  	v1 =	vnsel vm0, $0x0, v11;
	v9 =	vld.idx.msk [tilespmem:v9+s3+$0x0], $0xffff  }
0x20c: {  	v18 =	vadd.s32 $0x2EE0, v10;
	v16 =	vld.idx.msk [tilespmem:v13+s3+$0x0], $0xffff  }
0x20d: {  	s12 =	sand.u32 $0x300, s15;
	s13 =	sand.u32 $0x70, s15;
	s17 =	simm.s32 $0x1B40;
	v17 =	vadd.s32 $0x5DC0, v3;
	v19 =	vld.idx.msk [tilespmem:v0+s3+$0x0], $0xffff  }
0x20e: {  	s22 =	simm.s32 $0x400;
	s14 =	sand.u32 $0xC00, s15;
	vm7 =	vgt.s32 v4, $0xFFFFFFFF;
	v4 =	vadd.s32 $0x2EE0, v12;
	v20 =	vld.idx.msk [tilespmem:v2+s3+$0x0], $0xffff;
	s0 =	sor.u32 s13, s12  }
0x20f: {  	s16 =	simm.s32 $0xDA0;
	s23 =	simm.s32 $0x3F0;
	s8 =	sor.u32 s13, s14;
	v14 =	vnsel vm7, $0x0, v14;
	v21 =	vld [tilespmem:s0+$0xBB80]  }
0x210: {  	s2 =	sand.u32 $0x1F00, s17;
	s6 =	sand.u32 $0x70, s23;
	vm1 =	vgt.s32 v5, $0xFFFFFFFF;
	v5 =	vadd.s32 $0x2EE0, v13;
	s13 =	simm.s32 $0xFA0;
	[tilespmem:s8+$0xDB00] =	vst v14;
	v22 =	vld.idx.msk [tilespmem:v1+s3+$0x0], $0xffff;
	v9 =	vnsel vm3, $0x0, v9  }
0x211: {  	vm2 =	vgt.s32 v6, $0xFFFFFFFF;
	v6 =	vadd.s32 $0x2EE0, v0;
	s12 =	simm.s32 $0x7D0;
	s0 =	sand.u32 $0x70, s16;
	s23 =	sand.u32 $0x1F00, s13;
	[tilespmem:s8+$0xEE00] =	vst v9;
	v9 =	vnsel vm1, $0x0, v15;
	v15 =	vld.idx.msk [tilespmem:v18+s3+$0x0], $0xffff  }
0x212: {  	vm4 =	vgt.s32 v7, $0xFFFFFFFF;
	v7 =	vadd.s32 $0x2EE0, v2;
	s0 =	sor.u32 s0, s2;
	s2 =	sand.u32 $0x700, s22;
	s22 =	sand.u32 $0x70, s12;
	v14 =	vld.idx.msk [tilespmem:v17+s3+$0x0], $0xffff;
	[tilespmem:s8+$0xDB80] =	vst v9  }
0x213: {  	vm0 =	vgt.s32 v8, $0xFFFFFFFF;
	v8 =	vadd.s32 $0x2EE0, v1;
	s10 =	sor.u32 s22, s23;
	v9 =	vnsel vm2, $0x0, v16;
	v4 =	vld.idx.msk [tilespmem:v4+s3+$0x0], $0xffff  }
0x214: {  	vm6 =	vgt.s32 v11, $0xFFFFFFFF;
	v11 =	vadd.s32 $0x5DC0, v10;
	[tilespmem:s8+$0xDC00] =	vst v9;
	v9 =	vnsel vm4, $0x0, v19;
	v19 =	vld [tilespmem:s10+$0xBB80]  }
0x215: {  	v3 =	vadd.s32 $0x8CA0, v3;
	vm5 =	vgt.s32 v21, $0x0;
	v5 =	vld.idx.msk [tilespmem:v5+s3+$0x0], $0xffff;
	[tilespmem:s8+$0xDC80] =	vst v9;
	v9 =	vnsel vm0, $0x0, v20  }
0x216: {  	v16 =	vnsel vm5, $0x0, v21;
	v6 =	vld.idx.msk [tilespmem:v6+s3+$0x0], $0xffff;
	[tilespmem:s8+$0xDD00] =	vst v9;
	v9 =	vnsel vm6, $0x0, v22  }
0x217: {  	v17 =	vadd.s32 $0x5DC0, v12;
	v7 =	vld.idx.msk [tilespmem:v7+s3+$0x0], $0xffff;
	[tilespmem:s8+$0xDD80] =	vst v9;
	v15 =	vnsel vm7, $0x0, v15  }
0x218: {  	v9 =	vnsel vm3, $0x0, v14;
	v8 =	vld.idx.msk [tilespmem:v8+s3+$0x0], $0xffff;
	[tilespmem:s8+$0xEB00] =	vst v15  }
0x219: {  	v14 =	vadd.s32 $0x5DC0, v13;
	[tilespmem:s8+$0xFE00] =	vst v9;
	v11 =	vld.idx.msk [tilespmem:v11+s3+$0x0], $0xffff  }
0x21a: {  	v9 =	vadd.s32 $0x5DC0, v0;
	v4 =	vnsel vm1, $0x0, v4;
	v3 =	vld.idx.msk [tilespmem:v3+s3+$0x0], $0xffff  }
0x21b: {  	vm4 =	vmmov vm4;
	v15 =	vadd.s32 $0x5DC0, v2;
	[tilespmem:s8+$0xEB80] =	vst v4;
	v4 =	vnsel vm2, $0x0, v5;
	v5 =	vld.idx.msk [tilespmem:v16+s3+$0x0], $0xffff  }
0x21c: {  	v18 =	vadd.s32 $0x5DC0, v1;
	vm5 =	vmmov vm0;
	[tilespmem:s8+$0xEC00] =	vst v4;
	v4 =	vld.idx.msk [tilespmem:v17+s3+$0x0], $0xffff;
	v6 =	vnsel vm4, $0x0, v6  }
0x21d: {  	v10 =	vadd.s32 $0x8CA0, v10;
	[tilespmem:s8+$0xEC80] =	vst v6;
	v6 =	vnsel vm5, $0x0, v7;
	v7 =	vld [tilespmem:s0+$0xBB80]  }
0x21e: {  	vm6 =	vmmov vm6;
	v17 =	vadd.s32 $0x2EE0, v16;
	v14 =	vld.idx.msk [tilespmem:v14+s3+$0x0], $0xffff  }
0x21f: {  	vm0 =	vgt.s32 v21, $0xFFFFFFFF;
	[tilespmem:s8+$0xED00] =	vst v6;
	v6 =	vnsel vm6, $0x0, v8;
	v8 =	vld.idx.msk [tilespmem:v9+s3+$0x0], $0xffff  }
0x220: {  	vm0 =	vmmov vm0;
	v9 =	vadd.s32 $0x8CA0, v13;
	[tilespmem:s8+$0xED80] =	vst v6;
	v6 =	vnsel vm7, $0x0, v11;
	v11 =	vld.idx.msk [tilespmem:v15+s3+$0x0], $0xffff  }
0x221: {  	s25 =	simm.s32 $0x5E0;
	s20 =	simm.s32 $0x200;
	s29 =	simm.s32 $0xBC0;
	v5 =	vnsel vm0, $0x0, v5;
	[tilespmem:s8+$0xFB00] =	vst v6;
	v6 =	vld.idx.msk [tilespmem:v18+s3+$0x0], $0xffff  }
0x222: {  	s30 =	sand.u32 $0x70, s25;
	s31 =	sand.u32 $0xF00, s29;
	s0 =	sand.u32 $0x70, s20;
	[tilespmem:s8+$0xDA80] =	vst v5;
	v5 =	vld.idx.msk [tilespmem:v10+s3+$0x0], $0xffff;
	v4 =	vnsel vm1, $0x0, v4  }
0x223: {  	s0 =	sor.u32 s0, s2;
	s2 =	sor.u32 s30, s31;
	vm8 =	vgt.s32 v7, $0x0;
	v13 =	vld.idx.msk [tilespmem:v17+s3+$0x0], $0xffff;
	[tilespmem:s8+$0xFB80] =	vst v4;
	v4 =	vnsel vm2, $0x0, v14  }
0x224: {  	s24 =	simm.s32 $0x7E0;
	v17 =	vld [tilespmem:s2+$0xBB80];
	v10 =	vnsel vm8, $0x0, v7;
	[tilespmem:s8+$0xFC00] =	vst v4  }
0x225: {  	s9 =	sand.u32 $0xF00, s24;
	s14 =	simm.s32 $0x9C0;
	s16 =	simm.s32 $0x1380;
	v12 =	vadd.s32 $0x8CA0, v12;
	v4 =	vld.idx.msk [tilespmem:v9+s3+$0x0], $0xffff  }
0x226: {  	s24 =	sand.u32 $0x70, s14;
	s11 =	sor.u32 s6, s9;
	s6 =	sand.u32 $0x1700, s16;
	v0 =	vadd.s32 $0x8CA0, v0;
	v9 =	vld [tilespmem:s0+$0xBB80]  }
0x227: {  	s2 =	sor.u32 s24, s6;
	v14 =	vld [tilespmem:s11+$0xBB80]  }
0x228: {  	v1 =	vadd.s32 $0x8CA0, v1;
	v2 =	vadd.s32 $0x8CA0, v2;
	v20 =	vld [tilespmem:s2+$0xBB80]  }
0x229: {  	s17 =	simm.s32 $0xBB0;
	vm10 =	vgt.s32 v19, $0xFFFFFFFF;
	s20 =	simm.s32 $0x1760;
	v15 =	vadd.s32 $0x5DC0, v16;
	v8 =	vnsel vm4, $0x0, v8;
	v18 =	vld.idx.msk [tilespmem:v10+s3+$0x0], $0xffff  }
0x22a: {  	s9 =	sand.u32 $0x70, s17;
	v16 =	vadd.s32 $0x8CA0, v16;
	v3 =	vnsel vm3, $0x0, v3;
	v12 =	vld.idx.msk [tilespmem:v12+s3+$0x0], $0xffff;
	s0 =	sand.u32 $0x1F00, s20;
	v6 =	vnsel vm6, $0x0, v6;
	[tilespmem:s8+$0xFC80] =	vst v8  }
0x22b: {  	v21 =	vadd.s32 $0x2EE0, v10;
	s0 =	sor.u32 s9, s0;
	v0 =	vld.idx.msk [tilespmem:v0+s3+$0x0], $0xffff;
	[tilespmem:s8+$0xFD80] =	vst v6;
	v13 =	vnsel vm0, $0x0, v13;
	vm3 =	vgt.s32 v9, $0x0  }
0x22c: {  	s25 =	simm.s32 $0x10;
	s2 =	simm.s32 $0x80;
	v11 =	vnsel vm5, $0x0, v11;
	v5 =	vnsel vm7, $0x0, v5;
	[tilespmem:s8+$0xEA80] =	vst v13;
	v13 =	vld [tilespmem:s0+$0xBB80];
	v22 =	vnsel vm3, $0x0, v9  }
0x22d: {  	s29 =	sor.u32 s2, s25;
	vm7 =	vgt.s32 v7, $0xFFFFFFFF;
	v24 =	vld.idx.msk [tilespmem:v1+s3+$0x0], $0xffff;
	vm8 =	vgt.s32 v20, $0xFFFFFFFF;
	vm3 =	vgt.s32 v14, $0x0  }
0x22e: {  	[tilespmem:s8+$0xFD00] =	vst v11;
	s6 =	sor.u32 $0x380, s29;
	v8 =	vld.idx.msk [tilespmem:v15+s3+$0x0], $0xffff;
	v11 =	vnsel vm3, $0x0, v14;
	vm3 =	vgt.s32 v17, $0x0;
	v6 =	vnsel vm7, $0x0, v18  }
0x22f: {  	s30 =	simm.s32 $0x20;
	v4 =	vnsel vm2, $0x0, v4;
	v15 =	vnsel vm3, $0x0, v17;
	vm3 =	vgt.s32 v19, $0x0;
	v18 =	vld.idx.msk [tilespmem:v2+s3+$0x0], $0xffff;
	[tilespmem:s6+$0xDA80] =	vst v6  }
0x230: {  	s0 =	sand.u32 $0x70, s25;
	vm2 =	vgt.s32 v14, $0xFFFFFFFF;
	v23 =	vnsel vm3, $0x0, v19;
	vm3 =	vgt.s32 v20, $0x0;
	s6 =	sand.u32 $0x300, s30;
	v6 =	vld.idx.msk [tilespmem:v21+s3+$0x0], $0xffff  }
0x231: {  	v0 =	vnsel vm4, $0x0, v0;
	v1 =	vnsel vm3, $0x0, v20;
	vm3 =	vgt.s32 v13, $0x0;
	s6 =	sor.u32 s0, s6;
	v7 =	vld.idx.msk [tilespmem:v22+s3+$0x0], $0xffff  }
0x232: {  	[tilespmem:s8+$0x10B00] =	vst v5;
	v5 =	vadd.s32 $0x2EE0, v22;
	v28 =	vadd.s32 $0x5DC0, v22;
	v14 =	vnsel vm3, $0x0, v13;
	v32 =	vld [tilespmem:s6+$0xBB80]  }
0x233: {  	[tilespmem:s8+$0x10E00] =	vst v3;
	v2 =	vnsel vm1, $0x0, v12;
	vm1 =	vgt.s32 v9, $0xFFFFFFFF;
	v19 =	vadd.s32 $0x5DC0, v10;
	v3 =	vld.idx.msk [tilespmem:v11+s3+$0x0], $0xffff  }
0x234: {  	vm9 =	vgt.s32 v13, $0xFFFFFFFF;
	[tilespmem:s8+$0x10B80] =	vst v2;
	v2 =	vnsel vm0, $0x0, v8;
	vm3 =	vgt.s32 v17, $0xFFFFFFFF;
	v17 =	vld.idx.msk [tilespmem:v15+s3+$0x0], $0xffff  }
0x235: {  	s31 =	sand.u32 $0xC00, s2;
	[tilespmem:s8+$0x10C00] =	vst v4;
	v12 =	vadd.s32 $0x5DC0, v15;
	v20 =	vadd.s32 $0x2EE0, v11;
	v21 =	vadd.s32 $0x2EE0, v15;
	v26 =	vld.idx.msk [tilespmem:v23+s3+$0x0], $0xffff  }
0x236: {  	s13 =	sor.u32 s0, s31;
	v25 =	vadd.s32 $0x2EE0, v23;
	[tilespmem:s8+$0xFA80] =	vst v2;
	v9 =	vadd.s32 $0x5DC0, v23;
	v29 =	vld.idx.msk [tilespmem:v1+s3+$0x0], $0xffff;
	v4 =	vnsel vm7, $0x0, v6  }
0x237: {  	v27 =	vadd.s32 $0x2EE0, v1;
	v13 =	vadd.s32 $0x5DC0, v11;
	v31 =	vld.idx.msk [tilespmem:v14+s3+$0x0], $0xffff;
	v2 =	vnsel vm1, $0x0, v7;
	[tilespmem:s13+$0xEE00] =	vst v4  }
0x238: {  	v8 =	vadd.s32 $0x5DC0, v1;
	v30 =	vadd.s32 $0x2EE0, v14;
	[tilespmem:s13+$0xDB00] =	vst v2;
	v2 =	vnsel vm2, $0x0, v3;
	v33 =	vld.idx.msk [tilespmem:v19+s3+$0x0], $0xffff  }
0x239: {  	v6 =	vadd.s32 $0x5DC0, v14;
	v4 =	vadd.s32 $0x8CA0, v11;
	v11 =	vld.idx.msk [tilespmem:v5+s3+$0x0], $0xffff;
	[tilespmem:s13+$0xDB80] =	vst v2;
	v3 =	vnsel vm3, $0x0, v17  }
0x23a: {  	v7 =	vadd.s32 $0x8CA0, v22;
	v5 =	vadd.s32 $0x8CA0, v15;
	v2 =	vadd.s32 $0x8CA0, v23;
	v20 =	vld.idx.msk [tilespmem:v20+s3+$0x0], $0xffff;
	[tilespmem:s13+$0xDC00] =	vst v3  }
0x23b: {  	[tilespmem:s8+$0x10C80] =	vst v0;
	v15 =	vnsel vm10, $0x0, v26;
	v3 =	vadd.s32 $0x8CA0, v1;
	v23 =	vld.idx.msk [tilespmem:v21+s3+$0x0], $0xffff;
	v21 =	vadd.s32 $0x8CA0, v10  }
0x23c: {  	v16 =	vld.idx.msk [tilespmem:v16+s3+$0x0], $0xffff;
	[tilespmem:s13+$0xDC80] =	vst v15;
	v15 =	vnsel vm8, $0x0, v29;
	v10 =	vnsel vm6, $0x0, v24;
	vm6 =	vgt.s32 v32, $0x0  }
0x23d: {  	v1 =	vadd.s32 $0x8CA0, v14;
	v19 =	vld.idx.msk [tilespmem:v25+s3+$0x0], $0xffff;
	[tilespmem:s13+$0xDD00] =	vst v15;
	v14 =	vnsel vm9, $0x0, v31;
	v22 =	vnsel vm6, $0x0, v32  }
0x23e: {  	vm4 =	vmmov vm10;
	v15 =	vnsel vm5, $0x0, v18;
	v17 =	vld.idx.msk [tilespmem:v27+s3+$0x0], $0xffff;
	[tilespmem:s13+$0xDD80] =	vst v14;
	v14 =	vnsel vm7, $0x0, v33  }
0x23f: {  	vm5 =	vmmov vm8;
	vm8 =	vgt.s32 v32, $0xFFFFFFFF;
	v18 =	vld.idx.msk [tilespmem:v30+s3+$0x0], $0xffff;
	v0 =	vnsel vm1, $0x0, v11;
	[tilespmem:s13+$0xFE00] =	vst v14  }
0x240: {  	vm6 =	vmmov vm9;
	v14 =	vadd.s32 $0x2EE0, v22;
	[tilespmem:s13+$0xEB00] =	vst v0;
	v63 =	vnsel vm2, $0x0, v20;
	v21 =	vld.idx.msk [tilespmem:v21+s3+$0x0], $0xffff  }
0x241: {  	s22 =	simm.s32 $0x40;
	s23 =	simm.s32 $0x20;
	s20 =	simm.s32 $0x8;
	v11 =	vadd.s32 $0x5DC0, v22;
	v0 =	vadd.s32 $0x8CA0, v22;
	v20 =	vld.idx.msk [tilespmem:v28+s3+$0x0], $0xffff;
	[tilespmem:s13+$0xEB80] =	vst v63;
	v23 =	vnsel vm3, $0x0, v23  }
.LBB2_26:
0x242: {  	s0 =	sadd.s32 $0xD90, s23;
	s6 =	sadd.s32 $0x1B20, s22;
	s20 =	sadd.s32 $0x8, s20;
	v22 =	vld.idx.msk [tilespmem:v22+s3+$0x0], $0xffff;
	[tilespmem:s13+$0xEC00] =	vst v23;
	v19 =	vnsel vm4, $0x0, v19  }
0x243: {  	v17 =	vnsel vm5, $0x0, v17;
	s0 =	sand.u32 $0x70, s0;
	s6 =	sand.u32 $0x1F00, s6;
	p1 =	slt.u32 s20, $0xF0;
	v13 =	vld.idx.msk [tilespmem:v13+s3+$0x0], $0xffff;
	[tilespmem:s13+$0xEC80] =	vst v19  }
0x244: {  	s9 =	sadd.s32 $0x1F0, s23;
	s10 =	sadd.s32 $0x3E0, s22;
	s0 =	sor.u32 s0, s6;
	v12 =	vld.idx.msk [tilespmem:v12+s3+$0x0], $0xffff;
	[tilespmem:s13+$0xED00] =	vst v17;
	v17 =	vnsel vm6, $0x0, v18  }
0x245: {  	s11 =	sadd.s32 $0x7C0, s22;
	s12 =	sadd.s32 $0x5D0, s23;
	s6 =	sadd.s32 $0x3E0, s23;
	v16 =	vnsel vm0, $0x0, v16;
	vm0 =	vmmov vm8;
	v18 =	vld [tilespmem:s0+$0xBB80];
	[tilespmem:s13+$0xED80] =	vst v17  }
0x246: {  	s14 =	sadd.s32 $0x7C0, s23;
	s16 =	sadd.s32 $0xF80, s22;
	s0 =	sadd.s32 $0xBA0, s22;
	v17 =	vnsel vm7, $0x0, v21;
	v9 =	vld.idx.msk [tilespmem:v9+s3+$0x0], $0xffff;
	[tilespmem:s8+$0x10D00] =	vst v15  }
0x247: {  	s17 =	sadd.s32 $0x9B0, s23;
	s24 =	sadd.s32 $0x1360, s22;
	s25 =	sadd.s32 $0xBA0, s23;
	v15 =	vnsel vm1, $0x0, v20;
	v8 =	vld.idx.msk [tilespmem:v8+s3+$0x0], $0xffff;
	[tilespmem:s13+$0x10E00] =	vst v17  }
0x248: {  	s29 =	sadd.s32 $0x1740, s22;
	s9 =	sand.u32 $0x70, s9;
	s10 =	sand.u32 $0x700, s10;
	v17 =	vnsel vm0, $0x0, v22;
	[tilespmem:s13+$0xFB00] =	vst v15;
	v6 =	vld.idx.msk [tilespmem:v6+s3+$0x0], $0xffff  }
0x249: {  	s11 =	sand.u32 $0xF00, s11;
	s12 =	sand.u32 $0x70, s12;
	s6 =	sand.u32 $0x70, s6;
	v13 =	vnsel vm2, $0x0, v13;
	[tilespmem:s13+$0xDA80] =	vst v17;
	v7 =	vld.idx.msk [tilespmem:v7+s3+$0x0], $0xffff  }
0x24a: {  	s14 =	sand.u32 $0x70, s14;
	s16 =	sand.u32 $0x1F00, s16;
	s0 =	sand.u32 $0xF00, s0;
	v12 =	vnsel vm3, $0x0, v12;
	vm7 =	vgt.s32 v18, $0x0;
	v15 =	vld.idx.msk [tilespmem:v14+s3+$0x0], $0xffff;
	[tilespmem:s13+$0xFB80] =	vst v13  }
0x24b: {  	s17 =	sand.u32 $0x70, s17;
	s30 =	sand.u32 $0x1700, s24;
	s25 =	sand.u32 $0x70, s25;
	v14 =	vnsel vm7, $0x0, v18;
	v4 =	vld.idx.msk [tilespmem:v4+s3+$0x0], $0xffff;
	[tilespmem:s13+$0xFC00] =	vst v12  }
0x24c: {  	s24 =	sand.u32 $0x300, s22;
	s9 =	sor.u32 s9, s10;
	s10 =	sand.u32 $0x1F00, s29;
	v9 =	vnsel vm4, $0x0, v9;
	v5 =	vld.idx.msk [tilespmem:v5+s3+$0x0], $0xffff;
	[tilespmem:s8+$0x10D80] =	vst v10  }
0x24d: {  	s6 =	sor.u32 s6, s11;
	s0 =	sor.u32 s12, s0;
	v8 =	vnsel vm5, $0x0, v8;
	v10 =	vld [tilespmem:s9+$0xBB80];
	s9 =	sor.u32 s14, s16;
	[tilespmem:s13+$0xFC80] =	vst v9  }
0x24e: {  	s10 =	sor.u32 s25, s10;
	v6 =	vnsel vm6, $0x0, v6;
	v9 =	vld [tilespmem:s6+$0xBB80];
	s6 =	sor.u32 s17, s30;
	[tilespmem:s13+$0xFD00] =	vst v8  }
0x24f: {  	v7 =	vnsel vm1, $0x0, v7;
	v8 =	vld [tilespmem:s0+$0xBB80];
	[tilespmem:s13+$0xFD80] =	vst v6  }
0x250: {  	v12 =	vnsel vm0, $0x0, v15;
	v6 =	vld.idx.msk [tilespmem:v14+s3+$0x0], $0xffff;
	[tilespmem:s13+$0x10B00] =	vst v7  }
0x251: {  	v4 =	vnsel vm2, $0x0, v4;
	v7 =	vld [tilespmem:s9+$0xBB80];
	[tilespmem:s13+$0xEA80] =	vst v12  }
0x252: {  	vm1 =	vgt.s32 v10, $0xFFFFFFFF;
	vm2 =	vgt.s32 v10, $0x0;
	v12 =	vld [tilespmem:s6+$0xBB80];
	[tilespmem:s13+$0x10B80] =	vst v4;
	v4 =	vnsel vm3, $0x0, v5  }
0x253: {  	v13 =	vadd.s32 $0x2EE0, v14;
	v5 =	vnsel vm2, $0x0, v10;
	vm3 =	vgt.s32 v9, $0x0;
	v10 =	vld [tilespmem:s10+$0xBB80];
	[tilespmem:s13+$0x10C00] =	vst v4  }
0x254: {  	s2 =	sadd.s32 $0x80, s2;
	vm2 =	vgt.s32 v9, $0xFFFFFFFF;
	v4 =	vnsel vm3, $0x0, v9;
	vm7 =	vgt.s32 v8, $0x0;
	v11 =	vld.idx.msk [tilespmem:v11+s3+$0x0], $0xffff;
	[tilespmem:s8+$0x10A80] =	vst v16;
	s8 =	smov.u32 s13  }
0x255: {  	s0 =	sor.u32 s2, s23;
	vm3 =	vgt.s32 v8, $0xFFFFFFFF;
	v15 =	vnsel vm7, $0x0, v8;
	vm7 =	vgt.s32 v18, $0xFFFFFFFF;
	v16 =	vld.idx.msk [tilespmem:v2+s3+$0x0], $0xffff  }
0x256: {  	s0 =	sor.u32 $0x380, s0;
	vm8 =	vgt.s32 v7, $0xFFFFFFFF;
	vm9 =	vgt.s32 v7, $0x0;
	v2 =	vnsel vm7, $0x0, v6;
	v17 =	vld.idx.msk [tilespmem:v3+s3+$0x0], $0xffff  }
0x257: {  	v3 =	vnsel vm9, $0x0, v7;
	vm10 =	vgt.s32 v12, $0xFFFFFFFF;
	vm9 =	vgt.s32 v12, $0x0;
	[tilespmem:s0+$0xDA80] =	vst v2;
	v18 =	vld.idx.msk [tilespmem:v1+s3+$0x0], $0xffff  }
0x258: {  	v1 =	vnsel vm9, $0x0, v12;
	vm9 =	vgt.s32 v10, $0xFFFFFFFF;
	vm11 =	vgt.s32 v10, $0x0;
	v2 =	vld.idx.msk [tilespmem:v13+s3+$0x0], $0xffff  }
0x259: {  	v20 =	vadd.s32 $0x2EE0, v5;
	v21 =	vadd.s32 $0x2EE0, v4;
	v19 =	vld.idx.msk [tilespmem:v5+s3+$0x0], $0xffff;
	v10 =	vnsel vm11, $0x0, v10  }
0x25a: {  	v23 =	vadd.s32 $0x2EE0, v15;
	v24 =	vadd.s32 $0x2EE0, v3;
	v25 =	vadd.s32 $0x2EE0, v1;
	v22 =	vld.idx.msk [tilespmem:v4+s3+$0x0], $0xffff  }
0x25b: {  	v29 =	vadd.s32 $0x5DC0, v14;
	v26 =	vadd.s32 $0x5DC0, v5;
	v28 =	vadd.s32 $0x2EE0, v10;
	v27 =	vld.idx.msk [tilespmem:v15+s3+$0x0], $0xffff  }
0x25c: {  	v13 =	vadd.s32 $0x5DC0, v4;
	v12 =	vadd.s32 $0x5DC0, v15;
	v9 =	vadd.s32 $0x5DC0, v3;
	v30 =	vld.idx.msk [tilespmem:v3+s3+$0x0], $0xffff  }
0x25d: {  	s6 =	sand.u32 $0xC00, s2;
	s0 =	sand.u32 $0x70, s23;
	v8 =	vadd.s32 $0x5DC0, v1;
	v11 =	vnsel vm0, $0x0, v11;
	v6 =	vadd.s32 $0x5DC0, v10;
	v31 =	vld.idx.msk [tilespmem:v1+s3+$0x0], $0xffff  }
0x25e: {  	v7 =	vadd.s32 $0x8CA0, v5;
	s9 =	sor.u32 s0, s24;
	s13 =	sor.u32 s0, s6;
	v4 =	vadd.s32 $0x8CA0, v4;
	v33 =	vnsel vm7, $0x0, v2;
	v32 =	vld.idx.msk [tilespmem:v10+s3+$0x0], $0xffff;
	[tilespmem:s8+$0xFA80] =	vst v11  }
0x25f: {  	v5 =	vadd.s32 $0x8CA0, v15;
	v2 =	vadd.s32 $0x8CA0, v3;
	v19 =	vnsel vm1, $0x0, v19;
	v11 =	vld [tilespmem:s9+$0xBB80];
	[tilespmem:s13+$0xEE00] =	vst v33  }
0x260: {  	v3 =	vadd.s32 $0x8CA0, v1;
	v1 =	vadd.s32 $0x8CA0, v10;
	v15 =	vnsel vm2, $0x0, v22;
	[tilespmem:s13+$0xDB00] =	vst v19;
	v29 =	vld.idx.msk [tilespmem:v29+s3+$0x0], $0xffff  }
0x261: {  	v16 =	vnsel vm4, $0x0, v16;
	v10 =	vnsel vm3, $0x0, v27;
	v20 =	vld.idx.msk [tilespmem:v20+s3+$0x0], $0xffff;
	[tilespmem:s13+$0xDB80] =	vst v15;
	v15 =	vnsel vm5, $0x0, v17  }
0x262: {  	vm4 =	vmmov vm8;
	v17 =	vnsel vm8, $0x0, v30;
	v21 =	vld.idx.msk [tilespmem:v21+s3+$0x0], $0xffff;
	[tilespmem:s13+$0xDC00] =	vst v10;
	v10 =	vnsel vm6, $0x0, v18  }
0x263: {  	v27 =	vadd.s32 $0x8CA0, v14;
	vm5 =	vmmov vm10;
	v23 =	vld.idx.msk [tilespmem:v23+s3+$0x0], $0xffff;
	[tilespmem:s13+$0xDC80] =	vst v17;
	v17 =	vnsel vm10, $0x0, v31  }
0x264: {  	v14 =	vnsel vm9, $0x0, v32;
	vm8 =	vgt.s32 v11, $0xFFFFFFFF;
	vm6 =	vgt.s32 v11, $0x0;
	v19 =	vld.idx.msk [tilespmem:v24+s3+$0x0], $0xffff;
	[tilespmem:s13+$0xDD00] =	vst v17  }
.Ltmp15:
0x265: {  	v22 =	vnsel vm6, $0x0, v11;
	v17 =	vld.idx.msk [tilespmem:v25+s3+$0x0], $0xffff;
	[tilespmem:s13+$0xDD80] =	vst v14;
	vm6 =	vmmov vm9;
	(pc) =	sbr.rel @p1 .LBB2_26-.Ltmp15, $4  }
0x266: {  	v24 =	vnsel vm7, $0x0, v29;
	v14 =	vadd.s32 $0x2EE0, v22;
	v11 =	vadd.s32 $0x5DC0, v22;
	v18 =	vld.idx.msk [tilespmem:v28+s3+$0x0], $0xffff;
	[tilespmem:s8+$0x10C80] =	vst v16  }
0x267: {  	v20 =	vnsel vm1, $0x0, v20;
	[tilespmem:s13+$0xFE00] =	vst v24;
	v16 =	vld.idx.msk [tilespmem:v0+s3+$0x0], $0xffff;
	v0 =	vadd.s32 $0x8CA0, v22  }
0x268: {  	v24 =	vnsel vm2, $0x0, v21;
	[tilespmem:s13+$0xEB00] =	vst v20;
	v21 =	vld.idx.msk [tilespmem:v27+s3+$0x0], $0xffff  }
0x269: {  	s22 =	sadd.s32 $0x20, s22;
	s23 =	sadd.s32 $0x10, s23;
	v23 =	vnsel vm3, $0x0, v23;
	v20 =	vld.idx.msk [tilespmem:v26+s3+$0x0], $0xffff;
	[tilespmem:s13+$0xEB80] =	vst v24  }
0x26a: {  	_ =	sdelay $0x3  }
0x26b: {  	v22 =	vld.idx.msk [tilespmem:v22+s3+$0x0], $0xffff;
	_ =	sdelay $0x3  }
0x26c: {  	[tilespmem:s13+$0xEC00] =	vst v23;
	vm8 =	vmmov vm8  }
0x26d: {  	[tilespmem:s8+$0x10D00] =	vst v15;
	v56 =	vnsel vm8, $0x0, v22  }
0x26e: {  	[tilespmem:s13+$0xDA80] =	vst v56  }
0x26f: {  	v19 =	vnsel vm4, $0x0, v19;
	[tilespmem:s8+$0x10D80] =	vst v10;
	v14 =	vld.idx.msk [tilespmem:v14+s3+$0x0], $0xffff  }
0x270: {  	v17 =	vnsel vm5, $0x0, v17;
	[tilespmem:s13+$0xEC80] =	vst v19  }
0x271: {  	v13 =	vld.idx.msk [tilespmem:v13+s3+$0x0], $0xffff;
	[tilespmem:s13+$0xED00] =	vst v17;
	v57 =	vnsel vm6, $0x0, v18  }
0x272: {  	v12 =	vld.idx.msk [tilespmem:v12+s3+$0x0], $0xffff;
	[tilespmem:s13+$0xED80] =	vst v57;
	v63 =	vnsel vm0, $0x0, v16  }
0x273: {  	v9 =	vld.idx.msk [tilespmem:v9+s3+$0x0], $0xffff;
	v58 =	vnsel vm7, $0x0, v21;
	[tilespmem:s8+$0x10A80] =	vst v63  }
0x274: {  	v8 =	vld.idx.msk [tilespmem:v8+s3+$0x0], $0xffff;
	[tilespmem:s13+$0x10E00] =	vst v58;
	v60 =	vnsel vm8, $0x0, v14  }
0x275: {  	v6 =	vld.idx.msk [tilespmem:v6+s3+$0x0], $0xffff;
	v59 =	vnsel vm1, $0x0, v20;
	[tilespmem:s13+$0xEA80] =	vst v60  }
0x276: {  	[tilespmem:s13+$0xFB00] =	vst v59;
	v13 =	vnsel vm2, $0x0, v13;
	v11 =	vld.idx.msk [tilespmem:v11+s3+$0x0], $0xffff  }
0x277: {  	[tilespmem:s13+$0xFB80] =	vst v13;
	v7 =	vld.idx.msk [tilespmem:v7+s3+$0x0], $0xffff;
	v12 =	vnsel vm3, $0x0, v12  }
0x278: {  	[tilespmem:s13+$0xFC00] =	vst v12;
	v4 =	vld.idx.msk [tilespmem:v4+s3+$0x0], $0xffff;
	v9 =	vnsel vm4, $0x0, v9  }
0x279: {  	v8 =	vnsel vm5, $0x0, v8;
	v5 =	vld.idx.msk [tilespmem:v5+s3+$0x0], $0xffff;
	[tilespmem:s13+$0xFC80] =	vst v9  }
0x27a: {  	[tilespmem:s13+$0xFD00] =	vst v8;
	v6 =	vnsel vm6, $0x0, v6;
	v2 =	vld.idx.msk [tilespmem:v2+s3+$0x0], $0xffff  }
0x27b: {  	[tilespmem:s13+$0xFD80] =	vst v6;
	v3 =	vld.idx.msk [tilespmem:v3+s3+$0x0], $0xffff;
	v61 =	vnsel vm8, $0x0, v11  }
0x27c: {  	v1 =	vld.idx.msk [tilespmem:v1+s3+$0x0], $0xffff;
	v7 =	vnsel vm1, $0x0, v7;
	[tilespmem:s13+$0xFA80] =	vst v61  }
0x27d: {  	[tilespmem:s13+$0x10B00] =	vst v7;
	v4 =	vnsel vm2, $0x0, v4;
	v0 =	vld.idx.msk [tilespmem:v0+s3+$0x0], $0xffff  }
0x27e: {  	[tilespmem:s13+$0x10B80] =	vst v4;
	v62 =	vnsel vm3, $0x0, v5  }
0x27f: {  	[tilespmem:s13+$0x10C00] =	vst v62;
	v2 =	vnsel vm4, $0x0, v2  }
0x280: {  	s20 =	sshll.u32 s19, $0x4;
	v3 =	vnsel vm5, $0x0, v3;
	[tilespmem:s13+$0x10C80] =	vst v2  }
0x281: {  	s0 =	sadd.s32 s18, s20;
	v1 =	vnsel vm6, $0x0, v1;
	[tilespmem:s13+$0x10D00] =	vst v3  }
0x282: {  	s0 =	sshll.u32 s0, $0x6;
	[tilespmem:s13+$0x10D80] =	vst v1;
	v0 =	vnsel vm8, $0x0, v0  }
0x283: {  	s2 =	simm.s32 $0xDA80;
	s0 =	sadd.s32 s1, s0;
	[tilespmem:s13+$0x10A80] =	vst v0  }
0x284: {  	[hbm4b:s0+s3] =	stream.linear.scatter [tilespmem:s2], [sflag:$0x3], $0x1000, $0x38;
	[tilespmem:$0x15A80] =	vst v63  }
0x285: {  	s23 =	rddreg [dreg:$0xb]  }
0x286: {  	s0 =	sadd.s32 s23, s20  }
0x287: {  	s0 =	sshll.u32 s0, $0x6  }
0x288: {  	s24 =	simm.s32 $0xEA80;
	s25 =	rddreg [dreg:$0xc];
	s0 =	sadd.s32 s1, s0  }
0x289: {  	[hbm4b:s0+s3] =	stream.linear.scatter [tilespmem:s24], [sflag:$0x3], $0x1000, $0x38;
	[tilespmem:$0x15A80] =	vst v63  }
0x28a: {  	s0 =	sadd.s32 s25, s20  }
0x28b: {  	s0 =	sshll.u32 s0, $0x6  }
0x28c: {  	s29 =	simm.s32 $0xFA80;
	p1 =	sne.s32 s19, $0x1A;
	s0 =	sadd.s32 s1, s0  }
0x28d: {  	[hbm4b:s0+s3] =	stream.linear.scatter [tilespmem:s29], [sflag:$0x3], $0x1000, $0x38;
	[tilespmem:$0x15A80] =	vst v63  }
.Ltmp16:
0x28e: {  	s30 =	rddreg [dreg:$0xd];
	(pc) =	sbr.rel @p1 .LBB2_29-.Ltmp16, $4  }
0x28f: {  	s0 =	sadd.s32 s30, s20  }
0x290: {  	s0 =	sshll.u32 s0, $0x6  }
0x291: {  	s31 =	simm.s32 $0x10A80;
	s0 =	sadd.s32 s1, s0  }
0x292: {  	[hbm4b:s0+s3] =	stream.linear.scatter [tilespmem:s31], [sflag:$0x3], $0x1000, $0x38;
	[tilespmem:$0x15A80] =	vst v63  }
.Ltmp17:
0x293: {  	(pc) =	sbr.rel .LBB2_32-.Ltmp17, $4  }
0x294: {  	_ = 	snop  }
0x295: {  	_ =	swait.ge [sflag:s26], $0xF80  }
0x296: {  	[sflag:s26] =	ssyncset.done $0x0  }
0x297: {  	[sflag:s26] =	ssyncadd.s32 $0xFFFFF080  }
.LBB2_29:
0x298: {  	s0 =	smul.u32 $0x1F00, s19  }
0x299: {  	s2 =	rddreg [dreg:$0x8]  }
0x29a: {  	s0 =	sadd.s32 s0, s2  }
0x29b: {  	s0 =	sshrl.u32 s0, $0x3  }
0x29c: {  	s8 =	simm.s32 $0xBB80;
	s2 =	sadd.s32 s4, s0  }
0x29d: {  	s13 =	simm.s32 $0x10;
	s22 =	simm.s32 $0xBC80;
	s23 =	sadd.s32 $0x0, s2  }
.LBB2_30:
0x29e: {  	[tilespmem:s8], [sflag:$0x1] =	stream.linear.gather [hbm4b:s23+s3], $0x80, $0x38;
	[tilespmem:$0x15A80] =	vst v63  }
0x29f: {  	s0 =	smov.u32 s13;
	s8 =	smov.u32 s22;
	p1 =	sne.s32 s13, $0x1E0  }
.Ltmp18:
0x2a0: {  	s13 =	sadd.s32 $0x10, s13;
	(pc) =	sbr.rel @p1 .LBB2_30-.Ltmp18, $2  }
0x2a1: {  	_ =	sdelay $0x2  }
0x2a2: {  	s22 =	sadd.s32 $0x100, s22;
	s23 =	sadd.s32 s0, s2  }
.Ltmp19:
0x2a3: {  	(pc) =	sbr.rel @p0 .LBB2_33-.Ltmp19, $4  }
0x2a4: {  	[tilespmem:s8], [sflag:$0x1] =	stream.linear.gather [hbm4b:s23+s3], $0x80, $0x38;
	[tilespmem:$0x15A80] =	vst v63  }
0x2a5: {  	_ =	swait.ge [sflag:s26], $0xF80  }
0x2a6: {  	[sflag:s26] =	ssyncset.done $0x0  }
0x2a7: {  	[sflag:s26] =	ssyncadd.s32 $0xFFFFF080  }
.LBB2_32:
0x2a8: {  	_ =	swait.ge [sflag:s28], $0x1000  }
0x2a9: {  	[sflag:s28] =	ssyncset.done $0x0  }
0x2aa: {  	[sflag:s28] =	ssyncadd.s32 $0xFFFFF000  }
0x2ab: {  	_ =	swait.ge [sflag:s28], $0x1000  }
0x2ac: {  	[sflag:s28] =	ssyncset.done $0x0  }
0x2ad: {  	[sflag:s28] =	ssyncadd.s32 $0xFFFFF000  }
0x2ae: {  	_ =	swait.ge [sflag:s28], $0x1000  }
0x2af: {  	[sflag:s28] =	ssyncset.done $0x0  }
0x2b0: {  	[sflag:s28] =	ssyncadd.s32 $0xFFFFF000  }
0x2b1: {  	_ =	swait.ge [sflag:s28], $0x1000  }
0x2b2: {  	[sflag:s28] =	ssyncset.done $0x0  }
0x2b3: {  	[sflag:s28] =	ssyncadd.s32 $0xFFFFF000  }
.LBB2_33:
0x2b4: {  	s0 =	simm.s32 $0xD90;
	s2 =	simm.s32 $0x1B20;
	s14 =	simm.s32 $0x3E0  }
0x2b5: {  	s6 =	simm.s32 $0x3E0;
	s8 =	simm.s32 $0x7C0;
	s9 =	simm.s32 $0x5D0  }
0x2b6: {  	s10 =	simm.s32 $0xBA0;
	s11 =	simm.s32 $0x7C0;
	s12 =	simm.s32 $0xF80  }
0x2b7: {  	s0 =	sand.u32 $0x70, s0;
	s2 =	sand.u32 $0x1F00, s2;
	s6 =	sand.u32 $0x70, s6  }
0x2b8: {  	s8 =	sand.u32 $0xF00, s8;
	s0 =	sor.u32 s0, s2;
	s2 =	simm.s32 $0x1F0  }
0x2b9: {  	s22 =	sor.u32 s6, s8;
	v0 =	vld [tilespmem:s0+$0xBC00];
	s0 =	sand.u32 $0x70, s2;
	s2 =	sand.u32 $0x700, s14  }
0x2ba: {  	s16 =	sand.u32 $0x70, s9;
	s17 =	sand.u32 $0xF00, s10;
	v5 =	vld [tilespmem:s22+$0xBC00];
	s0 =	sor.u32 s0, s2  }
0x2bb: {  	s29 =	sand.u32 $0x70, s11;
	s30 =	sand.u32 $0x1F00, s12;
	s2 =	sor.u32 s16, s17;
	v4 =	vld [tilespmem:s0+$0xBC00]  }
0x2bc: {  	s13 =	simm.s32 $0x9B0;
	s23 =	simm.s32 $0x1360;
	s9 =	sor.u32 s29, s30;
	v6 =	vld [tilespmem:s2+$0xBC00]  }
0x2bd: {  	s31 =	sand.u32 $0x70, s13;
	s6 =	sand.u32 $0x1700, s23;
	v7 =	vld [tilespmem:s9+$0xBC00]  }
0x2be: {  	s2 =	sor.u32 s31, s6;
	vm0 =	vgt.s32 v0, $0x0  }
0x2bf: {  	v8 =	vld [tilespmem:s2+$0xBC00];
	v3 =	vnsel vm0, $0x0, v0  }
0x2c0: {  	s24 =	simm.s32 $0xBA0;
	s25 =	simm.s32 $0x1740;
	vm0 =	vgt.s32 v4, $0x0  }
0x2c1: {  	s8 =	sand.u32 $0x70, s24;
	s0 =	sand.u32 $0x1F00, s25;
	vm1 =	vgt.s32 v6, $0x0;
	v11 =	vnsel vm0, $0x0, v4;
	vm0 =	vgt.s32 v5, $0x0  }
0x2c2: {  	s9 =	simm.s32 $0x0;
	s0 =	sor.u32 s8, s0;
	s8 =	simm.s32 $0x0;
	v13 =	vnsel vm1, $0x0, v6;
	vm1 =	vgt.s32 v7, $0x0;
	v12 =	vnsel vm0, $0x0, v5  }
0x2c3: {  	v9 =	vld [tilespmem:s0+$0xBC00];
	s10 =	sand.u32 $0x300, s8;
	s0 =	sand.u32 $0x70, s9;
	vm0 =	vgt.s32 v0, $0xFFFFFFFF;
	v0 =	vnsel vm1, $0x0, v7  }
0x2c4: {  	s6 =	sor.u32 s0, s10;
	vm1 =	vgt.s32 v8, $0x0;
	v1 =	vld.idx.msk [tilespmem:v3+s3+$0x0], $0xffff  }
0x2c5: {  	v14 =	vld [tilespmem:s6+$0xBC00];
	v2 =	vnsel vm1, $0x0, v8  }
0x2c6: {  	v10 =	vadd.s32 $0x2EE0, v3;
	v15 =	vld.idx.msk [tilespmem:v11+s3+$0x0], $0xffff  }
0x2c7: {  	v16 =	vld.idx.msk [tilespmem:v12+s3+$0x0], $0xffff  }
0x2c8: {  	s2 =	sand.u32 $0xC00, s8;
	vm6 =	vgt.s32 v5, $0xFFFFFFFF;
	vm2 =	vgt.s32 v4, $0xFFFFFFFF;
	v18 =	vadd.s32 $0x2EE0, v11;
	v20 =	vld.idx.msk [tilespmem:v0+s3+$0x0], $0xffff  }
0x2c9: {  	s8 =	sor.u32 s0, s2;
	vm1 =	vgt.s32 v9, $0x0;
	v4 =	vadd.s32 $0x2EE0, v12;
	v1 =	vnsel vm0, $0x0, v1  }
0x2ca: {  	v5 =	vadd.s32 $0x2EE0, v0;
	v22 =	vld.idx.msk [tilespmem:v2+s3+$0x0], $0xffff;
	[tilespmem:s8+$0x11E00] =	vst v1;
	v1 =	vnsel vm1, $0x0, v9;
	vm1 =	vgt.s32 v14, $0x0  }
0x2cb: {  	vm4 =	vgt.s32 v7, $0xFFFFFFFF;
	v10 =	vld.idx.msk [tilespmem:v10+s3+$0x0], $0xffff;
	v21 =	vnsel vm1, $0x0, v14;
	v15 =	vnsel vm2, $0x0, v15  }
0x2cc: {  	v19 =	vld.idx.msk [tilespmem:v13+s3+$0x0], $0xffff;
	vm1 =	vgt.s32 v6, $0xFFFFFFFF;
	v6 =	vadd.s32 $0x2EE0, v2;
	[tilespmem:s8+$0x11B00] =	vst v15;
	v15 =	vnsel vm6, $0x0, v16  }
0x2cd: {  	v17 =	vadd.s32 $0x5DC0, v3;
	vm5 =	vgt.s32 v8, $0xFFFFFFFF;
	v8 =	vnsel vm4, $0x0, v20;
	v16 =	vld.idx.msk [tilespmem:v18+s3+$0x0], $0xffff;
	[tilespmem:s8+$0x11B80] =	vst v15  }
0x2ce: {  	[tilespmem:s8+$0x11C80] =	vst v8;
	v4 =	vld.idx.msk [tilespmem:v4+s3+$0x0], $0xffff  }
0x2cf: {  	v8 =	vnsel vm5, $0x0, v22;
	v5 =	vld.idx.msk [tilespmem:v5+s3+$0x0], $0xffff  }
0x2d0: {  	v23 =	vadd.s32 $0x2EE0, v13;
	[tilespmem:s8+$0x11D00] =	vst v8;
	v24 =	vld.idx.msk [tilespmem:v1+s3+$0x0], $0xffff;
	v10 =	vnsel vm0, $0x0, v10  }
0x2d1: {  	vm3 =	vgt.s32 v14, $0xFFFFFFFF;
	v14 =	vadd.s32 $0x5DC0, v12;
	v6 =	vld.idx.msk [tilespmem:v6+s3+$0x0], $0xffff;
	[tilespmem:s8+$0x12E00] =	vst v10  }
0x2d2: {  	v15 =	vnsel vm1, $0x0, v19;
	v10 =	vld.idx.msk [tilespmem:v17+s3+$0x0], $0xffff  }
0x2d3: {  	v7 =	vadd.s32 $0x2EE0, v1;
	[tilespmem:s8+$0x11C00] =	vst v15;
	v16 =	vnsel vm2, $0x0, v16  }
0x2d4: {  	s11 =	simm.s32 $0x1B40;
	s2 =	simm.s32 $0xDA0;
	v3 =	vadd.s32 $0x8CA0, v3;
	vm4 =	vmmov vm4;
	v17 =	vld.idx.msk [tilespmem:v21+s3+$0x0], $0xffff;
	[tilespmem:s8+$0x12B00] =	vst v16;
	v4 =	vnsel vm6, $0x0, v4  }
0x2d5: {  	s0 =	sand.u32 $0x1F00, s11;
	s12 =	sand.u32 $0x70, s2;
	vm7 =	vgt.s32 v9, $0xFFFFFFFF;
	v9 =	vadd.s32 $0x5DC0, v11;
	v15 =	vld.idx.msk [tilespmem:v23+s3+$0x0], $0xffff;
	v5 =	vnsel vm4, $0x0, v5;
	[tilespmem:s8+$0x12B80] =	vst v4  }
0x2d6: {  	s0 =	sor.u32 s12, s0;
	v18 =	vadd.s32 $0x2EE0, v21;
	vm5 =	vmmov vm5;
	v8 =	vnsel vm7, $0x0, v24;
	[tilespmem:s8+$0x12C80] =	vst v5;
	v14 =	vld.idx.msk [tilespmem:v14+s3+$0x0], $0xffff  }
0x2d7: {  	[tilespmem:s8+$0x11D80] =	vst v8;
	v5 =	vnsel vm5, $0x0, v6;
	v6 =	vld [tilespmem:s0+$0xBC00];
	v8 =	vnsel vm0, $0x0, v10  }
0x2d8: {  	s23 =	simm.s32 $0x7E0;
	s24 =	simm.s32 $0x5E0;
	vm3 =	vmmov vm3;
	v16 =	vadd.s32 $0x5DC0, v0;
	v7 =	vld.idx.msk [tilespmem:v7+s3+$0x0], $0xffff;
	[tilespmem:s8+$0x13E00] =	vst v8  }
0x2d9: {  	s29 =	simm.s32 $0x7D0;
	s14 =	simm.s32 $0xFA0;
	s30 =	sand.u32 $0x70, s24;
	v10 =	vadd.s32 $0x5DC0, v13;
	v8 =	vnsel vm3, $0x0, v17;
	v3 =	vld.idx.msk [tilespmem:v3+s3+$0x0], $0xffff  }
0x2da: {  	s24 =	sand.u32 $0x1F00, s14;
	s10 =	sand.u32 $0xF00, s23;
	s23 =	sand.u32 $0x70, s29;
	[tilespmem:s8+$0x11A80] =	vst v8;
	v8 =	vld.idx.msk [tilespmem:v9+s3+$0x0], $0xffff;
	v9 =	vadd.s32 $0x5DC0, v2  }
0x2db: {  	s11 =	sor.u32 s23, s24;
	v4 =	vnsel vm1, $0x0, v15;
	v15 =	vadd.s32 $0x5DC0, v1;
	v17 =	vld.idx.msk [tilespmem:v18+s3+$0x0], $0xffff  }
0x2dc: {  	vm8 =	vmmov vm7;
	[tilespmem:s8+$0x12C00] =	vst v4;
	v18 =	vld [tilespmem:s11+$0xBC00]  }
0x2dd: {  	v4 =	vadd.s32 $0x8CA0, v11;
	[tilespmem:s8+$0x12D00] =	vst v5;
	v5 =	vnsel vm8, $0x0, v7;
	v7 =	vld.idx.msk [tilespmem:v16+s3+$0x0], $0xffff  }
0x2de: {  	s13 =	simm.s32 $0x200;
	s17 =	simm.s32 $0x400;
	s25 =	simm.s32 $0xBC0;
	v11 =	vadd.s32 $0x5DC0, v21;
	v10 =	vld.idx.msk [tilespmem:v10+s3+$0x0], $0xffff  }
0x2df: {  	s31 =	sand.u32 $0xF00, s25;
	s6 =	sand.u32 $0x700, s17;
	v12 =	vadd.s32 $0x8CA0, v12;
	s0 =	sand.u32 $0x70, s13;
	[tilespmem:s8+$0x12D80] =	vst v5;
	v5 =	vnsel vm2, $0x0, v8;
	v8 =	vld.idx.msk [tilespmem:v9+s3+$0x0], $0xffff  }
0x2e0: {  	s0 =	sor.u32 s0, s6;
	s6 =	sor.u32 s30, s31;
	[tilespmem:s8+$0x13B00] =	vst v5;
	v5 =	vld.idx.msk [tilespmem:v15+s3+$0x0], $0xffff  }
0x2e1: {  	v13 =	vadd.s32 $0x8CA0, v13;
	v9 =	vnsel vm3, $0x0, v17;
	v15 =	vld [tilespmem:s6+$0xBC00]  }
0x2e2: {  	vm7 =	vgt.s32 v6, $0x0;
	[tilespmem:s8+$0x12A80] =	vst v9;
	v4 =	vld.idx.msk [tilespmem:v4+s3+$0x0], $0xffff;
	v9 =	vnsel vm6, $0x0, v14  }
0x2e3: {  	v16 =	vnsel vm7, $0x0, v6;
	v11 =	vld.idx.msk [tilespmem:v11+s3+$0x0], $0xffff;
	[tilespmem:s8+$0x13B80] =	vst v9  }
0x2e4: {  	s22 =	simm.s32 $0x3F0;
	v9 =	vnsel vm1, $0x0, v10;
	v10 =	vld.idx.msk [tilespmem:v12+s3+$0x0], $0xffff  }
0x2e5: {  	s9 =	sand.u32 $0x70, s22;
	v0 =	vadd.s32 $0x8CA0, v0;
	[tilespmem:s8+$0x13C00] =	vst v9;
	v12 =	vld [tilespmem:s0+$0xBC00]  }
0x2e6: {  	s16 =	simm.s32 $0x9C0;
	s10 =	sor.u32 s9, s10;
	s12 =	simm.s32 $0x1380;
	v2 =	vadd.s32 $0x8CA0, v2;
	v9 =	vld.idx.msk [tilespmem:v13+s3+$0x0], $0xffff  }
0x2e7: {  	s25 =	sand.u32 $0x70, s16;
	s9 =	sand.u32 $0x1700, s12;
	v1 =	vadd.s32 $0x8CA0, v1;
	v13 =	vld [tilespmem:s10+$0xBC00]  }
0x2e8: {  	vm7 =	vgt.s32 v6, $0xFFFFFFFF;
	v20 =	vadd.s32 $0x2EE0, v16;
	s6 =	sor.u32 s25, s9;
	v17 =	vld.idx.msk [tilespmem:v16+s3+$0x0], $0xffff;
	v7 =	vnsel vm4, $0x0, v7  }
0x2e9: {  	s22 =	simm.s32 $0x1760;
	s17 =	simm.s32 $0xBB0;
	v63 =	vadd.s32 $0x8CA0, v16;
	v3 =	vnsel vm0, $0x0, v3;
	v19 =	vld [tilespmem:s6+$0xBC00];
	[tilespmem:s8+$0x13C80] =	vst v7;
	v8 =	vnsel vm5, $0x0, v8  }
0x2ea: {  	s29 =	simm.s32 $0x20;
	vm11 =	vgt.s32 v18, $0xFFFFFFFF;
	v14 =	vadd.s32 $0x8CA0, v21;
	s0 =	sand.u32 $0x1F00, s22;
	v22 =	vld.idx.msk [tilespmem:v0+s3+$0x0], $0xffff;
	s10 =	sand.u32 $0x70, s17;
	v5 =	vnsel vm8, $0x0, v5;
	[tilespmem:s8+$0x13D00] =	vst v8  }
0x2eb: {  	s30 =	simm.s32 $0x10;
	s22 =	simm.s32 $0x80;
	s0 =	sor.u32 s10, s0;
	v4 =	vnsel vm2, $0x0, v4;
	v23 =	vld.idx.msk [tilespmem:v2+s3+$0x0], $0xffff;
	[tilespmem:s8+$0x13D80] =	vst v5;
	v11 =	vnsel vm3, $0x0, v11;
	vm0 =	vgt.s32 v12, $0x0  }
0x2ec: {  	s6 =	sand.u32 $0x70, s30;
	s31 =	sand.u32 $0xC00, s22;
	[tilespmem:s8+$0x13A80] =	vst v11;
	v11 =	vld [tilespmem:s0+$0xBC00];
	v7 =	vnsel vm6, $0x0, v10;
	s0 =	sand.u32 $0x300, s29;
	v10 =	vnsel vm0, $0x0, v12;
	vm0 =	vgt.s32 v13, $0x0  }
0x2ed: {  	s13 =	sor.u32 s6, s31;
	v6 =	vnsel vm7, $0x0, v17;
	v32 =	vld.idx.msk [tilespmem:v1+s3+$0x0], $0xffff;
	s0 =	sor.u32 s6, s0;
	v8 =	vnsel vm0, $0x0, v13;
	vm0 =	vgt.s32 v15, $0x0  }
0x2ee: {  	vm2 =	vgt.s32 v18, $0x0;
	vm9 =	vgt.s32 v19, $0xFFFFFFFF;
	[tilespmem:s13+$0x11E00] =	vst v6;
	v2 =	vld [tilespmem:s0+$0xBC00];
	v0 =	vnsel vm0, $0x0, v15  }
0x2ef: {  	v61 =	vnsel vm2, $0x0, v18;
	vm2 =	vgt.s32 v19, $0x0;
	v6 =	vnsel vm1, $0x0, v9;
	v9 =	vld.idx.msk [tilespmem:v20+s3+$0x0], $0xffff  }
0x2f0: {  	v25 =	vnsel vm2, $0x0, v19;
	vm2 =	vgt.s32 v15, $0xFFFFFFFF;
	v26 =	vadd.s32 $0x2EE0, v61;
	v21 =	vld.idx.msk [tilespmem:v14+s3+$0x0], $0xffff  }
0x2f1: {  	[tilespmem:s8+$0x14E00] =	vst v3;
	v20 =	vadd.s32 $0x5DC0, v16;
	vm0 =	vgt.s32 v12, $0xFFFFFFFF;
	vm6 =	vgt.s32 v11, $0x0;
	v12 =	vld.idx.msk [tilespmem:v10+s3+$0x0], $0xffff  }
0x2f2: {  	[tilespmem:s8+$0x14B00] =	vst v4;
	vm1 =	vgt.s32 v13, $0xFFFFFFFF;
	v28 =	vadd.s32 $0x2EE0, v25;
	v13 =	vnsel vm6, $0x0, v11;
	v3 =	vld.idx.msk [tilespmem:v8+s3+$0x0], $0xffff  }
0x2f3: {  	[tilespmem:s8+$0x14B80] =	vst v7;
	v5 =	vadd.s32 $0x2EE0, v10;
	v29 =	vadd.s32 $0x5DC0, v10;
	vm6 =	vgt.s32 v2, $0x0;
	v19 =	vld.idx.msk [tilespmem:v0+s3+$0x0], $0xffff  }
0x2f4: {  	[tilespmem:s8+$0x14C00] =	vst v6;
	v18 =	vadd.s32 $0x2EE0, v8;
	v27 =	vld.idx.msk [tilespmem:v61+s3+$0x0], $0xffff;
	v6 =	vnsel vm7, $0x0, v9;
	v7 =	vnsel vm6, $0x0, v2  }
0x2f5: {  	v15 =	vadd.s32 $0x5DC0, v8;
	v4 =	vadd.s32 $0x2EE0, v0;
	v14 =	vadd.s32 $0x5DC0, v0;
	v30 =	vld.idx.msk [tilespmem:v25+s3+$0x0], $0xffff;
	[tilespmem:s13+$0x12E00] =	vst v6  }
0x2f6: {  	vm10 =	vgt.s32 v11, $0xFFFFFFFF;
	v11 =	vadd.s32 $0x5DC0, v61;
	v20 =	vld.idx.msk [tilespmem:v20+s3+$0x0], $0xffff;
	v9 =	vnsel vm0, $0x0, v12  }
0x2f7: {  	v10 =	vadd.s32 $0x8CA0, v10;
	vm6 =	vgt.s32 v2, $0xFFFFFFFF;
	v2 =	vld.idx.msk [tilespmem:v13+s3+$0x0], $0xffff;
	[tilespmem:s13+$0x11B00] =	vst v9;
	v1 =	vnsel vm1, $0x0, v3  }
0x2f8: {  	v31 =	vadd.s32 $0x2EE0, v13;
	v8 =	vadd.s32 $0x8CA0, v8;
	v33 =	vld.idx.msk [tilespmem:v5+s3+$0x0], $0xffff;
	[tilespmem:s13+$0x11B80] =	vst v1;
	v3 =	vnsel vm2, $0x0, v19  }
0x2f9: {  	v17 =	vadd.s32 $0x2EE0, v7;
	v6 =	vadd.s32 $0x5DC0, v7;
	v34 =	vld.idx.msk [tilespmem:v7+s3+$0x0], $0xffff;
	[tilespmem:s13+$0x11C00] =	vst v3;
	v3 =	vnsel vm11, $0x0, v27  }
0x2fa: {  	vm6 =	vmmov vm6;
	v12 =	vadd.s32 $0x5DC0, v25;
	v62 =	vld.idx.msk [tilespmem:v18+s3+$0x0], $0xffff;
	[tilespmem:s13+$0x11C80] =	vst v3;
	v3 =	vnsel vm9, $0x0, v30  }
0x2fb: {  	v9 =	vadd.s32 $0x5DC0, v13;
	v1 =	vadd.s32 $0x8CA0, v7;
	v16 =	vld.idx.msk [tilespmem:v4+s3+$0x0], $0xffff;
	v4 =	vnsel vm3, $0x0, v21;
	[tilespmem:s13+$0x11D00] =	vst v3  }
0x2fc: {  	v7 =	vadd.s32 $0x8CA0, v0;
	v5 =	vnsel vm5, $0x0, v23;
	v0 =	vnsel vm10, $0x0, v2;
	v18 =	vld.idx.msk [tilespmem:v26+s3+$0x0], $0xffff;
	[tilespmem:s8+$0x14A80] =	vst v4  }
0x2fd: {  	vm5 =	vmmov vm9;
	v21 =	vnsel vm7, $0x0, v20;
	vm3 =	vmmov vm11;
	[tilespmem:s13+$0x11D80] =	vst v0;
	v19 =	vld.idx.msk [tilespmem:v28+s3+$0x0], $0xffff  }
0x2fe: {  	[tilespmem:s13+$0x13E00] =	vst v21;
	v0 =	vadd.s32 $0x8CA0, v13;
	v13 =	vnsel vm4, $0x0, v22;
	v22 =	vnsel vm0, $0x0, v33;
	v20 =	vld.idx.msk [tilespmem:v31+s3+$0x0], $0xffff  }
0x2ff: {  	v3 =	vadd.s32 $0x8CA0, v61;
	v2 =	vadd.s32 $0x8CA0, v25;
	v21 =	vnsel vm6, $0x0, v34;
	[tilespmem:s13+$0x12B00] =	vst v22;
	v22 =	vld.idx.msk [tilespmem:v63+s3+$0x0], $0xffff  }
0x300: {  	s23 =	simm.s32 $0x8;
	s24 =	simm.s32 $0x40;
	v4 =	vnsel vm8, $0x0, v32;
	vm4 =	vmmov vm10;
	[tilespmem:s13+$0x11A80] =	vst v21;
	v23 =	vnsel vm1, $0x0, v62;
	v21 =	vld.idx.msk [tilespmem:v29+s3+$0x0], $0xffff  }
.LBB2_34:
0x301: {  	s0 =	sadd.s32 $0x1B20, s24;
	s23 =	sadd.s32 $0x8, s23;
	v17 =	vld.idx.msk [tilespmem:v17+s3+$0x0], $0xffff;
	[tilespmem:s13+$0x12B80] =	vst v23;
	v16 =	vnsel vm2, $0x0, v16;
	s2 =	sadd.s32 $0x10, s2  }
0x302: {  	s6 =	sand.u32 $0x70, s2;
	s0 =	sand.u32 $0x1F00, s0;
	p0 =	slt.u32 s23, $0xF0;
	v15 =	vld.idx.msk [tilespmem:v15+s3+$0x0], $0xffff;
	[tilespmem:s13+$0x12C00] =	vst v16;
	v16 =	vnsel vm3, $0x0, v18  }
0x303: {  	s10 =	sadd.s32 $0x3E0, s24;
	s9 =	sadd.s32 $0xFFFFF460, s2;
	s0 =	sor.u32 s6, s0;
	v14 =	vld.idx.msk [tilespmem:v14+s3+$0x0], $0xffff;
	[tilespmem:s13+$0x12C80] =	vst v16;
	v16 =	vnsel vm5, $0x0, v19  }
0x304: {  	s11 =	sadd.s32 $0x7C0, s24;
	s12 =	sadd.s32 $0xFFFFF840, s2;
	s6 =	sadd.s32 $0xFFFFF650, s2;
	v18 =	vld [tilespmem:s0+$0xBC00];
	[tilespmem:s13+$0x12D00] =	vst v16;
	v16 =	vnsel vm4, $0x0, v20  }
0x305: {  	s16 =	sadd.s32 $0xF80, s24;
	s14 =	sadd.s32 $0xFFFFFA30, s2;
	s0 =	sadd.s32 $0xBA0, s24;
	v11 =	vld.idx.msk [tilespmem:v11+s3+$0x0], $0xffff;
	[tilespmem:s13+$0x12D80] =	vst v16;
	v16 =	vnsel vm7, $0x0, v22  }
0x306: {  	s25 =	sadd.s32 $0x1360, s24;
	s17 =	sadd.s32 $0xFFFFFC20, s2;
	s29 =	sadd.s32 $0xFFFFFE10, s2;
	v19 =	vnsel vm0, $0x0, v21;
	v12 =	vld.idx.msk [tilespmem:v12+s3+$0x0], $0xffff;
	[tilespmem:s13+$0x14E00] =	vst v16  }
0x307: {  	s30 =	sadd.s32 $0x1740, s24;
	s10 =	sand.u32 $0x700, s10;
	s9 =	sand.u32 $0x70, s9;
	v16 =	vnsel vm6, $0x0, v17;
	[tilespmem:s13+$0x13B00] =	vst v19;
	v9 =	vld.idx.msk [tilespmem:v9+s3+$0x0], $0xffff  }
0x308: {  	s11 =	sand.u32 $0xF00, s11;
	s12 =	sand.u32 $0x70, s12;
	s6 =	sand.u32 $0x70, s6;
	v15 =	vnsel vm1, $0x0, v15;
	[tilespmem:s13+$0x12A80] =	vst v16;
	v10 =	vld.idx.msk [tilespmem:v10+s3+$0x0], $0xffff  }
0x309: {  	s16 =	sand.u32 $0x1F00, s16;
	s14 =	sand.u32 $0x70, s14;
	s0 =	sand.u32 $0xF00, s0;
	v14 =	vnsel vm2, $0x0, v14;
	vm7 =	vgt.s32 v18, $0x0;
	v6 =	vld.idx.msk [tilespmem:v6+s3+$0x0], $0xffff;
	[tilespmem:s13+$0x13B80] =	vst v15  }
0x30a: {  	s25 =	sand.u32 $0x1700, s25;
	s17 =	sand.u32 $0x70, s17;
	s29 =	sand.u32 $0x70, s29;
	v16 =	vnsel vm7, $0x0, v18;
	v8 =	vld.idx.msk [tilespmem:v8+s3+$0x0], $0xffff;
	[tilespmem:s13+$0x13C00] =	vst v14  }
0x30b: {  	s31 =	sand.u32 $0x300, s24;
	s9 =	sor.u32 s9, s10;
	s10 =	sand.u32 $0x1F00, s30;
	v11 =	vnsel vm3, $0x0, v11;
	v7 =	vld.idx.msk [tilespmem:v7+s3+$0x0], $0xffff;
	[tilespmem:s8+$0x14C80] =	vst v13  }
0x30c: {  	s6 =	sor.u32 s6, s11;
	s0 =	sor.u32 s12, s0;
	v13 =	vld [tilespmem:s9+$0xBC00];
	s9 =	sor.u32 s14, s16;
	[tilespmem:s13+$0x13C80] =	vst v11;
	v11 =	vnsel vm5, $0x0, v12  }
0x30d: {  	s10 =	sor.u32 s29, s10;
	v9 =	vnsel vm4, $0x0, v9;
	v12 =	vld [tilespmem:s6+$0xBC00];
	s6 =	sor.u32 s17, s25;
	[tilespmem:s13+$0x13D00] =	vst v11  }
0x30e: {  	v10 =	vnsel vm0, $0x0, v10;
	v11 =	vld [tilespmem:s0+$0xBC00];
	[tilespmem:s13+$0x13D80] =	vst v9  }
0x30f: {  	v6 =	vnsel vm6, $0x0, v6;
	v9 =	vld.idx.msk [tilespmem:v16+s3+$0x0], $0xffff;
	[tilespmem:s13+$0x14B00] =	vst v10  }
0x310: {  	v10 =	vld [tilespmem:s9+$0xBC00];
	[tilespmem:s13+$0x13A80] =	vst v6;
	v6 =	vnsel vm1, $0x0, v8  }
0x311: {  	vm0 =	vgt.s32 v13, $0xFFFFFFFF;
	vm1 =	vgt.s32 v13, $0x0;
	v8 =	vld [tilespmem:s6+$0xBC00];
	[tilespmem:s13+$0x14B80] =	vst v6;
	v6 =	vnsel vm2, $0x0, v7  }
0x312: {  	v14 =	vadd.s32 $0x2EE0, v16;
	v7 =	vnsel vm1, $0x0, v13;
	vm2 =	vgt.s32 v12, $0x0;
	v13 =	vld [tilespmem:s10+$0xBC00];
	[tilespmem:s13+$0x14C00] =	vst v6  }
0x313: {  	s22 =	sadd.s32 $0x80, s22;
	s0 =	sadd.s32 $0xFFFFF270, s2;
	vm1 =	vgt.s32 v12, $0xFFFFFFFF;
	v19 =	vnsel vm2, $0x0, v12;
	vm7 =	vgt.s32 v11, $0x0;
	v20 =	vld.idx.msk [tilespmem:v1+s3+$0x0], $0xffff;
	[tilespmem:s8+$0x14D00] =	vst v5  }
0x314: {  	s0 =	sand.u32 $0x70, s0;
	s6 =	sand.u32 $0xC00, s22;
	vm2 =	vgt.s32 v11, $0xFFFFFFFF;
	v5 =	vnsel vm7, $0x0, v11;
	vm7 =	vgt.s32 v18, $0xFFFFFFFF;
	v18 =	vld.idx.msk [tilespmem:v3+s3+$0x0], $0xffff;
	[tilespmem:s8+$0x14D80] =	vst v4;
	s8 =	smov.u32 s13  }
0x315: {  	s9 =	sor.u32 s0, s31;
	s13 =	sor.u32 s0, s6;
	vm8 =	vgt.s32 v10, $0xFFFFFFFF;
	vm9 =	vgt.s32 v10, $0x0;
	v1 =	vnsel vm7, $0x0, v9;
	v4 =	vld.idx.msk [tilespmem:v2+s3+$0x0], $0xffff  }
0x316: {  	v2 =	vld [tilespmem:s9+$0xBC00];
	v3 =	vnsel vm9, $0x0, v10;
	vm9 =	vgt.s32 v8, $0xFFFFFFFF;
	vm10 =	vgt.s32 v8, $0x0;
	[tilespmem:s13+$0x11E00] =	vst v1  }
0x317: {  	v21 =	vnsel vm10, $0x0, v8;
	vm10 =	vgt.s32 v13, $0xFFFFFFFF;
	vm11 =	vgt.s32 v13, $0x0;
	v1 =	vld.idx.msk [tilespmem:v14+s3+$0x0], $0xffff  }
0x318: {  	v22 =	vadd.s32 $0x2EE0, v7;
	v23 =	vadd.s32 $0x2EE0, v19;
	v8 =	vld.idx.msk [tilespmem:v7+s3+$0x0], $0xffff;
	v13 =	vnsel vm11, $0x0, v13  }
0x319: {  	v25 =	vadd.s32 $0x2EE0, v5;
	v26 =	vadd.s32 $0x2EE0, v3;
	v27 =	vadd.s32 $0x2EE0, v21;
	v24 =	vld.idx.msk [tilespmem:v19+s3+$0x0], $0xffff  }
0x31a: {  	v31 =	vadd.s32 $0x5DC0, v16;
	v28 =	vadd.s32 $0x5DC0, v7;
	v30 =	vadd.s32 $0x2EE0, v13;
	v29 =	vld.idx.msk [tilespmem:v5+s3+$0x0], $0xffff  }
0x31b: {  	v15 =	vadd.s32 $0x5DC0, v19;
	vm11 =	vgt.s32 v2, $0xFFFFFFFF;
	vm12 =	vgt.s32 v2, $0x0;
	v32 =	vld.idx.msk [tilespmem:v3+s3+$0x0], $0xffff  }
0x31c: {  	v14 =	vadd.s32 $0x5DC0, v5;
	v11 =	vadd.s32 $0x5DC0, v3;
	v2 =	vnsel vm12, $0x0, v2;
	v33 =	vld.idx.msk [tilespmem:v21+s3+$0x0], $0xffff  }
0x31d: {  	v1 =	vnsel vm7, $0x0, v1;
	v17 =	vadd.s32 $0x2EE0, v2;
	v6 =	vadd.s32 $0x5DC0, v2;
	v34 =	vld.idx.msk [tilespmem:v13+s3+$0x0], $0xffff  }
0x31e: {  	v12 =	vadd.s32 $0x5DC0, v21;
	v9 =	vadd.s32 $0x5DC0, v13;
	v8 =	vnsel vm0, $0x0, v8;
	[tilespmem:s13+$0x12E00] =	vst v1;
	v35 =	vld.idx.msk [tilespmem:v0+s3+$0x0], $0xffff  }
0x31f: {  	v10 =	vadd.s32 $0x8CA0, v7;
	v1 =	vadd.s32 $0x8CA0, v2;
	v0 =	vnsel vm1, $0x0, v24;
	[tilespmem:s13+$0x11B00] =	vst v8;
	v24 =	vld.idx.msk [tilespmem:v31+s3+$0x0], $0xffff  }
0x320: {  	v7 =	vadd.s32 $0x8CA0, v5;
	v8 =	vadd.s32 $0x8CA0, v19;
	v22 =	vld.idx.msk [tilespmem:v22+s3+$0x0], $0xffff;
	[tilespmem:s13+$0x11B80] =	vst v0;
	v0 =	vnsel vm2, $0x0, v29  }
0x321: {  	v3 =	vadd.s32 $0x8CA0, v3;
	v29 =	vld.idx.msk [tilespmem:v2+s3+$0x0], $0xffff;
	[tilespmem:s13+$0x11C00] =	vst v0;
	v0 =	vnsel vm8, $0x0, v32;
	v2 =	vadd.s32 $0x8CA0, v21  }
0x322: {  	v5 =	vnsel vm9, $0x0, v33;
	v21 =	vadd.s32 $0x8CA0, v16;
	v23 =	vld.idx.msk [tilespmem:v23+s3+$0x0], $0xffff;
	[tilespmem:s13+$0x11C80] =	vst v0;
	v0 =	vadd.s32 $0x8CA0, v13  }
0x323: {  	v20 =	vnsel vm6, $0x0, v20;
	v13 =	vnsel vm3, $0x0, v18;
	v16 =	vld.idx.msk [tilespmem:v25+s3+$0x0], $0xffff;
	[tilespmem:s13+$0x11D00] =	vst v5;
	v5 =	vnsel vm10, $0x0, v34  }
.Ltmp20:
0x324: {  	vm3 =	vmmov vm8;
	v18 =	vld.idx.msk [tilespmem:v26+s3+$0x0], $0xffff;
	[tilespmem:s13+$0x11D80] =	vst v5;
	v5 =	vnsel vm5, $0x0, v4;
	v4 =	vnsel vm4, $0x0, v35;
	(pc) =	sbr.rel @p0 .LBB2_34-.Ltmp20, $4  }
0x325: {  	v24 =	vnsel vm7, $0x0, v24;
	vm5 =	vmmov vm9;
	vm4 =	vmmov vm10;
	v19 =	vld.idx.msk [tilespmem:v27+s3+$0x0], $0xffff;
	[tilespmem:s8+$0x14A80] =	vst v20  }
0x326: {  	vm6 =	vmmov vm11;
	v22 =	vnsel vm0, $0x0, v22;
	v20 =	vld.idx.msk [tilespmem:v30+s3+$0x0], $0xffff;
	[tilespmem:s13+$0x13E00] =	vst v24  }
0x327: {  	v24 =	vnsel vm6, $0x0, v29;
	[tilespmem:s13+$0x12B00] =	vst v22;
	v22 =	vld.idx.msk [tilespmem:v21+s3+$0x0], $0xffff  }
0x328: {  	s24 =	sadd.s32 $0x20, s24;
	v23 =	vnsel vm1, $0x0, v23;
	[tilespmem:s13+$0x11A80] =	vst v24;
	v21 =	vld.idx.msk [tilespmem:v28+s3+$0x0], $0xffff  }
0x329: {  	_ = 	snop  }
0x32a: {  	[tilespmem:s13+$0x12B80] =	vst v23  }
0x32b: {  	[tilespmem:s8+$0x14C80] =	vst v13  }
0x32c: {  	[tilespmem:s8+$0x14D00] =	vst v5  }
0x32d: {  	v17 =	vld.idx.msk [tilespmem:v17+s3+$0x0], $0xffff;
	v16 =	vnsel vm2, $0x0, v16;
	[tilespmem:s8+$0x14D80] =	vst v4  }
0x32e: {  	v53 =	vnsel vm3, $0x0, v18;
	[tilespmem:s13+$0x12C00] =	vst v16  }
0x32f: {  	v15 =	vld.idx.msk [tilespmem:v15+s3+$0x0], $0xffff;
	[tilespmem:s13+$0x12C80] =	vst v53;
	v54 =	vnsel vm5, $0x0, v19  }
0x330: {  	v14 =	vld.idx.msk [tilespmem:v14+s3+$0x0], $0xffff;
	[tilespmem:s13+$0x12D00] =	vst v54;
	v55 =	vnsel vm4, $0x0, v20  }
0x331: {  	v11 =	vld.idx.msk [tilespmem:v11+s3+$0x0], $0xffff;
	[tilespmem:s13+$0x12D80] =	vst v55;
	v56 =	vnsel vm7, $0x0, v22  }
0x332: {  	v12 =	vld.idx.msk [tilespmem:v12+s3+$0x0], $0xffff;
	[tilespmem:s13+$0x14E00] =	vst v56;
	v57 =	vnsel vm6, $0x0, v17  }
0x333: {  	v58 =	vnsel vm0, $0x0, v21;
	v9 =	vld.idx.msk [tilespmem:v9+s3+$0x0], $0xffff;
	[tilespmem:s13+$0x12A80] =	vst v57  }
0x334: {  	[tilespmem:s13+$0x13B00] =	vst v58;
	v15 =	vnsel vm1, $0x0, v15;
	v6 =	vld.idx.msk [tilespmem:v6+s3+$0x0], $0xffff  }
0x335: {  	v10 =	vld.idx.msk [tilespmem:v10+s3+$0x0], $0xffff;
	[tilespmem:s13+$0x13B80] =	vst v15;
	v14 =	vnsel vm2, $0x0, v14  }
0x336: {  	v11 =	vnsel vm3, $0x0, v11;
	[tilespmem:s13+$0x13C00] =	vst v14;
	v8 =	vld.idx.msk [tilespmem:v8+s3+$0x0], $0xffff  }
0x337: {  	[tilespmem:s13+$0x13C80] =	vst v11;
	v59 =	vnsel vm5, $0x0, v12;
	v7 =	vld.idx.msk [tilespmem:v7+s3+$0x0], $0xffff  }
0x338: {  	[tilespmem:s13+$0x13D00] =	vst v59;
	v9 =	vnsel vm4, $0x0, v9;
	v3 =	vld.idx.msk [tilespmem:v3+s3+$0x0], $0xffff  }
0x339: {  	[tilespmem:s13+$0x13D80] =	vst v9;
	v2 =	vld.idx.msk [tilespmem:v2+s3+$0x0], $0xffff;
	v6 =	vnsel vm6, $0x0, v6  }
0x33a: {  	v60 =	vnsel vm0, $0x0, v10;
	v0 =	vld.idx.msk [tilespmem:v0+s3+$0x0], $0xffff;
	[tilespmem:s13+$0x13A80] =	vst v6  }
0x33b: {  	[tilespmem:s13+$0x14B00] =	vst v60;
	v61 =	vnsel vm1, $0x0, v8;
	v1 =	vld.idx.msk [tilespmem:v1+s3+$0x0], $0xffff  }
0x33c: {  	[tilespmem:s13+$0x14B80] =	vst v61;
	v62 =	vnsel vm2, $0x0, v7  }
0x33d: {  	v3 =	vnsel vm3, $0x0, v3;
	[tilespmem:s13+$0x14C00] =	vst v62  }
0x33e: {  	s0 =	sor.u32 $0x8, s20;
	v63 =	vnsel vm5, $0x0, v2;
	[tilespmem:s13+$0x14C80] =	vst v3  }
0x33f: {  	s2 =	sadd.s32 s18, s0;
	v0 =	vnsel vm4, $0x0, v0;
	[tilespmem:s13+$0x14D00] =	vst v63  }
0x340: {  	s2 =	sshll.u32 s2, $0x6;
	[tilespmem:s13+$0x14D80] =	vst v0;
	v1 =	vnsel vm6, $0x0, v1  }
0x341: {  	s6 =	simm.s32 $0x11A80;
	s2 =	sadd.s32 s1, s2;
	[tilespmem:s13+$0x14A80] =	vst v1  }
0x342: {  	[hbm4b:s2+s3] =	stream.linear.scatter [tilespmem:s6], [sflag:$0x4], $0x1000, $0x38;
	[tilespmem:$0x15A80] =	vst v63  }
0x343: {  	s23 =	rddreg [dreg:$0xb]  }
0x344: {  	s2 =	sadd.s32 s23, s0  }
0x345: {  	s2 =	sshll.u32 s2, $0x6  }
0x346: {  	s24 =	simm.s32 $0x12A80;
	s25 =	rddreg [dreg:$0xc];
	s2 =	sadd.s32 s1, s2  }
0x347: {  	[hbm4b:s2+s3] =	stream.linear.scatter [tilespmem:s24], [sflag:$0x4], $0x1000, $0x38;
	[tilespmem:$0x15A80] =	vst v63  }
0x348: {  	p0 =	seq.s32 s19, $0x1A;
	s30 =	rddreg [dreg:$0xd];
	s2 =	sadd.s32 s25, s0  }
.Ltmp21:
0x349: {  	s0 =	sadd.s32 s30, s0;
	s2 =	sshll.u32 s2, $0x6;
	(pc) =	sbr.rel @p0 .LBB2_39-.Ltmp21, $4  }
0x34a: {  	s29 =	simm.s32 $0x13A80;
	s0 =	sshll.u32 s0, $0x6;
	s2 =	sadd.s32 s1, s2  }
0x34b: {  	[hbm4b:s2+s3] =	stream.linear.scatter [tilespmem:s29], [sflag:$0x4], $0x1000, $0x38;
	[tilespmem:$0x15A80] =	vst v63  }
0x34c: {  	s31 =	simm.s32 $0x14A80;
	s0 =	sadd.s32 s1, s0  }
0x34d: {  	[hbm4b:s0+s3] =	stream.linear.scatter [tilespmem:s31], [sflag:$0x4], $0x1000, $0x38;
	[tilespmem:$0x15A80] =	vst v63  }
0x34e: {  	s0 =	smul.u32 $0x1F00, s19  }
0x34f: {  	s2 =	rddreg [dreg:$0x9]  }
0x350: {  	s0 =	sadd.s32 s0, s2  }
0x351: {  	s0 =	sshrl.u32 s0, $0x3  }
0x352: {  	s8 =	simm.s32 $0xBC00;
	s2 =	sadd.s32 s4, s0  }
0x353: {  	s13 =	simm.s32 $0x10;
	s20 =	simm.s32 $0xBD00;
	s22 =	sadd.s32 $0x0, s2  }
.LBB2_37:
0x354: {  	[tilespmem:s8], [sflag:$0x2] =	stream.linear.gather [hbm4b:s22+s3], $0x80, $0x38;
	[tilespmem:$0x15A80] =	vst v63  }
0x355: {  	s0 =	smov.u32 s13;
	s8 =	smov.u32 s20;
	p0 =	sne.s32 s13, $0x1E0  }
.Ltmp22:
0x356: {  	s13 =	sadd.s32 $0x10, s13;
	(pc) =	sbr.rel @p0 .LBB2_37-.Ltmp22, $2  }
0x357: {  	_ =	sdelay $0x2  }
0x358: {  	s20 =	sadd.s32 $0x100, s20;
	s22 =	sadd.s32 s0, s2  }
.Ltmp23:
0x359: {  	(pc) =	sbr.rel .LBB2_25-.Ltmp23, $3  }
0x35a: {  	_ =	sdelay $0x1  }
0x35b: {  	[tilespmem:s8], [sflag:$0x2] =	stream.linear.gather [hbm4b:s22+s3], $0x80, $0x38;
	[tilespmem:$0x15A80] =	vst v63  }
0x35c: {  	s19 =	sadd.s32 $0x1, s19  }
.LBB2_40:
0x35d: {  	_ =	sfence.sel $0x180000  }
0x35e: {  	[bflag:$0x0] =	sbarrier.arrive $0xFFFF  }
0x35f: {  	_ =	strace $0x9000004A  }
0x360: {  	s0 =	stileid.u32;
	[bflag:$0x2] =	sbarrier.arrive $0xFFFF  }
0x361: {  	p0 =	sne.s32 s0, $0x0;
	s0 =	rddreg [dreg:$0x2]  }
0x362: {  	s0 =	sadd.s32 @!p0 $0x100000, s0  }
0x363: {  	[sflag:s0] =	ssyncadd.tile.s32 @!p0 $0x1;
	_ =	shalt  }
.Lfunc_end2:
_tile_overlayer_lowered:
.L_overlay_start_2:
0x364: {  	(tag) =	ssettag $0x2  }
0x365: {  	s0 =	rddreg [dreg:$0x0];
	s2 =	stileid.u32  }
0x366: {  	s1 =	rddreg [dreg:$0x1];
	p0 =	sne.s32 s2, $0x0  }
0x367: {  	s3 =	rddreg [dreg:$0x2];
	[bflag:$0x3] =	sbarrier.arrive $0xFFFF;
	s2 =	simm.s32 @!p0 $0x1C05  }
0x368: {  	[timem:s3], [sflag:s2] =	dma.local @!p0 [hbm:s0], s1  }
0x369: {  	s0 =	simm.s32 @!p0 $0x5  }
0x36a: {  	_ =	swait.ge @!p0 [sflag:s0], s1  }
0x36b: {  	s1 =	ssub.s32 @!p0 $0x0, s1;
	[sflag:s0] =	ssyncset.done @!p0 $0x0  }
0x36c: {  	[sflag:s0] =	ssyncadd.s32 @!p0 s1  }
0x36d: {  	[bflag:$0x3] =	sbarrier.arrive $0xFFFF  }
0x36e: {  	_ =	shalt  }

</sc_bundles>
